<compile_context>
chip_gen: v7x
topology: tpu7x:2x2x1
jax: 0.10.2.dev20260603
libtpu: 0.0.44.dev20260713+nightly
codegen_flags: <defaults>
</compile_context>

<pallas_src>
import functools

import jax
import jax.numpy as jnp
from jax import lax
from jax.experimental import pallas as pl
from jax.experimental.pallas import tpu as pltpu
from jax.experimental.pallas import tpu_sc as plsc

_NC = 2
_NS = 16
_AR2 = 26624
_WR2 = 1568
_NR2 = _NS * _WR2



def _mm_body(x_ref, w_ref, o_ref):
    o_ref[...] = lax.dot_general(
        x_ref[...], w_ref[...], (((1,), (0,)), ((), ())),
        preferred_element_type=jnp.float32, precision=lax.Precision.HIGHEST)


def _tc_matmul(x, w):
    n, d = x.shape
    r = 2000
    return pl.pallas_call(
        _mm_body,
        grid=(n // r,),
        in_specs=[pl.BlockSpec((r, d), lambda i: (i, 0)),
                  pl.BlockSpec((d, d), lambda i: (0, 0))],
        out_specs=pl.BlockSpec((r, d), lambda i: (i, 0)),
        out_shape=jax.ShapeDtypeStruct((n, d), jnp.float32),
    )(x, w)


def _norm_body(p_ref, h_ref, dinv_ref, t_ref):
    deg = p_ref[0, :, 0:1] + 1.0
    dinv = lax.rsqrt(deg)
    dinv_ref[...] = dinv
    h = h_ref[...] * dinv
    t_ref[0, :, :] = h[:, :32]
    t_ref[1, :, :] = h[:, 32:]


def _tc_norm(pdeg, h1):
    n, d = h1.shape
    r = 1000
    hb = (n // 2) // r
    return pl.pallas_call(
        _norm_body,
        grid=(n // r,),
        in_specs=[pl.BlockSpec((1, r, 16), lambda i: (i // hb, i % hb, 0)),
                  pl.BlockSpec((r, d), lambda i: (i, 0))],
        out_specs=(pl.BlockSpec((r, 1), lambda i: (i, 0)),
                   pl.BlockSpec((2, r, 32), lambda i: (0, i, 0))),
        out_shape=(jax.ShapeDtypeStruct((n, 1), jnp.float32),
                   jax.ShapeDtypeStruct((2, n, 32), jnp.float32)),
    )(pdeg, h1)


def _step_body(y_ref, h_ref, dinv_ref, b_ref, w_ref, z_ref, h2_ref, t_ref):
    d = dinv_ref[...]
    y = jnp.concatenate([y_ref[0], y_ref[1]], axis=1)
    z = jnp.maximum(y * d + h_ref[...] * (d * d) + b_ref[...], 0.0)
    z_ref[...] = z
    h2 = lax.dot_general(
        z, w_ref[...], (((1,), (0,)), ((), ())),
        preferred_element_type=jnp.float32, precision=lax.Precision.HIGHEST)
    h2_ref[...] = h2
    ht = h2 * d
    t_ref[0, :, :] = ht[:, :32]
    t_ref[1, :, :] = ht[:, 32:]


def _tc_step(y, h, dinv, b, w):
    n, d = h.shape
    r = 1000
    hb = (n // 2) // r
    return pl.pallas_call(
        _step_body,
        grid=(n // r,),
        in_specs=[pl.BlockSpec((2, r, 32), lambda i: (i // hb, i % hb, 0)),
                  pl.BlockSpec((r, d), lambda i: (i, 0)),
                  pl.BlockSpec((r, 1), lambda i: (i, 0)),
                  pl.BlockSpec((1, d), lambda i: (0, 0)),
                  pl.BlockSpec((d, d), lambda i: (0, 0))],
        out_specs=(pl.BlockSpec((r, d), lambda i: (i, 0)),
                   pl.BlockSpec((r, d), lambda i: (i, 0)),
                   pl.BlockSpec((2, r, 32), lambda i: (0, i, 0))),
        out_shape=(jax.ShapeDtypeStruct((n, d), jnp.float32),
                   jax.ShapeDtypeStruct((n, d), jnp.float32),
                   jax.ShapeDtypeStruct((2, n, 32), jnp.float32)),
    )(y, h, dinv, b, w)



def _sc_degree(dst4, n_nodes):
    k_ch = dst4.shape[2]
    stripe = _AR2 // _NS
    mesh = plsc.VectorSubcoreMesh(core_axis_name="c", subcore_axis_name="s")

    @functools.partial(
        pl.kernel, mesh=mesh,
        compiler_params=pltpu.CompilerParams(use_tc_tiling_on_sc=False),
        out_type=jax.ShapeDtypeStruct((2 * _NR2, 16), jnp.float32),
        scratch_types=[
            pltpu.VMEM((k_ch, 128), jnp.int32),
            pltpu.VMEM((128, 16), jnp.float32),
            pltpu.VMEM((128, 16), jnp.float32),
            pltpu.VMEM_SHARED((_AR2, 16), jnp.float32),
            pltpu.SemaphoreType.DMA,
        ])
    def deg_kernel(dst_hbm, out_hbm, dst_v, ones_v, zero_v, acc, sem):
        c = lax.axis_index("c")
        s = lax.axis_index("s")
        cp = pltpu.async_copy(dst_hbm.at[c].at[s], dst_v, sem)

        @pl.loop(0, 128)
        def _(i):
            ones_v[i, :] = jnp.ones((16,), jnp.float32)
            zero_v[i, :] = jnp.zeros((16,), jnp.float32)

        @pl.loop(0, stripe // 128)
        def _(j):
            pltpu.sync_copy(zero_v, acc.at[pl.ds(s * stripe + j * 128, 128)])

        cp.wait()
        plsc.subcore_barrier()

        @pl.loop(0, k_ch)
        def _(j):
            pltpu.sync_copy(ones_v, acc.at[dst_v.at[j]], add=True)

        plsc.subcore_barrier()
        pltpu.sync_copy(acc.at[pl.ds(s * _WR2, _WR2)],
                        out_hbm.at[pl.ds(c * _NR2 + s * _WR2, _WR2)])

    return deg_kernel(dst4)


def _sc_gather_scatter(table, src3, dst4, n_nodes):
    k_ch = src3.shape[1]
    nb = 8
    bch = k_ch // nb
    stripe = _AR2 // _NS
    mesh = plsc.VectorSubcoreMesh(core_axis_name="c", subcore_axis_name="s")

    @functools.partial(
        pl.kernel, mesh=mesh,
        compiler_params=pltpu.CompilerParams(use_tc_tiling_on_sc=False),
        out_type=jax.ShapeDtypeStruct((4 * _NR2, 32), jnp.float32),
        scratch_types=[
            pltpu.VMEM((2, bch, 128), jnp.int32),
            pltpu.VMEM((2, bch, 128), jnp.int32),
            pltpu.VMEM((7, 128, 32), jnp.float32),
            pltpu.VMEM_SHARED((_AR2, 32), jnp.float32),
            pltpu.SemaphoreType.DMA,
            pltpu.SemaphoreType.DMA,
            pltpu.SemaphoreType.DMA,
            pltpu.SemaphoreType.DMA,
        ])
    def msg_kernel(tab_hbm, src_hbm, dst_hbm, out_hbm,
                   src_i, dst_i, gbuf, acc, semi_s, semi_d, semg, sems):
        c = lax.axis_index("c")
        s = lax.axis_index("s")

        for q in range(2):
            if q:
                plsc.subcore_barrier()
            tab_q = tab_hbm.at[pl.ds(q * n_nodes, n_nodes)]

            pltpu.async_copy(src_hbm.at[s].at[pl.ds(0, bch)],
                             src_i.at[0], semi_s)
            pltpu.async_copy(dst_hbm.at[c].at[s].at[pl.ds(0, bch)],
                             dst_i.at[0], semi_d)

            @pl.loop(0, 128)
            def _(i):
                gbuf[0, i, pl.ds(0, 16)] = jnp.zeros((16,), jnp.float32)
                gbuf[0, i, pl.ds(16, 16)] = jnp.zeros((16,), jnp.float32)

            @pl.loop(0, stripe // 128)
            def _(j):
                pltpu.sync_copy(gbuf.at[0],
                                acc.at[pl.ds(s * stripe + j * 128, 128)])

            plsc.subcore_barrier()

            @pl.loop(0, nb)
            def _(blk):
                par = lax.rem(blk, 2)
                pltpu.make_async_copy(
                    src_hbm.at[s].at[pl.ds(blk * bch, bch)],
                    src_i.at[par], semi_s).wait()
                pltpu.make_async_copy(
                    dst_hbm.at[c].at[s].at[pl.ds(blk * bch, bch)],
                    dst_i.at[par], semi_d).wait()

                @pl.when(blk < nb - 1)
                def _():
                    pltpu.async_copy(
                        src_hbm.at[s].at[pl.ds((blk + 1) * bch, bch)],
                        src_i.at[1 - par], semi_s)
                    pltpu.async_copy(
                        dst_hbm.at[c].at[s].at[pl.ds((blk + 1) * bch, bch)],
                        dst_i.at[1 - par], semi_d)

                def _drain7():
                    for b in range(7):
                        pltpu.make_async_copy(
                            gbuf.at[b], acc.at[dst_i.at[par].at[0]],
                            sems).wait()

                @pl.loop(0, bch, step=7)
                def _(jj):
                    @pl.when(jj > 0)
                    def _():
                        _drain7()

                    gs = [pltpu.async_copy(
                              tab_q.at[src_i.at[par].at[jj + b]],
                              gbuf.at[b], semg)
                          for b in range(7)]
                    for b in range(7):
                        gs[b].wait()
                        pltpu.async_copy(gbuf.at[b],
                                         acc.at[dst_i.at[par].at[jj + b]],
                                         sems, add=True)

                _drain7()

            plsc.subcore_barrier()
            pltpu.sync_copy(
                acc.at[pl.ds(s * _WR2, _WR2)],
                out_hbm.at[pl.ds((c * 2 + q) * _NR2 + s * _WR2, _WR2)])

    return msg_kernel(table, src3, dst4)



def kernel(x, edge_index, W1, b1, W2, b2):
    n, d = x.shape
    e = edge_index.shape[1]
    src = edge_index[0]
    dst = edge_index[1]
    nh = n // 2

    ep = -(-e // 8192) * 8192
    pad = ep - e
    srcp = jnp.concatenate([src, jnp.zeros((pad,), jnp.int32)])
    dstp = jnp.concatenate([dst, jnp.full((pad,), n, jnp.int32)])
    src_m = srcp.reshape(_NS, ep // 2048, 128)
    dump = _NR2 + (dstp & 1023)
    dl0 = jnp.where(dstp < nh, dstp, dump)
    dl1 = jnp.where((dstp >= nh) & (dstp < n), dstp - nh, dump)
    dst4 = jnp.stack([dl0.reshape(_NS, ep // 2048, 128),
                      dl1.reshape(_NS, ep // 2048, 128)])

    h1 = _tc_matmul(x, W1)
    pdeg = _sc_degree(dst4, n)
    dinv, t1 = _tc_norm(pdeg.reshape(2, _NR2, 16), h1)

    def body(carry, bw):
        table, h = carry
        b_i, w_i = bw
        y = _sc_gather_scatter(table, src_m, dst4, n)
        z, h2, t2 = _tc_step(y.reshape(4, _NR2, 32), h, dinv, b_i, w_i)
        return (t2.reshape(2 * n, 32), h2), z

    bs = jnp.stack([b1.reshape(1, d), b2.reshape(1, d)])
    ws = jnp.stack([W2, W2])
    _, zs = lax.scan(body, (t1.reshape(2 * n, 32), h1), (bs, ws))
    return zs[1]

# --- scband reference (transcript-rebuilt; emitter-appended) ---
"""Pipeline reference for scband-gnnencoder-32607391711819 (READ-ONLY COPY).

The authoritative reference and input builder live on the scoring server;
editing this copy changes nothing except your own understanding.
"""

import jax, jax.numpy as jnp
import numpy as np

N = 50000
E = 800000
D = 64


def setup_inputs(seed: int = 0) -> dict:
    key = jax.random.key(seed)
    k1, k2, k3, k4 = jax.random.split(key, 4)
    x = jax.random.normal(k1, (N, D), dtype=jnp.float32)
    edge_index = jax.random.randint(k2, (2, E), 0, N).astype(jnp.int32)
    W1 = jax.random.normal(k3, (D, D), dtype=jnp.float32) * 0.1
    b1 = jnp.zeros((D,), dtype=jnp.float32)
    W2 = jax.random.normal(k4, (D, D), dtype=jnp.float32) * 0.1
    b2 = jnp.zeros((D,), dtype=jnp.float32)
    return {"x": x, "edge_index": edge_index, "W1": W1, "b1": b1, "W2": W2, "b2": b2}


def _gcn_conv(x, edge_index, W, b):
    n = x.shape[0]
    loop = jnp.arange(n, dtype=edge_index.dtype)
    src = jnp.concatenate([edge_index[0], loop])
    dst = jnp.concatenate([edge_index[1], loop])
    # symmetric normalization with self-loops (PyG GCNConv semantics)
    deg = jax.ops.segment_sum(jnp.ones_like(src, dtype=x.dtype), dst, num_segments=n)
    dinv = jax.lax.rsqrt(jnp.maximum(deg, 1e-12))
    norm = dinv[src] * dinv[dst]
    h = x @ W
    msg = jnp.take(h, src, axis=0) * norm[:, None]
    out = jax.ops.segment_sum(msg, dst, num_segments=n)
    return out + b


def reference(x, edge_index, W1, b1, W2, b2):
    h = _gcn_conv(x, edge_index, W1, b1)
    h = jnp.maximum(h, 0.0)
    h = _gcn_conv(h, edge_index, W2, b2)
    h = jnp.maximum(h, 0.0)
    return h

if __name__ == "__main__":
    import jax
    _d = setup_inputs()
    print(jax.jit(kernel)(*tuple(_d.values())))

</pallas_src>

<mosaic_0001>
#map = affine_map<(d0, d1) -> (0, 0)>
#map1 = affine_map<(d0, d1) -> (0, 0, 0)>
#map2 = affine_map<(d0, d1) -> (0, 0, 0, 0)>
module attributes {stable_mosaic.version = 14 : i64} {
  func.func @msg_kernel(%arg0: i32, %arg1: i32, %arg2: memref<100000x32xf32, #tpu.memory_space<hbm>>, %arg3: memref<16x392x128xi32, #tpu.memory_space<hbm>>, %arg4: memref<2x16x392x128xi32, #tpu.memory_space<hbm>>, %arg5: memref<100352x32xf32, #tpu.memory_space<hbm>>, %arg6: memref<2x49x128xi32, #tpu.memory_space<vmem>>, %arg7: memref<2x49x128xi32, #tpu.memory_space<vmem>>, %arg8: memref<7x128x32xf32, #tpu.memory_space<vmem>>, %arg9: memref<26624x32xf32, #tpu.memory_space<vmem_shared>>, %arg10: memref<!tpu.dma_semaphore, #tpu.memory_space<semaphore_mem>>, %arg11: memref<!tpu.dma_semaphore, #tpu.memory_space<semaphore_mem>>, %arg12: memref<!tpu.dma_semaphore, #tpu.memory_space<semaphore_mem>>, %arg13: memref<!tpu.dma_semaphore, #tpu.memory_space<semaphore_mem>>) attributes {dimension_semantics = [#tpu.dimension_semantics<core_parallel>, #tpu.dimension_semantics<subcore_parallel>], iteration_bounds = array<i64: 2, 16>, scalar_prefetch = 0 : i64, scratch_operands = 8 : i64, tpu.core_type = #tpu.core_type<sc_vector_subcore>, window_params = [{transform_indices = #map}, {transform_indices = #map1}, {transform_indices = #map2}, {transform_indices = #map}]} {
    %dma_start3A = arith.constant 0 : i32
    %dma_start3A_0 = arith.constant 0 : i32
    %dma_start3A_1 = arith.constant 0 : i32
    %dma_start3A_2 = tpu.memref_slice %arg6[%dma_start3A, %dma_start3A_0, %dma_start3A_1] : memref<2x49x128xi32, #tpu.memory_space<vmem>> -> memref<1x49x128xi32, #tpu.memory_space<vmem>>
    %dma_start3A_3 = tpu.memref_squeeze %dma_start3A_2 : memref<1x49x128xi32, #tpu.memory_space<vmem>> -> memref<49x128xi32, #tpu.memory_space<vmem>>
    %dma_start3A_4 = arith.constant 0 : i32
    %dma_start3A_5 = arith.constant 0 : i32
    %dma_start3A_6 = tpu.memref_slice %arg3[%arg1, %dma_start3A_4, %dma_start3A_5] : memref<16x392x128xi32, #tpu.memory_space<hbm>> -> memref<1x392x128xi32, #tpu.memory_space<hbm>>
    %dma_start3A_7 = tpu.memref_squeeze %dma_start3A_6 : memref<1x392x128xi32, #tpu.memory_space<hbm>> -> memref<392x128xi32, #tpu.memory_space<hbm>>
    %dma_start3A_8 = arith.constant 0 : i32
    %dma_start3A_9 = arith.constant 0 : i32
    %dma_start3A_10 = tpu.memref_slice %dma_start3A_7[%dma_start3A_8, %dma_start3A_9] : memref<392x128xi32, #tpu.memory_space<hbm>> -> memref<49x128xi32, #tpu.memory_space<hbm>>
    %dma_start3A_11 = arith.constant 0 : i32
    %dma_start3A_12 = arith.constant 0 : i32
    %dma_start3A_13 = tpu.memref_slice %arg6[%dma_start3A, %dma_start3A_11, %dma_start3A_12] : memref<2x49x128xi32, #tpu.memory_space<vmem>> -> memref<1x49x128xi32, #tpu.memory_space<vmem>>
    %dma_start3A_14 = tpu.memref_squeeze %dma_start3A_13 : memref<1x49x128xi32, #tpu.memory_space<vmem>> -> memref<49x128xi32, #tpu.memory_space<vmem>>
    %dma_start3A_15 = arith.constant 0 : i32
    %dma_start3A_16 = arith.constant 0 : i32
    %dma_start3A_17 = tpu.memref_slice %arg3[%arg1, %dma_start3A_15, %dma_start3A_16] : memref<16x392x128xi32, #tpu.memory_space<hbm>> -> memref<1x392x128xi32, #tpu.memory_space<hbm>>
    %dma_start3A_18 = tpu.memref_squeeze %dma_start3A_17 : memref<1x392x128xi32, #tpu.memory_space<hbm>> -> memref<392x128xi32, #tpu.memory_space<hbm>>
    %dma_start3A_19 = arith.constant 0 : i32
    %dma_start3A_20 = arith.constant 0 : i32
    %dma_start3A_21 = tpu.memref_slice %dma_start3A_18[%dma_start3A_19, %dma_start3A_20] : memref<392x128xi32, #tpu.memory_space<hbm>> -> memref<49x128xi32, #tpu.memory_space<hbm>>
    tpu.enqueue_dma source(%dma_start3A_21 : memref<49x128xi32, #tpu.memory_space<hbm>>) target(%dma_start3A_14 : memref<49x128xi32, #tpu.memory_space<vmem>>) target_semaphore(%arg10 : memref<!tpu.dma_semaphore, #tpu.memory_space<semaphore_mem>>)
    %dma_start3A_22 = arith.constant 0 : i32
    %dma_start3A_23 = arith.constant 0 : i32
    %dma_start3A_24 = arith.constant 0 : i32
    %dma_start3A_25 = tpu.memref_slice %arg7[%dma_start3A_22, %dma_start3A_23, %dma_start3A_24] : memref<2x49x128xi32, #tpu.memory_space<vmem>> -> memref<1x49x128xi32, #tpu.memory_space<vmem>>
    %dma_start3A_26 = tpu.memref_squeeze %dma_start3A_25 : memref<1x49x128xi32, #tpu.memory_space<vmem>> -> memref<49x128xi32, #tpu.memory_space<vmem>>
    %dma_start3A_27 = arith.constant 0 : i32
    %dma_start3A_28 = arith.constant 0 : i32
    %dma_start3A_29 = arith.constant 0 : i32
    %dma_start3A_30 = tpu.memref_slice %arg4[%arg0, %dma_start3A_27, %dma_start3A_28, %dma_start3A_29] : memref<2x16x392x128xi32, #tpu.memory_space<hbm>> -> memref<1x16x392x128xi32, #tpu.memory_space<hbm>>
    %dma_start3A_31 = tpu.memref_squeeze %dma_start3A_30 : memref<1x16x392x128xi32, #tpu.memory_space<hbm>> -> memref<16x392x128xi32, #tpu.memory_space<hbm>>
    %dma_start3A_32 = arith.constant 0 : i32
    %dma_start3A_33 = arith.constant 0 : i32
    %dma_start3A_34 = tpu.memref_slice %dma_start3A_31[%arg1, %dma_start3A_32, %dma_start3A_33] : memref<16x392x128xi32, #tpu.memory_space<hbm>> -> memref<1x392x128xi32, #tpu.memory_space<hbm>>
    %dma_start3A_35 = tpu.memref_squeeze %dma_start3A_34 : memref<1x392x128xi32, #tpu.memory_space<hbm>> -> memref<392x128xi32, #tpu.memory_space<hbm>>
    %dma_start3A_36 = arith.constant 0 : i32
    %dma_start3A_37 = arith.constant 0 : i32
    %dma_start3A_38 = tpu.memref_slice %dma_start3A_35[%dma_start3A_36, %dma_start3A_37] : memref<392x128xi32, #tpu.memory_space<hbm>> -> memref<49x128xi32, #tpu.memory_space<hbm>>
    %dma_start3A_39 = arith.constant 0 : i32
    %dma_start3A_40 = arith.constant 0 : i32
    %dma_start3A_41 = tpu.memref_slice %arg7[%dma_start3A_22, %dma_start3A_39, %dma_start3A_40] : memref<2x49x128xi32, #tpu.memory_space<vmem>> -> memref<1x49x128xi32, #tpu.memory_space<vmem>>
    %dma_start3A_42 = tpu.memref_squeeze %dma_start3A_41 : memref<1x49x128xi32, #tpu.memory_space<vmem>> -> memref<49x128xi32, #tpu.memory_space<vmem>>
    %dma_start3A_43 = arith.constant 0 : i32
    %dma_start3A_44 = arith.constant 0 : i32
    %dma_start3A_45 = arith.constant 0 : i32
    %dma_start3A_46 = tpu.memref_slice %arg4[%arg0, %dma_start3A_43, %dma_start3A_44, %dma_start3A_45] : memref<2x16x392x128xi32, #tpu.memory_space<hbm>> -> memref<1x16x392x128xi32, #tpu.memory_space<hbm>>
    %dma_start3A_47 = tpu.memref_squeeze %dma_start3A_46 : memref<1x16x392x128xi32, #tpu.memory_space<hbm>> -> memref<16x392x128xi32, #tpu.memory_space<hbm>>
    %dma_start3A_48 = arith.constant 0 : i32
    %dma_start3A_49 = arith.constant 0 : i32
    %dma_start3A_50 = tpu.memref_slice %dma_start3A_47[%arg1, %dma_start3A_48, %dma_start3A_49] : memref<16x392x128xi32, #tpu.memory_space<hbm>> -> memref<1x392x128xi32, #tpu.memory_space<hbm>>
    %dma_start3A_51 = tpu.memref_squeeze %dma_start3A_50 : memref<1x392x128xi32, #tpu.memory_space<hbm>> -> memref<392x128xi32, #tpu.memory_space<hbm>>
    %dma_start3A_52 = arith.constant 0 : i32
    %dma_start3A_53 = arith.constant 0 : i32
    %dma_start3A_54 = tpu.memref_slice %dma_start3A_51[%dma_start3A_52, %dma_start3A_53] : memref<392x128xi32, #tpu.memory_space<hbm>> -> memref<49x128xi32, #tpu.memory_space<hbm>>
    tpu.enqueue_dma source(%dma_start3A_54 : memref<49x128xi32, #tpu.memory_space<hbm>>) target(%dma_start3A_42 : memref<49x128xi32, #tpu.memory_space<vmem>>) target_semaphore(%arg11 : memref<!tpu.dma_semaphore, #tpu.memory_space<semaphore_mem>>)
    %scan3A = arith.constant 0 : i32
    %scan3A_55 = arith.constant 128 : i32
    %scan3A_56 = arith.addi %scan3A, %scan3A_55 : i32
    %scan3A_57 = arith.constant 1 : i32
    scf.for %scan3A_164 = %scan3A to %scan3A_56 step %scan3A_57  : i32 {
      %mul3A_165 = arith.constant 1 : i32
      %mul3A_166 = arith.muli %scan3A_164, %mul3A_165 : i32
      %add3A_167 = arith.constant 0 : i32
      %add3A_168 = arith.addi %add3A_167, %mul3A_166 : i32
      %broadcast_in_dim3A = arith.constant 0.000000e+00 : f32
      %broadcast_in_dim3A_169 = vector.broadcast %broadcast_in_dim3A : f32 to vector<16xf32>
      %swap3A = arith.constant 0 : i32
      %swap3A_170 = arith.index_cast %swap3A : i32 to index
      %swap3A_171 = arith.index_cast %add3A_168 : i32 to index
      %swap3A_172 = arith.constant 0 : index
      %swap3A_173 = tpu.vector_load %arg8[%swap3A_170, %swap3A_171, %swap3A_172] {strides = array<i32>} : memref<7x128x32xf32, #tpu.memory_space<vmem>>, vector<1x1x16xf32>,
      %swap3A_174 = vector.shape_cast %swap3A_173 : vector<1x1x16xf32> to vector<16xf32>
      %swap3A_175 = vector.shape_cast %broadcast_in_dim3A_169 : vector<16xf32> to vector<1x1x16xf32>
      tpu.vector_store %arg8[%swap3A_170, %swap3A_171, %swap3A_172], %swap3A_175 {strides = array<i32>} : memref<7x128x32xf32, #tpu.memory_space<vmem>>, vector<1x1x16xf32>,
      %broadcast_in_dim3A_176 = arith.constant 0.000000e+00 : f32
      %broadcast_in_dim3A_177 = vector.broadcast %broadcast_in_dim3A_176 : f32 to vector<16xf32>
      %swap3A_178 = arith.constant 0 : i32
      %swap3A_179 = arith.index_cast %swap3A_178 : i32 to index
      %swap3A_180 = arith.index_cast %add3A_168 : i32 to index
      %swap3A_181 = arith.constant 16 : index
      %swap3A_182 = tpu.vector_load %arg8[%swap3A_179, %swap3A_180, %swap3A_181] {strides = array<i32>} : memref<7x128x32xf32, #tpu.memory_space<vmem>>, vector<1x1x16xf32>,
      %swap3A_183 = vector.shape_cast %swap3A_182 : vector<1x1x16xf32> to vector<16xf32>
      %swap3A_184 = vector.shape_cast %broadcast_in_dim3A_177 : vector<16xf32> to vector<1x1x16xf32>
      tpu.vector_store %arg8[%swap3A_179, %swap3A_180, %swap3A_181], %swap3A_184 {strides = array<i32>} : memref<7x128x32xf32, #tpu.memory_space<vmem>>, vector<1x1x16xf32>,
    }
    %scan3A_58 = arith.constant 128 : i32
    %scan3A_59 = arith.constant 0 : i32
    %scan3A_60 = arith.constant 13 : i32
    %scan3A_61 = arith.addi %scan3A_59, %scan3A_60 : i32
    %scan3A_62 = arith.constant 1 : i32
    scf.for %scan3A_164 = %scan3A_59 to %scan3A_61 step %scan3A_62  : i32 {
      %mul3A_165 = arith.constant 1 : i32
      %mul3A_166 = arith.muli %scan3A_164, %mul3A_165 : i32
      %add3A_167 = arith.constant 0 : i32
      %add3A_168 = arith.addi %add3A_167, %mul3A_166 : i32
      %mul3A_169 = arith.constant 1664 : i32
      %mul3A_170 = arith.muli %arg1, %mul3A_169 : i32
      %mul3A_171 = arith.constant 128 : i32
      %mul3A_172 = arith.muli %add3A_168, %mul3A_171 : i32
      %add3A_173 = arith.addi %mul3A_170, %mul3A_172 : i32
      %run_scoped3A = arith.constant 0 : i32
      "tpu.region"() ({
        %run_scoped3A_174 = tpu.sem_alloc : memref<!tpu.dma_semaphore, #tpu.memory_space<semaphore_mem>>
        %dma_start3A_175 = arith.constant 0 : i32
        %dma_start3A_176 = arith.constant 0 : i32
        %dma_start3A_177 = tpu.memref_slice %arg8[%run_scoped3A, %dma_start3A_175, %dma_start3A_176] : memref<7x128x32xf32, #tpu.memory_space<vmem>> -> memref<1x128x32xf32, #tpu.memory_space<vmem>>
        %dma_start3A_178 = tpu.memref_squeeze %dma_start3A_177 : memref<1x128x32xf32, #tpu.memory_space<vmem>> -> memref<128x32xf32, #tpu.memory_space<vmem>>
        %dma_start3A_179 = arith.constant 0 : i32
        %dma_start3A_180 = tpu.memref_slice %arg9[%add3A_173, %dma_start3A_179] : memref<26624x32xf32, #tpu.memory_space<vmem_shared>> -> memref<128x32xf32, #tpu.memory_space<vmem_shared>>
        %dma_start3A_181 = arith.constant 0 : i32
        %dma_start3A_182 = tpu.memref_slice %arg9[%add3A_173, %dma_start3A_181] : memref<26624x32xf32, #tpu.memory_space<vmem_shared>> -> memref<128x32xf32, #tpu.memory_space<vmem_shared>>
        %dma_start3A_183 = arith.constant 0 : i32
        %dma_start3A_184 = arith.constant 0 : i32
        %dma_start3A_185 = tpu.memref_slice %arg8[%run_scoped3A, %dma_start3A_183, %dma_start3A_184] : memref<7x128x32xf32, #tpu.memory_space<vmem>> -> memref<1x128x32xf32, #tpu.memory_space<vmem>>
        %dma_start3A_186 = tpu.memref_squeeze %dma_start3A_185 : memref<1x128x32xf32, #tpu.memory_space<vmem>> -> memref<128x32xf32, #tpu.memory_space<vmem>>
        tpu.enqueue_dma source(%dma_start3A_186 : memref<128x32xf32, #tpu.memory_space<vmem>>) target(%dma_start3A_182 : memref<128x32xf32, #tpu.memory_space<vmem_shared>>) target_semaphore(%run_scoped3A_174 : memref<!tpu.dma_semaphore, #tpu.memory_space<semaphore_mem>>)
        %dma_wait3A = arith.constant 0 : i32
        %dma_wait3A_187 = arith.constant 0 : i32
        %dma_wait3A_188 = tpu.memref_slice %arg8[%run_scoped3A, %dma_wait3A, %dma_wait3A_187] : memref<7x128x32xf32, #tpu.memory_space<vmem>> -> memref<1x128x32xf32, #tpu.memory_space<vmem>>
        %dma_wait3A_189 = tpu.memref_squeeze %dma_wait3A_188 : memref<1x128x32xf32, #tpu.memory_space<vmem>> -> memref<128x32xf32, #tpu.memory_space<vmem>>
        %dma_wait3A_190 = arith.constant 0 : i32
        %dma_wait3A_191 = tpu.memref_slice %arg9[%add3A_173, %dma_wait3A_190] : memref<26624x32xf32, #tpu.memory_space<vmem_shared>> -> memref<128x32xf32, #tpu.memory_space<vmem_shared>>
        %dma_wait3A_192 = arith.constant 0 : i32
        %dma_wait3A_193 = tpu.memref_slice %arg9[%add3A_173, %dma_wait3A_192] : memref<26624x32xf32, #tpu.memory_space<vmem_shared>> -> memref<128x32xf32, #tpu.memory_space<vmem_shared>>
        %dma_wait3A_194 = arith.constant 0 : i32
        %dma_wait3A_195 = arith.constant 0 : i32
        %dma_wait3A_196 = tpu.memref_slice %arg8[%run_scoped3A, %dma_wait3A_194, %dma_wait3A_195] : memref<7x128x32xf32, #tpu.memory_space<vmem>> -> memref<1x128x32xf32, #tpu.memory_space<vmem>>
        %dma_wait3A_197 = tpu.memref_squeeze %dma_wait3A_196 : memref<1x128x32xf32, #tpu.memory_space<vmem>> -> memref<128x32xf32, #tpu.memory_space<vmem>>
        tpu.wait_dma2 semaphore(%run_scoped3A_174 : memref<!tpu.dma_semaphore, #tpu.memory_space<semaphore_mem>>) src(%dma_wait3A_197 : memref<128x32xf32, #tpu.memory_space<vmem>>) dst(%dma_wait3A_193 : memref<128x32xf32, #tpu.memory_space<vmem_shared>>)
        tpu.yield
      }) : () -> ()
    }
    %scan3A_63 = arith.constant 13 : i32
    %barrier3A = arith.constant 0 : index
    tpu.barrier barrier_id(%barrier3A)
    %scan3A_64 = arith.constant 0 : i32
    %scan3A_65 = arith.constant 8 : i32
    %scan3A_66 = arith.addi %scan3A_64, %scan3A_65 : i32
    %scan3A_67 = arith.constant 1 : i32
    scf.for %scan3A_164 = %scan3A_64 to %scan3A_66 step %scan3A_67  : i32 {
      %mul3A_165 = arith.constant 1 : i32
      %mul3A_166 = arith.muli %scan3A_164, %mul3A_165 : i32
      %add3A_167 = arith.constant 0 : i32
      %add3A_168 = arith.addi %add3A_167, %mul3A_166 : i32
      %rem3A = arith.constant 2 : i32
      %rem3A_169 = arith.remsi %add3A_168, %rem3A : i32
      %mul3A_170 = arith.constant 49 : i32
      %mul3A_171 = arith.muli %add3A_168, %mul3A_170 : i32
      %dma_wait3A = arith.constant 0 : i32
      %dma_wait3A_172 = arith.constant 0 : i32
      %dma_wait3A_173 = tpu.memref_slice %arg6[%rem3A_169, %dma_wait3A, %dma_wait3A_172] : memref<2x49x128xi32, #tpu.memory_space<vmem>> -> memref<1x49x128xi32, #tpu.memory_space<vmem>>
      %dma_wait3A_174 = tpu.memref_squeeze %dma_wait3A_173 : memref<1x49x128xi32, #tpu.memory_space<vmem>> -> memref<49x128xi32, #tpu.memory_space<vmem>>
      %dma_wait3A_175 = arith.constant 0 : i32
      %dma_wait3A_176 = arith.constant 0 : i32
      %dma_wait3A_177 = tpu.memref_slice %arg3[%arg1, %dma_wait3A_175, %dma_wait3A_176] : memref<16x392x128xi32, #tpu.memory_space<hbm>> -> memref<1x392x128xi32, #tpu.memory_space<hbm>>
      %dma_wait3A_178 = tpu.memref_squeeze %dma_wait3A_177 : memref<1x392x128xi32, #tpu.memory_space<hbm>> -> memref<392x128xi32, #tpu.memory_space<hbm>>
      %dma_wait3A_179 = arith.constant 0 : i32
      %dma_wait3A_180 = tpu.memref_slice %dma_wait3A_178[%mul3A_171, %dma_wait3A_179] : memref<392x128xi32, #tpu.memory_space<hbm>> -> memref<49x128xi32, #tpu.memory_space<hbm>>
      %dma_wait3A_181 = arith.constant 0 : i32
      %dma_wait3A_182 = arith.constant 0 : i32
      %dma_wait3A_183 = tpu.memref_slice %arg6[%rem3A_169, %dma_wait3A_181, %dma_wait3A_182] : memref<2x49x128xi32, #tpu.memory_space<vmem>> -> memref<1x49x128xi32, #tpu.memory_space<vmem>>
      %dma_wait3A_184 = tpu.memref_squeeze %dma_wait3A_183 : memref<1x49x128xi32, #tpu.memory_space<vmem>> -> memref<49x128xi32, #tpu.memory_space<vmem>>
      %dma_wait3A_185 = arith.constant 0 : i32
      %dma_wait3A_186 = arith.constant 0 : i32
      %dma_wait3A_187 = tpu.memref_slice %arg3[%arg1, %dma_wait3A_185, %dma_wait3A_186] : memref<16x392x128xi32, #tpu.memory_space<hbm>> -> memref<1x392x128xi32, #tpu.memory_space<hbm>>
      %dma_wait3A_188 = tpu.memref_squeeze %dma_wait3A_187 : memref<1x392x128xi32, #tpu.memory_space<hbm>> -> memref<392x128xi32, #tpu.memory_space<hbm>>
      %dma_wait3A_189 = arith.constant 0 : i32
      %dma_wait3A_190 = tpu.memref_slice %dma_wait3A_188[%mul3A_171, %dma_wait3A_189] : memref<392x128xi32, #tpu.memory_space<hbm>> -> memref<49x128xi32, #tpu.memory_space<hbm>>
      tpu.wait_dma2 semaphore(%arg10 : memref<!tpu.dma_semaphore, #tpu.memory_space<semaphore_mem>>) src(%dma_wait3A_190 : memref<49x128xi32, #tpu.memory_space<hbm>>) dst(%dma_wait3A_184 : memref<49x128xi32, #tpu.memory_space<vmem>>)
      %mul3A_191 = arith.constant 49 : i32
      %mul3A_192 = arith.muli %add3A_168, %mul3A_191 : i32
      %dma_wait3A_193 = arith.constant 0 : i32
      %dma_wait3A_194 = arith.constant 0 : i32
      %dma_wait3A_195 = tpu.memref_slice %arg7[%rem3A_169, %dma_wait3A_193, %dma_wait3A_194] : memref<2x49x128xi32, #tpu.memory_space<vmem>> -> memref<1x49x128xi32, #tpu.memory_space<vmem>>
      %dma_wait3A_196 = tpu.memref_squeeze %dma_wait3A_195 : memref<1x49x128xi32, #tpu.memory_space<vmem>> -> memref<49x128xi32, #tpu.memory_space<vmem>>
      %dma_wait3A_197 = arith.constant 0 : i32
      %dma_wait3A_198 = arith.constant 0 : i32
      %dma_wait3A_199 = arith.constant 0 : i32
      %dma_wait3A_200 = tpu.memref_slice %arg4[%arg0, %dma_wait3A_197, %dma_wait3A_198, %dma_wait3A_199] : memref<2x16x392x128xi32, #tpu.memory_space<hbm>> -> memref<1x16x392x128xi32, #tpu.memory_space<hbm>>
      %dma_wait3A_201 = tpu.memref_squeeze %dma_wait3A_200 : memref<1x16x392x128xi32, #tpu.memory_space<hbm>> -> memref<16x392x128xi32, #tpu.memory_space<hbm>>
      %dma_wait3A_202 = arith.constant 0 : i32
      %dma_wait3A_203 = arith.constant 0 : i32
      %dma_wait3A_204 = tpu.memref_slice %dma_wait3A_201[%arg1, %dma_wait3A_202, %dma_wait3A_203] : memref<16x392x128xi32, #tpu.memory_space<hbm>> -> memref<1x392x128xi32, #tpu.memory_space<hbm>>
      %dma_wait3A_205 = tpu.memref_squeeze %dma_wait3A_204 : memref<1x392x128xi32, #tpu.memory_space<hbm>> -> memref<392x128xi32, #tpu.memory_space<hbm>>
      %dma_wait3A_206 = arith.constant 0 : i32
      %dma_wait3A_207 = tpu.memref_slice %dma_wait3A_205[%mul3A_192, %dma_wait3A_206] : memref<392x128xi32, #tpu.memory_space<hbm>> -> memref<49x128xi32, #tpu.memory_space<hbm>>
      %dma_wait3A_208 = arith.constant 0 : i32
      %dma_wait3A_209 = arith.constant 0 : i32
      %dma_wait3A_210 = tpu.memref_slice %arg7[%rem3A_169, %dma_wait3A_208, %dma_wait3A_209] : memref<2x49x128xi32, #tpu.memory_space<vmem>> -> memref<1x49x128xi32, #tpu.memory_space<vmem>>
      %dma_wait3A_211 = tpu.memref_squeeze %dma_wait3A_210 : memref<1x49x128xi32, #tpu.memory_space<vmem>> -> memref<49x128xi32, #tpu.memory_space<vmem>>
      %dma_wait3A_212 = arith.constant 0 : i32
      %dma_wait3A_213 = arith.constant 0 : i32
      %dma_wait3A_214 = arith.constant 0 : i32
      %dma_wait3A_215 = tpu.memref_slice %arg4[%arg0, %dma_wait3A_212, %dma_wait3A_213, %dma_wait3A_214] : memref<2x16x392x128xi32, #tpu.memory_space<hbm>> -> memref<1x16x392x128xi32, #tpu.memory_space<hbm>>
      %dma_wait3A_216 = tpu.memref_squeeze %dma_wait3A_215 : memref<1x16x392x128xi32, #tpu.memory_space<hbm>> -> memref<16x392x128xi32, #tpu.memory_space<hbm>>
      %dma_wait3A_217 = arith.constant 0 : i32
      %dma_wait3A_218 = arith.constant 0 : i32
      %dma_wait3A_219 = tpu.memref_slice %dma_wait3A_216[%arg1, %dma_wait3A_217, %dma_wait3A_218] : memref<16x392x128xi32, #tpu.memory_space<hbm>> -> memref<1x392x128xi32, #tpu.memory_space<hbm>>
      %dma_wait3A_220 = tpu.memref_squeeze %dma_wait3A_219 : memref<1x392x128xi32, #tpu.memory_space<hbm>> -> memref<392x128xi32, #tpu.memory_space<hbm>>
      %dma_wait3A_221 = arith.constant 0 : i32
      %dma_wait3A_222 = tpu.memref_slice %dma_wait3A_220[%mul3A_192, %dma_wait3A_221] : memref<392x128xi32, #tpu.memory_space<hbm>> -> memref<49x128xi32, #tpu.memory_space<hbm>>
      tpu.wait_dma2 semaphore(%arg11 : memref<!tpu.dma_semaphore, #tpu.memory_space<semaphore_mem>>) src(%dma_wait3A_222 : memref<49x128xi32, #tpu.memory_space<hbm>>) dst(%dma_wait3A_211 : memref<49x128xi32, #tpu.memory_space<vmem>>)
      %lt3A = arith.constant 7 : i32
      %lt3A_223 = arith.cmpi slt, %add3A_168, %lt3A : i32
      %convert_element_type3A = arith.extui %lt3A_223 : i1 to i32
      %cond3A = arith.constant 0 : i32
      %cond3A_224 = arith.cmpi ne, %convert_element_type3A, %cond3A : i32
      scf.if %cond3A_224 {
        %add3A_342 = arith.constant 1 : i32
        %add3A_343 = arith.addi %add3A_168, %add3A_342 : i32
        %mul3A_344 = arith.constant 49 : i32
        %mul3A_345 = arith.muli %add3A_343, %mul3A_344 : i32
        %sub3A = arith.constant 1 : i32
        %sub3A_346 = arith.subi %sub3A, %rem3A_169 : i32
        %dma_start3A_347 = arith.constant 0 : i32
        %dma_start3A_348 = arith.constant 0 : i32
        %dma_start3A_349 = tpu.memref_slice %arg6[%sub3A_346, %dma_start3A_347, %dma_start3A_348] : memref<2x49x128xi32, #tpu.memory_space<vmem>> -> memref<1x49x128xi32, #tpu.memory_space<vmem>>
        %dma_start3A_350 = tpu.memref_squeeze %dma_start3A_349 : memref<1x49x128xi32, #tpu.memory_space<vmem>> -> memref<49x128xi32, #tpu.memory_space<vmem>>
        %dma_start3A_351 = arith.constant 0 : i32
        %dma_start3A_352 = arith.constant 0 : i32
        %dma_start3A_353 = tpu.memref_slice %arg3[%arg1, %dma_start3A_351, %dma_start3A_352] : memref<16x392x128xi32, #tpu.memory_space<hbm>> -> memref<1x392x128xi32, #tpu.memory_space<hbm>>
        %dma_start3A_354 = tpu.memref_squeeze %dma_start3A_353 : memref<1x392x128xi32, #tpu.memory_space<hbm>> -> memref<392x128xi32, #tpu.memory_space<hbm>>
        %dma_start3A_355 = arith.constant 0 : i32
        %dma_start3A_356 = tpu.memref_slice %dma_start3A_354[%mul3A_345, %dma_start3A_355] : memref<392x128xi32, #tpu.memory_space<hbm>> -> memref<49x128xi32, #tpu.memory_space<hbm>>
        %dma_start3A_357 = arith.constant 0 : i32
        %dma_start3A_358 = arith.constant 0 : i32
        %dma_start3A_359 = tpu.memref_slice %arg6[%sub3A_346, %dma_start3A_357, %dma_start3A_358] : memref<2x49x128xi32, #tpu.memory_space<vmem>> -> memref<1x49x128xi32, #tpu.memory_space<vmem>>
        %dma_start3A_360 = tpu.memref_squeeze %dma_start3A_359 : memref<1x49x128xi32, #tpu.memory_space<vmem>> -> memref<49x128xi32, #tpu.memory_space<vmem>>
        %dma_start3A_361 = arith.constant 0 : i32
        %dma_start3A_362 = arith.constant 0 : i32
        %dma_start3A_363 = tpu.memref_slice %arg3[%arg1, %dma_start3A_361, %dma_start3A_362] : memref<16x392x128xi32, #tpu.memory_space<hbm>> -> memref<1x392x128xi32, #tpu.memory_space<hbm>>
        %dma_start3A_364 = tpu.memref_squeeze %dma_start3A_363 : memref<1x392x128xi32, #tpu.memory_space<hbm>> -> memref<392x128xi32, #tpu.memory_space<hbm>>
        %dma_start3A_365 = arith.constant 0 : i32
        %dma_start3A_366 = tpu.memref_slice %dma_start3A_364[%mul3A_345, %dma_start3A_365] : memref<392x128xi32, #tpu.memory_space<hbm>> -> memref<49x128xi32, #tpu.memory_space<hbm>>
        tpu.enqueue_dma source(%dma_start3A_366 : memref<49x128xi32, #tpu.memory_space<hbm>>) target(%dma_start3A_360 : memref<49x128xi32, #tpu.memory_space<vmem>>) target_semaphore(%arg10 : memref<!tpu.dma_semaphore, #tpu.memory_space<semaphore_mem>>)
        %add3A_367 = arith.constant 1 : i32
        %add3A_368 = arith.addi %add3A_168, %add3A_367 : i32
        %mul3A_369 = arith.constant 49 : i32
        %mul3A_370 = arith.muli %add3A_368, %mul3A_369 : i32
        %sub3A_371 = arith.constant 1 : i32
        %sub3A_372 = arith.subi %sub3A_371, %rem3A_169 : i32
        %dma_start3A_373 = arith.constant 0 : i32
        %dma_start3A_374 = arith.constant 0 : i32
        %dma_start3A_375 = tpu.memref_slice %arg7[%sub3A_372, %dma_start3A_373, %dma_start3A_374] : memref<2x49x128xi32, #tpu.memory_space<vmem>> -> memref<1x49x128xi32, #tpu.memory_space<vmem>>
        %dma_start3A_376 = tpu.memref_squeeze %dma_start3A_375 : memref<1x49x128xi32, #tpu.memory_space<vmem>> -> memref<49x128xi32, #tpu.memory_space<vmem>>
        %dma_start3A_377 = arith.constant 0 : i32
        %dma_start3A_378 = arith.constant 0 : i32
        %dma_start3A_379 = arith.constant 0 : i32
        %dma_start3A_380 = tpu.memref_slice %arg4[%arg0, %dma_start3A_377, %dma_start3A_378, %dma_start3A_379] : memref<2x16x392x128xi32, #tpu.memory_space<hbm>> -> memref<1x16x392x128xi32, #tpu.memory_space<hbm>>
        %dma_start3A_381 = tpu.memref_squeeze %dma_start3A_380 : memref<1x16x392x128xi32, #tpu.memory_space<hbm>> -> memref<16x392x128xi32, #tpu.memory_space<hbm>>
        %dma_start3A_382 = arith.constant 0 : i32
        %dma_start3A_383 = arith.constant 0 : i32
        %dma_start3A_384 = tpu.memref_slice %dma_start3A_381[%arg1, %dma_start3A_382, %dma_start3A_383] : memref<16x392x128xi32, #tpu.memory_space<hbm>> -> memref<1x392x128xi32, #tpu.memory_space<hbm>>
        %dma_start3A_385 = tpu.memref_squeeze %dma_start3A_384 : memref<1x392x128xi32, #tpu.memory_space<hbm>> -> memref<392x128xi32, #tpu.memory_space<hbm>>
        %dma_start3A_386 = arith.constant 0 : i32
        %dma_start3A_387 = tpu.memref_slice %dma_start3A_385[%mul3A_370, %dma_start3A_386] : memref<392x128xi32, #tpu.memory_space<hbm>> -> memref<49x128xi32, #tpu.memory_space<hbm>>
        %dma_start3A_388 = arith.constant 0 : i32
        %dma_start3A_389 = arith.constant 0 : i32
        %dma_start3A_390 = tpu.memref_slice %arg7[%sub3A_372, %dma_start3A_388, %dma_start3A_389] : memref<2x49x128xi32, #tpu.memory_space<vmem>> -> memref<1x49x128xi32, #tpu.memory_space<vmem>>
        %dma_start3A_391 = tpu.memref_squeeze %dma_start3A_390 : memref<1x49x128xi32, #tpu.memory_space<vmem>> -> memref<49x128xi32, #tpu.memory_space<vmem>>
        %dma_start3A_392 = arith.constant 0 : i32
        %dma_start3A_393 = arith.constant 0 : i32
        %dma_start3A_394 = arith.constant 0 : i32
        %dma_start3A_395 = tpu.memref_slice %arg4[%arg0, %dma_start3A_392, %dma_start3A_393, %dma_start3A_394] : memref<2x16x392x128xi32, #tpu.memory_space<hbm>> -> memref<1x16x392x128xi32, #tpu.memory_space<hbm>>
        %dma_start3A_396 = tpu.memref_squeeze %dma_start3A_395 : memref<1x16x392x128xi32, #tpu.memory_space<hbm>> -> memref<16x392x128xi32, #tpu.memory_space<hbm>>
        %dma_start3A_397 = arith.constant 0 : i32
        %dma_start3A_398 = arith.constant 0 : i32
        %dma_start3A_399 = tpu.memref_slice %dma_start3A_396[%arg1, %dma_start3A_397, %dma_start3A_398] : memref<16x392x128xi32, #tpu.memory_space<hbm>> -> memref<1x392x128xi32, #tpu.memory_space<hbm>>
        %dma_start3A_400 = tpu.memref_squeeze %dma_start3A_399 : memref<1x392x128xi32, #tpu.memory_space<hbm>> -> memref<392x128xi32, #tpu.memory_space<hbm>>
        %dma_start3A_401 = arith.constant 0 : i32
        %dma_start3A_402 = tpu.memref_slice %dma_start3A_400[%mul3A_370, %dma_start3A_401] : memref<392x128xi32, #tpu.memory_space<hbm>> -> memref<49x128xi32, #tpu.memory_space<hbm>>
        tpu.enqueue_dma source(%dma_start3A_402 : memref<49x128xi32, #tpu.memory_space<hbm>>) target(%dma_start3A_391 : memref<49x128xi32, #tpu.memory_space<vmem>>) target_semaphore(%arg11 : memref<!tpu.dma_semaphore, #tpu.memory_space<semaphore_mem>>)
      } else {
      }
      %scan3A_225 = arith.constant 0 : i32
      %scan3A_226 = arith.constant 7 : i32
      %scan3A_227 = arith.addi %scan3A_225, %scan3A_226 : i32
      %scan3A_228 = arith.constant 1 : i32
      scf.for %scan3A_342 = %scan3A_225 to %scan3A_227 step %scan3A_228  : i32 {
        %mul3A_343 = arith.constant 7 : i32
        %mul3A_344 = arith.muli %scan3A_342, %mul3A_343 : i32
        %add3A_345 = arith.constant 0 : i32
        %add3A_346 = arith.addi %add3A_345, %mul3A_344 : i32
        %gt3A = arith.constant 0 : i32
        %gt3A_347 = arith.cmpi sgt, %add3A_346, %gt3A : i32
        %convert_element_type3A_348 = arith.extui %gt3A_347 : i1 to i32
        %cond3A_349 = arith.constant 0 : i32
        %cond3A_350 = arith.cmpi ne, %convert_element_type3A_348, %cond3A_349 : i32
        scf.if %cond3A_350 {
          %dma_wait3A_736 = arith.constant 0 : i32
          %dma_wait3A_737 = arith.constant 0 : i32
          %dma_wait3A_738 = arith.constant 0 : i32
          %dma_wait3A_739 = arith.constant 0 : i32
          %dma_wait3A_740 = tpu.memref_slice %arg8[%dma_wait3A_736, %dma_wait3A_738, %dma_wait3A_739] : memref<7x128x32xf32, #tpu.memory_space<vmem>> -> memref<1x128x32xf32, #tpu.memory_space<vmem>>
          %dma_wait3A_741 = tpu.memref_squeeze %dma_wait3A_740 : memref<1x128x32xf32, #tpu.memory_space<vmem>> -> memref<128x32xf32, #tpu.memory_space<vmem>>
          %dma_wait3A_742 = arith.constant 0 : i32
          %dma_wait3A_743 = arith.constant 0 : i32
          %dma_wait3A_744 = tpu.memref_slice %arg7[%rem3A_169, %dma_wait3A_742, %dma_wait3A_743] : memref<2x49x128xi32, #tpu.memory_space<vmem>> -> memref<1x49x128xi32, #tpu.memory_space<vmem>>
          %dma_wait3A_745 = tpu.memref_squeeze %dma_wait3A_744 : memref<1x49x128xi32, #tpu.memory_space<vmem>> -> memref<49x128xi32, #tpu.memory_space<vmem>>
          %dma_wait3A_746 = arith.constant 0 : i32
          %dma_wait3A_747 = tpu.memref_slice %dma_wait3A_745[%dma_wait3A_737, %dma_wait3A_746] : memref<49x128xi32, #tpu.memory_space<vmem>> -> memref<1x128xi32, #tpu.memory_space<vmem>>
          %dma_wait3A_748 = tpu.memref_squeeze %dma_wait3A_747 : memref<1x128xi32, #tpu.memory_space<vmem>> -> memref<128xi32, #tpu.memory_space<vmem>>
          %dma_wait3A_749 = arith.constant 0 : i32
          %dma_wait3A_750 = arith.constant 0 : i32
          %dma_wait3A_751 = tpu.memref_slice %arg9[%dma_wait3A_749, %dma_wait3A_750] : memref<26624x32xf32, #tpu.memory_space<vmem_shared>> -> memref<26624x32xf32, #tpu.memory_space<vmem_shared>>
          tpu.wait_indirect_dma semaphore(%arg13 : memref<!tpu.dma_semaphore, #tpu.memory_space<semaphore_mem>>) src(%dma_wait3A_741 : memref<128x32xf32, #tpu.memory_space<vmem>>) dst(%dma_wait3A_751 : memref<26624x32xf32, #tpu.memory_space<vmem_shared>>)
          %dma_wait3A_752 = arith.constant 1 : i32
          %dma_wait3A_753 = arith.constant 0 : i32
          %dma_wait3A_754 = arith.constant 0 : i32
          %dma_wait3A_755 = arith.constant 0 : i32
          %dma_wait3A_756 = tpu.memref_slice %arg8[%dma_wait3A_752, %dma_wait3A_754, %dma_wait3A_755] : memref<7x128x32xf32, #tpu.memory_space<vmem>> -> memref<1x128x32xf32, #tpu.memory_space<vmem>>
          %dma_wait3A_757 = tpu.memref_squeeze %dma_wait3A_756 : memref<1x128x32xf32, #tpu.memory_space<vmem>> -> memref<128x32xf32, #tpu.memory_space<vmem>>
          %dma_wait3A_758 = arith.constant 0 : i32
          %dma_wait3A_759 = arith.constant 0 : i32
          %dma_wait3A_760 = tpu.memref_slice %arg7[%rem3A_169, %dma_wait3A_758, %dma_wait3A_759] : memref<2x49x128xi32, #tpu.memory_space<vmem>> -> memref<1x49x128xi32, #tpu.memory_space<vmem>>
          %dma_wait3A_761 = tpu.memref_squeeze %dma_wait3A_760 : memref<1x49x128xi32, #tpu.memory_space<vmem>> -> memref<49x128xi32, #tpu.memory_space<vmem>>
          %dma_wait3A_762 = arith.constant 0 : i32
          %dma_wait3A_763 = tpu.memref_slice %dma_wait3A_761[%dma_wait3A_753, %dma_wait3A_762] : memref<49x128xi32, #tpu.memory_space<vmem>> -> memref<1x128xi32, #tpu.memory_space<vmem>>
          %dma_wait3A_764 = tpu.memref_squeeze %dma_wait3A_763 : memref<1x128xi32, #tpu.memory_space<vmem>> -> memref<128xi32, #tpu.memory_space<vmem>>
          %dma_wait3A_765 = arith.constant 0 : i32
          %dma_wait3A_766 = arith.constant 0 : i32
          %dma_wait3A_767 = tpu.memref_slice %arg9[%dma_wait3A_765, %dma_wait3A_766] : memref<26624x32xf32, #tpu.memory_space<vmem_shared>> -> memref<26624x32xf32, #tpu.memory_space<vmem_shared>>
          tpu.wait_indirect_dma semaphore(%arg13 : memref<!tpu.dma_semaphore, #tpu.memory_space<semaphore_mem>>) src(%dma_wait3A_757 : memref<128x32xf32, #tpu.memory_space<vmem>>) dst(%dma_wait3A_767 : memref<26624x32xf32, #tpu.memory_space<vmem_shared>>)
          %dma_wait3A_768 = arith.constant 2 : i32
          %dma_wait3A_769 = arith.constant 0 : i32
          %dma_wait3A_770 = arith.constant 0 : i32
          %dma_wait3A_771 = arith.constant 0 : i32
          %dma_wait3A_772 = tpu.memref_slice %arg8[%dma_wait3A_768, %dma_wait3A_770, %dma_wait3A_771] : memref<7x128x32xf32, #tpu.memory_space<vmem>> -> memref<1x128x32xf32, #tpu.memory_space<vmem>>
          %dma_wait3A_773 = tpu.memref_squeeze %dma_wait3A_772 : memref<1x128x32xf32, #tpu.memory_space<vmem>> -> memref<128x32xf32, #tpu.memory_space<vmem>>
          %dma_wait3A_774 = arith.constant 0 : i32
          %dma_wait3A_775 = arith.constant 0 : i32
          %dma_wait3A_776 = tpu.memref_slice %arg7[%rem3A_169, %dma_wait3A_774, %dma_wait3A_775] : memref<2x49x128xi32, #tpu.memory_space<vmem>> -> memref<1x49x128xi32, #tpu.memory_space<vmem>>
          %dma_wait3A_777 = tpu.memref_squeeze %dma_wait3A_776 : memref<1x49x128xi32, #tpu.memory_space<vmem>> -> memref<49x128xi32, #tpu.memory_space<vmem>>
          %dma_wait3A_778 = arith.constant 0 : i32
          %dma_wait3A_779 = tpu.memref_slice %dma_wait3A_777[%dma_wait3A_769, %dma_wait3A_778] : memref<49x128xi32, #tpu.memory_space<vmem>> -> memref<1x128xi32, #tpu.memory_space<vmem>>
          %dma_wait3A_780 = tpu.memref_squeeze %dma_wait3A_779 : memref<1x128xi32, #tpu.memory_space<vmem>> -> memref<128xi32, #tpu.memory_space<vmem>>
          %dma_wait3A_781 = arith.constant 0 : i32
          %dma_wait3A_782 = arith.constant 0 : i32
          %dma_wait3A_783 = tpu.memref_slice %arg9[%dma_wait3A_781, %dma_wait3A_782] : memref<26624x32xf32, #tpu.memory_space<vmem_shared>> -> memref<26624x32xf32, #tpu.memory_space<vmem_shared>>
          tpu.wait_indirect_dma semaphore(%arg13 : memref<!tpu.dma_semaphore, #tpu.memory_space<semaphore_mem>>) src(%dma_wait3A_773 : memref<128x32xf32, #tpu.memory_space<vmem>>) dst(%dma_wait3A_783 : memref<26624x32xf32, #tpu.memory_space<vmem_shared>>)
          %dma_wait3A_784 = arith.constant 3 : i32
          %dma_wait3A_785 = arith.constant 0 : i32
          %dma_wait3A_786 = arith.constant 0 : i32
          %dma_wait3A_787 = arith.constant 0 : i32
          %dma_wait3A_788 = tpu.memref_slice %arg8[%dma_wait3A_784, %dma_wait3A_786, %dma_wait3A_787] : memref<7x128x32xf32, #tpu.memory_space<vmem>> -> memref<1x128x32xf32, #tpu.memory_space<vmem>>
          %dma_wait3A_789 = tpu.memref_squeeze %dma_wait3A_788 : memref<1x128x32xf32, #tpu.memory_space<vmem>> -> memref<128x32xf32, #tpu.memory_space<vmem>>
          %dma_wait3A_790 = arith.constant 0 : i32
          %dma_wait3A_791 = arith.constant 0 : i32
          %dma_wait3A_792 = tpu.memref_slice %arg7[%rem3A_169, %dma_wait3A_790, %dma_wait3A_791] : memref<2x49x128xi32, #tpu.memory_space<vmem>> -> memref<1x49x128xi32, #tpu.memory_space<vmem>>
          %dma_wait3A_793 = tpu.memref_squeeze %dma_wait3A_792 : memref<1x49x128xi32, #tpu.memory_space<vmem>> -> memref<49x128xi32, #tpu.memory_space<vmem>>
          %dma_wait3A_794 = arith.constant 0 : i32
          %dma_wait3A_795 = tpu.memref_slice %dma_wait3A_793[%dma_wait3A_785, %dma_wait3A_794] : memref<49x128xi32, #tpu.memory_space<vmem>> -> memref<1x128xi32, #tpu.memory_space<vmem>>
          %dma_wait3A_796 = tpu.memref_squeeze %dma_wait3A_795 : memref<1x128xi32, #tpu.memory_space<vmem>> -> memref<128xi32, #tpu.memory_space<vmem>>
          %dma_wait3A_797 = arith.constant 0 : i32
          %dma_wait3A_798 = arith.constant 0 : i32
          %dma_wait3A_799 = tpu.memref_slice %arg9[%dma_wait3A_797, %dma_wait3A_798] : memref<26624x32xf32, #tpu.memory_space<vmem_shared>> -> memref<26624x32xf32, #tpu.memory_space<vmem_shared>>
          tpu.wait_indirect_dma semaphore(%arg13 : memref<!tpu.dma_semaphore, #tpu.memory_space<semaphore_mem>>) src(%dma_wait3A_789 : memref<128x32xf32, #tpu.memory_space<vmem>>) dst(%dma_wait3A_799 : memref<26624x32xf32, #tpu.memory_space<vmem_shared>>)
          %dma_wait3A_800 = arith.constant 4 : i32
          %dma_wait3A_801 = arith.constant 0 : i32
          %dma_wait3A_802 = arith.constant 0 : i32
          %dma_wait3A_803 = arith.constant 0 : i32
          %dma_wait3A_804 = tpu.memref_slice %arg8[%dma_wait3A_800, %dma_wait3A_802, %dma_wait3A_803] : memref<7x128x32xf32, #tpu.memory_space<vmem>> -> memref<1x128x32xf32, #tpu.memory_space<vmem>>
          %dma_wait3A_805 = tpu.memref_squeeze %dma_wait3A_804 : memref<1x128x32xf32, #tpu.memory_space<vmem>> -> memref<128x32xf32, #tpu.memory_space<vmem>>
          %dma_wait3A_806 = arith.constant 0 : i32
          %dma_wait3A_807 = arith.constant 0 : i32
          %dma_wait3A_808 = tpu.memref_slice %arg7[%rem3A_169, %dma_wait3A_806, %dma_wait3A_807] : memref<2x49x128xi32, #tpu.memory_space<vmem>> -> memref<1x49x128xi32, #tpu.memory_space<vmem>>
          %dma_wait3A_809 = tpu.memref_squeeze %dma_wait3A_808 : memref<1x49x128xi32, #tpu.memory_space<vmem>> -> memref<49x128xi32, #tpu.memory_space<vmem>>
          %dma_wait3A_810 = arith.constant 0 : i32
          %dma_wait3A_811 = tpu.memref_slice %dma_wait3A_809[%dma_wait3A_801, %dma_wait3A_810] : memref<49x128xi32, #tpu.memory_space<vmem>> -> memref<1x128xi32, #tpu.memory_space<vmem>>
          %dma_wait3A_812 = tpu.memref_squeeze %dma_wait3A_811 : memref<1x128xi32, #tpu.memory_space<vmem>> -> memref<128xi32, #tpu.memory_space<vmem>>
          %dma_wait3A_813 = arith.constant 0 : i32
          %dma_wait3A_814 = arith.constant 0 : i32
          %dma_wait3A_815 = tpu.memref_slice %arg9[%dma_wait3A_813, %dma_wait3A_814] : memref<26624x32xf32, #tpu.memory_space<vmem_shared>> -> memref<26624x32xf32, #tpu.memory_space<vmem_shared>>
          tpu.wait_indirect_dma semaphore(%arg13 : memref<!tpu.dma_semaphore, #tpu.memory_space<semaphore_mem>>) src(%dma_wait3A_805 : memref<128x32xf32, #tpu.memory_space<vmem>>) dst(%dma_wait3A_815 : memref<26624x32xf32, #tpu.memory_space<vmem_shared>>)
          %dma_wait3A_816 = arith.constant 5 : i32
          %dma_wait3A_817 = arith.constant 0 : i32
          %dma_wait3A_818 = arith.constant 0 : i32
          %dma_wait3A_819 = arith.constant 0 : i32
          %dma_wait3A_820 = tpu.memref_slice %arg8[%dma_wait3A_816, %dma_wait3A_818, %dma_wait3A_819] : memref<7x128x32xf32, #tpu.memory_space<vmem>> -> memref<1x128x32xf32, #tpu.memory_space<vmem>>
          %dma_wait3A_821 = tpu.memref_squeeze %dma_wait3A_820 : memref<1x128x32xf32, #tpu.memory_space<vmem>> -> memref<128x32xf32, #tpu.memory_space<vmem>>
          %dma_wait3A_822 = arith.constant 0 : i32
          %dma_wait3A_823 = arith.constant 0 : i32
          %dma_wait3A_824 = tpu.memref_slice %arg7[%rem3A_169, %dma_wait3A_822, %dma_wait3A_823] : memref<2x49x128xi32, #tpu.memory_space<vmem>> -> memref<1x49x128xi32, #tpu.memory_space<vmem>>
          %dma_wait3A_825 = tpu.memref_squeeze %dma_wait3A_824 : memref<1x49x128xi32, #tpu.memory_space<vmem>> -> memref<49x128xi32, #tpu.memory_space<vmem>>
          %dma_wait3A_826 = arith.constant 0 : i32
          %dma_wait3A_827 = tpu.memref_slice %dma_wait3A_825[%dma_wait3A_817, %dma_wait3A_826] : memref<49x128xi32, #tpu.memory_space<vmem>> -> memref<1x128xi32, #tpu.memory_space<vmem>>
          %dma_wait3A_828 = tpu.memref_squeeze %dma_wait3A_827 : memref<1x128xi32, #tpu.memory_space<vmem>> -> memref<128xi32, #tpu.memory_space<vmem>>
          %dma_wait3A_829 = arith.constant 0 : i32
          %dma_wait3A_830 = arith.constant 0 : i32
          %dma_wait3A_831 = tpu.memref_slice %arg9[%dma_wait3A_829, %dma_wait3A_830] : memref<26624x32xf32, #tpu.memory_space<vmem_shared>> -> memref<26624x32xf32, #tpu.memory_space<vmem_shared>>
          tpu.wait_indirect_dma semaphore(%arg13 : memref<!tpu.dma_semaphore, #tpu.memory_space<semaphore_mem>>) src(%dma_wait3A_821 : memref<128x32xf32, #tpu.memory_space<vmem>>) dst(%dma_wait3A_831 : memref<26624x32xf32, #tpu.memory_space<vmem_shared>>)
          %dma_wait3A_832 = arith.constant 6 : i32
          %dma_wait3A_833 = arith.constant 0 : i32
          %dma_wait3A_834 = arith.constant 0 : i32
          %dma_wait3A_835 = arith.constant 0 : i32
          %dma_wait3A_836 = tpu.memref_slice %arg8[%dma_wait3A_832, %dma_wait3A_834, %dma_wait3A_835] : memref<7x128x32xf32, #tpu.memory_space<vmem>> -> memref<1x128x32xf32, #tpu.memory_space<vmem>>
          %dma_wait3A_837 = tpu.memref_squeeze %dma_wait3A_836 : memref<1x128x32xf32, #tpu.memory_space<vmem>> -> memref<128x32xf32, #tpu.memory_space<vmem>>
          %dma_wait3A_838 = arith.constant 0 : i32
          %dma_wait3A_839 = arith.constant 0 : i32
          %dma_wait3A_840 = tpu.memref_slice %arg7[%rem3A_169, %dma_wait3A_838, %dma_wait3A_839] : memref<2x49x128xi32, #tpu.memory_space<vmem>> -> memref<1x49x128xi32, #tpu.memory_space<vmem>>
          %dma_wait3A_841 = tpu.memref_squeeze %dma_wait3A_840 : memref<1x49x128xi32, #tpu.memory_space<vmem>> -> memref<49x128xi32, #tpu.memory_space<vmem>>
          %dma_wait3A_842 = arith.constant 0 : i32
          %dma_wait3A_843 = tpu.memref_slice %dma_wait3A_841[%dma_wait3A_833, %dma_wait3A_842] : memref<49x128xi32, #tpu.memory_space<vmem>> -> memref<1x128xi32, #tpu.memory_space<vmem>>
          %dma_wait3A_844 = tpu.memref_squeeze %dma_wait3A_843 : memref<1x128xi32, #tpu.memory_space<vmem>> -> memref<128xi32, #tpu.memory_space<vmem>>
          %dma_wait3A_845 = arith.constant 0 : i32
          %dma_wait3A_846 = arith.constant 0 : i32
          %dma_wait3A_847 = tpu.memref_slice %arg9[%dma_wait3A_845, %dma_wait3A_846] : memref<26624x32xf32, #tpu.memory_space<vmem_shared>> -> memref<26624x32xf32, #tpu.memory_space<vmem_shared>>
          tpu.wait_indirect_dma semaphore(%arg13 : memref<!tpu.dma_semaphore, #tpu.memory_space<semaphore_mem>>) src(%dma_wait3A_837 : memref<128x32xf32, #tpu.memory_space<vmem>>) dst(%dma_wait3A_847 : memref<26624x32xf32, #tpu.memory_space<vmem_shared>>)
        } else {
        }
        %add3A_351 = arith.constant 0 : i32
        %add3A_352 = arith.addi %add3A_346, %add3A_351 : i32
        %dma_start3A_353 = arith.constant 0 : i32
        %dma_start3A_354 = arith.constant 0 : i32
        %dma_start3A_355 = arith.constant 0 : i32
        %dma_start3A_356 = tpu.memref_slice %arg8[%dma_start3A_353, %dma_start3A_354, %dma_start3A_355] : memref<7x128x32xf32, #tpu.memory_space<vmem>> -> memref<1x128x32xf32, #tpu.memory_space<vmem>>
        %dma_start3A_357 = tpu.memref_squeeze %dma_start3A_356 : memref<1x128x32xf32, #tpu.memory_space<vmem>> -> memref<128x32xf32, #tpu.memory_space<vmem>>
        %dma_start3A_358 = arith.constant 0 : i32
        %dma_start3A_359 = arith.constant 0 : i32
        %dma_start3A_360 = tpu.memref_slice %arg6[%rem3A_169, %dma_start3A_358, %dma_start3A_359] : memref<2x49x128xi32, #tpu.memory_space<vmem>> -> memref<1x49x128xi32, #tpu.memory_space<vmem>>
        %dma_start3A_361 = tpu.memref_squeeze %dma_start3A_360 : memref<1x49x128xi32, #tpu.memory_space<vmem>> -> memref<49x128xi32, #tpu.memory_space<vmem>>
        %dma_start3A_362 = arith.constant 0 : i32
        %dma_start3A_363 = tpu.memref_slice %dma_start3A_361[%add3A_352, %dma_start3A_362] : memref<49x128xi32, #tpu.memory_space<vmem>> -> memref<1x128xi32, #tpu.memory_space<vmem>>
        %dma_start3A_364 = tpu.memref_squeeze %dma_start3A_363 : memref<1x128xi32, #tpu.memory_space<vmem>> -> memref<128xi32, #tpu.memory_space<vmem>>
        %dma_start3A_365 = arith.constant 0 : i32
        %dma_start3A_366 = arith.constant 0 : i32
        %dma_start3A_367 = tpu.memref_slice %arg2[%dma_start3A_365, %dma_start3A_366] : memref<100000x32xf32, #tpu.memory_space<hbm>> -> memref<50000x32xf32, #tpu.memory_space<hbm>>
        %dma_start3A_368 = arith.constant 0 : i32
        %dma_start3A_369 = arith.constant 0 : i32
        %dma_start3A_370 = tpu.memref_slice %dma_start3A_367[%dma_start3A_368, %dma_start3A_369] : memref<50000x32xf32, #tpu.memory_space<hbm>> -> memref<50000x32xf32, #tpu.memory_space<hbm>>
        tpu.enqueue_indirect_dma source(%dma_start3A_370 : memref<50000x32xf32, #tpu.memory_space<hbm>>) target(%dma_start3A_357 : memref<128x32xf32, #tpu.memory_space<vmem>>) offsets(%dma_start3A_364 : memref<128xi32, #tpu.memory_space<vmem>>) semaphore(%arg12 : memref<!tpu.dma_semaphore, #tpu.memory_space<semaphore_mem>>)
        %add3A_371 = arith.constant 1 : i32
        %add3A_372 = arith.addi %add3A_346, %add3A_371 : i32
        %dma_start3A_373 = arith.constant 1 : i32
        %dma_start3A_374 = arith.constant 0 : i32
        %dma_start3A_375 = arith.constant 0 : i32
        %dma_start3A_376 = tpu.memref_slice %arg8[%dma_start3A_373, %dma_start3A_374, %dma_start3A_375] : memref<7x128x32xf32, #tpu.memory_space<vmem>> -> memref<1x128x32xf32, #tpu.memory_space<vmem>>
        %dma_start3A_377 = tpu.memref_squeeze %dma_start3A_376 : memref<1x128x32xf32, #tpu.memory_space<vmem>> -> memref<128x32xf32, #tpu.memory_space<vmem>>
        %dma_start3A_378 = arith.constant 0 : i32
        %dma_start3A_379 = arith.constant 0 : i32
        %dma_start3A_380 = tpu.memref_slice %arg6[%rem3A_169, %dma_start3A_378, %dma_start3A_379] : memref<2x49x128xi32, #tpu.memory_space<vmem>> -> memref<1x49x128xi32, #tpu.memory_space<vmem>>
        %dma_start3A_381 = tpu.memref_squeeze %dma_start3A_380 : memref<1x49x128xi32, #tpu.memory_space<vmem>> -> memref<49x128xi32, #tpu.memory_space<vmem>>
        %dma_start3A_382 = arith.constant 0 : i32
        %dma_start3A_383 = tpu.memref_slice %dma_start3A_381[%add3A_372, %dma_start3A_382] : memref<49x128xi32, #tpu.memory_space<vmem>> -> memref<1x128xi32, #tpu.memory_space<vmem>>
        %dma_start3A_384 = tpu.memref_squeeze %dma_start3A_383 : memref<1x128xi32, #tpu.memory_space<vmem>> -> memref<128xi32, #tpu.memory_space<vmem>>
        %dma_start3A_385 = arith.constant 0 : i32
        %dma_start3A_386 = arith.constant 0 : i32
        %dma_start3A_387 = tpu.memref_slice %arg2[%dma_start3A_385, %dma_start3A_386] : memref<100000x32xf32, #tpu.memory_space<hbm>> -> memref<50000x32xf32, #tpu.memory_space<hbm>>
        %dma_start3A_388 = arith.constant 0 : i32
        %dma_start3A_389 = arith.constant 0 : i32
        %dma_start3A_390 = tpu.memref_slice %dma_start3A_387[%dma_start3A_388, %dma_start3A_389] : memref<50000x32xf32, #tpu.memory_space<hbm>> -> memref<50000x32xf32, #tpu.memory_space<hbm>>
        tpu.enqueue_indirect_dma source(%dma_start3A_390 : memref<50000x32xf32, #tpu.memory_space<hbm>>) target(%dma_start3A_377 : memref<128x32xf32, #tpu.memory_space<vmem>>) offsets(%dma_start3A_384 : memref<128xi32, #tpu.memory_space<vmem>>) semaphore(%arg12 : memref<!tpu.dma_semaphore, #tpu.memory_space<semaphore_mem>>)
        %add3A_391 = arith.constant 2 : i32
        %add3A_392 = arith.addi %add3A_346, %add3A_391 : i32
        %dma_start3A_393 = arith.constant 2 : i32
        %dma_start3A_394 = arith.constant 0 : i32
        %dma_start3A_395 = arith.constant 0 : i32
        %dma_start3A_396 = tpu.memref_slice %arg8[%dma_start3A_393, %dma_start3A_394, %dma_start3A_395] : memref<7x128x32xf32, #tpu.memory_space<vmem>> -> memref<1x128x32xf32, #tpu.memory_space<vmem>>
        %dma_start3A_397 = tpu.memref_squeeze %dma_start3A_396 : memref<1x128x32xf32, #tpu.memory_space<vmem>> -> memref<128x32xf32, #tpu.memory_space<vmem>>
        %dma_start3A_398 = arith.constant 0 : i32
        %dma_start3A_399 = arith.constant 0 : i32
        %dma_start3A_400 = tpu.memref_slice %arg6[%rem3A_169, %dma_start3A_398, %dma_start3A_399] : memref<2x49x128xi32, #tpu.memory_space<vmem>> -> memref<1x49x128xi32, #tpu.memory_space<vmem>>
        %dma_start3A_401 = tpu.memref_squeeze %dma_start3A_400 : memref<1x49x128xi32, #tpu.memory_space<vmem>> -> memref<49x128xi32, #tpu.memory_space<vmem>>
        %dma_start3A_402 = arith.constant 0 : i32
        %dma_start3A_403 = tpu.memref_slice %dma_start3A_401[%add3A_392, %dma_start3A_402] : memref<49x128xi32, #tpu.memory_space<vmem>> -> memref<1x128xi32, #tpu.memory_space<vmem>>
        %dma_start3A_404 = tpu.memref_squeeze %dma_start3A_403 : memref<1x128xi32, #tpu.memory_space<vmem>> -> memref<128xi32, #tpu.memory_space<vmem>>
        %dma_start3A_405 = arith.constant 0 : i32
        %dma_start3A_406 = arith.constant 0 : i32
        %dma_start3A_407 = tpu.memref_slice %arg2[%dma_start3A_405, %dma_start3A_406] : memref<100000x32xf32, #tpu.memory_space<hbm>> -> memref<50000x32xf32, #tpu.memory_space<hbm>>
        %dma_start3A_408 = arith.constant 0 : i32
        %dma_start3A_409 = arith.constant 0 : i32
        %dma_start3A_410 = tpu.memref_slice %dma_start3A_407[%dma_start3A_408, %dma_start3A_409] : memref<50000x32xf32, #tpu.memory_space<hbm>> -> memref<50000x32xf32, #tpu.memory_space<hbm>>
        tpu.enqueue_indirect_dma source(%dma_start3A_410 : memref<50000x32xf32, #tpu.memory_space<hbm>>) target(%dma_start3A_397 : memref<128x32xf32, #tpu.memory_space<vmem>>) offsets(%dma_start3A_404 : memref<128xi32, #tpu.memory_space<vmem>>) semaphore(%arg12 : memref<!tpu.dma_semaphore, #tpu.memory_space<semaphore_mem>>)
        %add3A_411 = arith.constant 3 : i32
        %add3A_412 = arith.addi %add3A_346, %add3A_411 : i32
        %dma_start3A_413 = arith.constant 3 : i32
        %dma_start3A_414 = arith.constant 0 : i32
        %dma_start3A_415 = arith.constant 0 : i32
        %dma_start3A_416 = tpu.memref_slice %arg8[%dma_start3A_413, %dma_start3A_414, %dma_start3A_415] : memref<7x128x32xf32, #tpu.memory_space<vmem>> -> memref<1x128x32xf32, #tpu.memory_space<vmem>>
        %dma_start3A_417 = tpu.memref_squeeze %dma_start3A_416 : memref<1x128x32xf32, #tpu.memory_space<vmem>> -> memref<128x32xf32, #tpu.memory_space<vmem>>
        %dma_start3A_418 = arith.constant 0 : i32
        %dma_start3A_419 = arith.constant 0 : i32
        %dma_start3A_420 = tpu.memref_slice %arg6[%rem3A_169, %dma_start3A_418, %dma_start3A_419] : memref<2x49x128xi32, #tpu.memory_space<vmem>> -> memref<1x49x128xi32, #tpu.memory_space<vmem>>
        %dma_start3A_421 = tpu.memref_squeeze %dma_start3A_420 : memref<1x49x128xi32, #tpu.memory_space<vmem>> -> memref<49x128xi32, #tpu.memory_space<vmem>>
        %dma_start3A_422 = arith.constant 0 : i32
        %dma_start3A_423 = tpu.memref_slice %dma_start3A_421[%add3A_412, %dma_start3A_422] : memref<49x128xi32, #tpu.memory_space<vmem>> -> memref<1x128xi32, #tpu.memory_space<vmem>>
        %dma_start3A_424 = tpu.memref_squeeze %dma_start3A_423 : memref<1x128xi32, #tpu.memory_space<vmem>> -> memref<128xi32, #tpu.memory_space<vmem>>
        %dma_start3A_425 = arith.constant 0 : i32
        %dma_start3A_426 = arith.constant 0 : i32
        %dma_start3A_427 = tpu.memref_slice %arg2[%dma_start3A_425, %dma_start3A_426] : memref<100000x32xf32, #tpu.memory_space<hbm>> -> memref<50000x32xf32, #tpu.memory_space<hbm>>
        %dma_start3A_428 = arith.constant 0 : i32
        %dma_start3A_429 = arith.constant 0 : i32
        %dma_start3A_430 = tpu.memref_slice %dma_start3A_427[%dma_start3A_428, %dma_start3A_429] : memref<50000x32xf32, #tpu.memory_space<hbm>> -> memref<50000x32xf32, #tpu.memory_space<hbm>>
        tpu.enqueue_indirect_dma source(%dma_start3A_430 : memref<50000x32xf32, #tpu.memory_space<hbm>>) target(%dma_start3A_417 : memref<128x32xf32, #tpu.memory_space<vmem>>) offsets(%dma_start3A_424 : memref<128xi32, #tpu.memory_space<vmem>>) semaphore(%arg12 : memref<!tpu.dma_semaphore, #tpu.memory_space<semaphore_mem>>)
        %add3A_431 = arith.constant 4 : i32
        %add3A_432 = arith.addi %add3A_346, %add3A_431 : i32
        %dma_start3A_433 = arith.constant 4 : i32
        %dma_start3A_434 = arith.constant 0 : i32
        %dma_start3A_435 = arith.constant 0 : i32
        %dma_start3A_436 = tpu.memref_slice %arg8[%dma_start3A_433, %dma_start3A_434, %dma_start3A_435] : memref<7x128x32xf32, #tpu.memory_space<vmem>> -> memref<1x128x32xf32, #tpu.memory_space<vmem>>
        %dma_start3A_437 = tpu.memref_squeeze %dma_start3A_436 : memref<1x128x32xf32, #tpu.memory_space<vmem>> -> memref<128x32xf32, #tpu.memory_space<vmem>>
        %dma_start3A_438 = arith.constant 0 : i32
        %dma_start3A_439 = arith.constant 0 : i32
        %dma_start3A_440 = tpu.memref_slice %arg6[%rem3A_169, %dma_start3A_438, %dma_start3A_439] : memref<2x49x128xi32, #tpu.memory_space<vmem>> -> memref<1x49x128xi32, #tpu.memory_space<vmem>>
        %dma_start3A_441 = tpu.memref_squeeze %dma_start3A_440 : memref<1x49x128xi32, #tpu.memory_space<vmem>> -> memref<49x128xi32, #tpu.memory_space<vmem>>
        %dma_start3A_442 = arith.constant 0 : i32
        %dma_start3A_443 = tpu.memref_slice %dma_start3A_441[%add3A_432, %dma_start3A_442] : memref<49x128xi32, #tpu.memory_space<vmem>> -> memref<1x128xi32, #tpu.memory_space<vmem>>
        %dma_start3A_444 = tpu.memref_squeeze %dma_start3A_443 : memref<1x128xi32, #tpu.memory_space<vmem>> -> memref<128xi32, #tpu.memory_space<vmem>>
        %dma_start3A_445 = arith.constant 0 : i32
        %dma_start3A_446 = arith.constant 0 : i32
        %dma_start3A_447 = tpu.memref_slice %arg2[%dma_start3A_445, %dma_start3A_446] : memref<100000x32xf32, #tpu.memory_space<hbm>> -> memref<50000x32xf32, #tpu.memory_space<hbm>>
        %dma_start3A_448 = arith.constant 0 : i32
        %dma_start3A_449 = arith.constant 0 : i32
        %dma_start3A_450 = tpu.memref_slice %dma_start3A_447[%dma_start3A_448, %dma_start3A_449] : memref<50000x32xf32, #tpu.memory_space<hbm>> -> memref<50000x32xf32, #tpu.memory_space<hbm>>
        tpu.enqueue_indirect_dma source(%dma_start3A_450 : memref<50000x32xf32, #tpu.memory_space<hbm>>) target(%dma_start3A_437 : memref<128x32xf32, #tpu.memory_space<vmem>>) offsets(%dma_start3A_444 : memref<128xi32, #tpu.memory_space<vmem>>) semaphore(%arg12 : memref<!tpu.dma_semaphore, #tpu.memory_space<semaphore_mem>>)
        %add3A_451 = arith.constant 5 : i32
        %add3A_452 = arith.addi %add3A_346, %add3A_451 : i32
        %dma_start3A_453 = arith.constant 5 : i32
        %dma_start3A_454 = arith.constant 0 : i32
        %dma_start3A_455 = arith.constant 0 : i32
        %dma_start3A_456 = tpu.memref_slice %arg8[%dma_start3A_453, %dma_start3A_454, %dma_start3A_455] : memref<7x128x32xf32, #tpu.memory_space<vmem>> -> memref<1x128x32xf32, #tpu.memory_space<vmem>>
        %dma_start3A_457 = tpu.memref_squeeze %dma_start3A_456 : memref<1x128x32xf32, #tpu.memory_space<vmem>> -> memref<128x32xf32, #tpu.memory_space<vmem>>
        %dma_start3A_458 = arith.constant 0 : i32
        %dma_start3A_459 = arith.constant 0 : i32
        %dma_start3A_460 = tpu.memref_slice %arg6[%rem3A_169, %dma_start3A_458, %dma_start3A_459] : memref<2x49x128xi32, #tpu.memory_space<vmem>> -> memref<1x49x128xi32, #tpu.memory_space<vmem>>
        %dma_start3A_461 = tpu.memref_squeeze %dma_start3A_460 : memref<1x49x128xi32, #tpu.memory_space<vmem>> -> memref<49x128xi32, #tpu.memory_space<vmem>>
        %dma_start3A_462 = arith.constant 0 : i32
        %dma_start3A_463 = tpu.memref_slice %dma_start3A_461[%add3A_452, %dma_start3A_462] : memref<49x128xi32, #tpu.memory_space<vmem>> -> memref<1x128xi32, #tpu.memory_space<vmem>>
        %dma_start3A_464 = tpu.memref_squeeze %dma_start3A_463 : memref<1x128xi32, #tpu.memory_space<vmem>> -> memref<128xi32, #tpu.memory_space<vmem>>
        %dma_start3A_465 = arith.constant 0 : i32
        %dma_start3A_466 = arith.constant 0 : i32
        %dma_start3A_467 = tpu.memref_slice %arg2[%dma_start3A_465, %dma_start3A_466] : memref<100000x32xf32, #tpu.memory_space<hbm>> -> memref<50000x32xf32, #tpu.memory_space<hbm>>
        %dma_start3A_468 = arith.constant 0 : i32
        %dma_start3A_469 = arith.constant 0 : i32
        %dma_start3A_470 = tpu.memref_slice %dma_start3A_467[%dma_start3A_468, %dma_start3A_469] : memref<50000x32xf32, #tpu.memory_space<hbm>> -> memref<50000x32xf32, #tpu.memory_space<hbm>>
        tpu.enqueue_indirect_dma source(%dma_start3A_470 : memref<50000x32xf32, #tpu.memory_space<hbm>>) target(%dma_start3A_457 : memref<128x32xf32, #tpu.memory_space<vmem>>) offsets(%dma_start3A_464 : memref<128xi32, #tpu.memory_space<vmem>>) semaphore(%arg12 : memref<!tpu.dma_semaphore, #tpu.memory_space<semaphore_mem>>)
        %add3A_471 = arith.constant 6 : i32
        %add3A_472 = arith.addi %add3A_346, %add3A_471 : i32
        %dma_start3A_473 = arith.constant 6 : i32
        %dma_start3A_474 = arith.constant 0 : i32
        %dma_start3A_475 = arith.constant 0 : i32
        %dma_start3A_476 = tpu.memref_slice %arg8[%dma_start3A_473, %dma_start3A_474, %dma_start3A_475] : memref<7x128x32xf32, #tpu.memory_space<vmem>> -> memref<1x128x32xf32, #tpu.memory_space<vmem>>
        %dma_start3A_477 = tpu.memref_squeeze %dma_start3A_476 : memref<1x128x32xf32, #tpu.memory_space<vmem>> -> memref<128x32xf32, #tpu.memory_space<vmem>>
        %dma_start3A_478 = arith.constant 0 : i32
        %dma_start3A_479 = arith.constant 0 : i32
        %dma_start3A_480 = tpu.memref_slice %arg6[%rem3A_169, %dma_start3A_478, %dma_start3A_479] : memref<2x49x128xi32, #tpu.memory_space<vmem>> -> memref<1x49x128xi32, #tpu.memory_space<vmem>>
        %dma_start3A_481 = tpu.memref_squeeze %dma_start3A_480 : memref<1x49x128xi32, #tpu.memory_space<vmem>> -> memref<49x128xi32, #tpu.memory_space<vmem>>
        %dma_start3A_482 = arith.constant 0 : i32
        %dma_start3A_483 = tpu.memref_slice %dma_start3A_481[%add3A_472, %dma_start3A_482] : memref<49x128xi32, #tpu.memory_space<vmem>> -> memref<1x128xi32, #tpu.memory_space<vmem>>
        %dma_start3A_484 = tpu.memref_squeeze %dma_start3A_483 : memref<1x128xi32, #tpu.memory_space<vmem>> -> memref<128xi32, #tpu.memory_space<vmem>>
        %dma_start3A_485 = arith.constant 0 : i32
        %dma_start3A_486 = arith.constant 0 : i32
        %dma_start3A_487 = tpu.memref_slice %arg2[%dma_start3A_485, %dma_start3A_486] : memref<100000x32xf32, #tpu.memory_space<hbm>> -> memref<50000x32xf32, #tpu.memory_space<hbm>>
        %dma_start3A_488 = arith.constant 0 : i32
        %dma_start3A_489 = arith.constant 0 : i32
        %dma_start3A_490 = tpu.memref_slice %dma_start3A_487[%dma_start3A_488, %dma_start3A_489] : memref<50000x32xf32, #tpu.memory_space<hbm>> -> memref<50000x32xf32, #tpu.memory_space<hbm>>
        tpu.enqueue_indirect_dma source(%dma_start3A_490 : memref<50000x32xf32, #tpu.memory_space<hbm>>) target(%dma_start3A_477 : memref<128x32xf32, #tpu.memory_space<vmem>>) offsets(%dma_start3A_484 : memref<128xi32, #tpu.memory_space<vmem>>) semaphore(%arg12 : memref<!tpu.dma_semaphore, #tpu.memory_space<semaphore_mem>>)
        %dma_wait3A_491 = arith.constant 0 : i32
        %dma_wait3A_492 = arith.constant 0 : i32
        %dma_wait3A_493 = arith.constant 0 : i32
        %dma_wait3A_494 = tpu.memref_slice %arg8[%dma_wait3A_491, %dma_wait3A_492, %dma_wait3A_493] : memref<7x128x32xf32, #tpu.memory_space<vmem>> -> memref<1x128x32xf32, #tpu.memory_space<vmem>>
        %dma_wait3A_495 = tpu.memref_squeeze %dma_wait3A_494 : memref<1x128x32xf32, #tpu.memory_space<vmem>> -> memref<128x32xf32, #tpu.memory_space<vmem>>
        %dma_wait3A_496 = arith.constant 0 : i32
        %dma_wait3A_497 = arith.constant 0 : i32
        %dma_wait3A_498 = tpu.memref_slice %arg6[%rem3A_169, %dma_wait3A_496, %dma_wait3A_497] : memref<2x49x128xi32, #tpu.memory_space<vmem>> -> memref<1x49x128xi32, #tpu.memory_space<vmem>>
        %dma_wait3A_499 = tpu.memref_squeeze %dma_wait3A_498 : memref<1x49x128xi32, #tpu.memory_space<vmem>> -> memref<49x128xi32, #tpu.memory_space<vmem>>
        %dma_wait3A_500 = arith.constant 0 : i32
        %dma_wait3A_501 = tpu.memref_slice %dma_wait3A_499[%add3A_352, %dma_wait3A_500] : memref<49x128xi32, #tpu.memory_space<vmem>> -> memref<1x128xi32, #tpu.memory_space<vmem>>
        %dma_wait3A_502 = tpu.memref_squeeze %dma_wait3A_501 : memref<1x128xi32, #tpu.memory_space<vmem>> -> memref<128xi32, #tpu.memory_space<vmem>>
        %dma_wait3A_503 = arith.constant 0 : i32
        %dma_wait3A_504 = arith.constant 0 : i32
        %dma_wait3A_505 = tpu.memref_slice %arg2[%dma_wait3A_503, %dma_wait3A_504] : memref<100000x32xf32, #tpu.memory_space<hbm>> -> memref<50000x32xf32, #tpu.memory_space<hbm>>
        %dma_wait3A_506 = arith.constant 0 : i32
        %dma_wait3A_507 = arith.constant 0 : i32
        %dma_wait3A_508 = tpu.memref_slice %dma_wait3A_505[%dma_wait3A_506, %dma_wait3A_507] : memref<50000x32xf32, #tpu.memory_space<hbm>> -> memref<50000x32xf32, #tpu.memory_space<hbm>>
        tpu.wait_indirect_dma semaphore(%arg12 : memref<!tpu.dma_semaphore, #tpu.memory_space<semaphore_mem>>) src(%dma_wait3A_508 : memref<50000x32xf32, #tpu.memory_space<hbm>>) dst(%dma_wait3A_495 : memref<128x32xf32, #tpu.memory_space<vmem>>)
        %add3A_509 = arith.constant 0 : i32
        %add3A_510 = arith.addi %add3A_346, %add3A_509 : i32
        %dma_start3A_511 = arith.constant 0 : i32
        %dma_start3A_512 = arith.constant 0 : i32
        %dma_start3A_513 = arith.constant 0 : i32
        %dma_start3A_514 = tpu.memref_slice %arg8[%dma_start3A_511, %dma_start3A_512, %dma_start3A_513] : memref<7x128x32xf32, #tpu.memory_space<vmem>> -> memref<1x128x32xf32, #tpu.memory_space<vmem>>
        %dma_start3A_515 = tpu.memref_squeeze %dma_start3A_514 : memref<1x128x32xf32, #tpu.memory_space<vmem>> -> memref<128x32xf32, #tpu.memory_space<vmem>>
        %dma_start3A_516 = arith.constant 0 : i32
        %dma_start3A_517 = arith.constant 0 : i32
        %dma_start3A_518 = tpu.memref_slice %arg7[%rem3A_169, %dma_start3A_516, %dma_start3A_517] : memref<2x49x128xi32, #tpu.memory_space<vmem>> -> memref<1x49x128xi32, #tpu.memory_space<vmem>>
        %dma_start3A_519 = tpu.memref_squeeze %dma_start3A_518 : memref<1x49x128xi32, #tpu.memory_space<vmem>> -> memref<49x128xi32, #tpu.memory_space<vmem>>
        %dma_start3A_520 = arith.constant 0 : i32
        %dma_start3A_521 = tpu.memref_slice %dma_start3A_519[%add3A_510, %dma_start3A_520] : memref<49x128xi32, #tpu.memory_space<vmem>> -> memref<1x128xi32, #tpu.memory_space<vmem>>
        %dma_start3A_522 = tpu.memref_squeeze %dma_start3A_521 : memref<1x128xi32, #tpu.memory_space<vmem>> -> memref<128xi32, #tpu.memory_space<vmem>>
        %dma_start3A_523 = arith.constant 0 : i32
        %dma_start3A_524 = arith.constant 0 : i32
        %dma_start3A_525 = tpu.memref_slice %arg9[%dma_start3A_523, %dma_start3A_524] : memref<26624x32xf32, #tpu.memory_space<vmem_shared>> -> memref<26624x32xf32, #tpu.memory_space<vmem_shared>>
        tpu.enqueue_indirect_dma source(%dma_start3A_515 : memref<128x32xf32, #tpu.memory_space<vmem>>) target(%dma_start3A_525 : memref<26624x32xf32, #tpu.memory_space<vmem_shared>>) offsets(%dma_start3A_522 : memref<128xi32, #tpu.memory_space<vmem>>) semaphore(%arg13 : memref<!tpu.dma_semaphore, #tpu.memory_space<semaphore_mem>>) {add = true}
        %dma_wait3A_526 = arith.constant 1 : i32
        %dma_wait3A_527 = arith.constant 0 : i32
        %dma_wait3A_528 = arith.constant 0 : i32
        %dma_wait3A_529 = tpu.memref_slice %arg8[%dma_wait3A_526, %dma_wait3A_527, %dma_wait3A_528] : memref<7x128x32xf32, #tpu.memory_space<vmem>> -> memref<1x128x32xf32, #tpu.memory_space<vmem>>
        %dma_wait3A_530 = tpu.memref_squeeze %dma_wait3A_529 : memref<1x128x32xf32, #tpu.memory_space<vmem>> -> memref<128x32xf32, #tpu.memory_space<vmem>>
        %dma_wait3A_531 = arith.constant 0 : i32
        %dma_wait3A_532 = arith.constant 0 : i32
        %dma_wait3A_533 = tpu.memref_slice %arg6[%rem3A_169, %dma_wait3A_531, %dma_wait3A_532] : memref<2x49x128xi32, #tpu.memory_space<vmem>> -> memref<1x49x128xi32, #tpu.memory_space<vmem>>
        %dma_wait3A_534 = tpu.memref_squeeze %dma_wait3A_533 : memref<1x49x128xi32, #tpu.memory_space<vmem>> -> memref<49x128xi32, #tpu.memory_space<vmem>>
        %dma_wait3A_535 = arith.constant 0 : i32
        %dma_wait3A_536 = tpu.memref_slice %dma_wait3A_534[%add3A_372, %dma_wait3A_535] : memref<49x128xi32, #tpu.memory_space<vmem>> -> memref<1x128xi32, #tpu.memory_space<vmem>>
        %dma_wait3A_537 = tpu.memref_squeeze %dma_wait3A_536 : memref<1x128xi32, #tpu.memory_space<vmem>> -> memref<128xi32, #tpu.memory_space<vmem>>
        %dma_wait3A_538 = arith.constant 0 : i32
        %dma_wait3A_539 = arith.constant 0 : i32
        %dma_wait3A_540 = tpu.memref_slice %arg2[%dma_wait3A_538, %dma_wait3A_539] : memref<100000x32xf32, #tpu.memory_space<hbm>> -> memref<50000x32xf32, #tpu.memory_space<hbm>>
        %dma_wait3A_541 = arith.constant 0 : i32
        %dma_wait3A_542 = arith.constant 0 : i32
        %dma_wait3A_543 = tpu.memref_slice %dma_wait3A_540[%dma_wait3A_541, %dma_wait3A_542] : memref<50000x32xf32, #tpu.memory_space<hbm>> -> memref<50000x32xf32, #tpu.memory_space<hbm>>
        tpu.wait_indirect_dma semaphore(%arg12 : memref<!tpu.dma_semaphore, #tpu.memory_space<semaphore_mem>>) src(%dma_wait3A_543 : memref<50000x32xf32, #tpu.memory_space<hbm>>) dst(%dma_wait3A_530 : memref<128x32xf32, #tpu.memory_space<vmem>>)
        %add3A_544 = arith.constant 1 : i32
        %add3A_545 = arith.addi %add3A_346, %add3A_544 : i32
        %dma_start3A_546 = arith.constant 1 : i32
        %dma_start3A_547 = arith.constant 0 : i32
        %dma_start3A_548 = arith.constant 0 : i32
        %dma_start3A_549 = tpu.memref_slice %arg8[%dma_start3A_546, %dma_start3A_547, %dma_start3A_548] : memref<7x128x32xf32, #tpu.memory_space<vmem>> -> memref<1x128x32xf32, #tpu.memory_space<vmem>>
        %dma_start3A_550 = tpu.memref_squeeze %dma_start3A_549 : memref<1x128x32xf32, #tpu.memory_space<vmem>> -> memref<128x32xf32, #tpu.memory_space<vmem>>
        %dma_start3A_551 = arith.constant 0 : i32
        %dma_start3A_552 = arith.constant 0 : i32
        %dma_start3A_553 = tpu.memref_slice %arg7[%rem3A_169, %dma_start3A_551, %dma_start3A_552] : memref<2x49x128xi32, #tpu.memory_space<vmem>> -> memref<1x49x128xi32, #tpu.memory_space<vmem>>
        %dma_start3A_554 = tpu.memref_squeeze %dma_start3A_553 : memref<1x49x128xi32, #tpu.memory_space<vmem>> -> memref<49x128xi32, #tpu.memory_space<vmem>>
        %dma_start3A_555 = arith.constant 0 : i32
        %dma_start3A_556 = tpu.memref_slice %dma_start3A_554[%add3A_545, %dma_start3A_555] : memref<49x128xi32, #tpu.memory_space<vmem>> -> memref<1x128xi32, #tpu.memory_space<vmem>>
        %dma_start3A_557 = tpu.memref_squeeze %dma_start3A_556 : memref<1x128xi32, #tpu.memory_space<vmem>> -> memref<128xi32, #tpu.memory_space<vmem>>
        %dma_start3A_558 = arith.constant 0 : i32
        %dma_start3A_559 = arith.constant 0 : i32
        %dma_start3A_560 = tpu.memref_slice %arg9[%dma_start3A_558, %dma_start3A_559] : memref<26624x32xf32, #tpu.memory_space<vmem_shared>> -> memref<26624x32xf32, #tpu.memory_space<vmem_shared>>
        tpu.enqueue_indirect_dma source(%dma_start3A_550 : memref<128x32xf32, #tpu.memory_space<vmem>>) target(%dma_start3A_560 : memref<26624x32xf32, #tpu.memory_space<vmem_shared>>) offsets(%dma_start3A_557 : memref<128xi32, #tpu.memory_space<vmem>>) semaphore(%arg13 : memref<!tpu.dma_semaphore, #tpu.memory_space<semaphore_mem>>) {add = true}
        %dma_wait3A_561 = arith.constant 2 : i32
        %dma_wait3A_562 = arith.constant 0 : i32
        %dma_wait3A_563 = arith.constant 0 : i32
        %dma_wait3A_564 = tpu.memref_slice %arg8[%dma_wait3A_561, %dma_wait3A_562, %dma_wait3A_563] : memref<7x128x32xf32, #tpu.memory_space<vmem>> -> memref<1x128x32xf32, #tpu.memory_space<vmem>>
        %dma_wait3A_565 = tpu.memref_squeeze %dma_wait3A_564 : memref<1x128x32xf32, #tpu.memory_space<vmem>> -> memref<128x32xf32, #tpu.memory_space<vmem>>
        %dma_wait3A_566 = arith.constant 0 : i32
        %dma_wait3A_567 = arith.constant 0 : i32
        %dma_wait3A_568 = tpu.memref_slice %arg6[%rem3A_169, %dma_wait3A_566, %dma_wait3A_567] : memref<2x49x128xi32, #tpu.memory_space<vmem>> -> memref<1x49x128xi32, #tpu.memory_space<vmem>>
        %dma_wait3A_569 = tpu.memref_squeeze %dma_wait3A_568 : memref<1x49x128xi32, #tpu.memory_space<vmem>> -> memref<49x128xi32, #tpu.memory_space<vmem>>
        %dma_wait3A_570 = arith.constant 0 : i32
        %dma_wait3A_571 = tpu.memref_slice %dma_wait3A_569[%add3A_392, %dma_wait3A_570] : memref<49x128xi32, #tpu.memory_space<vmem>> -> memref<1x128xi32, #tpu.memory_space<vmem>>
        %dma_wait3A_572 = tpu.memref_squeeze %dma_wait3A_571 : memref<1x128xi32, #tpu.memory_space<vmem>> -> memref<128xi32, #tpu.memory_space<vmem>>
        %dma_wait3A_573 = arith.constant 0 : i32
        %dma_wait3A_574 = arith.constant 0 : i32
        %dma_wait3A_575 = tpu.memref_slice %arg2[%dma_wait3A_573, %dma_wait3A_574] : memref<100000x32xf32, #tpu.memory_space<hbm>> -> memref<50000x32xf32, #tpu.memory_space<hbm>>
        %dma_wait3A_576 = arith.constant 0 : i32
        %dma_wait3A_577 = arith.constant 0 : i32
        %dma_wait3A_578 = tpu.memref_slice %dma_wait3A_575[%dma_wait3A_576, %dma_wait3A_577] : memref<50000x32xf32, #tpu.memory_space<hbm>> -> memref<50000x32xf32, #tpu.memory_space<hbm>>
        tpu.wait_indirect_dma semaphore(%arg12 : memref<!tpu.dma_semaphore, #tpu.memory_space<semaphore_mem>>) src(%dma_wait3A_578 : memref<50000x32xf32, #tpu.memory_space<hbm>>) dst(%dma_wait3A_565 : memref<128x32xf32, #tpu.memory_space<vmem>>)
        %add3A_579 = arith.constant 2 : i32
        %add3A_580 = arith.addi %add3A_346, %add3A_579 : i32
        %dma_start3A_581 = arith.constant 2 : i32
        %dma_start3A_582 = arith.constant 0 : i32
        %dma_start3A_583 = arith.constant 0 : i32
        %dma_start3A_584 = tpu.memref_slice %arg8[%dma_start3A_581, %dma_start3A_582, %dma_start3A_583] : memref<7x128x32xf32, #tpu.memory_space<vmem>> -> memref<1x128x32xf32, #tpu.memory_space<vmem>>
        %dma_start3A_585 = tpu.memref_squeeze %dma_start3A_584 : memref<1x128x32xf32, #tpu.memory_space<vmem>> -> memref<128x32xf32, #tpu.memory_space<vmem>>
        %dma_start3A_586 = arith.constant 0 : i32
        %dma_start3A_587 = arith.constant 0 : i32
        %dma_start3A_588 = tpu.memref_slice %arg7[%rem3A_169, %dma_start3A_586, %dma_start3A_587] : memref<2x49x128xi32, #tpu.memory_space<vmem>> -> memref<1x49x128xi32, #tpu.memory_space<vmem>>
        %dma_start3A_589 = tpu.memref_squeeze %dma_start3A_588 : memref<1x49x128xi32, #tpu.memory_space<vmem>> -> memref<49x128xi32, #tpu.memory_space<vmem>>
        %dma_start3A_590 = arith.constant 0 : i32
        %dma_start3A_591 = tpu.memref_slice %dma_start3A_589[%add3A_580, %dma_start3A_590] : memref<49x128xi32, #tpu.memory_space<vmem>> -> memref<1x128xi32, #tpu.memory_space<vmem>>
        %dma_start3A_592 = tpu.memref_squeeze %dma_start3A_591 : memref<1x128xi32, #tpu.memory_space<vmem>> -> memref<128xi32, #tpu.memory_space<vmem>>
        %dma_start3A_593 = arith.constant 0 : i32
        %dma_start3A_594 = arith.constant 0 : i32
        %dma_start3A_595 = tpu.memref_slice %arg9[%dma_start3A_593, %dma_start3A_594] : memref<26624x32xf32, #tpu.memory_space<vmem_shared>> -> memref<26624x32xf32, #tpu.memory_space<vmem_shared>>
        tpu.enqueue_indirect_dma source(%dma_start3A_585 : memref<128x32xf32, #tpu.memory_space<vmem>>) target(%dma_start3A_595 : memref<26624x32xf32, #tpu.memory_space<vmem_shared>>) offsets(%dma_start3A_592 : memref<128xi32, #tpu.memory_space<vmem>>) semaphore(%arg13 : memref<!tpu.dma_semaphore, #tpu.memory_space<semaphore_mem>>) {add = true}
        %dma_wait3A_596 = arith.constant 3 : i32
        %dma_wait3A_597 = arith.constant 0 : i32
        %dma_wait3A_598 = arith.constant 0 : i32
        %dma_wait3A_599 = tpu.memref_slice %arg8[%dma_wait3A_596, %dma_wait3A_597, %dma_wait3A_598] : memref<7x128x32xf32, #tpu.memory_space<vmem>> -> memref<1x128x32xf32, #tpu.memory_space<vmem>>
        %dma_wait3A_600 = tpu.memref_squeeze %dma_wait3A_599 : memref<1x128x32xf32, #tpu.memory_space<vmem>> -> memref<128x32xf32, #tpu.memory_space<vmem>>
        %dma_wait3A_601 = arith.constant 0 : i32
        %dma_wait3A_602 = arith.constant 0 : i32
        %dma_wait3A_603 = tpu.memref_slice %arg6[%rem3A_169, %dma_wait3A_601, %dma_wait3A_602] : memref<2x49x128xi32, #tpu.memory_space<vmem>> -> memref<1x49x128xi32, #tpu.memory_space<vmem>>
        %dma_wait3A_604 = tpu.memref_squeeze %dma_wait3A_603 : memref<1x49x128xi32, #tpu.memory_space<vmem>> -> memref<49x128xi32, #tpu.memory_space<vmem>>
        %dma_wait3A_605 = arith.constant 0 : i32
        %dma_wait3A_606 = tpu.memref_slice %dma_wait3A_604[%add3A_412, %dma_wait3A_605] : memref<49x128xi32, #tpu.memory_space<vmem>> -> memref<1x128xi32, #tpu.memory_space<vmem>>
        %dma_wait3A_607 = tpu.memref_squeeze %dma_wait3A_606 : memref<1x128xi32, #tpu.memory_space<vmem>> -> memref<128xi32, #tpu.memory_space<vmem>>
        %dma_wait3A_608 = arith.constant 0 : i32
        %dma_wait3A_609 = arith.constant 0 : i32
        %dma_wait3A_610 = tpu.memref_slice %arg2[%dma_wait3A_608, %dma_wait3A_609] : memref<100000x32xf32, #tpu.memory_space<hbm>> -> memref<50000x32xf32, #tpu.memory_space<hbm>>
        %dma_wait3A_611 = arith.constant 0 : i32
        %dma_wait3A_612 = arith.constant 0 : i32
        %dma_wait3A_613 = tpu.memref_slice %dma_wait3A_610[%dma_wait3A_611, %dma_wait3A_612] : memref<50000x32xf32, #tpu.memory_space<hbm>> -> memref<50000x32xf32, #tpu.memory_space<hbm>>
        tpu.wait_indirect_dma semaphore(%arg12 : memref<!tpu.dma_semaphore, #tpu.memory_space<semaphore_mem>>) src(%dma_wait3A_613 : memref<50000x32xf32, #tpu.memory_space<hbm>>) dst(%dma_wait3A_600 : memref<128x32xf32, #tpu.memory_space<vmem>>)
        %add3A_614 = arith.constant 3 : i32
        %add3A_615 = arith.addi %add3A_346, %add3A_614 : i32
        %dma_start3A_616 = arith.constant 3 : i32
        %dma_start3A_617 = arith.constant 0 : i32
        %dma_start3A_618 = arith.constant 0 : i32
        %dma_start3A_619 = tpu.memref_slice %arg8[%dma_start3A_616, %dma_start3A_617, %dma_start3A_618] : memref<7x128x32xf32, #tpu.memory_space<vmem>> -> memref<1x128x32xf32, #tpu.memory_space<vmem>>
        %dma_start3A_620 = tpu.memref_squeeze %dma_start3A_619 : memref<1x128x32xf32, #tpu.memory_space<vmem>> -> memref<128x32xf32, #tpu.memory_space<vmem>>
        %dma_start3A_621 = arith.constant 0 : i32
        %dma_start3A_622 = arith.constant 0 : i32
        %dma_start3A_623 = tpu.memref_slice %arg7[%rem3A_169, %dma_start3A_621, %dma_start3A_622] : memref<2x49x128xi32, #tpu.memory_space<vmem>> -> memref<1x49x128xi32, #tpu.memory_space<vmem>>
        %dma_start3A_624 = tpu.memref_squeeze %dma_start3A_623 : memref<1x49x128xi32, #tpu.memory_space<vmem>> -> memref<49x128xi32, #tpu.memory_space<vmem>>
        %dma_start3A_625 = arith.constant 0 : i32
        %dma_start3A_626 = tpu.memref_slice %dma_start3A_624[%add3A_615, %dma_start3A_625] : memref<49x128xi32, #tpu.memory_space<vmem>> -> memref<1x128xi32, #tpu.memory_space<vmem>>
        %dma_start3A_627 = tpu.memref_squeeze %dma_start3A_626 : memref<1x128xi32, #tpu.memory_space<vmem>> -> memref<128xi32, #tpu.memory_space<vmem>>
        %dma_start3A_628 = arith.constant 0 : i32
        %dma_start3A_629 = arith.constant 0 : i32
        %dma_start3A_630 = tpu.memref_slice %arg9[%dma_start3A_628, %dma_start3A_629] : memref<26624x32xf32, #tpu.memory_space<vmem_shared>> -> memref<26624x32xf32, #tpu.memory_space<vmem_shared>>
        tpu.enqueue_indirect_dma source(%dma_start3A_620 : memref<128x32xf32, #tpu.memory_space<vmem>>) target(%dma_start3A_630 : memref<26624x32xf32, #tpu.memory_space<vmem_shared>>) offsets(%dma_start3A_627 : memref<128xi32, #tpu.memory_space<vmem>>) semaphore(%arg13 : memref<!tpu.dma_semaphore, #tpu.memory_space<semaphore_mem>>) {add = true}
        %dma_wait3A_631 = arith.constant 4 : i32
        %dma_wait3A_632 = arith.constant 0 : i32
        %dma_wait3A_633 = arith.constant 0 : i32
        %dma_wait3A_634 = tpu.memref_slice %arg8[%dma_wait3A_631, %dma_wait3A_632, %dma_wait3A_633] : memref<7x128x32xf32, #tpu.memory_space<vmem>> -> memref<1x128x32xf32, #tpu.memory_space<vmem>>
        %dma_wait3A_635 = tpu.memref_squeeze %dma_wait3A_634 : memref<1x128x32xf32, #tpu.memory_space<vmem>> -> memref<128x32xf32, #tpu.memory_space<vmem>>
        %dma_wait3A_636 = arith.constant 0 : i32
        %dma_wait3A_637 = arith.constant 0 : i32
        %dma_wait3A_638 = tpu.memref_slice %arg6[%rem3A_169, %dma_wait3A_636, %dma_wait3A_637] : memref<2x49x128xi32, #tpu.memory_space<vmem>> -> memref<1x49x128xi32, #tpu.memory_space<vmem>>
        %dma_wait3A_639 = tpu.memref_squeeze %dma_wait3A_638 : memref<1x49x128xi32, #tpu.memory_space<vmem>> -> memref<49x128xi32, #tpu.memory_space<vmem>>
        %dma_wait3A_640 = arith.constant 0 : i32
        %dma_wait3A_641 = tpu.memref_slice %dma_wait3A_639[%add3A_432, %dma_wait3A_640] : memref<49x128xi32, #tpu.memory_space<vmem>> -> memref<1x128xi32, #tpu.memory_space<vmem>>
        %dma_wait3A_642 = tpu.memref_squeeze %dma_wait3A_641 : memref<1x128xi32, #tpu.memory_space<vmem>> -> memref<128xi32, #tpu.memory_space<vmem>>
        %dma_wait3A_643 = arith.constant 0 : i32
        %dma_wait3A_644 = arith.constant 0 : i32
        %dma_wait3A_645 = tpu.memref_slice %arg2[%dma_wait3A_643, %dma_wait3A_644] : memref<100000x32xf32, #tpu.memory_space<hbm>> -> memref<50000x32xf32, #tpu.memory_space<hbm>>
        %dma_wait3A_646 = arith.constant 0 : i32
        %dma_wait3A_647 = arith.constant 0 : i32
        %dma_wait3A_648 = tpu.memref_slice %dma_wait3A_645[%dma_wait3A_646, %dma_wait3A_647] : memref<50000x32xf32, #tpu.memory_space<hbm>> -> memref<50000x32xf32, #tpu.memory_space<hbm>>
        tpu.wait_indirect_dma semaphore(%arg12 : memref<!tpu.dma_semaphore, #tpu.memory_space<semaphore_mem>>) src(%dma_wait3A_648 : memref<50000x32xf32, #tpu.memory_space<hbm>>) dst(%dma_wait3A_635 : memref<128x32xf32, #tpu.memory_space<vmem>>)
        %add3A_649 = arith.constant 4 : i32
        %add3A_650 = arith.addi %add3A_346, %add3A_649 : i32
        %dma_start3A_651 = arith.constant 4 : i32
        %dma_start3A_652 = arith.constant 0 : i32
        %dma_start3A_653 = arith.constant 0 : i32
        %dma_start3A_654 = tpu.memref_slice %arg8[%dma_start3A_651, %dma_start3A_652, %dma_start3A_653] : memref<7x128x32xf32, #tpu.memory_space<vmem>> -> memref<1x128x32xf32, #tpu.memory_space<vmem>>
        %dma_start3A_655 = tpu.memref_squeeze %dma_start3A_654 : memref<1x128x32xf32, #tpu.memory_space<vmem>> -> memref<128x32xf32, #tpu.memory_space<vmem>>
        %dma_start3A_656 = arith.constant 0 : i32
        %dma_start3A_657 = arith.constant 0 : i32
        %dma_start3A_658 = tpu.memref_slice %arg7[%rem3A_169, %dma_start3A_656, %dma_start3A_657] : memref<2x49x128xi32, #tpu.memory_space<vmem>> -> memref<1x49x128xi32, #tpu.memory_space<vmem>>
        %dma_start3A_659 = tpu.memref_squeeze %dma_start3A_658 : memref<1x49x128xi32, #tpu.memory_space<vmem>> -> memref<49x128xi32, #tpu.memory_space<vmem>>
        %dma_start3A_660 = arith.constant 0 : i32
        %dma_start3A_661 = tpu.memref_slice %dma_start3A_659[%add3A_650, %dma_start3A_660] : memref<49x128xi32, #tpu.memory_space<vmem>> -> memref<1x128xi32, #tpu.memory_space<vmem>>
        %dma_start3A_662 = tpu.memref_squeeze %dma_start3A_661 : memref<1x128xi32, #tpu.memory_space<vmem>> -> memref<128xi32, #tpu.memory_space<vmem>>
        %dma_start3A_663 = arith.constant 0 : i32
        %dma_start3A_664 = arith.constant 0 : i32
        %dma_start3A_665 = tpu.memref_slice %arg9[%dma_start3A_663, %dma_start3A_664] : memref<26624x32xf32, #tpu.memory_space<vmem_shared>> -> memref<26624x32xf32, #tpu.memory_space<vmem_shared>>
        tpu.enqueue_indirect_dma source(%dma_start3A_655 : memref<128x32xf32, #tpu.memory_space<vmem>>) target(%dma_start3A_665 : memref<26624x32xf32, #tpu.memory_space<vmem_shared>>) offsets(%dma_start3A_662 : memref<128xi32, #tpu.memory_space<vmem>>) semaphore(%arg13 : memref<!tpu.dma_semaphore, #tpu.memory_space<semaphore_mem>>) {add = true}
        %dma_wait3A_666 = arith.constant 5 : i32
        %dma_wait3A_667 = arith.constant 0 : i32
        %dma_wait3A_668 = arith.constant 0 : i32
        %dma_wait3A_669 = tpu.memref_slice %arg8[%dma_wait3A_666, %dma_wait3A_667, %dma_wait3A_668] : memref<7x128x32xf32, #tpu.memory_space<vmem>> -> memref<1x128x32xf32, #tpu.memory_space<vmem>>
        %dma_wait3A_670 = tpu.memref_squeeze %dma_wait3A_669 : memref<1x128x32xf32, #tpu.memory_space<vmem>> -> memref<128x32xf32, #tpu.memory_space<vmem>>
        %dma_wait3A_671 = arith.constant 0 : i32
        %dma_wait3A_672 = arith.constant 0 : i32
        %dma_wait3A_673 = tpu.memref_slice %arg6[%rem3A_169, %dma_wait3A_671, %dma_wait3A_672] : memref<2x49x128xi32, #tpu.memory_space<vmem>> -> memref<1x49x128xi32, #tpu.memory_space<vmem>>
        %dma_wait3A_674 = tpu.memref_squeeze %dma_wait3A_673 : memref<1x49x128xi32, #tpu.memory_space<vmem>> -> memref<49x128xi32, #tpu.memory_space<vmem>>
        %dma_wait3A_675 = arith.constant 0 : i32
        %dma_wait3A_676 = tpu.memref_slice %dma_wait3A_674[%add3A_452, %dma_wait3A_675] : memref<49x128xi32, #tpu.memory_space<vmem>> -> memref<1x128xi32, #tpu.memory_space<vmem>>
        %dma_wait3A_677 = tpu.memref_squeeze %dma_wait3A_676 : memref<1x128xi32, #tpu.memory_space<vmem>> -> memref<128xi32, #tpu.memory_space<vmem>>
        %dma_wait3A_678 = arith.constant 0 : i32
        %dma_wait3A_679 = arith.constant 0 : i32
        %dma_wait3A_680 = tpu.memref_slice %arg2[%dma_wait3A_678, %dma_wait3A_679] : memref<100000x32xf32, #tpu.memory_space<hbm>> -> memref<50000x32xf32, #tpu.memory_space<hbm>>
        %dma_wait3A_681 = arith.constant 0 : i32
        %dma_wait3A_682 = arith.constant 0 : i32
        %dma_wait3A_683 = tpu.memref_slice %dma_wait3A_680[%dma_wait3A_681, %dma_wait3A_682] : memref<50000x32xf32, #tpu.memory_space<hbm>> -> memref<50000x32xf32, #tpu.memory_space<hbm>>
        tpu.wait_indirect_dma semaphore(%arg12 : memref<!tpu.dma_semaphore, #tpu.memory_space<semaphore_mem>>) src(%dma_wait3A_683 : memref<50000x32xf32, #tpu.memory_space<hbm>>) dst(%dma_wait3A_670 : memref<128x32xf32, #tpu.memory_space<vmem>>)
        %add3A_684 = arith.constant 5 : i32
        %add3A_685 = arith.addi %add3A_346, %add3A_684 : i32
        %dma_start3A_686 = arith.constant 5 : i32
        %dma_start3A_687 = arith.constant 0 : i32
        %dma_start3A_688 = arith.constant 0 : i32
        %dma_start3A_689 = tpu.memref_slice %arg8[%dma_start3A_686, %dma_start3A_687, %dma_start3A_688] : memref<7x128x32xf32, #tpu.memory_space<vmem>> -> memref<1x128x32xf32, #tpu.memory_space<vmem>>
        %dma_start3A_690 = tpu.memref_squeeze %dma_start3A_689 : memref<1x128x32xf32, #tpu.memory_space<vmem>> -> memref<128x32xf32, #tpu.memory_space<vmem>>
        %dma_start3A_691 = arith.constant 0 : i32
        %dma_start3A_692 = arith.constant 0 : i32
        %dma_start3A_693 = tpu.memref_slice %arg7[%rem3A_169, %dma_start3A_691, %dma_start3A_692] : memref<2x49x128xi32, #tpu.memory_space<vmem>> -> memref<1x49x128xi32, #tpu.memory_space<vmem>>
        %dma_start3A_694 = tpu.memref_squeeze %dma_start3A_693 : memref<1x49x128xi32, #tpu.memory_space<vmem>> -> memref<49x128xi32, #tpu.memory_space<vmem>>
        %dma_start3A_695 = arith.constant 0 : i32
        %dma_start3A_696 = tpu.memref_slice %dma_start3A_694[%add3A_685, %dma_start3A_695] : memref<49x128xi32, #tpu.memory_space<vmem>> -> memref<1x128xi32, #tpu.memory_space<vmem>>
        %dma_start3A_697 = tpu.memref_squeeze %dma_start3A_696 : memref<1x128xi32, #tpu.memory_space<vmem>> -> memref<128xi32, #tpu.memory_space<vmem>>
        %dma_start3A_698 = arith.constant 0 : i32
        %dma_start3A_699 = arith.constant 0 : i32
        %dma_start3A_700 = tpu.memref_slice %arg9[%dma_start3A_698, %dma_start3A_699] : memref<26624x32xf32, #tpu.memory_space<vmem_shared>> -> memref<26624x32xf32, #tpu.memory_space<vmem_shared>>
        tpu.enqueue_indirect_dma source(%dma_start3A_690 : memref<128x32xf32, #tpu.memory_space<vmem>>) target(%dma_start3A_700 : memref<26624x32xf32, #tpu.memory_space<vmem_shared>>) offsets(%dma_start3A_697 : memref<128xi32, #tpu.memory_space<vmem>>) semaphore(%arg13 : memref<!tpu.dma_semaphore, #tpu.memory_space<semaphore_mem>>) {add = true}
        %dma_wait3A_701 = arith.constant 6 : i32
        %dma_wait3A_702 = arith.constant 0 : i32
        %dma_wait3A_703 = arith.constant 0 : i32
        %dma_wait3A_704 = tpu.memref_slice %arg8[%dma_wait3A_701, %dma_wait3A_702, %dma_wait3A_703] : memref<7x128x32xf32, #tpu.memory_space<vmem>> -> memref<1x128x32xf32, #tpu.memory_space<vmem>>
        %dma_wait3A_705 = tpu.memref_squeeze %dma_wait3A_704 : memref<1x128x32xf32, #tpu.memory_space<vmem>> -> memref<128x32xf32, #tpu.memory_space<vmem>>
        %dma_wait3A_706 = arith.constant 0 : i32
        %dma_wait3A_707 = arith.constant 0 : i32
        %dma_wait3A_708 = tpu.memref_slice %arg6[%rem3A_169, %dma_wait3A_706, %dma_wait3A_707] : memref<2x49x128xi32, #tpu.memory_space<vmem>> -> memref<1x49x128xi32, #tpu.memory_space<vmem>>
        %dma_wait3A_709 = tpu.memref_squeeze %dma_wait3A_708 : memref<1x49x128xi32, #tpu.memory_space<vmem>> -> memref<49x128xi32, #tpu.memory_space<vmem>>
        %dma_wait3A_710 = arith.constant 0 : i32
        %dma_wait3A_711 = tpu.memref_slice %dma_wait3A_709[%add3A_472, %dma_wait3A_710] : memref<49x128xi32, #tpu.memory_space<vmem>> -> memref<1x128xi32, #tpu.memory_space<vmem>>
        %dma_wait3A_712 = tpu.memref_squeeze %dma_wait3A_711 : memref<1x128xi32, #tpu.memory_space<vmem>> -> memref<128xi32, #tpu.memory_space<vmem>>
        %dma_wait3A_713 = arith.constant 0 : i32
        %dma_wait3A_714 = arith.constant 0 : i32
        %dma_wait3A_715 = tpu.memref_slice %arg2[%dma_wait3A_713, %dma_wait3A_714] : memref<100000x32xf32, #tpu.memory_space<hbm>> -> memref<50000x32xf32, #tpu.memory_space<hbm>>
        %dma_wait3A_716 = arith.constant 0 : i32
        %dma_wait3A_717 = arith.constant 0 : i32
        %dma_wait3A_718 = tpu.memref_slice %dma_wait3A_715[%dma_wait3A_716, %dma_wait3A_717] : memref<50000x32xf32, #tpu.memory_space<hbm>> -> memref<50000x32xf32, #tpu.memory_space<hbm>>
        tpu.wait_indirect_dma semaphore(%arg12 : memref<!tpu.dma_semaphore, #tpu.memory_space<semaphore_mem>>) src(%dma_wait3A_718 : memref<50000x32xf32, #tpu.memory_space<hbm>>) dst(%dma_wait3A_705 : memref<128x32xf32, #tpu.memory_space<vmem>>)
        %add3A_719 = arith.constant 6 : i32
        %add3A_720 = arith.addi %add3A_346, %add3A_719 : i32
        %dma_start3A_721 = arith.constant 6 : i32
        %dma_start3A_722 = arith.constant 0 : i32
        %dma_start3A_723 = arith.constant 0 : i32
        %dma_start3A_724 = tpu.memref_slice %arg8[%dma_start3A_721, %dma_start3A_722, %dma_start3A_723] : memref<7x128x32xf32, #tpu.memory_space<vmem>> -> memref<1x128x32xf32, #tpu.memory_space<vmem>>
        %dma_start3A_725 = tpu.memref_squeeze %dma_start3A_724 : memref<1x128x32xf32, #tpu.memory_space<vmem>> -> memref<128x32xf32, #tpu.memory_space<vmem>>
        %dma_start3A_726 = arith.constant 0 : i32
        %dma_start3A_727 = arith.constant 0 : i32
        %dma_start3A_728 = tpu.memref_slice %arg7[%rem3A_169, %dma_start3A_726, %dma_start3A_727] : memref<2x49x128xi32, #tpu.memory_space<vmem>> -> memref<1x49x128xi32, #tpu.memory_space<vmem>>
        %dma_start3A_729 = tpu.memref_squeeze %dma_start3A_728 : memref<1x49x128xi32, #tpu.memory_space<vmem>> -> memref<49x128xi32, #tpu.memory_space<vmem>>
        %dma_start3A_730 = arith.constant 0 : i32
        %dma_start3A_731 = tpu.memref_slice %dma_start3A_729[%add3A_720, %dma_start3A_730] : memref<49x128xi32, #tpu.memory_space<vmem>> -> memref<1x128xi32, #tpu.memory_space<vmem>>
        %dma_start3A_732 = tpu.memref_squeeze %dma_start3A_731 : memref<1x128xi32, #tpu.memory_space<vmem>> -> memref<128xi32, #tpu.memory_space<vmem>>
        %dma_start3A_733 = arith.constant 0 : i32
        %dma_start3A_734 = arith.constant 0 : i32
        %dma_start3A_735 = tpu.memref_slice %arg9[%dma_start3A_733, %dma_start3A_734] : memref<26624x32xf32, #tpu.memory_space<vmem_shared>> -> memref<26624x32xf32, #tpu.memory_space<vmem_shared>>
        tpu.enqueue_indirect_dma source(%dma_start3A_725 : memref<128x32xf32, #tpu.memory_space<vmem>>) target(%dma_start3A_735 : memref<26624x32xf32, #tpu.memory_space<vmem_shared>>) offsets(%dma_start3A_732 : memref<128xi32, #tpu.memory_space<vmem>>) semaphore(%arg13 : memref<!tpu.dma_semaphore, #tpu.memory_space<semaphore_mem>>) {add = true}
      }
      %scan3A_229 = arith.constant 7 : i32
      %dma_wait3A_230 = arith.constant 0 : i32
      %dma_wait3A_231 = arith.constant 0 : i32
      %dma_wait3A_232 = arith.constant 0 : i32
      %dma_wait3A_233 = arith.constant 0 : i32
      %dma_wait3A_234 = tpu.memref_slice %arg8[%dma_wait3A_230, %dma_wait3A_232, %dma_wait3A_233] : memref<7x128x32xf32, #tpu.memory_space<vmem>> -> memref<1x128x32xf32, #tpu.memory_space<vmem>>
      %dma_wait3A_235 = tpu.memref_squeeze %dma_wait3A_234 : memref<1x128x32xf32, #tpu.memory_space<vmem>> -> memref<128x32xf32, #tpu.memory_space<vmem>>
      %dma_wait3A_236 = arith.constant 0 : i32
      %dma_wait3A_237 = arith.constant 0 : i32
      %dma_wait3A_238 = tpu.memref_slice %arg7[%rem3A_169, %dma_wait3A_236, %dma_wait3A_237] : memref<2x49x128xi32, #tpu.memory_space<vmem>> -> memref<1x49x128xi32, #tpu.memory_space<vmem>>
      %dma_wait3A_239 = tpu.memref_squeeze %dma_wait3A_238 : memref<1x49x128xi32, #tpu.memory_space<vmem>> -> memref<49x128xi32, #tpu.memory_space<vmem>>
      %dma_wait3A_240 = arith.constant 0 : i32
      %dma_wait3A_241 = tpu.memref_slice %dma_wait3A_239[%dma_wait3A_231, %dma_wait3A_240] : memref<49x128xi32, #tpu.memory_space<vmem>> -> memref<1x128xi32, #tpu.memory_space<vmem>>
      %dma_wait3A_242 = tpu.memref_squeeze %dma_wait3A_241 : memref<1x128xi32, #tpu.memory_space<vmem>> -> memref<128xi32, #tpu.memory_space<vmem>>
      %dma_wait3A_243 = arith.constant 0 : i32
      %dma_wait3A_244 = arith.constant 0 : i32
      %dma_wait3A_245 = tpu.memref_slice %arg9[%dma_wait3A_243, %dma_wait3A_244] : memref<26624x32xf32, #tpu.memory_space<vmem_shared>> -> memref<26624x32xf32, #tpu.memory_space<vmem_shared>>
      tpu.wait_indirect_dma semaphore(%arg13 : memref<!tpu.dma_semaphore, #tpu.memory_space<semaphore_mem>>) src(%dma_wait3A_235 : memref<128x32xf32, #tpu.memory_space<vmem>>) dst(%dma_wait3A_245 : memref<26624x32xf32, #tpu.memory_space<vmem_shared>>)
      %dma_wait3A_246 = arith.constant 1 : i32
      %dma_wait3A_247 = arith.constant 0 : i32
      %dma_wait3A_248 = arith.constant 0 : i32
      %dma_wait3A_249 = arith.constant 0 : i32
      %dma_wait3A_250 = tpu.memref_slice %arg8[%dma_wait3A_246, %dma_wait3A_248, %dma_wait3A_249] : memref<7x128x32xf32, #tpu.memory_space<vmem>> -> memref<1x128x32xf32, #tpu.memory_space<vmem>>
      %dma_wait3A_251 = tpu.memref_squeeze %dma_wait3A_250 : memref<1x128x32xf32, #tpu.memory_space<vmem>> -> memref<128x32xf32, #tpu.memory_space<vmem>>
      %dma_wait3A_252 = arith.constant 0 : i32
      %dma_wait3A_253 = arith.constant 0 : i32
      %dma_wait3A_254 = tpu.memref_slice %arg7[%rem3A_169, %dma_wait3A_252, %dma_wait3A_253] : memref<2x49x128xi32, #tpu.memory_space<vmem>> -> memref<1x49x128xi32, #tpu.memory_space<vmem>>
      %dma_wait3A_255 = tpu.memref_squeeze %dma_wait3A_254 : memref<1x49x128xi32, #tpu.memory_space<vmem>> -> memref<49x128xi32, #tpu.memory_space<vmem>>
      %dma_wait3A_256 = arith.constant 0 : i32
      %dma_wait3A_257 = tpu.memref_slice %dma_wait3A_255[%dma_wait3A_247, %dma_wait3A_256] : memref<49x128xi32, #tpu.memory_space<vmem>> -> memref<1x128xi32, #tpu.memory_space<vmem>>
      %dma_wait3A_258 = tpu.memref_squeeze %dma_wait3A_257 : memref<1x128xi32, #tpu.memory_space<vmem>> -> memref<128xi32, #tpu.memory_space<vmem>>
      %dma_wait3A_259 = arith.constant 0 : i32
      %dma_wait3A_260 = arith.constant 0 : i32
      %dma_wait3A_261 = tpu.memref_slice %arg9[%dma_wait3A_259, %dma_wait3A_260] : memref<26624x32xf32, #tpu.memory_space<vmem_shared>> -> memref<26624x32xf32, #tpu.memory_space<vmem_shared>>
      tpu.wait_indirect_dma semaphore(%arg13 : memref<!tpu.dma_semaphore, #tpu.memory_space<semaphore_mem>>) src(%dma_wait3A_251 : memref<128x32xf32, #tpu.memory_space<vmem>>) dst(%dma_wait3A_261 : memref<26624x32xf32, #tpu.memory_space<vmem_shared>>)
      %dma_wait3A_262 = arith.constant 2 : i32
      %dma_wait3A_263 = arith.constant 0 : i32
      %dma_wait3A_264 = arith.constant 0 : i32
      %dma_wait3A_265 = arith.constant 0 : i32
      %dma_wait3A_266 = tpu.memref_slice %arg8[%dma_wait3A_262, %dma_wait3A_264, %dma_wait3A_265] : memref<7x128x32xf32, #tpu.memory_space<vmem>> -> memref<1x128x32xf32, #tpu.memory_space<vmem>>
      %dma_wait3A_267 = tpu.memref_squeeze %dma_wait3A_266 : memref<1x128x32xf32, #tpu.memory_space<vmem>> -> memref<128x32xf32, #tpu.memory_space<vmem>>
      %dma_wait3A_268 = arith.constant 0 : i32
      %dma_wait3A_269 = arith.constant 0 : i32
      %dma_wait3A_270 = tpu.memref_slice %arg7[%rem3A_169, %dma_wait3A_268, %dma_wait3A_269] : memref<2x49x128xi32, #tpu.memory_space<vmem>> -> memref<1x49x128xi32, #tpu.memory_space<vmem>>
      %dma_wait3A_271 = tpu.memref_squeeze %dma_wait3A_270 : memref<1x49x128xi32, #tpu.memory_space<vmem>> -> memref<49x128xi32, #tpu.memory_space<vmem>>
      %dma_wait3A_272 = arith.constant 0 : i32
      %dma_wait3A_273 = tpu.memref_slice %dma_wait3A_271[%dma_wait3A_263, %dma_wait3A_272] : memref<49x128xi32, #tpu.memory_space<vmem>> -> memref<1x128xi32, #tpu.memory_space<vmem>>
      %dma_wait3A_274 = tpu.memref_squeeze %dma_wait3A_273 : memref<1x128xi32, #tpu.memory_space<vmem>> -> memref<128xi32, #tpu.memory_space<vmem>>
      %dma_wait3A_275 = arith.constant 0 : i32
      %dma_wait3A_276 = arith.constant 0 : i32
      %dma_wait3A_277 = tpu.memref_slice %arg9[%dma_wait3A_275, %dma_wait3A_276] : memref<26624x32xf32, #tpu.memory_space<vmem_shared>> -> memref<26624x32xf32, #tpu.memory_space<vmem_shared>>
      tpu.wait_indirect_dma semaphore(%arg13 : memref<!tpu.dma_semaphore, #tpu.memory_space<semaphore_mem>>) src(%dma_wait3A_267 : memref<128x32xf32, #tpu.memory_space<vmem>>) dst(%dma_wait3A_277 : memref<26624x32xf32, #tpu.memory_space<vmem_shared>>)
      %dma_wait3A_278 = arith.constant 3 : i32
      %dma_wait3A_279 = arith.constant 0 : i32
      %dma_wait3A_280 = arith.constant 0 : i32
      %dma_wait3A_281 = arith.constant 0 : i32
      %dma_wait3A_282 = tpu.memref_slice %arg8[%dma_wait3A_278, %dma_wait3A_280, %dma_wait3A_281] : memref<7x128x32xf32, #tpu.memory_space<vmem>> -> memref<1x128x32xf32, #tpu.memory_space<vmem>>
      %dma_wait3A_283 = tpu.memref_squeeze %dma_wait3A_282 : memref<1x128x32xf32, #tpu.memory_space<vmem>> -> memref<128x32xf32, #tpu.memory_space<vmem>>
      %dma_wait3A_284 = arith.constant 0 : i32
      %dma_wait3A_285 = arith.constant 0 : i32
      %dma_wait3A_286 = tpu.memref_slice %arg7[%rem3A_169, %dma_wait3A_284, %dma_wait3A_285] : memref<2x49x128xi32, #tpu.memory_space<vmem>> -> memref<1x49x128xi32, #tpu.memory_space<vmem>>
      %dma_wait3A_287 = tpu.memref_squeeze %dma_wait3A_286 : memref<1x49x128xi32, #tpu.memory_space<vmem>> -> memref<49x128xi32, #tpu.memory_space<vmem>>
      %dma_wait3A_288 = arith.constant 0 : i32
      %dma_wait3A_289 = tpu.memref_slice %dma_wait3A_287[%dma_wait3A_279, %dma_wait3A_288] : memref<49x128xi32, #tpu.memory_space<vmem>> -> memref<1x128xi32, #tpu.memory_space<vmem>>
      %dma_wait3A_290 = tpu.memref_squeeze %dma_wait3A_289 : memref<1x128xi32, #tpu.memory_space<vmem>> -> memref<128xi32, #tpu.memory_space<vmem>>
      %dma_wait3A_291 = arith.constant 0 : i32
      %dma_wait3A_292 = arith.constant 0 : i32
      %dma_wait3A_293 = tpu.memref_slice %arg9[%dma_wait3A_291, %dma_wait3A_292] : memref<26624x32xf32, #tpu.memory_space<vmem_shared>> -> memref<26624x32xf32, #tpu.memory_space<vmem_shared>>
      tpu.wait_indirect_dma semaphore(%arg13 : memref<!tpu.dma_semaphore, #tpu.memory_space<semaphore_mem>>) src(%dma_wait3A_283 : memref<128x32xf32, #tpu.memory_space<vmem>>) dst(%dma_wait3A_293 : memref<26624x32xf32, #tpu.memory_space<vmem_shared>>)
      %dma_wait3A_294 = arith.constant 4 : i32
      %dma_wait3A_295 = arith.constant 0 : i32
      %dma_wait3A_296 = arith.constant 0 : i32
      %dma_wait3A_297 = arith.constant 0 : i32
      %dma_wait3A_298 = tpu.memref_slice %arg8[%dma_wait3A_294, %dma_wait3A_296, %dma_wait3A_297] : memref<7x128x32xf32, #tpu.memory_space<vmem>> -> memref<1x128x32xf32, #tpu.memory_space<vmem>>
      %dma_wait3A_299 = tpu.memref_squeeze %dma_wait3A_298 : memref<1x128x32xf32, #tpu.memory_space<vmem>> -> memref<128x32xf32, #tpu.memory_space<vmem>>
      %dma_wait3A_300 = arith.constant 0 : i32
      %dma_wait3A_301 = arith.constant 0 : i32
      %dma_wait3A_302 = tpu.memref_slice %arg7[%rem3A_169, %dma_wait3A_300, %dma_wait3A_301] : memref<2x49x128xi32, #tpu.memory_space<vmem>> -> memref<1x49x128xi32, #tpu.memory_space<vmem>>
      %dma_wait3A_303 = tpu.memref_squeeze %dma_wait3A_302 : memref<1x49x128xi32, #tpu.memory_space<vmem>> -> memref<49x128xi32, #tpu.memory_space<vmem>>
      %dma_wait3A_304 = arith.constant 0 : i32
      %dma_wait3A_305 = tpu.memref_slice %dma_wait3A_303[%dma_wait3A_295, %dma_wait3A_304] : memref<49x128xi32, #tpu.memory_space<vmem>> -> memref<1x128xi32, #tpu.memory_space<vmem>>
      %dma_wait3A_306 = tpu.memref_squeeze %dma_wait3A_305 : memref<1x128xi32, #tpu.memory_space<vmem>> -> memref<128xi32, #tpu.memory_space<vmem>>
      %dma_wait3A_307 = arith.constant 0 : i32
      %dma_wait3A_308 = arith.constant 0 : i32
      %dma_wait3A_309 = tpu.memref_slice %arg9[%dma_wait3A_307, %dma_wait3A_308] : memref<26624x32xf32, #tpu.memory_space<vmem_shared>> -> memref<26624x32xf32, #tpu.memory_space<vmem_shared>>
      tpu.wait_indirect_dma semaphore(%arg13 : memref<!tpu.dma_semaphore, #tpu.memory_space<semaphore_mem>>) src(%dma_wait3A_299 : memref<128x32xf32, #tpu.memory_space<vmem>>) dst(%dma_wait3A_309 : memref<26624x32xf32, #tpu.memory_space<vmem_shared>>)
      %dma_wait3A_310 = arith.constant 5 : i32
      %dma_wait3A_311 = arith.constant 0 : i32
      %dma_wait3A_312 = arith.constant 0 : i32
      %dma_wait3A_313 = arith.constant 0 : i32
      %dma_wait3A_314 = tpu.memref_slice %arg8[%dma_wait3A_310, %dma_wait3A_312, %dma_wait3A_313] : memref<7x128x32xf32, #tpu.memory_space<vmem>> -> memref<1x128x32xf32, #tpu.memory_space<vmem>>
      %dma_wait3A_315 = tpu.memref_squeeze %dma_wait3A_314 : memref<1x128x32xf32, #tpu.memory_space<vmem>> -> memref<128x32xf32, #tpu.memory_space<vmem>>
      %dma_wait3A_316 = arith.constant 0 : i32
      %dma_wait3A_317 = arith.constant 0 : i32
      %dma_wait3A_318 = tpu.memref_slice %arg7[%rem3A_169, %dma_wait3A_316, %dma_wait3A_317] : memref<2x49x128xi32, #tpu.memory_space<vmem>> -> memref<1x49x128xi32, #tpu.memory_space<vmem>>
      %dma_wait3A_319 = tpu.memref_squeeze %dma_wait3A_318 : memref<1x49x128xi32, #tpu.memory_space<vmem>> -> memref<49x128xi32, #tpu.memory_space<vmem>>
      %dma_wait3A_320 = arith.constant 0 : i32
      %dma_wait3A_321 = tpu.memref_slice %dma_wait3A_319[%dma_wait3A_311, %dma_wait3A_320] : memref<49x128xi32, #tpu.memory_space<vmem>> -> memref<1x128xi32, #tpu.memory_space<vmem>>
      %dma_wait3A_322 = tpu.memref_squeeze %dma_wait3A_321 : memref<1x128xi32, #tpu.memory_space<vmem>> -> memref<128xi32, #tpu.memory_space<vmem>>
      %dma_wait3A_323 = arith.constant 0 : i32
      %dma_wait3A_324 = arith.constant 0 : i32
      %dma_wait3A_325 = tpu.memref_slice %arg9[%dma_wait3A_323, %dma_wait3A_324] : memref<26624x32xf32, #tpu.memory_space<vmem_shared>> -> memref<26624x32xf32, #tpu.memory_space<vmem_shared>>
      tpu.wait_indirect_dma semaphore(%arg13 : memref<!tpu.dma_semaphore, #tpu.memory_space<semaphore_mem>>) src(%dma_wait3A_315 : memref<128x32xf32, #tpu.memory_space<vmem>>) dst(%dma_wait3A_325 : memref<26624x32xf32, #tpu.memory_space<vmem_shared>>)
      %dma_wait3A_326 = arith.constant 6 : i32
      %dma_wait3A_327 = arith.constant 0 : i32
      %dma_wait3A_328 = arith.constant 0 : i32
      %dma_wait3A_329 = arith.constant 0 : i32
      %dma_wait3A_330 = tpu.memref_slice %arg8[%dma_wait3A_326, %dma_wait3A_328, %dma_wait3A_329] : memref<7x128x32xf32, #tpu.memory_space<vmem>> -> memref<1x128x32xf32, #tpu.memory_space<vmem>>
      %dma_wait3A_331 = tpu.memref_squeeze %dma_wait3A_330 : memref<1x128x32xf32, #tpu.memory_space<vmem>> -> memref<128x32xf32, #tpu.memory_space<vmem>>
      %dma_wait3A_332 = arith.constant 0 : i32
      %dma_wait3A_333 = arith.constant 0 : i32
      %dma_wait3A_334 = tpu.memref_slice %arg7[%rem3A_169, %dma_wait3A_332, %dma_wait3A_333] : memref<2x49x128xi32, #tpu.memory_space<vmem>> -> memref<1x49x128xi32, #tpu.memory_space<vmem>>
      %dma_wait3A_335 = tpu.memref_squeeze %dma_wait3A_334 : memref<1x49x128xi32, #tpu.memory_space<vmem>> -> memref<49x128xi32, #tpu.memory_space<vmem>>
      %dma_wait3A_336 = arith.constant 0 : i32
      %dma_wait3A_337 = tpu.memref_slice %dma_wait3A_335[%dma_wait3A_327, %dma_wait3A_336] : memref<49x128xi32, #tpu.memory_space<vmem>> -> memref<1x128xi32, #tpu.memory_space<vmem>>
      %dma_wait3A_338 = tpu.memref_squeeze %dma_wait3A_337 : memref<1x128xi32, #tpu.memory_space<vmem>> -> memref<128xi32, #tpu.memory_space<vmem>>
      %dma_wait3A_339 = arith.constant 0 : i32
      %dma_wait3A_340 = arith.constant 0 : i32
      %dma_wait3A_341 = tpu.memref_slice %arg9[%dma_wait3A_339, %dma_wait3A_340] : memref<26624x32xf32, #tpu.memory_space<vmem_shared>> -> memref<26624x32xf32, #tpu.memory_space<vmem_shared>>
      tpu.wait_indirect_dma semaphore(%arg13 : memref<!tpu.dma_semaphore, #tpu.memory_space<semaphore_mem>>) src(%dma_wait3A_331 : memref<128x32xf32, #tpu.memory_space<vmem>>) dst(%dma_wait3A_341 : memref<26624x32xf32, #tpu.memory_space<vmem_shared>>)
    }
    %scan3A_68 = arith.constant 8 : i32
    %barrier3A_69 = arith.constant 0 : index
    tpu.barrier barrier_id(%barrier3A_69)
    %mul3A = arith.constant 1568 : i32
    %mul3A_70 = arith.muli %arg1, %mul3A : i32
    %mul3A_71 = arith.constant 2 : i32
    %mul3A_72 = arith.muli %arg0, %mul3A_71 : i32
    %add3A = arith.constant 0 : i32
    %add3A_73 = arith.addi %mul3A_72, %add3A : i32
    %mul3A_74 = arith.constant 25088 : i32
    %mul3A_75 = arith.muli %add3A_73, %mul3A_74 : i32
    %mul3A_76 = arith.constant 1568 : i32
    %mul3A_77 = arith.muli %arg1, %mul3A_76 : i32
    %add3A_78 = arith.addi %mul3A_75, %mul3A_77 : i32
    "tpu.region"() ({
      %run_scoped3A = tpu.sem_alloc : memref<!tpu.dma_semaphore, #tpu.memory_space<semaphore_mem>>
      %dma_start3A_164 = arith.constant 0 : i32
      %dma_start3A_165 = tpu.memref_slice %arg5[%add3A_78, %dma_start3A_164] : memref<100352x32xf32, #tpu.memory_space<hbm>> -> memref<1568x32xf32, #tpu.memory_space<hbm>>
      %dma_start3A_166 = arith.constant 0 : i32
      %dma_start3A_167 = tpu.memref_slice %arg9[%mul3A_70, %dma_start3A_166] : memref<26624x32xf32, #tpu.memory_space<vmem_shared>> -> memref<1568x32xf32, #tpu.memory_space<vmem_shared>>
      tpu.enqueue_dma source(%dma_start3A_167 : memref<1568x32xf32, #tpu.memory_space<vmem_shared>>) target(%dma_start3A_165 : memref<1568x32xf32, #tpu.memory_space<hbm>>) target_semaphore(%run_scoped3A : memref<!tpu.dma_semaphore, #tpu.memory_space<semaphore_mem>>)
      %dma_wait3A = arith.constant 0 : i32
      %dma_wait3A_168 = tpu.memref_slice %arg5[%add3A_78, %dma_wait3A] : memref<100352x32xf32, #tpu.memory_space<hbm>> -> memref<1568x32xf32, #tpu.memory_space<hbm>>
      %dma_wait3A_169 = arith.constant 0 : i32
      %dma_wait3A_170 = tpu.memref_slice %arg9[%mul3A_70, %dma_wait3A_169] : memref<26624x32xf32, #tpu.memory_space<vmem_shared>> -> memref<1568x32xf32, #tpu.memory_space<vmem_shared>>
      tpu.wait_dma2 semaphore(%run_scoped3A : memref<!tpu.dma_semaphore, #tpu.memory_space<semaphore_mem>>) src(%dma_wait3A_170 : memref<1568x32xf32, #tpu.memory_space<vmem_shared>>) dst(%dma_wait3A_168 : memref<1568x32xf32, #tpu.memory_space<hbm>>)
      tpu.yield
    }) : () -> ()
    %barrier3A_79 = arith.constant 0 : index
    tpu.barrier barrier_id(%barrier3A_79)
    %dma_start3A_80 = arith.constant 0 : i32
    %dma_start3A_81 = arith.constant 0 : i32
    %dma_start3A_82 = arith.constant 0 : i32
    %dma_start3A_83 = tpu.memref_slice %arg6[%dma_start3A_80, %dma_start3A_81, %dma_start3A_82] : memref<2x49x128xi32, #tpu.memory_space<vmem>> -> memref<1x49x128xi32, #tpu.memory_space<vmem>>
    %dma_start3A_84 = tpu.memref_squeeze %dma_start3A_83 : memref<1x49x128xi32, #tpu.memory_space<vmem>> -> memref<49x128xi32, #tpu.memory_space<vmem>>
    %dma_start3A_85 = arith.constant 0 : i32
    %dma_start3A_86 = arith.constant 0 : i32
    %dma_start3A_87 = tpu.memref_slice %arg3[%arg1, %dma_start3A_85, %dma_start3A_86] : memref<16x392x128xi32, #tpu.memory_space<hbm>> -> memref<1x392x128xi32, #tpu.memory_space<hbm>>
    %dma_start3A_88 = tpu.memref_squeeze %dma_start3A_87 : memref<1x392x128xi32, #tpu.memory_space<hbm>> -> memref<392x128xi32, #tpu.memory_space<hbm>>
    %dma_start3A_89 = arith.constant 0 : i32
    %dma_start3A_90 = arith.constant 0 : i32
    %dma_start3A_91 = tpu.memref_slice %dma_start3A_88[%dma_start3A_89, %dma_start3A_90] : memref<392x128xi32, #tpu.memory_space<hbm>> -> memref<49x128xi32, #tpu.memory_space<hbm>>
    %dma_start3A_92 = arith.constant 0 : i32
    %dma_start3A_93 = arith.constant 0 : i32
    %dma_start3A_94 = tpu.memref_slice %arg6[%dma_start3A_80, %dma_start3A_92, %dma_start3A_93] : memref<2x49x128xi32, #tpu.memory_space<vmem>> -> memref<1x49x128xi32, #tpu.memory_space<vmem>>
    %dma_start3A_95 = tpu.memref_squeeze %dma_start3A_94 : memref<1x49x128xi32, #tpu.memory_space<vmem>> -> memref<49x128xi32, #tpu.memory_space<vmem>>
    %dma_start3A_96 = arith.constant 0 : i32
    %dma_start3A_97 = arith.constant 0 : i32
    %dma_start3A_98 = tpu.memref_slice %arg3[%arg1, %dma_start3A_96, %dma_start3A_97] : memref<16x392x128xi32, #tpu.memory_space<hbm>> -> memref<1x392x128xi32, #tpu.memory_space<hbm>>
    %dma_start3A_99 = tpu.memref_squeeze %dma_start3A_98 : memref<1x392x128xi32, #tpu.memory_space<hbm>> -> memref<392x128xi32, #tpu.memory_space<hbm>>
    %dma_start3A_100 = arith.constant 0 : i32
    %dma_start3A_101 = arith.constant 0 : i32
    %dma_start3A_102 = tpu.memref_slice %dma_start3A_99[%dma_start3A_100, %dma_start3A_101] : memref<392x128xi32, #tpu.memory_space<hbm>> -> memref<49x128xi32, #tpu.memory_space<hbm>>
    tpu.enqueue_dma source(%dma_start3A_102 : memref<49x128xi32, #tpu.memory_space<hbm>>) target(%dma_start3A_95 : memref<49x128xi32, #tpu.memory_space<vmem>>) target_semaphore(%arg10 : memref<!tpu.dma_semaphore, #tpu.memory_space<semaphore_mem>>)
    %dma_start3A_103 = arith.constant 0 : i32
    %dma_start3A_104 = arith.constant 0 : i32
    %dma_start3A_105 = arith.constant 0 : i32
    %dma_start3A_106 = tpu.memref_slice %arg7[%dma_start3A_103, %dma_start3A_104, %dma_start3A_105] : memref<2x49x128xi32, #tpu.memory_space<vmem>> -> memref<1x49x128xi32, #tpu.memory_space<vmem>>
    %dma_start3A_107 = tpu.memref_squeeze %dma_start3A_106 : memref<1x49x128xi32, #tpu.memory_space<vmem>> -> memref<49x128xi32, #tpu.memory_space<vmem>>
    %dma_start3A_108 = arith.constant 0 : i32
    %dma_start3A_109 = arith.constant 0 : i32
    %dma_start3A_110 = arith.constant 0 : i32
    %dma_start3A_111 = tpu.memref_slice %arg4[%arg0, %dma_start3A_108, %dma_start3A_109, %dma_start3A_110] : memref<2x16x392x128xi32, #tpu.memory_space<hbm>> -> memref<1x16x392x128xi32, #tpu.memory_space<hbm>>
    %dma_start3A_112 = tpu.memref_squeeze %dma_start3A_111 : memref<1x16x392x128xi32, #tpu.memory_space<hbm>> -> memref<16x392x128xi32, #tpu.memory_space<hbm>>
    %dma_start3A_113 = arith.constant 0 : i32
    %dma_start3A_114 = arith.constant 0 : i32
    %dma_start3A_115 = tpu.memref_slice %dma_start3A_112[%arg1, %dma_start3A_113, %dma_start3A_114] : memref<16x392x128xi32, #tpu.memory_space<hbm>> -> memref<1x392x128xi32, #tpu.memory_space<hbm>>
    %dma_start3A_116 = tpu.memref_squeeze %dma_start3A_115 : memref<1x392x128xi32, #tpu.memory_space<hbm>> -> memref<392x128xi32, #tpu.memory_space<hbm>>
    %dma_start3A_117 = arith.constant 0 : i32
    %dma_start3A_118 = arith.constant 0 : i32
    %dma_start3A_119 = tpu.memref_slice %dma_start3A_116[%dma_start3A_117, %dma_start3A_118] : memref<392x128xi32, #tpu.memory_space<hbm>> -> memref<49x128xi32, #tpu.memory_space<hbm>>
    %dma_start3A_120 = arith.constant 0 : i32
    %dma_start3A_121 = arith.constant 0 : i32
    %dma_start3A_122 = tpu.memref_slice %arg7[%dma_start3A_103, %dma_start3A_120, %dma_start3A_121] : memref<2x49x128xi32, #tpu.memory_space<vmem>> -> memref<1x49x128xi32, #tpu.memory_space<vmem>>
    %dma_start3A_123 = tpu.memref_squeeze %dma_start3A_122 : memref<1x49x128xi32, #tpu.memory_space<vmem>> -> memref<49x128xi32, #tpu.memory_space<vmem>>
    %dma_start3A_124 = arith.constant 0 : i32
    %dma_start3A_125 = arith.constant 0 : i32
    %dma_start3A_126 = arith.constant 0 : i32
    %dma_start3A_127 = tpu.memref_slice %arg4[%arg0, %dma_start3A_124, %dma_start3A_125, %dma_start3A_126] : memref<2x16x392x128xi32, #tpu.memory_space<hbm>> -> memref<1x16x392x128xi32, #tpu.memory_space<hbm>>
    %dma_start3A_128 = tpu.memref_squeeze %dma_start3A_127 : memref<1x16x392x128xi32, #tpu.memory_space<hbm>> -> memref<16x392x128xi32, #tpu.memory_space<hbm>>
    %dma_start3A_129 = arith.constant 0 : i32
    %dma_start3A_130 = arith.constant 0 : i32
    %dma_start3A_131 = tpu.memref_slice %dma_start3A_128[%arg1, %dma_start3A_129, %dma_start3A_130] : memref<16x392x128xi32, #tpu.memory_space<hbm>> -> memref<1x392x128xi32, #tpu.memory_space<hbm>>
    %dma_start3A_132 = tpu.memref_squeeze %dma_start3A_131 : memref<1x392x128xi32, #tpu.memory_space<hbm>> -> memref<392x128xi32, #tpu.memory_space<hbm>>
    %dma_start3A_133 = arith.constant 0 : i32
    %dma_start3A_134 = arith.constant 0 : i32
    %dma_start3A_135 = tpu.memref_slice %dma_start3A_132[%dma_start3A_133, %dma_start3A_134] : memref<392x128xi32, #tpu.memory_space<hbm>> -> memref<49x128xi32, #tpu.memory_space<hbm>>
    tpu.enqueue_dma source(%dma_start3A_135 : memref<49x128xi32, #tpu.memory_space<hbm>>) target(%dma_start3A_123 : memref<49x128xi32, #tpu.memory_space<vmem>>) target_semaphore(%arg11 : memref<!tpu.dma_semaphore, #tpu.memory_space<semaphore_mem>>)
    %scan3A_136 = arith.constant 0 : i32
    %scan3A_137 = arith.constant 128 : i32
    %scan3A_138 = arith.addi %scan3A_136, %scan3A_137 : i32
    %scan3A_139 = arith.constant 1 : i32
    scf.for %scan3A_164 = %scan3A_136 to %scan3A_138 step %scan3A_139  : i32 {
      %mul3A_165 = arith.constant 1 : i32
      %mul3A_166 = arith.muli %scan3A_164, %mul3A_165 : i32
      %add3A_167 = arith.constant 0 : i32
      %add3A_168 = arith.addi %add3A_167, %mul3A_166 : i32
      %broadcast_in_dim3A = arith.constant 0.000000e+00 : f32
      %broadcast_in_dim3A_169 = vector.broadcast %broadcast_in_dim3A : f32 to vector<16xf32>
      %swap3A = arith.constant 0 : i32
      %swap3A_170 = arith.index_cast %swap3A : i32 to index
      %swap3A_171 = arith.index_cast %add3A_168 : i32 to index
      %swap3A_172 = arith.constant 0 : index
      %swap3A_173 = tpu.vector_load %arg8[%swap3A_170, %swap3A_171, %swap3A_172] {strides = array<i32>} : memref<7x128x32xf32, #tpu.memory_space<vmem>>, vector<1x1x16xf32>,
      %swap3A_174 = vector.shape_cast %swap3A_173 : vector<1x1x16xf32> to vector<16xf32>
      %swap3A_175 = vector.shape_cast %broadcast_in_dim3A_169 : vector<16xf32> to vector<1x1x16xf32>
      tpu.vector_store %arg8[%swap3A_170, %swap3A_171, %swap3A_172], %swap3A_175 {strides = array<i32>} : memref<7x128x32xf32, #tpu.memory_space<vmem>>, vector<1x1x16xf32>,
      %broadcast_in_dim3A_176 = arith.constant 0.000000e+00 : f32
      %broadcast_in_dim3A_177 = vector.broadcast %broadcast_in_dim3A_176 : f32 to vector<16xf32>
      %swap3A_178 = arith.constant 0 : i32
      %swap3A_179 = arith.index_cast %swap3A_178 : i32 to index
      %swap3A_180 = arith.index_cast %add3A_168 : i32 to index
      %swap3A_181 = arith.constant 16 : index
      %swap3A_182 = tpu.vector_load %arg8[%swap3A_179, %swap3A_180, %swap3A_181] {strides = array<i32>} : memref<7x128x32xf32, #tpu.memory_space<vmem>>, vector<1x1x16xf32>,
      %swap3A_183 = vector.shape_cast %swap3A_182 : vector<1x1x16xf32> to vector<16xf32>
      %swap3A_184 = vector.shape_cast %broadcast_in_dim3A_177 : vector<16xf32> to vector<1x1x16xf32>
      tpu.vector_store %arg8[%swap3A_179, %swap3A_180, %swap3A_181], %swap3A_184 {strides = array<i32>} : memref<7x128x32xf32, #tpu.memory_space<vmem>>, vector<1x1x16xf32>,
    }
    %scan3A_140 = arith.constant 128 : i32
    %scan3A_141 = arith.constant 0 : i32
    %scan3A_142 = arith.constant 13 : i32
    %scan3A_143 = arith.addi %scan3A_141, %scan3A_142 : i32
    %scan3A_144 = arith.constant 1 : i32
    scf.for %scan3A_164 = %scan3A_141 to %scan3A_143 step %scan3A_144  : i32 {
      %mul3A_165 = arith.constant 1 : i32
      %mul3A_166 = arith.muli %scan3A_164, %mul3A_165 : i32
      %add3A_167 = arith.constant 0 : i32
      %add3A_168 = arith.addi %add3A_167, %mul3A_166 : i32
      %mul3A_169 = arith.constant 1664 : i32
      %mul3A_170 = arith.muli %arg1, %mul3A_169 : i32
      %mul3A_171 = arith.constant 128 : i32
      %mul3A_172 = arith.muli %add3A_168, %mul3A_171 : i32
      %add3A_173 = arith.addi %mul3A_170, %mul3A_172 : i32
      %run_scoped3A = arith.constant 0 : i32
      "tpu.region"() ({
        %run_scoped3A_174 = tpu.sem_alloc : memref<!tpu.dma_semaphore, #tpu.memory_space<semaphore_mem>>
        %dma_start3A_175 = arith.constant 0 : i32
        %dma_start3A_176 = arith.constant 0 : i32
        %dma_start3A_177 = tpu.memref_slice %arg8[%run_scoped3A, %dma_start3A_175, %dma_start3A_176] : memref<7x128x32xf32, #tpu.memory_space<vmem>> -> memref<1x128x32xf32, #tpu.memory_space<vmem>>
        %dma_start3A_178 = tpu.memref_squeeze %dma_start3A_177 : memref<1x128x32xf32, #tpu.memory_space<vmem>> -> memref<128x32xf32, #tpu.memory_space<vmem>>
        %dma_start3A_179 = arith.constant 0 : i32
        %dma_start3A_180 = tpu.memref_slice %arg9[%add3A_173, %dma_start3A_179] : memref<26624x32xf32, #tpu.memory_space<vmem_shared>> -> memref<128x32xf32, #tpu.memory_space<vmem_shared>>
        %dma_start3A_181 = arith.constant 0 : i32
        %dma_start3A_182 = tpu.memref_slice %arg9[%add3A_173, %dma_start3A_181] : memref<26624x32xf32, #tpu.memory_space<vmem_shared>> -> memref<128x32xf32, #tpu.memory_space<vmem_shared>>
        %dma_start3A_183 = arith.constant 0 : i32
        %dma_start3A_184 = arith.constant 0 : i32
        %dma_start3A_185 = tpu.memref_slice %arg8[%run_scoped3A, %dma_start3A_183, %dma_start3A_184] : memref<7x128x32xf32, #tpu.memory_space<vmem>> -> memref<1x128x32xf32, #tpu.memory_space<vmem>>
        %dma_start3A_186 = tpu.memref_squeeze %dma_start3A_185 : memref<1x128x32xf32, #tpu.memory_space<vmem>> -> memref<128x32xf32, #tpu.memory_space<vmem>>
        tpu.enqueue_dma source(%dma_start3A_186 : memref<128x32xf32, #tpu.memory_space<vmem>>) target(%dma_start3A_182 : memref<128x32xf32, #tpu.memory_space<vmem_shared>>) target_semaphore(%run_scoped3A_174 : memref<!tpu.dma_semaphore, #tpu.memory_space<semaphore_mem>>)
        %dma_wait3A = arith.constant 0 : i32
        %dma_wait3A_187 = arith.constant 0 : i32
        %dma_wait3A_188 = tpu.memref_slice %arg8[%run_scoped3A, %dma_wait3A, %dma_wait3A_187] : memref<7x128x32xf32, #tpu.memory_space<vmem>> -> memref<1x128x32xf32, #tpu.memory_space<vmem>>
        %dma_wait3A_189 = tpu.memref_squeeze %dma_wait3A_188 : memref<1x128x32xf32, #tpu.memory_space<vmem>> -> memref<128x32xf32, #tpu.memory_space<vmem>>
        %dma_wait3A_190 = arith.constant 0 : i32
        %dma_wait3A_191 = tpu.memref_slice %arg9[%add3A_173, %dma_wait3A_190] : memref<26624x32xf32, #tpu.memory_space<vmem_shared>> -> memref<128x32xf32, #tpu.memory_space<vmem_shared>>
        %dma_wait3A_192 = arith.constant 0 : i32
        %dma_wait3A_193 = tpu.memref_slice %arg9[%add3A_173, %dma_wait3A_192] : memref<26624x32xf32, #tpu.memory_space<vmem_shared>> -> memref<128x32xf32, #tpu.memory_space<vmem_shared>>
        %dma_wait3A_194 = arith.constant 0 : i32
        %dma_wait3A_195 = arith.constant 0 : i32
        %dma_wait3A_196 = tpu.memref_slice %arg8[%run_scoped3A, %dma_wait3A_194, %dma_wait3A_195] : memref<7x128x32xf32, #tpu.memory_space<vmem>> -> memref<1x128x32xf32, #tpu.memory_space<vmem>>
        %dma_wait3A_197 = tpu.memref_squeeze %dma_wait3A_196 : memref<1x128x32xf32, #tpu.memory_space<vmem>> -> memref<128x32xf32, #tpu.memory_space<vmem>>
        tpu.wait_dma2 semaphore(%run_scoped3A_174 : memref<!tpu.dma_semaphore, #tpu.memory_space<semaphore_mem>>) src(%dma_wait3A_197 : memref<128x32xf32, #tpu.memory_space<vmem>>) dst(%dma_wait3A_193 : memref<128x32xf32, #tpu.memory_space<vmem_shared>>)
        tpu.yield
      }) : () -> ()
    }
    %scan3A_145 = arith.constant 13 : i32
    %barrier3A_146 = arith.constant 0 : index
    tpu.barrier barrier_id(%barrier3A_146)
    %scan3A_147 = arith.constant 0 : i32
    %scan3A_148 = arith.constant 8 : i32
    %scan3A_149 = arith.addi %scan3A_147, %scan3A_148 : i32
    %scan3A_150 = arith.constant 1 : i32
    scf.for %scan3A_164 = %scan3A_147 to %scan3A_149 step %scan3A_150  : i32 {
      %mul3A_165 = arith.constant 1 : i32
      %mul3A_166 = arith.muli %scan3A_164, %mul3A_165 : i32
      %add3A_167 = arith.constant 0 : i32
      %add3A_168 = arith.addi %add3A_167, %mul3A_166 : i32
      %rem3A = arith.constant 2 : i32
      %rem3A_169 = arith.remsi %add3A_168, %rem3A : i32
      %mul3A_170 = arith.constant 49 : i32
      %mul3A_171 = arith.muli %add3A_168, %mul3A_170 : i32
      %dma_wait3A = arith.constant 0 : i32
      %dma_wait3A_172 = arith.constant 0 : i32
      %dma_wait3A_173 = tpu.memref_slice %arg6[%rem3A_169, %dma_wait3A, %dma_wait3A_172] : memref<2x49x128xi32, #tpu.memory_space<vmem>> -> memref<1x49x128xi32, #tpu.memory_space<vmem>>
      %dma_wait3A_174 = tpu.memref_squeeze %dma_wait3A_173 : memref<1x49x128xi32, #tpu.memory_space<vmem>> -> memref<49x128xi32, #tpu.memory_space<vmem>>
      %dma_wait3A_175 = arith.constant 0 : i32
      %dma_wait3A_176 = arith.constant 0 : i32
      %dma_wait3A_177 = tpu.memref_slice %arg3[%arg1, %dma_wait3A_175, %dma_wait3A_176] : memref<16x392x128xi32, #tpu.memory_space<hbm>> -> memref<1x392x128xi32, #tpu.memory_space<hbm>>
      %dma_wait3A_178 = tpu.memref_squeeze %dma_wait3A_177 : memref<1x392x128xi32, #tpu.memory_space<hbm>> -> memref<392x128xi32, #tpu.memory_space<hbm>>
      %dma_wait3A_179 = arith.constant 0 : i32
      %dma_wait3A_180 = tpu.memref_slice %dma_wait3A_178[%mul3A_171, %dma_wait3A_179] : memref<392x128xi32, #tpu.memory_space<hbm>> -> memref<49x128xi32, #tpu.memory_space<hbm>>
      %dma_wait3A_181 = arith.constant 0 : i32
      %dma_wait3A_182 = arith.constant 0 : i32
      %dma_wait3A_183 = tpu.memref_slice %arg6[%rem3A_169, %dma_wait3A_181, %dma_wait3A_182] : memref<2x49x128xi32, #tpu.memory_space<vmem>> -> memref<1x49x128xi32, #tpu.memory_space<vmem>>
      %dma_wait3A_184 = tpu.memref_squeeze %dma_wait3A_183 : memref<1x49x128xi32, #tpu.memory_space<vmem>> -> memref<49x128xi32, #tpu.memory_space<vmem>>
      %dma_wait3A_185 = arith.constant 0 : i32
      %dma_wait3A_186 = arith.constant 0 : i32
      %dma_wait3A_187 = tpu.memref_slice %arg3[%arg1, %dma_wait3A_185, %dma_wait3A_186] : memref<16x392x128xi32, #tpu.memory_space<hbm>> -> memref<1x392x128xi32, #tpu.memory_space<hbm>>
      %dma_wait3A_188 = tpu.memref_squeeze %dma_wait3A_187 : memref<1x392x128xi32, #tpu.memory_space<hbm>> -> memref<392x128xi32, #tpu.memory_space<hbm>>
      %dma_wait3A_189 = arith.constant 0 : i32
      %dma_wait3A_190 = tpu.memref_slice %dma_wait3A_188[%mul3A_171, %dma_wait3A_189] : memref<392x128xi32, #tpu.memory_space<hbm>> -> memref<49x128xi32, #tpu.memory_space<hbm>>
      tpu.wait_dma2 semaphore(%arg10 : memref<!tpu.dma_semaphore, #tpu.memory_space<semaphore_mem>>) src(%dma_wait3A_190 : memref<49x128xi32, #tpu.memory_space<hbm>>) dst(%dma_wait3A_184 : memref<49x128xi32, #tpu.memory_space<vmem>>)
      %mul3A_191 = arith.constant 49 : i32
      %mul3A_192 = arith.muli %add3A_168, %mul3A_191 : i32
      %dma_wait3A_193 = arith.constant 0 : i32
      %dma_wait3A_194 = arith.constant 0 : i32
      %dma_wait3A_195 = tpu.memref_slice %arg7[%rem3A_169, %dma_wait3A_193, %dma_wait3A_194] : memref<2x49x128xi32, #tpu.memory_space<vmem>> -> memref<1x49x128xi32, #tpu.memory_space<vmem>>
      %dma_wait3A_196 = tpu.memref_squeeze %dma_wait3A_195 : memref<1x49x128xi32, #tpu.memory_space<vmem>> -> memref<49x128xi32, #tpu.memory_space<vmem>>
      %dma_wait3A_197 = arith.constant 0 : i32
      %dma_wait3A_198 = arith.constant 0 : i32
      %dma_wait3A_199 = arith.constant 0 : i32
      %dma_wait3A_200 = tpu.memref_slice %arg4[%arg0, %dma_wait3A_197, %dma_wait3A_198, %dma_wait3A_199] : memref<2x16x392x128xi32, #tpu.memory_space<hbm>> -> memref<1x16x392x128xi32, #tpu.memory_space<hbm>>
      %dma_wait3A_201 = tpu.memref_squeeze %dma_wait3A_200 : memref<1x16x392x128xi32, #tpu.memory_space<hbm>> -> memref<16x392x128xi32, #tpu.memory_space<hbm>>
      %dma_wait3A_202 = arith.constant 0 : i32
      %dma_wait3A_203 = arith.constant 0 : i32
      %dma_wait3A_204 = tpu.memref_slice %dma_wait3A_201[%arg1, %dma_wait3A_202, %dma_wait3A_203] : memref<16x392x128xi32, #tpu.memory_space<hbm>> -> memref<1x392x128xi32, #tpu.memory_space<hbm>>
      %dma_wait3A_205 = tpu.memref_squeeze %dma_wait3A_204 : memref<1x392x128xi32, #tpu.memory_space<hbm>> -> memref<392x128xi32, #tpu.memory_space<hbm>>
      %dma_wait3A_206 = arith.constant 0 : i32
      %dma_wait3A_207 = tpu.memref_slice %dma_wait3A_205[%mul3A_192, %dma_wait3A_206] : memref<392x128xi32, #tpu.memory_space<hbm>> -> memref<49x128xi32, #tpu.memory_space<hbm>>
      %dma_wait3A_208 = arith.constant 0 : i32
      %dma_wait3A_209 = arith.constant 0 : i32
      %dma_wait3A_210 = tpu.memref_slice %arg7[%rem3A_169, %dma_wait3A_208, %dma_wait3A_209] : memref<2x49x128xi32, #tpu.memory_space<vmem>> -> memref<1x49x128xi32, #tpu.memory_space<vmem>>
      %dma_wait3A_211 = tpu.memref_squeeze %dma_wait3A_210 : memref<1x49x128xi32, #tpu.memory_space<vmem>> -> memref<49x128xi32, #tpu.memory_space<vmem>>
      %dma_wait3A_212 = arith.constant 0 : i32
      %dma_wait3A_213 = arith.constant 0 : i32
      %dma_wait3A_214 = arith.constant 0 : i32
      %dma_wait3A_215 = tpu.memref_slice %arg4[%arg0, %dma_wait3A_212, %dma_wait3A_213, %dma_wait3A_214] : memref<2x16x392x128xi32, #tpu.memory_space<hbm>> -> memref<1x16x392x128xi32, #tpu.memory_space<hbm>>
      %dma_wait3A_216 = tpu.memref_squeeze %dma_wait3A_215 : memref<1x16x392x128xi32, #tpu.memory_space<hbm>> -> memref<16x392x128xi32, #tpu.memory_space<hbm>>
      %dma_wait3A_217 = arith.constant 0 : i32
      %dma_wait3A_218 = arith.constant 0 : i32
      %dma_wait3A_219 = tpu.memref_slice %dma_wait3A_216[%arg1, %dma_wait3A_217, %dma_wait3A_218] : memref<16x392x128xi32, #tpu.memory_space<hbm>> -> memref<1x392x128xi32, #tpu.memory_space<hbm>>
      %dma_wait3A_220 = tpu.memref_squeeze %dma_wait3A_219 : memref<1x392x128xi32, #tpu.memory_space<hbm>> -> memref<392x128xi32, #tpu.memory_space<hbm>>
      %dma_wait3A_221 = arith.constant 0 : i32
      %dma_wait3A_222 = tpu.memref_slice %dma_wait3A_220[%mul3A_192, %dma_wait3A_221] : memref<392x128xi32, #tpu.memory_space<hbm>> -> memref<49x128xi32, #tpu.memory_space<hbm>>
      tpu.wait_dma2 semaphore(%arg11 : memref<!tpu.dma_semaphore, #tpu.memory_space<semaphore_mem>>) src(%dma_wait3A_222 : memref<49x128xi32, #tpu.memory_space<hbm>>) dst(%dma_wait3A_211 : memref<49x128xi32, #tpu.memory_space<vmem>>)
      %lt3A = arith.constant 7 : i32
      %lt3A_223 = arith.cmpi slt, %add3A_168, %lt3A : i32
      %convert_element_type3A = arith.extui %lt3A_223 : i1 to i32
      %cond3A = arith.constant 0 : i32
      %cond3A_224 = arith.cmpi ne, %convert_element_type3A, %cond3A : i32
      scf.if %cond3A_224 {
        %add3A_342 = arith.constant 1 : i32
        %add3A_343 = arith.addi %add3A_168, %add3A_342 : i32
        %mul3A_344 = arith.constant 49 : i32
        %mul3A_345 = arith.muli %add3A_343, %mul3A_344 : i32
        %sub3A = arith.constant 1 : i32
        %sub3A_346 = arith.subi %sub3A, %rem3A_169 : i32
        %dma_start3A_347 = arith.constant 0 : i32
        %dma_start3A_348 = arith.constant 0 : i32
        %dma_start3A_349 = tpu.memref_slice %arg6[%sub3A_346, %dma_start3A_347, %dma_start3A_348] : memref<2x49x128xi32, #tpu.memory_space<vmem>> -> memref<1x49x128xi32, #tpu.memory_space<vmem>>
        %dma_start3A_350 = tpu.memref_squeeze %dma_start3A_349 : memref<1x49x128xi32, #tpu.memory_space<vmem>> -> memref<49x128xi32, #tpu.memory_space<vmem>>
        %dma_start3A_351 = arith.constant 0 : i32
        %dma_start3A_352 = arith.constant 0 : i32
        %dma_start3A_353 = tpu.memref_slice %arg3[%arg1, %dma_start3A_351, %dma_start3A_352] : memref<16x392x128xi32, #tpu.memory_space<hbm>> -> memref<1x392x128xi32, #tpu.memory_space<hbm>>
        %dma_start3A_354 = tpu.memref_squeeze %dma_start3A_353 : memref<1x392x128xi32, #tpu.memory_space<hbm>> -> memref<392x128xi32, #tpu.memory_space<hbm>>
        %dma_start3A_355 = arith.constant 0 : i32
        %dma_start3A_356 = tpu.memref_slice %dma_start3A_354[%mul3A_345, %dma_start3A_355] : memref<392x128xi32, #tpu.memory_space<hbm>> -> memref<49x128xi32, #tpu.memory_space<hbm>>
        %dma_start3A_357 = arith.constant 0 : i32
        %dma_start3A_358 = arith.constant 0 : i32
        %dma_start3A_359 = tpu.memref_slice %arg6[%sub3A_346, %dma_start3A_357, %dma_start3A_358] : memref<2x49x128xi32, #tpu.memory_space<vmem>> -> memref<1x49x128xi32, #tpu.memory_space<vmem>>
        %dma_start3A_360 = tpu.memref_squeeze %dma_start3A_359 : memref<1x49x128xi32, #tpu.memory_space<vmem>> -> memref<49x128xi32, #tpu.memory_space<vmem>>
        %dma_start3A_361 = arith.constant 0 : i32
        %dma_start3A_362 = arith.constant 0 : i32
        %dma_start3A_363 = tpu.memref_slice %arg3[%arg1, %dma_start3A_361, %dma_start3A_362] : memref<16x392x128xi32, #tpu.memory_space<hbm>> -> memref<1x392x128xi32, #tpu.memory_space<hbm>>
        %dma_start3A_364 = tpu.memref_squeeze %dma_start3A_363 : memref<1x392x128xi32, #tpu.memory_space<hbm>> -> memref<392x128xi32, #tpu.memory_space<hbm>>
        %dma_start3A_365 = arith.constant 0 : i32
        %dma_start3A_366 = tpu.memref_slice %dma_start3A_364[%mul3A_345, %dma_start3A_365] : memref<392x128xi32, #tpu.memory_space<hbm>> -> memref<49x128xi32, #tpu.memory_space<hbm>>
        tpu.enqueue_dma source(%dma_start3A_366 : memref<49x128xi32, #tpu.memory_space<hbm>>) target(%dma_start3A_360 : memref<49x128xi32, #tpu.memory_space<vmem>>) target_semaphore(%arg10 : memref<!tpu.dma_semaphore, #tpu.memory_space<semaphore_mem>>)
        %add3A_367 = arith.constant 1 : i32
        %add3A_368 = arith.addi %add3A_168, %add3A_367 : i32
        %mul3A_369 = arith.constant 49 : i32
        %mul3A_370 = arith.muli %add3A_368, %mul3A_369 : i32
        %sub3A_371 = arith.constant 1 : i32
        %sub3A_372 = arith.subi %sub3A_371, %rem3A_169 : i32
        %dma_start3A_373 = arith.constant 0 : i32
        %dma_start3A_374 = arith.constant 0 : i32
        %dma_start3A_375 = tpu.memref_slice %arg7[%sub3A_372, %dma_start3A_373, %dma_start3A_374] : memref<2x49x128xi32, #tpu.memory_space<vmem>> -> memref<1x49x128xi32, #tpu.memory_space<vmem>>
        %dma_start3A_376 = tpu.memref_squeeze %dma_start3A_375 : memref<1x49x128xi32, #tpu.memory_space<vmem>> -> memref<49x128xi32, #tpu.memory_space<vmem>>
        %dma_start3A_377 = arith.constant 0 : i32
        %dma_start3A_378 = arith.constant 0 : i32
        %dma_start3A_379 = arith.constant 0 : i32
        %dma_start3A_380 = tpu.memref_slice %arg4[%arg0, %dma_start3A_377, %dma_start3A_378, %dma_start3A_379] : memref<2x16x392x128xi32, #tpu.memory_space<hbm>> -> memref<1x16x392x128xi32, #tpu.memory_space<hbm>>
        %dma_start3A_381 = tpu.memref_squeeze %dma_start3A_380 : memref<1x16x392x128xi32, #tpu.memory_space<hbm>> -> memref<16x392x128xi32, #tpu.memory_space<hbm>>
        %dma_start3A_382 = arith.constant 0 : i32
        %dma_start3A_383 = arith.constant 0 : i32
        %dma_start3A_384 = tpu.memref_slice %dma_start3A_381[%arg1, %dma_start3A_382, %dma_start3A_383] : memref<16x392x128xi32, #tpu.memory_space<hbm>> -> memref<1x392x128xi32, #tpu.memory_space<hbm>>
        %dma_start3A_385 = tpu.memref_squeeze %dma_start3A_384 : memref<1x392x128xi32, #tpu.memory_space<hbm>> -> memref<392x128xi32, #tpu.memory_space<hbm>>
        %dma_start3A_386 = arith.constant 0 : i32
        %dma_start3A_387 = tpu.memref_slice %dma_start3A_385[%mul3A_370, %dma_start3A_386] : memref<392x128xi32, #tpu.memory_space<hbm>> -> memref<49x128xi32, #tpu.memory_space<hbm>>
        %dma_start3A_388 = arith.constant 0 : i32
        %dma_start3A_389 = arith.constant 0 : i32
        %dma_start3A_390 = tpu.memref_slice %arg7[%sub3A_372, %dma_start3A_388, %dma_start3A_389] : memref<2x49x128xi32, #tpu.memory_space<vmem>> -> memref<1x49x128xi32, #tpu.memory_space<vmem>>
        %dma_start3A_391 = tpu.memref_squeeze %dma_start3A_390 : memref<1x49x128xi32, #tpu.memory_space<vmem>> -> memref<49x128xi32, #tpu.memory_space<vmem>>
        %dma_start3A_392 = arith.constant 0 : i32
        %dma_start3A_393 = arith.constant 0 : i32
        %dma_start3A_394 = arith.constant 0 : i32
        %dma_start3A_395 = tpu.memref_slice %arg4[%arg0, %dma_start3A_392, %dma_start3A_393, %dma_start3A_394] : memref<2x16x392x128xi32, #tpu.memory_space<hbm>> -> memref<1x16x392x128xi32, #tpu.memory_space<hbm>>
        %dma_start3A_396 = tpu.memref_squeeze %dma_start3A_395 : memref<1x16x392x128xi32, #tpu.memory_space<hbm>> -> memref<16x392x128xi32, #tpu.memory_space<hbm>>
        %dma_start3A_397 = arith.constant 0 : i32
        %dma_start3A_398 = arith.constant 0 : i32
        %dma_start3A_399 = tpu.memref_slice %dma_start3A_396[%arg1, %dma_start3A_397, %dma_start3A_398] : memref<16x392x128xi32, #tpu.memory_space<hbm>> -> memref<1x392x128xi32, #tpu.memory_space<hbm>>
        %dma_start3A_400 = tpu.memref_squeeze %dma_start3A_399 : memref<1x392x128xi32, #tpu.memory_space<hbm>> -> memref<392x128xi32, #tpu.memory_space<hbm>>
        %dma_start3A_401 = arith.constant 0 : i32
        %dma_start3A_402 = tpu.memref_slice %dma_start3A_400[%mul3A_370, %dma_start3A_401] : memref<392x128xi32, #tpu.memory_space<hbm>> -> memref<49x128xi32, #tpu.memory_space<hbm>>
        tpu.enqueue_dma source(%dma_start3A_402 : memref<49x128xi32, #tpu.memory_space<hbm>>) target(%dma_start3A_391 : memref<49x128xi32, #tpu.memory_space<vmem>>) target_semaphore(%arg11 : memref<!tpu.dma_semaphore, #tpu.memory_space<semaphore_mem>>)
      } else {
      }
      %scan3A_225 = arith.constant 0 : i32
      %scan3A_226 = arith.constant 7 : i32
      %scan3A_227 = arith.addi %scan3A_225, %scan3A_226 : i32
      %scan3A_228 = arith.constant 1 : i32
      scf.for %scan3A_342 = %scan3A_225 to %scan3A_227 step %scan3A_228  : i32 {
        %mul3A_343 = arith.constant 7 : i32
        %mul3A_344 = arith.muli %scan3A_342, %mul3A_343 : i32
        %add3A_345 = arith.constant 0 : i32
        %add3A_346 = arith.addi %add3A_345, %mul3A_344 : i32
        %gt3A = arith.constant 0 : i32
        %gt3A_347 = arith.cmpi sgt, %add3A_346, %gt3A : i32
        %convert_element_type3A_348 = arith.extui %gt3A_347 : i1 to i32
        %cond3A_349 = arith.constant 0 : i32
        %cond3A_350 = arith.cmpi ne, %convert_element_type3A_348, %cond3A_349 : i32
        scf.if %cond3A_350 {
          %dma_wait3A_736 = arith.constant 0 : i32
          %dma_wait3A_737 = arith.constant 0 : i32
          %dma_wait3A_738 = arith.constant 0 : i32
          %dma_wait3A_739 = arith.constant 0 : i32
          %dma_wait3A_740 = tpu.memref_slice %arg8[%dma_wait3A_736, %dma_wait3A_738, %dma_wait3A_739] : memref<7x128x32xf32, #tpu.memory_space<vmem>> -> memref<1x128x32xf32, #tpu.memory_space<vmem>>
          %dma_wait3A_741 = tpu.memref_squeeze %dma_wait3A_740 : memref<1x128x32xf32, #tpu.memory_space<vmem>> -> memref<128x32xf32, #tpu.memory_space<vmem>>
          %dma_wait3A_742 = arith.constant 0 : i32
          %dma_wait3A_743 = arith.constant 0 : i32
          %dma_wait3A_744 = tpu.memref_slice %arg7[%rem3A_169, %dma_wait3A_742, %dma_wait3A_743] : memref<2x49x128xi32, #tpu.memory_space<vmem>> -> memref<1x49x128xi32, #tpu.memory_space<vmem>>
          %dma_wait3A_745 = tpu.memref_squeeze %dma_wait3A_744 : memref<1x49x128xi32, #tpu.memory_space<vmem>> -> memref<49x128xi32, #tpu.memory_space<vmem>>
          %dma_wait3A_746 = arith.constant 0 : i32
          %dma_wait3A_747 = tpu.memref_slice %dma_wait3A_745[%dma_wait3A_737, %dma_wait3A_746] : memref<49x128xi32, #tpu.memory_space<vmem>> -> memref<1x128xi32, #tpu.memory_space<vmem>>
          %dma_wait3A_748 = tpu.memref_squeeze %dma_wait3A_747 : memref<1x128xi32, #tpu.memory_space<vmem>> -> memref<128xi32, #tpu.memory_space<vmem>>
          %dma_wait3A_749 = arith.constant 0 : i32
          %dma_wait3A_750 = arith.constant 0 : i32
          %dma_wait3A_751 = tpu.memref_slice %arg9[%dma_wait3A_749, %dma_wait3A_750] : memref<26624x32xf32, #tpu.memory_space<vmem_shared>> -> memref<26624x32xf32, #tpu.memory_space<vmem_shared>>
          tpu.wait_indirect_dma semaphore(%arg13 : memref<!tpu.dma_semaphore, #tpu.memory_space<semaphore_mem>>) src(%dma_wait3A_741 : memref<128x32xf32, #tpu.memory_space<vmem>>) dst(%dma_wait3A_751 : memref<26624x32xf32, #tpu.memory_space<vmem_shared>>)
          %dma_wait3A_752 = arith.constant 1 : i32
          %dma_wait3A_753 = arith.constant 0 : i32
          %dma_wait3A_754 = arith.constant 0 : i32
          %dma_wait3A_755 = arith.constant 0 : i32
          %dma_wait3A_756 = tpu.memref_slice %arg8[%dma_wait3A_752, %dma_wait3A_754, %dma_wait3A_755] : memref<7x128x32xf32, #tpu.memory_space<vmem>> -> memref<1x128x32xf32, #tpu.memory_space<vmem>>
          %dma_wait3A_757 = tpu.memref_squeeze %dma_wait3A_756 : memref<1x128x32xf32, #tpu.memory_space<vmem>> -> memref<128x32xf32, #tpu.memory_space<vmem>>
          %dma_wait3A_758 = arith.constant 0 : i32
          %dma_wait3A_759 = arith.constant 0 : i32
          %dma_wait3A_760 = tpu.memref_slice %arg7[%rem3A_169, %dma_wait3A_758, %dma_wait3A_759] : memref<2x49x128xi32, #tpu.memory_space<vmem>> -> memref<1x49x128xi32, #tpu.memory_space<vmem>>
          %dma_wait3A_761 = tpu.memref_squeeze %dma_wait3A_760 : memref<1x49x128xi32, #tpu.memory_space<vmem>> -> memref<49x128xi32, #tpu.memory_space<vmem>>
          %dma_wait3A_762 = arith.constant 0 : i32
          %dma_wait3A_763 = tpu.memref_slice %dma_wait3A_761[%dma_wait3A_753, %dma_wait3A_762] : memref<49x128xi32, #tpu.memory_space<vmem>> -> memref<1x128xi32, #tpu.memory_space<vmem>>
          %dma_wait3A_764 = tpu.memref_squeeze %dma_wait3A_763 : memref<1x128xi32, #tpu.memory_space<vmem>> -> memref<128xi32, #tpu.memory_space<vmem>>
          %dma_wait3A_765 = arith.constant 0 : i32
          %dma_wait3A_766 = arith.constant 0 : i32
          %dma_wait3A_767 = tpu.memref_slice %arg9[%dma_wait3A_765, %dma_wait3A_766] : memref<26624x32xf32, #tpu.memory_space<vmem_shared>> -> memref<26624x32xf32, #tpu.memory_space<vmem_shared>>
          tpu.wait_indirect_dma semaphore(%arg13 : memref<!tpu.dma_semaphore, #tpu.memory_space<semaphore_mem>>) src(%dma_wait3A_757 : memref<128x32xf32, #tpu.memory_space<vmem>>) dst(%dma_wait3A_767 : memref<26624x32xf32, #tpu.memory_space<vmem_shared>>)
          %dma_wait3A_768 = arith.constant 2 : i32
          %dma_wait3A_769 = arith.constant 0 : i32
          %dma_wait3A_770 = arith.constant 0 : i32
          %dma_wait3A_771 = arith.constant 0 : i32
          %dma_wait3A_772 = tpu.memref_slice %arg8[%dma_wait3A_768, %dma_wait3A_770, %dma_wait3A_771] : memref<7x128x32xf32, #tpu.memory_space<vmem>> -> memref<1x128x32xf32, #tpu.memory_space<vmem>>
          %dma_wait3A_773 = tpu.memref_squeeze %dma_wait3A_772 : memref<1x128x32xf32, #tpu.memory_space<vmem>> -> memref<128x32xf32, #tpu.memory_space<vmem>>
          %dma_wait3A_774 = arith.constant 0 : i32
          %dma_wait3A_775 = arith.constant 0 : i32
          %dma_wait3A_776 = tpu.memref_slice %arg7[%rem3A_169, %dma_wait3A_774, %dma_wait3A_775] : memref<2x49x128xi32, #tpu.memory_space<vmem>> -> memref<1x49x128xi32, #tpu.memory_space<vmem>>
          %dma_wait3A_777 = tpu.memref_squeeze %dma_wait3A_776 : memref<1x49x128xi32, #tpu.memory_space<vmem>> -> memref<49x128xi32, #tpu.memory_space<vmem>>
          %dma_wait3A_778 = arith.constant 0 : i32
          %dma_wait3A_779 = tpu.memref_slice %dma_wait3A_777[%dma_wait3A_769, %dma_wait3A_778] : memref<49x128xi32, #tpu.memory_space<vmem>> -> memref<1x128xi32, #tpu.memory_space<vmem>>
          %dma_wait3A_780 = tpu.memref_squeeze %dma_wait3A_779 : memref<1x128xi32, #tpu.memory_space<vmem>> -> memref<128xi32, #tpu.memory_space<vmem>>
          %dma_wait3A_781 = arith.constant 0 : i32
          %dma_wait3A_782 = arith.constant 0 : i32
          %dma_wait3A_783 = tpu.memref_slice %arg9[%dma_wait3A_781, %dma_wait3A_782] : memref<26624x32xf32, #tpu.memory_space<vmem_shared>> -> memref<26624x32xf32, #tpu.memory_space<vmem_shared>>
          tpu.wait_indirect_dma semaphore(%arg13 : memref<!tpu.dma_semaphore, #tpu.memory_space<semaphore_mem>>) src(%dma_wait3A_773 : memref<128x32xf32, #tpu.memory_space<vmem>>) dst(%dma_wait3A_783 : memref<26624x32xf32, #tpu.memory_space<vmem_shared>>)
          %dma_wait3A_784 = arith.constant 3 : i32
          %dma_wait3A_785 = arith.constant 0 : i32
          %dma_wait3A_786 = arith.constant 0 : i32
          %dma_wait3A_787 = arith.constant 0 : i32
          %dma_wait3A_788 = tpu.memref_slice %arg8[%dma_wait3A_784, %dma_wait3A_786, %dma_wait3A_787] : memref<7x128x32xf32, #tpu.memory_space<vmem>> -> memref<1x128x32xf32, #tpu.memory_space<vmem>>
          %dma_wait3A_789 = tpu.memref_squeeze %dma_wait3A_788 : memref<1x128x32xf32, #tpu.memory_space<vmem>> -> memref<128x32xf32, #tpu.memory_space<vmem>>
          %dma_wait3A_790 = arith.constant 0 : i32
          %dma_wait3A_791 = arith.constant 0 : i32
          %dma_wait3A_792 = tpu.memref_slice %arg7[%rem3A_169, %dma_wait3A_790, %dma_wait3A_791] : memref<2x49x128xi32, #tpu.memory_space<vmem>> -> memref<1x49x128xi32, #tpu.memory_space<vmem>>
          %dma_wait3A_793 = tpu.memref_squeeze %dma_wait3A_792 : memref<1x49x128xi32, #tpu.memory_space<vmem>> -> memref<49x128xi32, #tpu.memory_space<vmem>>
          %dma_wait3A_794 = arith.constant 0 : i32
          %dma_wait3A_795 = tpu.memref_slice %dma_wait3A_793[%dma_wait3A_785, %dma_wait3A_794] : memref<49x128xi32, #tpu.memory_space<vmem>> -> memref<1x128xi32, #tpu.memory_space<vmem>>
          %dma_wait3A_796 = tpu.memref_squeeze %dma_wait3A_795 : memref<1x128xi32, #tpu.memory_space<vmem>> -> memref<128xi32, #tpu.memory_space<vmem>>
          %dma_wait3A_797 = arith.constant 0 : i32
          %dma_wait3A_798 = arith.constant 0 : i32
          %dma_wait3A_799 = tpu.memref_slice %arg9[%dma_wait3A_797, %dma_wait3A_798] : memref<26624x32xf32, #tpu.memory_space<vmem_shared>> -> memref<26624x32xf32, #tpu.memory_space<vmem_shared>>
          tpu.wait_indirect_dma semaphore(%arg13 : memref<!tpu.dma_semaphore, #tpu.memory_space<semaphore_mem>>) src(%dma_wait3A_789 : memref<128x32xf32, #tpu.memory_space<vmem>>) dst(%dma_wait3A_799 : memref<26624x32xf32, #tpu.memory_space<vmem_shared>>)
          %dma_wait3A_800 = arith.constant 4 : i32
          %dma_wait3A_801 = arith.constant 0 : i32
          %dma_wait3A_802 = arith.constant 0 : i32
          %dma_wait3A_803 = arith.constant 0 : i32
          %dma_wait3A_804 = tpu.memref_slice %arg8[%dma_wait3A_800, %dma_wait3A_802, %dma_wait3A_803] : memref<7x128x32xf32, #tpu.memory_space<vmem>> -> memref<1x128x32xf32, #tpu.memory_space<vmem>>
          %dma_wait3A_805 = tpu.memref_squeeze %dma_wait3A_804 : memref<1x128x32xf32, #tpu.memory_space<vmem>> -> memref<128x32xf32, #tpu.memory_space<vmem>>
          %dma_wait3A_806 = arith.constant 0 : i32
          %dma_wait3A_807 = arith.constant 0 : i32
          %dma_wait3A_808 = tpu.memref_slice %arg7[%rem3A_169, %dma_wait3A_806, %dma_wait3A_807] : memref<2x49x128xi32, #tpu.memory_space<vmem>> -> memref<1x49x128xi32, #tpu.memory_space<vmem>>
          %dma_wait3A_809 = tpu.memref_squeeze %dma_wait3A_808 : memref<1x49x128xi32, #tpu.memory_space<vmem>> -> memref<49x128xi32, #tpu.memory_space<vmem>>
          %dma_wait3A_810 = arith.constant 0 : i32
          %dma_wait3A_811 = tpu.memref_slice %dma_wait3A_809[%dma_wait3A_801, %dma_wait3A_810] : memref<49x128xi32, #tpu.memory_space<vmem>> -> memref<1x128xi32, #tpu.memory_space<vmem>>
          %dma_wait3A_812 = tpu.memref_squeeze %dma_wait3A_811 : memref<1x128xi32, #tpu.memory_space<vmem>> -> memref<128xi32, #tpu.memory_space<vmem>>
          %dma_wait3A_813 = arith.constant 0 : i32
          %dma_wait3A_814 = arith.constant 0 : i32
          %dma_wait3A_815 = tpu.memref_slice %arg9[%dma_wait3A_813, %dma_wait3A_814] : memref<26624x32xf32, #tpu.memory_space<vmem_shared>> -> memref<26624x32xf32, #tpu.memory_space<vmem_shared>>
          tpu.wait_indirect_dma semaphore(%arg13 : memref<!tpu.dma_semaphore, #tpu.memory_space<semaphore_mem>>) src(%dma_wait3A_805 : memref<128x32xf32, #tpu.memory_space<vmem>>) dst(%dma_wait3A_815 : memref<26624x32xf32, #tpu.memory_space<vmem_shared>>)
          %dma_wait3A_816 = arith.constant 5 : i32
          %dma_wait3A_817 = arith.constant 0 : i32
          %dma_wait3A_818 = arith.constant 0 : i32
          %dma_wait3A_819 = arith.constant 0 : i32
          %dma_wait3A_820 = tpu.memref_slice %arg8[%dma_wait3A_816, %dma_wait3A_818, %dma_wait3A_819] : memref<7x128x32xf32, #tpu.memory_space<vmem>> -> memref<1x128x32xf32, #tpu.memory_space<vmem>>
          %dma_wait3A_821 = tpu.memref_squeeze %dma_wait3A_820 : memref<1x128x32xf32, #tpu.memory_space<vmem>> -> memref<128x32xf32, #tpu.memory_space<vmem>>
          %dma_wait3A_822 = arith.constant 0 : i32
          %dma_wait3A_823 = arith.constant 0 : i32
          %dma_wait3A_824 = tpu.memref_slice %arg7[%rem3A_169, %dma_wait3A_822, %dma_wait3A_823] : memref<2x49x128xi32, #tpu.memory_space<vmem>> -> memref<1x49x128xi32, #tpu.memory_space<vmem>>
          %dma_wait3A_825 = tpu.memref_squeeze %dma_wait3A_824 : memref<1x49x128xi32, #tpu.memory_space<vmem>> -> memref<49x128xi32, #tpu.memory_space<vmem>>
          %dma_wait3A_826 = arith.constant 0 : i32
          %dma_wait3A_827 = tpu.memref_slice %dma_wait3A_825[%dma_wait3A_817, %dma_wait3A_826] : memref<49x128xi32, #tpu.memory_space<vmem>> -> memref<1x128xi32, #tpu.memory_space<vmem>>
          %dma_wait3A_828 = tpu.memref_squeeze %dma_wait3A_827 : memref<1x128xi32, #tpu.memory_space<vmem>> -> memref<128xi32, #tpu.memory_space<vmem>>
          %dma_wait3A_829 = arith.constant 0 : i32
          %dma_wait3A_830 = arith.constant 0 : i32
          %dma_wait3A_831 = tpu.memref_slice %arg9[%dma_wait3A_829, %dma_wait3A_830] : memref<26624x32xf32, #tpu.memory_space<vmem_shared>> -> memref<26624x32xf32, #tpu.memory_space<vmem_shared>>
          tpu.wait_indirect_dma semaphore(%arg13 : memref<!tpu.dma_semaphore, #tpu.memory_space<semaphore_mem>>) src(%dma_wait3A_821 : memref<128x32xf32, #tpu.memory_space<vmem>>) dst(%dma_wait3A_831 : memref<26624x32xf32, #tpu.memory_space<vmem_shared>>)
          %dma_wait3A_832 = arith.constant 6 : i32
          %dma_wait3A_833 = arith.constant 0 : i32
          %dma_wait3A_834 = arith.constant 0 : i32
          %dma_wait3A_835 = arith.constant 0 : i32
          %dma_wait3A_836 = tpu.memref_slice %arg8[%dma_wait3A_832, %dma_wait3A_834, %dma_wait3A_835] : memref<7x128x32xf32, #tpu.memory_space<vmem>> -> memref<1x128x32xf32, #tpu.memory_space<vmem>>
          %dma_wait3A_837 = tpu.memref_squeeze %dma_wait3A_836 : memref<1x128x32xf32, #tpu.memory_space<vmem>> -> memref<128x32xf32, #tpu.memory_space<vmem>>
          %dma_wait3A_838 = arith.constant 0 : i32
          %dma_wait3A_839 = arith.constant 0 : i32
          %dma_wait3A_840 = tpu.memref_slice %arg7[%rem3A_169, %dma_wait3A_838, %dma_wait3A_839] : memref<2x49x128xi32, #tpu.memory_space<vmem>> -> memref<1x49x128xi32, #tpu.memory_space<vmem>>
          %dma_wait3A_841 = tpu.memref_squeeze %dma_wait3A_840 : memref<1x49x128xi32, #tpu.memory_space<vmem>> -> memref<49x128xi32, #tpu.memory_space<vmem>>
          %dma_wait3A_842 = arith.constant 0 : i32
          %dma_wait3A_843 = tpu.memref_slice %dma_wait3A_841[%dma_wait3A_833, %dma_wait3A_842] : memref<49x128xi32, #tpu.memory_space<vmem>> -> memref<1x128xi32, #tpu.memory_space<vmem>>
          %dma_wait3A_844 = tpu.memref_squeeze %dma_wait3A_843 : memref<1x128xi32, #tpu.memory_space<vmem>> -> memref<128xi32, #tpu.memory_space<vmem>>
          %dma_wait3A_845 = arith.constant 0 : i32
          %dma_wait3A_846 = arith.constant 0 : i32
          %dma_wait3A_847 = tpu.memref_slice %arg9[%dma_wait3A_845, %dma_wait3A_846] : memref<26624x32xf32, #tpu.memory_space<vmem_shared>> -> memref<26624x32xf32, #tpu.memory_space<vmem_shared>>
          tpu.wait_indirect_dma semaphore(%arg13 : memref<!tpu.dma_semaphore, #tpu.memory_space<semaphore_mem>>) src(%dma_wait3A_837 : memref<128x32xf32, #tpu.memory_space<vmem>>) dst(%dma_wait3A_847 : memref<26624x32xf32, #tpu.memory_space<vmem_shared>>)
        } else {
        }
        %add3A_351 = arith.constant 0 : i32
        %add3A_352 = arith.addi %add3A_346, %add3A_351 : i32
        %dma_start3A_353 = arith.constant 0 : i32
        %dma_start3A_354 = arith.constant 0 : i32
        %dma_start3A_355 = arith.constant 0 : i32
        %dma_start3A_356 = tpu.memref_slice %arg8[%dma_start3A_353, %dma_start3A_354, %dma_start3A_355] : memref<7x128x32xf32, #tpu.memory_space<vmem>> -> memref<1x128x32xf32, #tpu.memory_space<vmem>>
        %dma_start3A_357 = tpu.memref_squeeze %dma_start3A_356 : memref<1x128x32xf32, #tpu.memory_space<vmem>> -> memref<128x32xf32, #tpu.memory_space<vmem>>
        %dma_start3A_358 = arith.constant 0 : i32
        %dma_start3A_359 = arith.constant 0 : i32
        %dma_start3A_360 = tpu.memref_slice %arg6[%rem3A_169, %dma_start3A_358, %dma_start3A_359] : memref<2x49x128xi32, #tpu.memory_space<vmem>> -> memref<1x49x128xi32, #tpu.memory_space<vmem>>
        %dma_start3A_361 = tpu.memref_squeeze %dma_start3A_360 : memref<1x49x128xi32, #tpu.memory_space<vmem>> -> memref<49x128xi32, #tpu.memory_space<vmem>>
        %dma_start3A_362 = arith.constant 0 : i32
        %dma_start3A_363 = tpu.memref_slice %dma_start3A_361[%add3A_352, %dma_start3A_362] : memref<49x128xi32, #tpu.memory_space<vmem>> -> memref<1x128xi32, #tpu.memory_space<vmem>>
        %dma_start3A_364 = tpu.memref_squeeze %dma_start3A_363 : memref<1x128xi32, #tpu.memory_space<vmem>> -> memref<128xi32, #tpu.memory_space<vmem>>
        %dma_start3A_365 = arith.constant 50000 : i32
        %dma_start3A_366 = arith.constant 0 : i32
        %dma_start3A_367 = tpu.memref_slice %arg2[%dma_start3A_365, %dma_start3A_366] : memref<100000x32xf32, #tpu.memory_space<hbm>> -> memref<50000x32xf32, #tpu.memory_space<hbm>>
        %dma_start3A_368 = arith.constant 0 : i32
        %dma_start3A_369 = arith.constant 0 : i32
        %dma_start3A_370 = tpu.memref_slice %dma_start3A_367[%dma_start3A_368, %dma_start3A_369] : memref<50000x32xf32, #tpu.memory_space<hbm>> -> memref<50000x32xf32, #tpu.memory_space<hbm>>
        tpu.enqueue_indirect_dma source(%dma_start3A_370 : memref<50000x32xf32, #tpu.memory_space<hbm>>) target(%dma_start3A_357 : memref<128x32xf32, #tpu.memory_space<vmem>>) offsets(%dma_start3A_364 : memref<128xi32, #tpu.memory_space<vmem>>) semaphore(%arg12 : memref<!tpu.dma_semaphore, #tpu.memory_space<semaphore_mem>>)
        %add3A_371 = arith.constant 1 : i32
        %add3A_372 = arith.addi %add3A_346, %add3A_371 : i32
        %dma_start3A_373 = arith.constant 1 : i32
        %dma_start3A_374 = arith.constant 0 : i32
        %dma_start3A_375 = arith.constant 0 : i32
        %dma_start3A_376 = tpu.memref_slice %arg8[%dma_start3A_373, %dma_start3A_374, %dma_start3A_375] : memref<7x128x32xf32, #tpu.memory_space<vmem>> -> memref<1x128x32xf32, #tpu.memory_space<vmem>>
        %dma_start3A_377 = tpu.memref_squeeze %dma_start3A_376 : memref<1x128x32xf32, #tpu.memory_space<vmem>> -> memref<128x32xf32, #tpu.memory_space<vmem>>
        %dma_start3A_378 = arith.constant 0 : i32
        %dma_start3A_379 = arith.constant 0 : i32
        %dma_start3A_380 = tpu.memref_slice %arg6[%rem3A_169, %dma_start3A_378, %dma_start3A_379] : memref<2x49x128xi32, #tpu.memory_space<vmem>> -> memref<1x49x128xi32, #tpu.memory_space<vmem>>
        %dma_start3A_381 = tpu.memref_squeeze %dma_start3A_380 : memref<1x49x128xi32, #tpu.memory_space<vmem>> -> memref<49x128xi32, #tpu.memory_space<vmem>>
        %dma_start3A_382 = arith.constant 0 : i32
        %dma_start3A_383 = tpu.memref_slice %dma_start3A_381[%add3A_372, %dma_start3A_382] : memref<49x128xi32, #tpu.memory_space<vmem>> -> memref<1x128xi32, #tpu.memory_space<vmem>>
        %dma_start3A_384 = tpu.memref_squeeze %dma_start3A_383 : memref<1x128xi32, #tpu.memory_space<vmem>> -> memref<128xi32, #tpu.memory_space<vmem>>
        %dma_start3A_385 = arith.constant 50000 : i32
        %dma_start3A_386 = arith.constant 0 : i32
        %dma_start3A_387 = tpu.memref_slice %arg2[%dma_start3A_385, %dma_start3A_386] : memref<100000x32xf32, #tpu.memory_space<hbm>> -> memref<50000x32xf32, #tpu.memory_space<hbm>>
        %dma_start3A_388 = arith.constant 0 : i32
        %dma_start3A_389 = arith.constant 0 : i32
        %dma_start3A_390 = tpu.memref_slice %dma_start3A_387[%dma_start3A_388, %dma_start3A_389] : memref<50000x32xf32, #tpu.memory_space<hbm>> -> memref<50000x32xf32, #tpu.memory_space<hbm>>
        tpu.enqueue_indirect_dma source(%dma_start3A_390 : memref<50000x32xf32, #tpu.memory_space<hbm>>) target(%dma_start3A_377 : memref<128x32xf32, #tpu.memory_space<vmem>>) offsets(%dma_start3A_384 : memref<128xi32, #tpu.memory_space<vmem>>) semaphore(%arg12 : memref<!tpu.dma_semaphore, #tpu.memory_space<semaphore_mem>>)
        %add3A_391 = arith.constant 2 : i32
        %add3A_392 = arith.addi %add3A_346, %add3A_391 : i32
        %dma_start3A_393 = arith.constant 2 : i32
        %dma_start3A_394 = arith.constant 0 : i32
        %dma_start3A_395 = arith.constant 0 : i32
        %dma_start3A_396 = tpu.memref_slice %arg8[%dma_start3A_393, %dma_start3A_394, %dma_start3A_395] : memref<7x128x32xf32, #tpu.memory_space<vmem>> -> memref<1x128x32xf32, #tpu.memory_space<vmem>>
        %dma_start3A_397 = tpu.memref_squeeze %dma_start3A_396 : memref<1x128x32xf32, #tpu.memory_space<vmem>> -> memref<128x32xf32, #tpu.memory_space<vmem>>
        %dma_start3A_398 = arith.constant 0 : i32
        %dma_start3A_399 = arith.constant 0 : i32
        %dma_start3A_400 = tpu.memref_slice %arg6[%rem3A_169, %dma_start3A_398, %dma_start3A_399] : memref<2x49x128xi32, #tpu.memory_space<vmem>> -> memref<1x49x128xi32, #tpu.memory_space<vmem>>
        %dma_start3A_401 = tpu.memref_squeeze %dma_start3A_400 : memref<1x49x128xi32, #tpu.memory_space<vmem>> -> memref<49x128xi32, #tpu.memory_space<vmem>>
        %dma_start3A_402 = arith.constant 0 : i32
        %dma_start3A_403 = tpu.memref_slice %dma_start3A_401[%add3A_392, %dma_start3A_402] : memref<49x128xi32, #tpu.memory_space<vmem>> -> memref<1x128xi32, #tpu.memory_space<vmem>>
        %dma_start3A_404 = tpu.memref_squeeze %dma_start3A_403 : memref<1x128xi32, #tpu.memory_space<vmem>> -> memref<128xi32, #tpu.memory_space<vmem>>
        %dma_start3A_405 = arith.constant 50000 : i32
        %dma_start3A_406 = arith.constant 0 : i32
        %dma_start3A_407 = tpu.memref_slice %arg2[%dma_start3A_405, %dma_start3A_406] : memref<100000x32xf32, #tpu.memory_space<hbm>> -> memref<50000x32xf32, #tpu.memory_space<hbm>>
        %dma_start3A_408 = arith.constant 0 : i32
        %dma_start3A_409 = arith.constant 0 : i32
        %dma_start3A_410 = tpu.memref_slice %dma_start3A_407[%dma_start3A_408, %dma_start3A_409] : memref<50000x32xf32, #tpu.memory_space<hbm>> -> memref<50000x32xf32, #tpu.memory_space<hbm>>
        tpu.enqueue_indirect_dma source(%dma_start3A_410 : memref<50000x32xf32, #tpu.memory_space<hbm>>) target(%dma_start3A_397 : memref<128x32xf32, #tpu.memory_space<vmem>>) offsets(%dma_start3A_404 : memref<128xi32, #tpu.memory_space<vmem>>) semaphore(%arg12 : memref<!tpu.dma_semaphore, #tpu.memory_space<semaphore_mem>>)
        %add3A_411 = arith.constant 3 : i32
        %add3A_412 = arith.addi %add3A_346, %add3A_411 : i32
        %dma_start3A_413 = arith.constant 3 : i32
        %dma_start3A_414 = arith.constant 0 : i32
        %dma_start3A_415 = arith.constant 0 : i32
        %dma_start3A_416 = tpu.memref_slice %arg8[%dma_start3A_413, %dma_start3A_414, %dma_start3A_415] : memref<7x128x32xf32, #tpu.memory_space<vmem>> -> memref<1x128x32xf32, #tpu.memory_space<vmem>>
        %dma_start3A_417 = tpu.memref_squeeze %dma_start3A_416 : memref<1x128x32xf32, #tpu.memory_space<vmem>> -> memref<128x32xf32, #tpu.memory_space<vmem>>
        %dma_start3A_418 = arith.constant 0 : i32
        %dma_start3A_419 = arith.constant 0 : i32
        %dma_start3A_420 = tpu.memref_slice %arg6[%rem3A_169, %dma_start3A_418, %dma_start3A_419] : memref<2x49x128xi32, #tpu.memory_space<vmem>> -> memref<1x49x128xi32, #tpu.memory_space<vmem>>
        %dma_start3A_421 = tpu.memref_squeeze %dma_start3A_420 : memref<1x49x128xi32, #tpu.memory_space<vmem>> -> memref<49x128xi32, #tpu.memory_space<vmem>>
        %dma_start3A_422 = arith.constant 0 : i32
        %dma_start3A_423 = tpu.memref_slice %dma_start3A_421[%add3A_412, %dma_start3A_422] : memref<49x128xi32, #tpu.memory_space<vmem>> -> memref<1x128xi32, #tpu.memory_space<vmem>>
        %dma_start3A_424 = tpu.memref_squeeze %dma_start3A_423 : memref<1x128xi32, #tpu.memory_space<vmem>> -> memref<128xi32, #tpu.memory_space<vmem>>
        %dma_start3A_425 = arith.constant 50000 : i32
        %dma_start3A_426 = arith.constant 0 : i32
        %dma_start3A_427 = tpu.memref_slice %arg2[%dma_start3A_425, %dma_start3A_426] : memref<100000x32xf32, #tpu.memory_space<hbm>> -> memref<50000x32xf32, #tpu.memory_space<hbm>>
        %dma_start3A_428 = arith.constant 0 : i32
        %dma_start3A_429 = arith.constant 0 : i32
        %dma_start3A_430 = tpu.memref_slice %dma_start3A_427[%dma_start3A_428, %dma_start3A_429] : memref<50000x32xf32, #tpu.memory_space<hbm>> -> memref<50000x32xf32, #tpu.memory_space<hbm>>
        tpu.enqueue_indirect_dma source(%dma_start3A_430 : memref<50000x32xf32, #tpu.memory_space<hbm>>) target(%dma_start3A_417 : memref<128x32xf32, #tpu.memory_space<vmem>>) offsets(%dma_start3A_424 : memref<128xi32, #tpu.memory_space<vmem>>) semaphore(%arg12 : memref<!tpu.dma_semaphore, #tpu.memory_space<semaphore_mem>>)
        %add3A_431 = arith.constant 4 : i32
        %add3A_432 = arith.addi %add3A_346, %add3A_431 : i32
        %dma_start3A_433 = arith.constant 4 : i32
        %dma_start3A_434 = arith.constant 0 : i32
        %dma_start3A_435 = arith.constant 0 : i32
        %dma_start3A_436 = tpu.memref_slice %arg8[%dma_start3A_433, %dma_start3A_434, %dma_start3A_435] : memref<7x128x32xf32, #tpu.memory_space<vmem>> -> memref<1x128x32xf32, #tpu.memory_space<vmem>>
        %dma_start3A_437 = tpu.memref_squeeze %dma_start3A_436 : memref<1x128x32xf32, #tpu.memory_space<vmem>> -> memref<128x32xf32, #tpu.memory_space<vmem>>
        %dma_start3A_438 = arith.constant 0 : i32
        %dma_start3A_439 = arith.constant 0 : i32
        %dma_start3A_440 = tpu.memref_slice %arg6[%rem3A_169, %dma_start3A_438, %dma_start3A_439] : memref<2x49x128xi32, #tpu.memory_space<vmem>> -> memref<1x49x128xi32, #tpu.memory_space<vmem>>
        %dma_start3A_441 = tpu.memref_squeeze %dma_start3A_440 : memref<1x49x128xi32, #tpu.memory_space<vmem>> -> memref<49x128xi32, #tpu.memory_space<vmem>>
        %dma_start3A_442 = arith.constant 0 : i32
        %dma_start3A_443 = tpu.memref_slice %dma_start3A_441[%add3A_432, %dma_start3A_442] : memref<49x128xi32, #tpu.memory_space<vmem>> -> memref<1x128xi32, #tpu.memory_space<vmem>>
        %dma_start3A_444 = tpu.memref_squeeze %dma_start3A_443 : memref<1x128xi32, #tpu.memory_space<vmem>> -> memref<128xi32, #tpu.memory_space<vmem>>
        %dma_start3A_445 = arith.constant 50000 : i32
        %dma_start3A_446 = arith.constant 0 : i32
        %dma_start3A_447 = tpu.memref_slice %arg2[%dma_start3A_445, %dma_start3A_446] : memref<100000x32xf32, #tpu.memory_space<hbm>> -> memref<50000x32xf32, #tpu.memory_space<hbm>>
        %dma_start3A_448 = arith.constant 0 : i32
        %dma_start3A_449 = arith.constant 0 : i32
        %dma_start3A_450 = tpu.memref_slice %dma_start3A_447[%dma_start3A_448, %dma_start3A_449] : memref<50000x32xf32, #tpu.memory_space<hbm>> -> memref<50000x32xf32, #tpu.memory_space<hbm>>
        tpu.enqueue_indirect_dma source(%dma_start3A_450 : memref<50000x32xf32, #tpu.memory_space<hbm>>) target(%dma_start3A_437 : memref<128x32xf32, #tpu.memory_space<vmem>>) offsets(%dma_start3A_444 : memref<128xi32, #tpu.memory_space<vmem>>) semaphore(%arg12 : memref<!tpu.dma_semaphore, #tpu.memory_space<semaphore_mem>>)
        %add3A_451 = arith.constant 5 : i32
        %add3A_452 = arith.addi %add3A_346, %add3A_451 : i32
        %dma_start3A_453 = arith.constant 5 : i32
        %dma_start3A_454 = arith.constant 0 : i32
        %dma_start3A_455 = arith.constant 0 : i32
        %dma_start3A_456 = tpu.memref_slice %arg8[%dma_start3A_453, %dma_start3A_454, %dma_start3A_455] : memref<7x128x32xf32, #tpu.memory_space<vmem>> -> memref<1x128x32xf32, #tpu.memory_space<vmem>>
        %dma_start3A_457 = tpu.memref_squeeze %dma_start3A_456 : memref<1x128x32xf32, #tpu.memory_space<vmem>> -> memref<128x32xf32, #tpu.memory_space<vmem>>
        %dma_start3A_458 = arith.constant 0 : i32
        %dma_start3A_459 = arith.constant 0 : i32
        %dma_start3A_460 = tpu.memref_slice %arg6[%rem3A_169, %dma_start3A_458, %dma_start3A_459] : memref<2x49x128xi32, #tpu.memory_space<vmem>> -> memref<1x49x128xi32, #tpu.memory_space<vmem>>
        %dma_start3A_461 = tpu.memref_squeeze %dma_start3A_460 : memref<1x49x128xi32, #tpu.memory_space<vmem>> -> memref<49x128xi32, #tpu.memory_space<vmem>>
        %dma_start3A_462 = arith.constant 0 : i32
        %dma_start3A_463 = tpu.memref_slice %dma_start3A_461[%add3A_452, %dma_start3A_462] : memref<49x128xi32, #tpu.memory_space<vmem>> -> memref<1x128xi32, #tpu.memory_space<vmem>>
        %dma_start3A_464 = tpu.memref_squeeze %dma_start3A_463 : memref<1x128xi32, #tpu.memory_space<vmem>> -> memref<128xi32, #tpu.memory_space<vmem>>
        %dma_start3A_465 = arith.constant 50000 : i32
        %dma_start3A_466 = arith.constant 0 : i32
        %dma_start3A_467 = tpu.memref_slice %arg2[%dma_start3A_465, %dma_start3A_466] : memref<100000x32xf32, #tpu.memory_space<hbm>> -> memref<50000x32xf32, #tpu.memory_space<hbm>>
        %dma_start3A_468 = arith.constant 0 : i32
        %dma_start3A_469 = arith.constant 0 : i32
        %dma_start3A_470 = tpu.memref_slice %dma_start3A_467[%dma_start3A_468, %dma_start3A_469] : memref<50000x32xf32, #tpu.memory_space<hbm>> -> memref<50000x32xf32, #tpu.memory_space<hbm>>
        tpu.enqueue_indirect_dma source(%dma_start3A_470 : memref<50000x32xf32, #tpu.memory_space<hbm>>) target(%dma_start3A_457 : memref<128x32xf32, #tpu.memory_space<vmem>>) offsets(%dma_start3A_464 : memref<128xi32, #tpu.memory_space<vmem>>) semaphore(%arg12 : memref<!tpu.dma_semaphore, #tpu.memory_space<semaphore_mem>>)
        %add3A_471 = arith.constant 6 : i32
        %add3A_472 = arith.addi %add3A_346, %add3A_471 : i32
        %dma_start3A_473 = arith.constant 6 : i32
        %dma_start3A_474 = arith.constant 0 : i32
        %dma_start3A_475 = arith.constant 0 : i32
        %dma_start3A_476 = tpu.memref_slice %arg8[%dma_start3A_473, %dma_start3A_474, %dma_start3A_475] : memref<7x128x32xf32, #tpu.memory_space<vmem>> -> memref<1x128x32xf32, #tpu.memory_space<vmem>>
        %dma_start3A_477 = tpu.memref_squeeze %dma_start3A_476 : memref<1x128x32xf32, #tpu.memory_space<vmem>> -> memref<128x32xf32, #tpu.memory_space<vmem>>
        %dma_start3A_478 = arith.constant 0 : i32
        %dma_start3A_479 = arith.constant 0 : i32
        %dma_start3A_480 = tpu.memref_slice %arg6[%rem3A_169, %dma_start3A_478, %dma_start3A_479] : memref<2x49x128xi32, #tpu.memory_space<vmem>> -> memref<1x49x128xi32, #tpu.memory_space<vmem>>
        %dma_start3A_481 = tpu.memref_squeeze %dma_start3A_480 : memref<1x49x128xi32, #tpu.memory_space<vmem>> -> memref<49x128xi32, #tpu.memory_space<vmem>>
        %dma_start3A_482 = arith.constant 0 : i32
        %dma_start3A_483 = tpu.memref_slice %dma_start3A_481[%add3A_472, %dma_start3A_482] : memref<49x128xi32, #tpu.memory_space<vmem>> -> memref<1x128xi32, #tpu.memory_space<vmem>>
        %dma_start3A_484 = tpu.memref_squeeze %dma_start3A_483 : memref<1x128xi32, #tpu.memory_space<vmem>> -> memref<128xi32, #tpu.memory_space<vmem>>
        %dma_start3A_485 = arith.constant 50000 : i32
        %dma_start3A_486 = arith.constant 0 : i32
        %dma_start3A_487 = tpu.memref_slice %arg2[%dma_start3A_485, %dma_start3A_486] : memref<100000x32xf32, #tpu.memory_space<hbm>> -> memref<50000x32xf32, #tpu.memory_space<hbm>>
        %dma_start3A_488 = arith.constant 0 : i32
        %dma_start3A_489 = arith.constant 0 : i32
        %dma_start3A_490 = tpu.memref_slice %dma_start3A_487[%dma_start3A_488, %dma_start3A_489] : memref<50000x32xf32, #tpu.memory_space<hbm>> -> memref<50000x32xf32, #tpu.memory_space<hbm>>
        tpu.enqueue_indirect_dma source(%dma_start3A_490 : memref<50000x32xf32, #tpu.memory_space<hbm>>) target(%dma_start3A_477 : memref<128x32xf32, #tpu.memory_space<vmem>>) offsets(%dma_start3A_484 : memref<128xi32, #tpu.memory_space<vmem>>) semaphore(%arg12 : memref<!tpu.dma_semaphore, #tpu.memory_space<semaphore_mem>>)
        %dma_wait3A_491 = arith.constant 0 : i32
        %dma_wait3A_492 = arith.constant 0 : i32
        %dma_wait3A_493 = arith.constant 0 : i32
        %dma_wait3A_494 = tpu.memref_slice %arg8[%dma_wait3A_491, %dma_wait3A_492, %dma_wait3A_493] : memref<7x128x32xf32, #tpu.memory_space<vmem>> -> memref<1x128x32xf32, #tpu.memory_space<vmem>>
        %dma_wait3A_495 = tpu.memref_squeeze %dma_wait3A_494 : memref<1x128x32xf32, #tpu.memory_space<vmem>> -> memref<128x32xf32, #tpu.memory_space<vmem>>
        %dma_wait3A_496 = arith.constant 0 : i32
        %dma_wait3A_497 = arith.constant 0 : i32
        %dma_wait3A_498 = tpu.memref_slice %arg6[%rem3A_169, %dma_wait3A_496, %dma_wait3A_497] : memref<2x49x128xi32, #tpu.memory_space<vmem>> -> memref<1x49x128xi32, #tpu.memory_space<vmem>>
        %dma_wait3A_499 = tpu.memref_squeeze %dma_wait3A_498 : memref<1x49x128xi32, #tpu.memory_space<vmem>> -> memref<49x128xi32, #tpu.memory_space<vmem>>
        %dma_wait3A_500 = arith.constant 0 : i32
        %dma_wait3A_501 = tpu.memref_slice %dma_wait3A_499[%add3A_352, %dma_wait3A_500] : memref<49x128xi32, #tpu.memory_space<vmem>> -> memref<1x128xi32, #tpu.memory_space<vmem>>
        %dma_wait3A_502 = tpu.memref_squeeze %dma_wait3A_501 : memref<1x128xi32, #tpu.memory_space<vmem>> -> memref<128xi32, #tpu.memory_space<vmem>>
        %dma_wait3A_503 = arith.constant 50000 : i32
        %dma_wait3A_504 = arith.constant 0 : i32
        %dma_wait3A_505 = tpu.memref_slice %arg2[%dma_wait3A_503, %dma_wait3A_504] : memref<100000x32xf32, #tpu.memory_space<hbm>> -> memref<50000x32xf32, #tpu.memory_space<hbm>>
        %dma_wait3A_506 = arith.constant 0 : i32
        %dma_wait3A_507 = arith.constant 0 : i32
        %dma_wait3A_508 = tpu.memref_slice %dma_wait3A_505[%dma_wait3A_506, %dma_wait3A_507] : memref<50000x32xf32, #tpu.memory_space<hbm>> -> memref<50000x32xf32, #tpu.memory_space<hbm>>
        tpu.wait_indirect_dma semaphore(%arg12 : memref<!tpu.dma_semaphore, #tpu.memory_space<semaphore_mem>>) src(%dma_wait3A_508 : memref<50000x32xf32, #tpu.memory_space<hbm>>) dst(%dma_wait3A_495 : memref<128x32xf32, #tpu.memory_space<vmem>>)
        %add3A_509 = arith.constant 0 : i32
        %add3A_510 = arith.addi %add3A_346, %add3A_509 : i32
        %dma_start3A_511 = arith.constant 0 : i32
        %dma_start3A_512 = arith.constant 0 : i32
        %dma_start3A_513 = arith.constant 0 : i32
        %dma_start3A_514 = tpu.memref_slice %arg8[%dma_start3A_511, %dma_start3A_512, %dma_start3A_513] : memref<7x128x32xf32, #tpu.memory_space<vmem>> -> memref<1x128x32xf32, #tpu.memory_space<vmem>>
        %dma_start3A_515 = tpu.memref_squeeze %dma_start3A_514 : memref<1x128x32xf32, #tpu.memory_space<vmem>> -> memref<128x32xf32, #tpu.memory_space<vmem>>
        %dma_start3A_516 = arith.constant 0 : i32
        %dma_start3A_517 = arith.constant 0 : i32
        %dma_start3A_518 = tpu.memref_slice %arg7[%rem3A_169, %dma_start3A_516, %dma_start3A_517] : memref<2x49x128xi32, #tpu.memory_space<vmem>> -> memref<1x49x128xi32, #tpu.memory_space<vmem>>
        %dma_start3A_519 = tpu.memref_squeeze %dma_start3A_518 : memref<1x49x128xi32, #tpu.memory_space<vmem>> -> memref<49x128xi32, #tpu.memory_space<vmem>>
        %dma_start3A_520 = arith.constant 0 : i32
        %dma_start3A_521 = tpu.memref_slice %dma_start3A_519[%add3A_510, %dma_start3A_520] : memref<49x128xi32, #tpu.memory_space<vmem>> -> memref<1x128xi32, #tpu.memory_space<vmem>>
        %dma_start3A_522 = tpu.memref_squeeze %dma_start3A_521 : memref<1x128xi32, #tpu.memory_space<vmem>> -> memref<128xi32, #tpu.memory_space<vmem>>
        %dma_start3A_523 = arith.constant 0 : i32
        %dma_start3A_524 = arith.constant 0 : i32
        %dma_start3A_525 = tpu.memref_slice %arg9[%dma_start3A_523, %dma_start3A_524] : memref<26624x32xf32, #tpu.memory_space<vmem_shared>> -> memref<26624x32xf32, #tpu.memory_space<vmem_shared>>
        tpu.enqueue_indirect_dma source(%dma_start3A_515 : memref<128x32xf32, #tpu.memory_space<vmem>>) target(%dma_start3A_525 : memref<26624x32xf32, #tpu.memory_space<vmem_shared>>) offsets(%dma_start3A_522 : memref<128xi32, #tpu.memory_space<vmem>>) semaphore(%arg13 : memref<!tpu.dma_semaphore, #tpu.memory_space<semaphore_mem>>) {add = true}
        %dma_wait3A_526 = arith.constant 1 : i32
        %dma_wait3A_527 = arith.constant 0 : i32
        %dma_wait3A_528 = arith.constant 0 : i32
        %dma_wait3A_529 = tpu.memref_slice %arg8[%dma_wait3A_526, %dma_wait3A_527, %dma_wait3A_528] : memref<7x128x32xf32, #tpu.memory_space<vmem>> -> memref<1x128x32xf32, #tpu.memory_space<vmem>>
        %dma_wait3A_530 = tpu.memref_squeeze %dma_wait3A_529 : memref<1x128x32xf32, #tpu.memory_space<vmem>> -> memref<128x32xf32, #tpu.memory_space<vmem>>
        %dma_wait3A_531 = arith.constant 0 : i32
        %dma_wait3A_532 = arith.constant 0 : i32
        %dma_wait3A_533 = tpu.memref_slice %arg6[%rem3A_169, %dma_wait3A_531, %dma_wait3A_532] : memref<2x49x128xi32, #tpu.memory_space<vmem>> -> memref<1x49x128xi32, #tpu.memory_space<vmem>>
        %dma_wait3A_534 = tpu.memref_squeeze %dma_wait3A_533 : memref<1x49x128xi32, #tpu.memory_space<vmem>> -> memref<49x128xi32, #tpu.memory_space<vmem>>
        %dma_wait3A_535 = arith.constant 0 : i32
        %dma_wait3A_536 = tpu.memref_slice %dma_wait3A_534[%add3A_372, %dma_wait3A_535] : memref<49x128xi32, #tpu.memory_space<vmem>> -> memref<1x128xi32, #tpu.memory_space<vmem>>
        %dma_wait3A_537 = tpu.memref_squeeze %dma_wait3A_536 : memref<1x128xi32, #tpu.memory_space<vmem>> -> memref<128xi32, #tpu.memory_space<vmem>>
        %dma_wait3A_538 = arith.constant 50000 : i32
        %dma_wait3A_539 = arith.constant 0 : i32
        %dma_wait3A_540 = tpu.memref_slice %arg2[%dma_wait3A_538, %dma_wait3A_539] : memref<100000x32xf32, #tpu.memory_space<hbm>> -> memref<50000x32xf32, #tpu.memory_space<hbm>>
        %dma_wait3A_541 = arith.constant 0 : i32
        %dma_wait3A_542 = arith.constant 0 : i32
        %dma_wait3A_543 = tpu.memref_slice %dma_wait3A_540[%dma_wait3A_541, %dma_wait3A_542] : memref<50000x32xf32, #tpu.memory_space<hbm>> -> memref<50000x32xf32, #tpu.memory_space<hbm>>
        tpu.wait_indirect_dma semaphore(%arg12 : memref<!tpu.dma_semaphore, #tpu.memory_space<semaphore_mem>>) src(%dma_wait3A_543 : memref<50000x32xf32, #tpu.memory_space<hbm>>) dst(%dma_wait3A_530 : memref<128x32xf32, #tpu.memory_space<vmem>>)
        %add3A_544 = arith.constant 1 : i32
        %add3A_545 = arith.addi %add3A_346, %add3A_544 : i32
        %dma_start3A_546 = arith.constant 1 : i32
        %dma_start3A_547 = arith.constant 0 : i32
        %dma_start3A_548 = arith.constant 0 : i32
        %dma_start3A_549 = tpu.memref_slice %arg8[%dma_start3A_546, %dma_start3A_547, %dma_start3A_548] : memref<7x128x32xf32, #tpu.memory_space<vmem>> -> memref<1x128x32xf32, #tpu.memory_space<vmem>>
        %dma_start3A_550 = tpu.memref_squeeze %dma_start3A_549 : memref<1x128x32xf32, #tpu.memory_space<vmem>> -> memref<128x32xf32, #tpu.memory_space<vmem>>
        %dma_start3A_551 = arith.constant 0 : i32
        %dma_start3A_552 = arith.constant 0 : i32
        %dma_start3A_553 = tpu.memref_slice %arg7[%rem3A_169, %dma_start3A_551, %dma_start3A_552] : memref<2x49x128xi32, #tpu.memory_space<vmem>> -> memref<1x49x128xi32, #tpu.memory_space<vmem>>
        %dma_start3A_554 = tpu.memref_squeeze %dma_start3A_553 : memref<1x49x128xi32, #tpu.memory_space<vmem>> -> memref<49x128xi32, #tpu.memory_space<vmem>>
        %dma_start3A_555 = arith.constant 0 : i32
        %dma_start3A_556 = tpu.memref_slice %dma_start3A_554[%add3A_545, %dma_start3A_555] : memref<49x128xi32, #tpu.memory_space<vmem>> -> memref<1x128xi32, #tpu.memory_space<vmem>>
        %dma_start3A_557 = tpu.memref_squeeze %dma_start3A_556 : memref<1x128xi32, #tpu.memory_space<vmem>> -> memref<128xi32, #tpu.memory_space<vmem>>
        %dma_start3A_558 = arith.constant 0 : i32
        %dma_start3A_559 = arith.constant 0 : i32
        %dma_start3A_560 = tpu.memref_slice %arg9[%dma_start3A_558, %dma_start3A_559] : memref<26624x32xf32, #tpu.memory_space<vmem_shared>> -> memref<26624x32xf32, #tpu.memory_space<vmem_shared>>
        tpu.enqueue_indirect_dma source(%dma_start3A_550 : memref<128x32xf32, #tpu.memory_space<vmem>>) target(%dma_start3A_560 : memref<26624x32xf32, #tpu.memory_space<vmem_shared>>) offsets(%dma_start3A_557 : memref<128xi32, #tpu.memory_space<vmem>>) semaphore(%arg13 : memref<!tpu.dma_semaphore, #tpu.memory_space<semaphore_mem>>) {add = true}
        %dma_wait3A_561 = arith.constant 2 : i32
        %dma_wait3A_562 = arith.constant 0 : i32
        %dma_wait3A_563 = arith.constant 0 : i32
        %dma_wait3A_564 = tpu.memref_slice %arg8[%dma_wait3A_561, %dma_wait3A_562, %dma_wait3A_563] : memref<7x128x32xf32, #tpu.memory_space<vmem>> -> memref<1x128x32xf32, #tpu.memory_space<vmem>>
        %dma_wait3A_565 = tpu.memref_squeeze %dma_wait3A_564 : memref<1x128x32xf32, #tpu.memory_space<vmem>> -> memref<128x32xf32, #tpu.memory_space<vmem>>
        %dma_wait3A_566 = arith.constant 0 : i32
        %dma_wait3A_567 = arith.constant 0 : i32
        %dma_wait3A_568 = tpu.memref_slice %arg6[%rem3A_169, %dma_wait3A_566, %dma_wait3A_567] : memref<2x49x128xi32, #tpu.memory_space<vmem>> -> memref<1x49x128xi32, #tpu.memory_space<vmem>>
        %dma_wait3A_569 = tpu.memref_squeeze %dma_wait3A_568 : memref<1x49x128xi32, #tpu.memory_space<vmem>> -> memref<49x128xi32, #tpu.memory_space<vmem>>
        %dma_wait3A_570 = arith.constant 0 : i32
        %dma_wait3A_571 = tpu.memref_slice %dma_wait3A_569[%add3A_392, %dma_wait3A_570] : memref<49x128xi32, #tpu.memory_space<vmem>> -> memref<1x128xi32, #tpu.memory_space<vmem>>
        %dma_wait3A_572 = tpu.memref_squeeze %dma_wait3A_571 : memref<1x128xi32, #tpu.memory_space<vmem>> -> memref<128xi32, #tpu.memory_space<vmem>>
        %dma_wait3A_573 = arith.constant 50000 : i32
        %dma_wait3A_574 = arith.constant 0 : i32
        %dma_wait3A_575 = tpu.memref_slice %arg2[%dma_wait3A_573, %dma_wait3A_574] : memref<100000x32xf32, #tpu.memory_space<hbm>> -> memref<50000x32xf32, #tpu.memory_space<hbm>>
        %dma_wait3A_576 = arith.constant 0 : i32
        %dma_wait3A_577 = arith.constant 0 : i32
        %dma_wait3A_578 = tpu.memref_slice %dma_wait3A_575[%dma_wait3A_576, %dma_wait3A_577] : memref<50000x32xf32, #tpu.memory_space<hbm>> -> memref<50000x32xf32, #tpu.memory_space<hbm>>
        tpu.wait_indirect_dma semaphore(%arg12 : memref<!tpu.dma_semaphore, #tpu.memory_space<semaphore_mem>>) src(%dma_wait3A_578 : memref<50000x32xf32, #tpu.memory_space<hbm>>) dst(%dma_wait3A_565 : memref<128x32xf32, #tpu.memory_space<vmem>>)
        %add3A_579 = arith.constant 2 : i32
        %add3A_580 = arith.addi %add3A_346, %add3A_579 : i32
        %dma_start3A_581 = arith.constant 2 : i32
        %dma_start3A_582 = arith.constant 0 : i32
        %dma_start3A_583 = arith.constant 0 : i32
        %dma_start3A_584 = tpu.memref_slice %arg8[%dma_start3A_581, %dma_start3A_582, %dma_start3A_583] : memref<7x128x32xf32, #tpu.memory_space<vmem>> -> memref<1x128x32xf32, #tpu.memory_space<vmem>>
        %dma_start3A_585 = tpu.memref_squeeze %dma_start3A_584 : memref<1x128x32xf32, #tpu.memory_space<vmem>> -> memref<128x32xf32, #tpu.memory_space<vmem>>
        %dma_start3A_586 = arith.constant 0 : i32
        %dma_start3A_587 = arith.constant 0 : i32
        %dma_start3A_588 = tpu.memref_slice %arg7[%rem3A_169, %dma_start3A_586, %dma_start3A_587] : memref<2x49x128xi32, #tpu.memory_space<vmem>> -> memref<1x49x128xi32, #tpu.memory_space<vmem>>
        %dma_start3A_589 = tpu.memref_squeeze %dma_start3A_588 : memref<1x49x128xi32, #tpu.memory_space<vmem>> -> memref<49x128xi32, #tpu.memory_space<vmem>>
        %dma_start3A_590 = arith.constant 0 : i32
        %dma_start3A_591 = tpu.memref_slice %dma_start3A_589[%add3A_580, %dma_start3A_590] : memref<49x128xi32, #tpu.memory_space<vmem>> -> memref<1x128xi32, #tpu.memory_space<vmem>>
        %dma_start3A_592 = tpu.memref_squeeze %dma_start3A_591 : memref<1x128xi32, #tpu.memory_space<vmem>> -> memref<128xi32, #tpu.memory_space<vmem>>
        %dma_start3A_593 = arith.constant 0 : i32
        %dma_start3A_594 = arith.constant 0 : i32
        %dma_start3A_595 = tpu.memref_slice %arg9[%dma_start3A_593, %dma_start3A_594] : memref<26624x32xf32, #tpu.memory_space<vmem_shared>> -> memref<26624x32xf32, #tpu.memory_space<vmem_shared>>
        tpu.enqueue_indirect_dma source(%dma_start3A_585 : memref<128x32xf32, #tpu.memory_space<vmem>>) target(%dma_start3A_595 : memref<26624x32xf32, #tpu.memory_space<vmem_shared>>) offsets(%dma_start3A_592 : memref<128xi32, #tpu.memory_space<vmem>>) semaphore(%arg13 : memref<!tpu.dma_semaphore, #tpu.memory_space<semaphore_mem>>) {add = true}
        %dma_wait3A_596 = arith.constant 3 : i32
        %dma_wait3A_597 = arith.constant 0 : i32
        %dma_wait3A_598 = arith.constant 0 : i32
        %dma_wait3A_599 = tpu.memref_slice %arg8[%dma_wait3A_596, %dma_wait3A_597, %dma_wait3A_598] : memref<7x128x32xf32, #tpu.memory_space<vmem>> -> memref<1x128x32xf32, #tpu.memory_space<vmem>>
        %dma_wait3A_600 = tpu.memref_squeeze %dma_wait3A_599 : memref<1x128x32xf32, #tpu.memory_space<vmem>> -> memref<128x32xf32, #tpu.memory_space<vmem>>
        %dma_wait3A_601 = arith.constant 0 : i32
        %dma_wait3A_602 = arith.constant 0 : i32
        %dma_wait3A_603 = tpu.memref_slice %arg6[%rem3A_169, %dma_wait3A_601, %dma_wait3A_602] : memref<2x49x128xi32, #tpu.memory_space<vmem>> -> memref<1x49x128xi32, #tpu.memory_space<vmem>>
        %dma_wait3A_604 = tpu.memref_squeeze %dma_wait3A_603 : memref<1x49x128xi32, #tpu.memory_space<vmem>> -> memref<49x128xi32, #tpu.memory_space<vmem>>
        %dma_wait3A_605 = arith.constant 0 : i32
        %dma_wait3A_606 = tpu.memref_slice %dma_wait3A_604[%add3A_412, %dma_wait3A_605] : memref<49x128xi32, #tpu.memory_space<vmem>> -> memref<1x128xi32, #tpu.memory_space<vmem>>
        %dma_wait3A_607 = tpu.memref_squeeze %dma_wait3A_606 : memref<1x128xi32, #tpu.memory_space<vmem>> -> memref<128xi32, #tpu.memory_space<vmem>>
        %dma_wait3A_608 = arith.constant 50000 : i32
        %dma_wait3A_609 = arith.constant 0 : i32
        %dma_wait3A_610 = tpu.memref_slice %arg2[%dma_wait3A_608, %dma_wait3A_609] : memref<100000x32xf32, #tpu.memory_space<hbm>> -> memref<50000x32xf32, #tpu.memory_space<hbm>>
        %dma_wait3A_611 = arith.constant 0 : i32
        %dma_wait3A_612 = arith.constant 0 : i32
        %dma_wait3A_613 = tpu.memref_slice %dma_wait3A_610[%dma_wait3A_611, %dma_wait3A_612] : memref<50000x32xf32, #tpu.memory_space<hbm>> -> memref<50000x32xf32, #tpu.memory_space<hbm>>
        tpu.wait_indirect_dma semaphore(%arg12 : memref<!tpu.dma_semaphore, #tpu.memory_space<semaphore_mem>>) src(%dma_wait3A_613 : memref<50000x32xf32, #tpu.memory_space<hbm>>) dst(%dma_wait3A_600 : memref<128x32xf32, #tpu.memory_space<vmem>>)
        %add3A_614 = arith.constant 3 : i32
        %add3A_615 = arith.addi %add3A_346, %add3A_614 : i32
        %dma_start3A_616 = arith.constant 3 : i32
        %dma_start3A_617 = arith.constant 0 : i32
        %dma_start3A_618 = arith.constant 0 : i32
        %dma_start3A_619 = tpu.memref_slice %arg8[%dma_start3A_616, %dma_start3A_617, %dma_start3A_618] : memref<7x128x32xf32, #tpu.memory_space<vmem>> -> memref<1x128x32xf32, #tpu.memory_space<vmem>>
        %dma_start3A_620 = tpu.memref_squeeze %dma_start3A_619 : memref<1x128x32xf32, #tpu.memory_space<vmem>> -> memref<128x32xf32, #tpu.memory_space<vmem>>
        %dma_start3A_621 = arith.constant 0 : i32
        %dma_start3A_622 = arith.constant 0 : i32
        %dma_start3A_623 = tpu.memref_slice %arg7[%rem3A_169, %dma_start3A_621, %dma_start3A_622] : memref<2x49x128xi32, #tpu.memory_space<vmem>> -> memref<1x49x128xi32, #tpu.memory_space<vmem>>
        %dma_start3A_624 = tpu.memref_squeeze %dma_start3A_623 : memref<1x49x128xi32, #tpu.memory_space<vmem>> -> memref<49x128xi32, #tpu.memory_space<vmem>>
        %dma_start3A_625 = arith.constant 0 : i32
        %dma_start3A_626 = tpu.memref_slice %dma_start3A_624[%add3A_615, %dma_start3A_625] : memref<49x128xi32, #tpu.memory_space<vmem>> -> memref<1x128xi32, #tpu.memory_space<vmem>>
        %dma_start3A_627 = tpu.memref_squeeze %dma_start3A_626 : memref<1x128xi32, #tpu.memory_space<vmem>> -> memref<128xi32, #tpu.memory_space<vmem>>
        %dma_start3A_628 = arith.constant 0 : i32
        %dma_start3A_629 = arith.constant 0 : i32
        %dma_start3A_630 = tpu.memref_slice %arg9[%dma_start3A_628, %dma_start3A_629] : memref<26624x32xf32, #tpu.memory_space<vmem_shared>> -> memref<26624x32xf32, #tpu.memory_space<vmem_shared>>
        tpu.enqueue_indirect_dma source(%dma_start3A_620 : memref<128x32xf32, #tpu.memory_space<vmem>>) target(%dma_start3A_630 : memref<26624x32xf32, #tpu.memory_space<vmem_shared>>) offsets(%dma_start3A_627 : memref<128xi32, #tpu.memory_space<vmem>>) semaphore(%arg13 : memref<!tpu.dma_semaphore, #tpu.memory_space<semaphore_mem>>) {add = true}
        %dma_wait3A_631 = arith.constant 4 : i32
        %dma_wait3A_632 = arith.constant 0 : i32
        %dma_wait3A_633 = arith.constant 0 : i32
        %dma_wait3A_634 = tpu.memref_slice %arg8[%dma_wait3A_631, %dma_wait3A_632, %dma_wait3A_633] : memref<7x128x32xf32, #tpu.memory_space<vmem>> -> memref<1x128x32xf32, #tpu.memory_space<vmem>>
        %dma_wait3A_635 = tpu.memref_squeeze %dma_wait3A_634 : memref<1x128x32xf32, #tpu.memory_space<vmem>> -> memref<128x32xf32, #tpu.memory_space<vmem>>
        %dma_wait3A_636 = arith.constant 0 : i32
        %dma_wait3A_637 = arith.constant 0 : i32
        %dma_wait3A_638 = tpu.memref_slice %arg6[%rem3A_169, %dma_wait3A_636, %dma_wait3A_637] : memref<2x49x128xi32, #tpu.memory_space<vmem>> -> memref<1x49x128xi32, #tpu.memory_space<vmem>>
        %dma_wait3A_639 = tpu.memref_squeeze %dma_wait3A_638 : memref<1x49x128xi32, #tpu.memory_space<vmem>> -> memref<49x128xi32, #tpu.memory_space<vmem>>
        %dma_wait3A_640 = arith.constant 0 : i32
        %dma_wait3A_641 = tpu.memref_slice %dma_wait3A_639[%add3A_432, %dma_wait3A_640] : memref<49x128xi32, #tpu.memory_space<vmem>> -> memref<1x128xi32, #tpu.memory_space<vmem>>
        %dma_wait3A_642 = tpu.memref_squeeze %dma_wait3A_641 : memref<1x128xi32, #tpu.memory_space<vmem>> -> memref<128xi32, #tpu.memory_space<vmem>>
        %dma_wait3A_643 = arith.constant 50000 : i32
        %dma_wait3A_644 = arith.constant 0 : i32
        %dma_wait3A_645 = tpu.memref_slice %arg2[%dma_wait3A_643, %dma_wait3A_644] : memref<100000x32xf32, #tpu.memory_space<hbm>> -> memref<50000x32xf32, #tpu.memory_space<hbm>>
        %dma_wait3A_646 = arith.constant 0 : i32
        %dma_wait3A_647 = arith.constant 0 : i32
        %dma_wait3A_648 = tpu.memref_slice %dma_wait3A_645[%dma_wait3A_646, %dma_wait3A_647] : memref<50000x32xf32, #tpu.memory_space<hbm>> -> memref<50000x32xf32, #tpu.memory_space<hbm>>
        tpu.wait_indirect_dma semaphore(%arg12 : memref<!tpu.dma_semaphore, #tpu.memory_space<semaphore_mem>>) src(%dma_wait3A_648 : memref<50000x32xf32, #tpu.memory_space<hbm>>) dst(%dma_wait3A_635 : memref<128x32xf32, #tpu.memory_space<vmem>>)
        %add3A_649 = arith.constant 4 : i32
        %add3A_650 = arith.addi %add3A_346, %add3A_649 : i32
        %dma_start3A_651 = arith.constant 4 : i32
        %dma_start3A_652 = arith.constant 0 : i32
        %dma_start3A_653 = arith.constant 0 : i32
        %dma_start3A_654 = tpu.memref_slice %arg8[%dma_start3A_651, %dma_start3A_652, %dma_start3A_653] : memref<7x128x32xf32, #tpu.memory_space<vmem>> -> memref<1x128x32xf32, #tpu.memory_space<vmem>>
        %dma_start3A_655 = tpu.memref_squeeze %dma_start3A_654 : memref<1x128x32xf32, #tpu.memory_space<vmem>> -> memref<128x32xf32, #tpu.memory_space<vmem>>
        %dma_start3A_656 = arith.constant 0 : i32
        %dma_start3A_657 = arith.constant 0 : i32
        %dma_start3A_658 = tpu.memref_slice %arg7[%rem3A_169, %dma_start3A_656, %dma_start3A_657] : memref<2x49x128xi32, #tpu.memory_space<vmem>> -> memref<1x49x128xi32, #tpu.memory_space<vmem>>
        %dma_start3A_659 = tpu.memref_squeeze %dma_start3A_658 : memref<1x49x128xi32, #tpu.memory_space<vmem>> -> memref<49x128xi32, #tpu.memory_space<vmem>>
        %dma_start3A_660 = arith.constant 0 : i32
        %dma_start3A_661 = tpu.memref_slice %dma_start3A_659[%add3A_650, %dma_start3A_660] : memref<49x128xi32, #tpu.memory_space<vmem>> -> memref<1x128xi32, #tpu.memory_space<vmem>>
        %dma_start3A_662 = tpu.memref_squeeze %dma_start3A_661 : memref<1x128xi32, #tpu.memory_space<vmem>> -> memref<128xi32, #tpu.memory_space<vmem>>
        %dma_start3A_663 = arith.constant 0 : i32
        %dma_start3A_664 = arith.constant 0 : i32
        %dma_start3A_665 = tpu.memref_slice %arg9[%dma_start3A_663, %dma_start3A_664] : memref<26624x32xf32, #tpu.memory_space<vmem_shared>> -> memref<26624x32xf32, #tpu.memory_space<vmem_shared>>
        tpu.enqueue_indirect_dma source(%dma_start3A_655 : memref<128x32xf32, #tpu.memory_space<vmem>>) target(%dma_start3A_665 : memref<26624x32xf32, #tpu.memory_space<vmem_shared>>) offsets(%dma_start3A_662 : memref<128xi32, #tpu.memory_space<vmem>>) semaphore(%arg13 : memref<!tpu.dma_semaphore, #tpu.memory_space<semaphore_mem>>) {add = true}
        %dma_wait3A_666 = arith.constant 5 : i32
        %dma_wait3A_667 = arith.constant 0 : i32
        %dma_wait3A_668 = arith.constant 0 : i32
        %dma_wait3A_669 = tpu.memref_slice %arg8[%dma_wait3A_666, %dma_wait3A_667, %dma_wait3A_668] : memref<7x128x32xf32, #tpu.memory_space<vmem>> -> memref<1x128x32xf32, #tpu.memory_space<vmem>>
        %dma_wait3A_670 = tpu.memref_squeeze %dma_wait3A_669 : memref<1x128x32xf32, #tpu.memory_space<vmem>> -> memref<128x32xf32, #tpu.memory_space<vmem>>
        %dma_wait3A_671 = arith.constant 0 : i32
        %dma_wait3A_672 = arith.constant 0 : i32
        %dma_wait3A_673 = tpu.memref_slice %arg6[%rem3A_169, %dma_wait3A_671, %dma_wait3A_672] : memref<2x49x128xi32, #tpu.memory_space<vmem>> -> memref<1x49x128xi32, #tpu.memory_space<vmem>>
        %dma_wait3A_674 = tpu.memref_squeeze %dma_wait3A_673 : memref<1x49x128xi32, #tpu.memory_space<vmem>> -> memref<49x128xi32, #tpu.memory_space<vmem>>
        %dma_wait3A_675 = arith.constant 0 : i32
        %dma_wait3A_676 = tpu.memref_slice %dma_wait3A_674[%add3A_452, %dma_wait3A_675] : memref<49x128xi32, #tpu.memory_space<vmem>> -> memref<1x128xi32, #tpu.memory_space<vmem>>
        %dma_wait3A_677 = tpu.memref_squeeze %dma_wait3A_676 : memref<1x128xi32, #tpu.memory_space<vmem>> -> memref<128xi32, #tpu.memory_space<vmem>>
        %dma_wait3A_678 = arith.constant 50000 : i32
        %dma_wait3A_679 = arith.constant 0 : i32
        %dma_wait3A_680 = tpu.memref_slice %arg2[%dma_wait3A_678, %dma_wait3A_679] : memref<100000x32xf32, #tpu.memory_space<hbm>> -> memref<50000x32xf32, #tpu.memory_space<hbm>>
        %dma_wait3A_681 = arith.constant 0 : i32
        %dma_wait3A_682 = arith.constant 0 : i32
        %dma_wait3A_683 = tpu.memref_slice %dma_wait3A_680[%dma_wait3A_681, %dma_wait3A_682] : memref<50000x32xf32, #tpu.memory_space<hbm>> -> memref<50000x32xf32, #tpu.memory_space<hbm>>
        tpu.wait_indirect_dma semaphore(%arg12 : memref<!tpu.dma_semaphore, #tpu.memory_space<semaphore_mem>>) src(%dma_wait3A_683 : memref<50000x32xf32, #tpu.memory_space<hbm>>) dst(%dma_wait3A_670 : memref<128x32xf32, #tpu.memory_space<vmem>>)
        %add3A_684 = arith.constant 5 : i32
        %add3A_685 = arith.addi %add3A_346, %add3A_684 : i32
        %dma_start3A_686 = arith.constant 5 : i32
        %dma_start3A_687 = arith.constant 0 : i32
        %dma_start3A_688 = arith.constant 0 : i32
        %dma_start3A_689 = tpu.memref_slice %arg8[%dma_start3A_686, %dma_start3A_687, %dma_start3A_688] : memref<7x128x32xf32, #tpu.memory_space<vmem>> -> memref<1x128x32xf32, #tpu.memory_space<vmem>>
        %dma_start3A_690 = tpu.memref_squeeze %dma_start3A_689 : memref<1x128x32xf32, #tpu.memory_space<vmem>> -> memref<128x32xf32, #tpu.memory_space<vmem>>
        %dma_start3A_691 = arith.constant 0 : i32
        %dma_start3A_692 = arith.constant 0 : i32
        %dma_start3A_693 = tpu.memref_slice %arg7[%rem3A_169, %dma_start3A_691, %dma_start3A_692] : memref<2x49x128xi32, #tpu.memory_space<vmem>> -> memref<1x49x128xi32, #tpu.memory_space<vmem>>
        %dma_start3A_694 = tpu.memref_squeeze %dma_start3A_693 : memref<1x49x128xi32, #tpu.memory_space<vmem>> -> memref<49x128xi32, #tpu.memory_space<vmem>>
        %dma_start3A_695 = arith.constant 0 : i32
        %dma_start3A_696 = tpu.memref_slice %dma_start3A_694[%add3A_685, %dma_start3A_695] : memref<49x128xi32, #tpu.memory_space<vmem>> -> memref<1x128xi32, #tpu.memory_space<vmem>>
        %dma_start3A_697 = tpu.memref_squeeze %dma_start3A_696 : memref<1x128xi32, #tpu.memory_space<vmem>> -> memref<128xi32, #tpu.memory_space<vmem>>
        %dma_start3A_698 = arith.constant 0 : i32
        %dma_start3A_699 = arith.constant 0 : i32
        %dma_start3A_700 = tpu.memref_slice %arg9[%dma_start3A_698, %dma_start3A_699] : memref<26624x32xf32, #tpu.memory_space<vmem_shared>> -> memref<26624x32xf32, #tpu.memory_space<vmem_shared>>
        tpu.enqueue_indirect_dma source(%dma_start3A_690 : memref<128x32xf32, #tpu.memory_space<vmem>>) target(%dma_start3A_700 : memref<26624x32xf32, #tpu.memory_space<vmem_shared>>) offsets(%dma_start3A_697 : memref<128xi32, #tpu.memory_space<vmem>>) semaphore(%arg13 : memref<!tpu.dma_semaphore, #tpu.memory_space<semaphore_mem>>) {add = true}
        %dma_wait3A_701 = arith.constant 6 : i32
        %dma_wait3A_702 = arith.constant 0 : i32
        %dma_wait3A_703 = arith.constant 0 : i32
        %dma_wait3A_704 = tpu.memref_slice %arg8[%dma_wait3A_701, %dma_wait3A_702, %dma_wait3A_703] : memref<7x128x32xf32, #tpu.memory_space<vmem>> -> memref<1x128x32xf32, #tpu.memory_space<vmem>>
        %dma_wait3A_705 = tpu.memref_squeeze %dma_wait3A_704 : memref<1x128x32xf32, #tpu.memory_space<vmem>> -> memref<128x32xf32, #tpu.memory_space<vmem>>
        %dma_wait3A_706 = arith.constant 0 : i32
        %dma_wait3A_707 = arith.constant 0 : i32
        %dma_wait3A_708 = tpu.memref_slice %arg6[%rem3A_169, %dma_wait3A_706, %dma_wait3A_707] : memref<2x49x128xi32, #tpu.memory_space<vmem>> -> memref<1x49x128xi32, #tpu.memory_space<vmem>>
        %dma_wait3A_709 = tpu.memref_squeeze %dma_wait3A_708 : memref<1x49x128xi32, #tpu.memory_space<vmem>> -> memref<49x128xi32, #tpu.memory_space<vmem>>
        %dma_wait3A_710 = arith.constant 0 : i32
        %dma_wait3A_711 = tpu.memref_slice %dma_wait3A_709[%add3A_472, %dma_wait3A_710] : memref<49x128xi32, #tpu.memory_space<vmem>> -> memref<1x128xi32, #tpu.memory_space<vmem>>
        %dma_wait3A_712 = tpu.memref_squeeze %dma_wait3A_711 : memref<1x128xi32, #tpu.memory_space<vmem>> -> memref<128xi32, #tpu.memory_space<vmem>>
        %dma_wait3A_713 = arith.constant 50000 : i32
        %dma_wait3A_714 = arith.constant 0 : i32
        %dma_wait3A_715 = tpu.memref_slice %arg2[%dma_wait3A_713, %dma_wait3A_714] : memref<100000x32xf32, #tpu.memory_space<hbm>> -> memref<50000x32xf32, #tpu.memory_space<hbm>>
        %dma_wait3A_716 = arith.constant 0 : i32
        %dma_wait3A_717 = arith.constant 0 : i32
        %dma_wait3A_718 = tpu.memref_slice %dma_wait3A_715[%dma_wait3A_716, %dma_wait3A_717] : memref<50000x32xf32, #tpu.memory_space<hbm>> -> memref<50000x32xf32, #tpu.memory_space<hbm>>
        tpu.wait_indirect_dma semaphore(%arg12 : memref<!tpu.dma_semaphore, #tpu.memory_space<semaphore_mem>>) src(%dma_wait3A_718 : memref<50000x32xf32, #tpu.memory_space<hbm>>) dst(%dma_wait3A_705 : memref<128x32xf32, #tpu.memory_space<vmem>>)
        %add3A_719 = arith.constant 6 : i32
        %add3A_720 = arith.addi %add3A_346, %add3A_719 : i32
        %dma_start3A_721 = arith.constant 6 : i32
        %dma_start3A_722 = arith.constant 0 : i32
        %dma_start3A_723 = arith.constant 0 : i32
        %dma_start3A_724 = tpu.memref_slice %arg8[%dma_start3A_721, %dma_start3A_722, %dma_start3A_723] : memref<7x128x32xf32, #tpu.memory_space<vmem>> -> memref<1x128x32xf32, #tpu.memory_space<vmem>>
        %dma_start3A_725 = tpu.memref_squeeze %dma_start3A_724 : memref<1x128x32xf32, #tpu.memory_space<vmem>> -> memref<128x32xf32, #tpu.memory_space<vmem>>
        %dma_start3A_726 = arith.constant 0 : i32
        %dma_start3A_727 = arith.constant 0 : i32
        %dma_start3A_728 = tpu.memref_slice %arg7[%rem3A_169, %dma_start3A_726, %dma_start3A_727] : memref<2x49x128xi32, #tpu.memory_space<vmem>> -> memref<1x49x128xi32, #tpu.memory_space<vmem>>
        %dma_start3A_729 = tpu.memref_squeeze %dma_start3A_728 : memref<1x49x128xi32, #tpu.memory_space<vmem>> -> memref<49x128xi32, #tpu.memory_space<vmem>>
        %dma_start3A_730 = arith.constant 0 : i32
        %dma_start3A_731 = tpu.memref_slice %dma_start3A_729[%add3A_720, %dma_start3A_730] : memref<49x128xi32, #tpu.memory_space<vmem>> -> memref<1x128xi32, #tpu.memory_space<vmem>>
        %dma_start3A_732 = tpu.memref_squeeze %dma_start3A_731 : memref<1x128xi32, #tpu.memory_space<vmem>> -> memref<128xi32, #tpu.memory_space<vmem>>
        %dma_start3A_733 = arith.constant 0 : i32
        %dma_start3A_734 = arith.constant 0 : i32
        %dma_start3A_735 = tpu.memref_slice %arg9[%dma_start3A_733, %dma_start3A_734] : memref<26624x32xf32, #tpu.memory_space<vmem_shared>> -> memref<26624x32xf32, #tpu.memory_space<vmem_shared>>
        tpu.enqueue_indirect_dma source(%dma_start3A_725 : memref<128x32xf32, #tpu.memory_space<vmem>>) target(%dma_start3A_735 : memref<26624x32xf32, #tpu.memory_space<vmem_shared>>) offsets(%dma_start3A_732 : memref<128xi32, #tpu.memory_space<vmem>>) semaphore(%arg13 : memref<!tpu.dma_semaphore, #tpu.memory_space<semaphore_mem>>) {add = true}
      }
      %scan3A_229 = arith.constant 7 : i32
      %dma_wait3A_230 = arith.constant 0 : i32
      %dma_wait3A_231 = arith.constant 0 : i32
      %dma_wait3A_232 = arith.constant 0 : i32
      %dma_wait3A_233 = arith.constant 0 : i32
      %dma_wait3A_234 = tpu.memref_slice %arg8[%dma_wait3A_230, %dma_wait3A_232, %dma_wait3A_233] : memref<7x128x32xf32, #tpu.memory_space<vmem>> -> memref<1x128x32xf32, #tpu.memory_space<vmem>>
      %dma_wait3A_235 = tpu.memref_squeeze %dma_wait3A_234 : memref<1x128x32xf32, #tpu.memory_space<vmem>> -> memref<128x32xf32, #tpu.memory_space<vmem>>
      %dma_wait3A_236 = arith.constant 0 : i32
      %dma_wait3A_237 = arith.constant 0 : i32
      %dma_wait3A_238 = tpu.memref_slice %arg7[%rem3A_169, %dma_wait3A_236, %dma_wait3A_237] : memref<2x49x128xi32, #tpu.memory_space<vmem>> -> memref<1x49x128xi32, #tpu.memory_space<vmem>>
      %dma_wait3A_239 = tpu.memref_squeeze %dma_wait3A_238 : memref<1x49x128xi32, #tpu.memory_space<vmem>> -> memref<49x128xi32, #tpu.memory_space<vmem>>
      %dma_wait3A_240 = arith.constant 0 : i32
      %dma_wait3A_241 = tpu.memref_slice %dma_wait3A_239[%dma_wait3A_231, %dma_wait3A_240] : memref<49x128xi32, #tpu.memory_space<vmem>> -> memref<1x128xi32, #tpu.memory_space<vmem>>
      %dma_wait3A_242 = tpu.memref_squeeze %dma_wait3A_241 : memref<1x128xi32, #tpu.memory_space<vmem>> -> memref<128xi32, #tpu.memory_space<vmem>>
      %dma_wait3A_243 = arith.constant 0 : i32
      %dma_wait3A_244 = arith.constant 0 : i32
      %dma_wait3A_245 = tpu.memref_slice %arg9[%dma_wait3A_243, %dma_wait3A_244] : memref<26624x32xf32, #tpu.memory_space<vmem_shared>> -> memref<26624x32xf32, #tpu.memory_space<vmem_shared>>
      tpu.wait_indirect_dma semaphore(%arg13 : memref<!tpu.dma_semaphore, #tpu.memory_space<semaphore_mem>>) src(%dma_wait3A_235 : memref<128x32xf32, #tpu.memory_space<vmem>>) dst(%dma_wait3A_245 : memref<26624x32xf32, #tpu.memory_space<vmem_shared>>)
      %dma_wait3A_246 = arith.constant 1 : i32
      %dma_wait3A_247 = arith.constant 0 : i32
      %dma_wait3A_248 = arith.constant 0 : i32
      %dma_wait3A_249 = arith.constant 0 : i32
      %dma_wait3A_250 = tpu.memref_slice %arg8[%dma_wait3A_246, %dma_wait3A_248, %dma_wait3A_249] : memref<7x128x32xf32, #tpu.memory_space<vmem>> -> memref<1x128x32xf32, #tpu.memory_space<vmem>>
      %dma_wait3A_251 = tpu.memref_squeeze %dma_wait3A_250 : memref<1x128x32xf32, #tpu.memory_space<vmem>> -> memref<128x32xf32, #tpu.memory_space<vmem>>
      %dma_wait3A_252 = arith.constant 0 : i32
      %dma_wait3A_253 = arith.constant 0 : i32
      %dma_wait3A_254 = tpu.memref_slice %arg7[%rem3A_169, %dma_wait3A_252, %dma_wait3A_253] : memref<2x49x128xi32, #tpu.memory_space<vmem>> -> memref<1x49x128xi32, #tpu.memory_space<vmem>>
      %dma_wait3A_255 = tpu.memref_squeeze %dma_wait3A_254 : memref<1x49x128xi32, #tpu.memory_space<vmem>> -> memref<49x128xi32, #tpu.memory_space<vmem>>
      %dma_wait3A_256 = arith.constant 0 : i32
      %dma_wait3A_257 = tpu.memref_slice %dma_wait3A_255[%dma_wait3A_247, %dma_wait3A_256] : memref<49x128xi32, #tpu.memory_space<vmem>> -> memref<1x128xi32, #tpu.memory_space<vmem>>
      %dma_wait3A_258 = tpu.memref_squeeze %dma_wait3A_257 : memref<1x128xi32, #tpu.memory_space<vmem>> -> memref<128xi32, #tpu.memory_space<vmem>>
      %dma_wait3A_259 = arith.constant 0 : i32
      %dma_wait3A_260 = arith.constant 0 : i32
      %dma_wait3A_261 = tpu.memref_slice %arg9[%dma_wait3A_259, %dma_wait3A_260] : memref<26624x32xf32, #tpu.memory_space<vmem_shared>> -> memref<26624x32xf32, #tpu.memory_space<vmem_shared>>
      tpu.wait_indirect_dma semaphore(%arg13 : memref<!tpu.dma_semaphore, #tpu.memory_space<semaphore_mem>>) src(%dma_wait3A_251 : memref<128x32xf32, #tpu.memory_space<vmem>>) dst(%dma_wait3A_261 : memref<26624x32xf32, #tpu.memory_space<vmem_shared>>)
      %dma_wait3A_262 = arith.constant 2 : i32
      %dma_wait3A_263 = arith.constant 0 : i32
      %dma_wait3A_264 = arith.constant 0 : i32
      %dma_wait3A_265 = arith.constant 0 : i32
      %dma_wait3A_266 = tpu.memref_slice %arg8[%dma_wait3A_262, %dma_wait3A_264, %dma_wait3A_265] : memref<7x128x32xf32, #tpu.memory_space<vmem>> -> memref<1x128x32xf32, #tpu.memory_space<vmem>>
      %dma_wait3A_267 = tpu.memref_squeeze %dma_wait3A_266 : memref<1x128x32xf32, #tpu.memory_space<vmem>> -> memref<128x32xf32, #tpu.memory_space<vmem>>
      %dma_wait3A_268 = arith.constant 0 : i32
      %dma_wait3A_269 = arith.constant 0 : i32
      %dma_wait3A_270 = tpu.memref_slice %arg7[%rem3A_169, %dma_wait3A_268, %dma_wait3A_269] : memref<2x49x128xi32, #tpu.memory_space<vmem>> -> memref<1x49x128xi32, #tpu.memory_space<vmem>>
      %dma_wait3A_271 = tpu.memref_squeeze %dma_wait3A_270 : memref<1x49x128xi32, #tpu.memory_space<vmem>> -> memref<49x128xi32, #tpu.memory_space<vmem>>
      %dma_wait3A_272 = arith.constant 0 : i32
      %dma_wait3A_273 = tpu.memref_slice %dma_wait3A_271[%dma_wait3A_263, %dma_wait3A_272] : memref<49x128xi32, #tpu.memory_space<vmem>> -> memref<1x128xi32, #tpu.memory_space<vmem>>
      %dma_wait3A_274 = tpu.memref_squeeze %dma_wait3A_273 : memref<1x128xi32, #tpu.memory_space<vmem>> -> memref<128xi32, #tpu.memory_space<vmem>>
      %dma_wait3A_275 = arith.constant 0 : i32
      %dma_wait3A_276 = arith.constant 0 : i32
      %dma_wait3A_277 = tpu.memref_slice %arg9[%dma_wait3A_275, %dma_wait3A_276] : memref<26624x32xf32, #tpu.memory_space<vmem_shared>> -> memref<26624x32xf32, #tpu.memory_space<vmem_shared>>
      tpu.wait_indirect_dma semaphore(%arg13 : memref<!tpu.dma_semaphore, #tpu.memory_space<semaphore_mem>>) src(%dma_wait3A_267 : memref<128x32xf32, #tpu.memory_space<vmem>>) dst(%dma_wait3A_277 : memref<26624x32xf32, #tpu.memory_space<vmem_shared>>)
      %dma_wait3A_278 = arith.constant 3 : i32
      %dma_wait3A_279 = arith.constant 0 : i32
      %dma_wait3A_280 = arith.constant 0 : i32
      %dma_wait3A_281 = arith.constant 0 : i32
      %dma_wait3A_282 = tpu.memref_slice %arg8[%dma_wait3A_278, %dma_wait3A_280, %dma_wait3A_281] : memref<7x128x32xf32, #tpu.memory_space<vmem>> -> memref<1x128x32xf32, #tpu.memory_space<vmem>>
      %dma_wait3A_283 = tpu.memref_squeeze %dma_wait3A_282 : memref<1x128x32xf32, #tpu.memory_space<vmem>> -> memref<128x32xf32, #tpu.memory_space<vmem>>
      %dma_wait3A_284 = arith.constant 0 : i32
      %dma_wait3A_285 = arith.constant 0 : i32
      %dma_wait3A_286 = tpu.memref_slice %arg7[%rem3A_169, %dma_wait3A_284, %dma_wait3A_285] : memref<2x49x128xi32, #tpu.memory_space<vmem>> -> memref<1x49x128xi32, #tpu.memory_space<vmem>>
      %dma_wait3A_287 = tpu.memref_squeeze %dma_wait3A_286 : memref<1x49x128xi32, #tpu.memory_space<vmem>> -> memref<49x128xi32, #tpu.memory_space<vmem>>
      %dma_wait3A_288 = arith.constant 0 : i32
      %dma_wait3A_289 = tpu.memref_slice %dma_wait3A_287[%dma_wait3A_279, %dma_wait3A_288] : memref<49x128xi32, #tpu.memory_space<vmem>> -> memref<1x128xi32, #tpu.memory_space<vmem>>
      %dma_wait3A_290 = tpu.memref_squeeze %dma_wait3A_289 : memref<1x128xi32, #tpu.memory_space<vmem>> -> memref<128xi32, #tpu.memory_space<vmem>>
      %dma_wait3A_291 = arith.constant 0 : i32
      %dma_wait3A_292 = arith.constant 0 : i32
      %dma_wait3A_293 = tpu.memref_slice %arg9[%dma_wait3A_291, %dma_wait3A_292] : memref<26624x32xf32, #tpu.memory_space<vmem_shared>> -> memref<26624x32xf32, #tpu.memory_space<vmem_shared>>
      tpu.wait_indirect_dma semaphore(%arg13 : memref<!tpu.dma_semaphore, #tpu.memory_space<semaphore_mem>>) src(%dma_wait3A_283 : memref<128x32xf32, #tpu.memory_space<vmem>>) dst(%dma_wait3A_293 : memref<26624x32xf32, #tpu.memory_space<vmem_shared>>)
      %dma_wait3A_294 = arith.constant 4 : i32
      %dma_wait3A_295 = arith.constant 0 : i32
      %dma_wait3A_296 = arith.constant 0 : i32
      %dma_wait3A_297 = arith.constant 0 : i32
      %dma_wait3A_298 = tpu.memref_slice %arg8[%dma_wait3A_294, %dma_wait3A_296, %dma_wait3A_297] : memref<7x128x32xf32, #tpu.memory_space<vmem>> -> memref<1x128x32xf32, #tpu.memory_space<vmem>>
      %dma_wait3A_299 = tpu.memref_squeeze %dma_wait3A_298 : memref<1x128x32xf32, #tpu.memory_space<vmem>> -> memref<128x32xf32, #tpu.memory_space<vmem>>
      %dma_wait3A_300 = arith.constant 0 : i32
      %dma_wait3A_301 = arith.constant 0 : i32
      %dma_wait3A_302 = tpu.memref_slice %arg7[%rem3A_169, %dma_wait3A_300, %dma_wait3A_301] : memref<2x49x128xi32, #tpu.memory_space<vmem>> -> memref<1x49x128xi32, #tpu.memory_space<vmem>>
      %dma_wait3A_303 = tpu.memref_squeeze %dma_wait3A_302 : memref<1x49x128xi32, #tpu.memory_space<vmem>> -> memref<49x128xi32, #tpu.memory_space<vmem>>
      %dma_wait3A_304 = arith.constant 0 : i32
      %dma_wait3A_305 = tpu.memref_slice %dma_wait3A_303[%dma_wait3A_295, %dma_wait3A_304] : memref<49x128xi32, #tpu.memory_space<vmem>> -> memref<1x128xi32, #tpu.memory_space<vmem>>
      %dma_wait3A_306 = tpu.memref_squeeze %dma_wait3A_305 : memref<1x128xi32, #tpu.memory_space<vmem>> -> memref<128xi32, #tpu.memory_space<vmem>>
      %dma_wait3A_307 = arith.constant 0 : i32
      %dma_wait3A_308 = arith.constant 0 : i32
      %dma_wait3A_309 = tpu.memref_slice %arg9[%dma_wait3A_307, %dma_wait3A_308] : memref<26624x32xf32, #tpu.memory_space<vmem_shared>> -> memref<26624x32xf32, #tpu.memory_space<vmem_shared>>
      tpu.wait_indirect_dma semaphore(%arg13 : memref<!tpu.dma_semaphore, #tpu.memory_space<semaphore_mem>>) src(%dma_wait3A_299 : memref<128x32xf32, #tpu.memory_space<vmem>>) dst(%dma_wait3A_309 : memref<26624x32xf32, #tpu.memory_space<vmem_shared>>)
      %dma_wait3A_310 = arith.constant 5 : i32
      %dma_wait3A_311 = arith.constant 0 : i32
      %dma_wait3A_312 = arith.constant 0 : i32
      %dma_wait3A_313 = arith.constant 0 : i32
      %dma_wait3A_314 = tpu.memref_slice %arg8[%dma_wait3A_310, %dma_wait3A_312, %dma_wait3A_313] : memref<7x128x32xf32, #tpu.memory_space<vmem>> -> memref<1x128x32xf32, #tpu.memory_space<vmem>>
      %dma_wait3A_315 = tpu.memref_squeeze %dma_wait3A_314 : memref<1x128x32xf32, #tpu.memory_space<vmem>> -> memref<128x32xf32, #tpu.memory_space<vmem>>
      %dma_wait3A_316 = arith.constant 0 : i32
      %dma_wait3A_317 = arith.constant 0 : i32
      %dma_wait3A_318 = tpu.memref_slice %arg7[%rem3A_169, %dma_wait3A_316, %dma_wait3A_317] : memref<2x49x128xi32, #tpu.memory_space<vmem>> -> memref<1x49x128xi32, #tpu.memory_space<vmem>>
      %dma_wait3A_319 = tpu.memref_squeeze %dma_wait3A_318 : memref<1x49x128xi32, #tpu.memory_space<vmem>> -> memref<49x128xi32, #tpu.memory_space<vmem>>
      %dma_wait3A_320 = arith.constant 0 : i32
      %dma_wait3A_321 = tpu.memref_slice %dma_wait3A_319[%dma_wait3A_311, %dma_wait3A_320] : memref<49x128xi32, #tpu.memory_space<vmem>> -> memref<1x128xi32, #tpu.memory_space<vmem>>
      %dma_wait3A_322 = tpu.memref_squeeze %dma_wait3A_321 : memref<1x128xi32, #tpu.memory_space<vmem>> -> memref<128xi32, #tpu.memory_space<vmem>>
      %dma_wait3A_323 = arith.constant 0 : i32
      %dma_wait3A_324 = arith.constant 0 : i32
      %dma_wait3A_325 = tpu.memref_slice %arg9[%dma_wait3A_323, %dma_wait3A_324] : memref<26624x32xf32, #tpu.memory_space<vmem_shared>> -> memref<26624x32xf32, #tpu.memory_space<vmem_shared>>
      tpu.wait_indirect_dma semaphore(%arg13 : memref<!tpu.dma_semaphore, #tpu.memory_space<semaphore_mem>>) src(%dma_wait3A_315 : memref<128x32xf32, #tpu.memory_space<vmem>>) dst(%dma_wait3A_325 : memref<26624x32xf32, #tpu.memory_space<vmem_shared>>)
      %dma_wait3A_326 = arith.constant 6 : i32
      %dma_wait3A_327 = arith.constant 0 : i32
      %dma_wait3A_328 = arith.constant 0 : i32
      %dma_wait3A_329 = arith.constant 0 : i32
      %dma_wait3A_330 = tpu.memref_slice %arg8[%dma_wait3A_326, %dma_wait3A_328, %dma_wait3A_329] : memref<7x128x32xf32, #tpu.memory_space<vmem>> -> memref<1x128x32xf32, #tpu.memory_space<vmem>>
      %dma_wait3A_331 = tpu.memref_squeeze %dma_wait3A_330 : memref<1x128x32xf32, #tpu.memory_space<vmem>> -> memref<128x32xf32, #tpu.memory_space<vmem>>
      %dma_wait3A_332 = arith.constant 0 : i32
      %dma_wait3A_333 = arith.constant 0 : i32
      %dma_wait3A_334 = tpu.memref_slice %arg7[%rem3A_169, %dma_wait3A_332, %dma_wait3A_333] : memref<2x49x128xi32, #tpu.memory_space<vmem>> -> memref<1x49x128xi32, #tpu.memory_space<vmem>>
      %dma_wait3A_335 = tpu.memref_squeeze %dma_wait3A_334 : memref<1x49x128xi32, #tpu.memory_space<vmem>> -> memref<49x128xi32, #tpu.memory_space<vmem>>
      %dma_wait3A_336 = arith.constant 0 : i32
      %dma_wait3A_337 = tpu.memref_slice %dma_wait3A_335[%dma_wait3A_327, %dma_wait3A_336] : memref<49x128xi32, #tpu.memory_space<vmem>> -> memref<1x128xi32, #tpu.memory_space<vmem>>
      %dma_wait3A_338 = tpu.memref_squeeze %dma_wait3A_337 : memref<1x128xi32, #tpu.memory_space<vmem>> -> memref<128xi32, #tpu.memory_space<vmem>>
      %dma_wait3A_339 = arith.constant 0 : i32
      %dma_wait3A_340 = arith.constant 0 : i32
      %dma_wait3A_341 = tpu.memref_slice %arg9[%dma_wait3A_339, %dma_wait3A_340] : memref<26624x32xf32, #tpu.memory_space<vmem_shared>> -> memref<26624x32xf32, #tpu.memory_space<vmem_shared>>
      tpu.wait_indirect_dma semaphore(%arg13 : memref<!tpu.dma_semaphore, #tpu.memory_space<semaphore_mem>>) src(%dma_wait3A_331 : memref<128x32xf32, #tpu.memory_space<vmem>>) dst(%dma_wait3A_341 : memref<26624x32xf32, #tpu.memory_space<vmem_shared>>)
    }
    %scan3A_151 = arith.constant 8 : i32
    %barrier3A_152 = arith.constant 0 : index
    tpu.barrier barrier_id(%barrier3A_152)
    %mul3A_153 = arith.constant 1568 : i32
    %mul3A_154 = arith.muli %arg1, %mul3A_153 : i32
    %mul3A_155 = arith.constant 2 : i32
    %mul3A_156 = arith.muli %arg0, %mul3A_155 : i32
    %add3A_157 = arith.constant 1 : i32
    %add3A_158 = arith.addi %mul3A_156, %add3A_157 : i32
    %mul3A_159 = arith.constant 25088 : i32
    %mul3A_160 = arith.muli %add3A_158, %mul3A_159 : i32
    %mul3A_161 = arith.constant 1568 : i32
    %mul3A_162 = arith.muli %arg1, %mul3A_161 : i32
    %add3A_163 = arith.addi %mul3A_160, %mul3A_162 : i32
    "tpu.region"() ({
      %run_scoped3A = tpu.sem_alloc : memref<!tpu.dma_semaphore, #tpu.memory_space<semaphore_mem>>
      %dma_start3A_164 = arith.constant 0 : i32
      %dma_start3A_165 = tpu.memref_slice %arg5[%add3A_163, %dma_start3A_164] : memref<100352x32xf32, #tpu.memory_space<hbm>> -> memref<1568x32xf32, #tpu.memory_space<hbm>>
      %dma_start3A_166 = arith.constant 0 : i32
      %dma_start3A_167 = tpu.memref_slice %arg9[%mul3A_154, %dma_start3A_166] : memref<26624x32xf32, #tpu.memory_space<vmem_shared>> -> memref<1568x32xf32, #tpu.memory_space<vmem_shared>>
      tpu.enqueue_dma source(%dma_start3A_167 : memref<1568x32xf32, #tpu.memory_space<vmem_shared>>) target(%dma_start3A_165 : memref<1568x32xf32, #tpu.memory_space<hbm>>) target_semaphore(%run_scoped3A : memref<!tpu.dma_semaphore, #tpu.memory_space<semaphore_mem>>)
      %dma_wait3A = arith.constant 0 : i32
      %dma_wait3A_168 = tpu.memref_slice %arg5[%add3A_163, %dma_wait3A] : memref<100352x32xf32, #tpu.memory_space<hbm>> -> memref<1568x32xf32, #tpu.memory_space<hbm>>
      %dma_wait3A_169 = arith.constant 0 : i32
      %dma_wait3A_170 = tpu.memref_slice %arg9[%mul3A_154, %dma_wait3A_169] : memref<26624x32xf32, #tpu.memory_space<vmem_shared>> -> memref<1568x32xf32, #tpu.memory_space<vmem_shared>>
      tpu.wait_dma2 semaphore(%run_scoped3A : memref<!tpu.dma_semaphore, #tpu.memory_space<semaphore_mem>>) src(%dma_wait3A_170 : memref<1568x32xf32, #tpu.memory_space<vmem_shared>>) dst(%dma_wait3A_168 : memref<1568x32xf32, #tpu.memory_space<hbm>>)
      tpu.yield
    }) : () -> ()
    return
  }
}

#map = affine_map<(d0, d1) -> (0, 0, 0, 0)>
#map1 = affine_map<(d0, d1) -> (0, 0)>
module attributes {stable_mosaic.version = 14 : i64} {
  func.func @deg_kernel(%arg0: i32, %arg1: i32, %arg2: memref<2x16x392x128xi32, #tpu.memory_space<hbm>>, %arg3: memref<50176x16xf32, #tpu.memory_space<hbm>>, %arg4: memref<392x128xi32, #tpu.memory_space<vmem>>, %arg5: memref<128x16xf32, #tpu.memory_space<vmem>>, %arg6: memref<128x16xf32, #tpu.memory_space<vmem>>, %arg7: memref<26624x16xf32, #tpu.memory_space<vmem_shared>>, %arg8: memref<!tpu.dma_semaphore, #tpu.memory_space<semaphore_mem>>) attributes {dimension_semantics = [#tpu.dimension_semantics<core_parallel>, #tpu.dimension_semantics<subcore_parallel>], iteration_bounds = array<i64: 2, 16>, scalar_prefetch = 0 : i64, scratch_operands = 5 : i64, tpu.core_type = #tpu.core_type<sc_vector_subcore>, window_params = [{transform_indices = #map}, {transform_indices = #map1}]} {
    %dma_start3A = arith.constant 0 : i32
    %dma_start3A_0 = arith.constant 0 : i32
    %dma_start3A_1 = arith.constant 0 : i32
    %dma_start3A_2 = tpu.memref_slice %arg2[%arg0, %dma_start3A, %dma_start3A_0, %dma_start3A_1] : memref<2x16x392x128xi32, #tpu.memory_space<hbm>> -> memref<1x16x392x128xi32, #tpu.memory_space<hbm>>
    %dma_start3A_3 = tpu.memref_squeeze %dma_start3A_2 : memref<1x16x392x128xi32, #tpu.memory_space<hbm>> -> memref<16x392x128xi32, #tpu.memory_space<hbm>>
    %dma_start3A_4 = arith.constant 0 : i32
    %dma_start3A_5 = arith.constant 0 : i32
    %dma_start3A_6 = tpu.memref_slice %dma_start3A_3[%arg1, %dma_start3A_4, %dma_start3A_5] : memref<16x392x128xi32, #tpu.memory_space<hbm>> -> memref<1x392x128xi32, #tpu.memory_space<hbm>>
    %dma_start3A_7 = tpu.memref_squeeze %dma_start3A_6 : memref<1x392x128xi32, #tpu.memory_space<hbm>> -> memref<392x128xi32, #tpu.memory_space<hbm>>
    %dma_start3A_8 = arith.constant 0 : i32
    %dma_start3A_9 = arith.constant 0 : i32
    %dma_start3A_10 = arith.constant 0 : i32
    %dma_start3A_11 = tpu.memref_slice %arg2[%arg0, %dma_start3A_8, %dma_start3A_9, %dma_start3A_10] : memref<2x16x392x128xi32, #tpu.memory_space<hbm>> -> memref<1x16x392x128xi32, #tpu.memory_space<hbm>>
    %dma_start3A_12 = tpu.memref_squeeze %dma_start3A_11 : memref<1x16x392x128xi32, #tpu.memory_space<hbm>> -> memref<16x392x128xi32, #tpu.memory_space<hbm>>
    %dma_start3A_13 = arith.constant 0 : i32
    %dma_start3A_14 = arith.constant 0 : i32
    %dma_start3A_15 = tpu.memref_slice %dma_start3A_12[%arg1, %dma_start3A_13, %dma_start3A_14] : memref<16x392x128xi32, #tpu.memory_space<hbm>> -> memref<1x392x128xi32, #tpu.memory_space<hbm>>
    %dma_start3A_16 = tpu.memref_squeeze %dma_start3A_15 : memref<1x392x128xi32, #tpu.memory_space<hbm>> -> memref<392x128xi32, #tpu.memory_space<hbm>>
    tpu.enqueue_dma source(%dma_start3A_16 : memref<392x128xi32, #tpu.memory_space<hbm>>) target(%arg4 : memref<392x128xi32, #tpu.memory_space<vmem>>) target_semaphore(%arg8 : memref<!tpu.dma_semaphore, #tpu.memory_space<semaphore_mem>>)
    %scan3A = arith.constant 0 : i32
    %scan3A_17 = arith.constant 128 : i32
    %scan3A_18 = arith.addi %scan3A, %scan3A_17 : i32
    %scan3A_19 = arith.constant 1 : i32
    scf.for %scan3A_54 = %scan3A to %scan3A_18 step %scan3A_19  : i32 {
      %mul3A_55 = arith.constant 1 : i32
      %mul3A_56 = arith.muli %scan3A_54, %mul3A_55 : i32
      %add3A_57 = arith.constant 0 : i32
      %add3A_58 = arith.addi %add3A_57, %mul3A_56 : i32
      %broadcast_in_dim3A = arith.constant 1.000000e+00 : f32
      %broadcast_in_dim3A_59 = vector.broadcast %broadcast_in_dim3A : f32 to vector<16xf32>
      %swap3A = arith.index_cast %add3A_58 : i32 to index
      %swap3A_60 = arith.constant 0 : index
      %swap3A_61 = tpu.vector_load %arg5[%swap3A, %swap3A_60] {strides = array<i32>} : memref<128x16xf32, #tpu.memory_space<vmem>>, vector<1x16xf32>,
      %swap3A_62 = vector.shape_cast %swap3A_61 : vector<1x16xf32> to vector<16xf32>
      %swap3A_63 = vector.shape_cast %broadcast_in_dim3A_59 : vector<16xf32> to vector<1x16xf32>
      tpu.vector_store %arg5[%swap3A, %swap3A_60], %swap3A_63 {strides = array<i32>} : memref<128x16xf32, #tpu.memory_space<vmem>>, vector<1x16xf32>,
      %broadcast_in_dim3A_64 = arith.constant 0.000000e+00 : f32
      %broadcast_in_dim3A_65 = vector.broadcast %broadcast_in_dim3A_64 : f32 to vector<16xf32>
      %swap3A_66 = arith.index_cast %add3A_58 : i32 to index
      %swap3A_67 = arith.constant 0 : index
      %swap3A_68 = tpu.vector_load %arg6[%swap3A_66, %swap3A_67] {strides = array<i32>} : memref<128x16xf32, #tpu.memory_space<vmem>>, vector<1x16xf32>,
      %swap3A_69 = vector.shape_cast %swap3A_68 : vector<1x16xf32> to vector<16xf32>
      %swap3A_70 = vector.shape_cast %broadcast_in_dim3A_65 : vector<16xf32> to vector<1x16xf32>
      tpu.vector_store %arg6[%swap3A_66, %swap3A_67], %swap3A_70 {strides = array<i32>} : memref<128x16xf32, #tpu.memory_space<vmem>>, vector<1x16xf32>,
    }
    %scan3A_20 = arith.constant 128 : i32
    %scan3A_21 = arith.constant 0 : i32
    %scan3A_22 = arith.constant 13 : i32
    %scan3A_23 = arith.addi %scan3A_21, %scan3A_22 : i32
    %scan3A_24 = arith.constant 1 : i32
    scf.for %scan3A_54 = %scan3A_21 to %scan3A_23 step %scan3A_24  : i32 {
      %mul3A_55 = arith.constant 1 : i32
      %mul3A_56 = arith.muli %scan3A_54, %mul3A_55 : i32
      %add3A_57 = arith.constant 0 : i32
      %add3A_58 = arith.addi %add3A_57, %mul3A_56 : i32
      %mul3A_59 = arith.constant 1664 : i32
      %mul3A_60 = arith.muli %arg1, %mul3A_59 : i32
      %mul3A_61 = arith.constant 128 : i32
      %mul3A_62 = arith.muli %add3A_58, %mul3A_61 : i32
      %add3A_63 = arith.addi %mul3A_60, %mul3A_62 : i32
      "tpu.region"() ({
        %run_scoped3A = tpu.sem_alloc : memref<!tpu.dma_semaphore, #tpu.memory_space<semaphore_mem>>
        %dma_start3A_64 = arith.constant 0 : i32
        %dma_start3A_65 = tpu.memref_slice %arg7[%add3A_63, %dma_start3A_64] : memref<26624x16xf32, #tpu.memory_space<vmem_shared>> -> memref<128x16xf32, #tpu.memory_space<vmem_shared>>
        %dma_start3A_66 = arith.constant 0 : i32
        %dma_start3A_67 = tpu.memref_slice %arg7[%add3A_63, %dma_start3A_66] : memref<26624x16xf32, #tpu.memory_space<vmem_shared>> -> memref<128x16xf32, #tpu.memory_space<vmem_shared>>
        tpu.enqueue_dma source(%arg6 : memref<128x16xf32, #tpu.memory_space<vmem>>) target(%dma_start3A_67 : memref<128x16xf32, #tpu.memory_space<vmem_shared>>) target_semaphore(%run_scoped3A : memref<!tpu.dma_semaphore, #tpu.memory_space<semaphore_mem>>)
        %dma_wait3A_68 = arith.constant 0 : i32
        %dma_wait3A_69 = tpu.memref_slice %arg7[%add3A_63, %dma_wait3A_68] : memref<26624x16xf32, #tpu.memory_space<vmem_shared>> -> memref<128x16xf32, #tpu.memory_space<vmem_shared>>
        %dma_wait3A_70 = arith.constant 0 : i32
        %dma_wait3A_71 = tpu.memref_slice %arg7[%add3A_63, %dma_wait3A_70] : memref<26624x16xf32, #tpu.memory_space<vmem_shared>> -> memref<128x16xf32, #tpu.memory_space<vmem_shared>>
        tpu.wait_dma2 semaphore(%run_scoped3A : memref<!tpu.dma_semaphore, #tpu.memory_space<semaphore_mem>>) src(%arg6 : memref<128x16xf32, #tpu.memory_space<vmem>>) dst(%dma_wait3A_71 : memref<128x16xf32, #tpu.memory_space<vmem_shared>>)
        tpu.yield
      }) : () -> ()
    }
    %scan3A_25 = arith.constant 13 : i32
    %dma_wait3A = arith.constant 0 : i32
    %dma_wait3A_26 = arith.constant 0 : i32
    %dma_wait3A_27 = arith.constant 0 : i32
    %dma_wait3A_28 = tpu.memref_slice %arg2[%arg0, %dma_wait3A, %dma_wait3A_26, %dma_wait3A_27] : memref<2x16x392x128xi32, #tpu.memory_space<hbm>> -> memref<1x16x392x128xi32, #tpu.memory_space<hbm>>
    %dma_wait3A_29 = tpu.memref_squeeze %dma_wait3A_28 : memref<1x16x392x128xi32, #tpu.memory_space<hbm>> -> memref<16x392x128xi32, #tpu.memory_space<hbm>>
    %dma_wait3A_30 = arith.constant 0 : i32
    %dma_wait3A_31 = arith.constant 0 : i32
    %dma_wait3A_32 = tpu.memref_slice %dma_wait3A_29[%arg1, %dma_wait3A_30, %dma_wait3A_31] : memref<16x392x128xi32, #tpu.memory_space<hbm>> -> memref<1x392x128xi32, #tpu.memory_space<hbm>>
    %dma_wait3A_33 = tpu.memref_squeeze %dma_wait3A_32 : memref<1x392x128xi32, #tpu.memory_space<hbm>> -> memref<392x128xi32, #tpu.memory_space<hbm>>
    %dma_wait3A_34 = arith.constant 0 : i32
    %dma_wait3A_35 = arith.constant 0 : i32
    %dma_wait3A_36 = arith.constant 0 : i32
    %dma_wait3A_37 = tpu.memref_slice %arg2[%arg0, %dma_wait3A_34, %dma_wait3A_35, %dma_wait3A_36] : memref<2x16x392x128xi32, #tpu.memory_space<hbm>> -> memref<1x16x392x128xi32, #tpu.memory_space<hbm>>
    %dma_wait3A_38 = tpu.memref_squeeze %dma_wait3A_37 : memref<1x16x392x128xi32, #tpu.memory_space<hbm>> -> memref<16x392x128xi32, #tpu.memory_space<hbm>>
    %dma_wait3A_39 = arith.constant 0 : i32
    %dma_wait3A_40 = arith.constant 0 : i32
    %dma_wait3A_41 = tpu.memref_slice %dma_wait3A_38[%arg1, %dma_wait3A_39, %dma_wait3A_40] : memref<16x392x128xi32, #tpu.memory_space<hbm>> -> memref<1x392x128xi32, #tpu.memory_space<hbm>>
    %dma_wait3A_42 = tpu.memref_squeeze %dma_wait3A_41 : memref<1x392x128xi32, #tpu.memory_space<hbm>> -> memref<392x128xi32, #tpu.memory_space<hbm>>
    tpu.wait_dma2 semaphore(%arg8 : memref<!tpu.dma_semaphore, #tpu.memory_space<semaphore_mem>>) src(%dma_wait3A_42 : memref<392x128xi32, #tpu.memory_space<hbm>>) dst(%arg4 : memref<392x128xi32, #tpu.memory_space<vmem>>)
    %barrier3A = arith.constant 0 : index
    tpu.barrier barrier_id(%barrier3A)
    %scan3A_43 = arith.constant 0 : i32
    %scan3A_44 = arith.constant 392 : i32
    %scan3A_45 = arith.addi %scan3A_43, %scan3A_44 : i32
    %scan3A_46 = arith.constant 1 : i32
    scf.for %scan3A_54 = %scan3A_43 to %scan3A_45 step %scan3A_46  : i32 {
      %mul3A_55 = arith.constant 1 : i32
      %mul3A_56 = arith.muli %scan3A_54, %mul3A_55 : i32
      %add3A_57 = arith.constant 0 : i32
      %add3A_58 = arith.addi %add3A_57, %mul3A_56 : i32
      "tpu.region"() ({
        %run_scoped3A = tpu.sem_alloc : memref<!tpu.dma_semaphore, #tpu.memory_space<semaphore_mem>>
        %dma_start3A_59 = arith.constant 0 : i32
        %dma_start3A_60 = tpu.memref_slice %arg4[%add3A_58, %dma_start3A_59] : memref<392x128xi32, #tpu.memory_space<vmem>> -> memref<1x128xi32, #tpu.memory_space<vmem>>
        %dma_start3A_61 = tpu.memref_squeeze %dma_start3A_60 : memref<1x128xi32, #tpu.memory_space<vmem>> -> memref<128xi32, #tpu.memory_space<vmem>>
        %dma_start3A_62 = arith.constant 0 : i32
        %dma_start3A_63 = arith.constant 0 : i32
        %dma_start3A_64 = tpu.memref_slice %arg7[%dma_start3A_62, %dma_start3A_63] : memref<26624x16xf32, #tpu.memory_space<vmem_shared>> -> memref<26624x16xf32, #tpu.memory_space<vmem_shared>>
        tpu.enqueue_indirect_dma source(%arg5 : memref<128x16xf32, #tpu.memory_space<vmem>>) target(%dma_start3A_64 : memref<26624x16xf32, #tpu.memory_space<vmem_shared>>) offsets(%dma_start3A_61 : memref<128xi32, #tpu.memory_space<vmem>>) semaphore(%run_scoped3A : memref<!tpu.dma_semaphore, #tpu.memory_space<semaphore_mem>>) {add = true}
        %dma_wait3A_65 = arith.constant 0 : i32
        %dma_wait3A_66 = tpu.memref_slice %arg4[%add3A_58, %dma_wait3A_65] : memref<392x128xi32, #tpu.memory_space<vmem>> -> memref<1x128xi32, #tpu.memory_space<vmem>>
        %dma_wait3A_67 = tpu.memref_squeeze %dma_wait3A_66 : memref<1x128xi32, #tpu.memory_space<vmem>> -> memref<128xi32, #tpu.memory_space<vmem>>
        %dma_wait3A_68 = arith.constant 0 : i32
        %dma_wait3A_69 = arith.constant 0 : i32
        %dma_wait3A_70 = tpu.memref_slice %arg7[%dma_wait3A_68, %dma_wait3A_69] : memref<26624x16xf32, #tpu.memory_space<vmem_shared>> -> memref<26624x16xf32, #tpu.memory_space<vmem_shared>>
        tpu.wait_indirect_dma semaphore(%run_scoped3A : memref<!tpu.dma_semaphore, #tpu.memory_space<semaphore_mem>>) src(%arg5 : memref<128x16xf32, #tpu.memory_space<vmem>>) dst(%dma_wait3A_70 : memref<26624x16xf32, #tpu.memory_space<vmem_shared>>)
        tpu.yield
      }) : () -> ()
    }
    %scan3A_47 = arith.constant 392 : i32
    %barrier3A_48 = arith.constant 0 : index
    tpu.barrier barrier_id(%barrier3A_48)
    %mul3A = arith.constant 1568 : i32
    %mul3A_49 = arith.muli %arg1, %mul3A : i32
    %mul3A_50 = arith.constant 25088 : i32
    %mul3A_51 = arith.muli %arg0, %mul3A_50 : i32
    %mul3A_52 = arith.constant 1568 : i32
    %mul3A_53 = arith.muli %arg1, %mul3A_52 : i32
    %add3A = arith.addi %mul3A_51, %mul3A_53 : i32
    "tpu.region"() ({
      %run_scoped3A = tpu.sem_alloc : memref<!tpu.dma_semaphore, #tpu.memory_space<semaphore_mem>>
      %dma_start3A_54 = arith.constant 0 : i32
      %dma_start3A_55 = tpu.memref_slice %arg3[%add3A, %dma_start3A_54] : memref<50176x16xf32, #tpu.memory_space<hbm>> -> memref<1568x16xf32, #tpu.memory_space<hbm>>
      %dma_start3A_56 = arith.constant 0 : i32
      %dma_start3A_57 = tpu.memref_slice %arg7[%mul3A_49, %dma_start3A_56] : memref<26624x16xf32, #tpu.memory_space<vmem_shared>> -> memref<1568x16xf32, #tpu.memory_space<vmem_shared>>
      tpu.enqueue_dma source(%dma_start3A_57 : memref<1568x16xf32, #tpu.memory_space<vmem_shared>>) target(%dma_start3A_55 : memref<1568x16xf32, #tpu.memory_space<hbm>>) target_semaphore(%run_scoped3A : memref<!tpu.dma_semaphore, #tpu.memory_space<semaphore_mem>>)
      %dma_wait3A_58 = arith.constant 0 : i32
      %dma_wait3A_59 = tpu.memref_slice %arg3[%add3A, %dma_wait3A_58] : memref<50176x16xf32, #tpu.memory_space<hbm>> -> memref<1568x16xf32, #tpu.memory_space<hbm>>
      %dma_wait3A_60 = arith.constant 0 : i32
      %dma_wait3A_61 = tpu.memref_slice %arg7[%mul3A_49, %dma_wait3A_60] : memref<26624x16xf32, #tpu.memory_space<vmem_shared>> -> memref<1568x16xf32, #tpu.memory_space<vmem_shared>>
      tpu.wait_dma2 semaphore(%run_scoped3A : memref<!tpu.dma_semaphore, #tpu.memory_space<semaphore_mem>>) src(%dma_wait3A_61 : memref<1568x16xf32, #tpu.memory_space<vmem_shared>>) dst(%dma_wait3A_59 : memref<1568x16xf32, #tpu.memory_space<hbm>>)
      tpu.yield
    }) : () -> ()
    return
  }
}

module attributes {stable_mosaic.version = 14 : i64} {
  func.func @_mm_body(%arg0: i32, %arg1: memref<2000x64xf32, #tpu.memory_space<vmem>>, %arg2: memref<64x64xf32, #tpu.memory_space<vmem>>, %arg3: memref<2000x64xf32, #tpu.memory_space<vmem>>) attributes {dimension_semantics = [#tpu.dimension_semantics<arbitrary>], iteration_bounds = array<i64: 25>, scalar_prefetch = 0 : i64, scratch_operands = 0 : i64, tpu.core_type = #tpu.core_type<tc>, window_params = [{transform_indices = @transform_0, window_bounds = array<i64: 2000, 64>}, {pipeline_mode = #tpu.pipeline_mode<synchronous>, transform_indices = @transform_1, window_bounds = array<i64: 64, 64>}, {transform_indices = @transform_2, window_bounds = array<i64: 2000, 64>}]} {
    %get3A = arith.constant 0 : index
    %get3A_0 = arith.constant 0 : index
    %get3A_1 = vector.load %arg1[%get3A, %get3A_0] : memref<2000x64xf32, #tpu.memory_space<vmem>>, vector<2000x64xf32>
    %get3A_2 = arith.constant 0 : index
    %get3A_3 = arith.constant 0 : index
    %get3A_4 = vector.load %arg2[%get3A_2, %get3A_3] : memref<64x64xf32, #tpu.memory_space<vmem>>, vector<64x64xf32>
    %dot_general3A = arith.constant dense<0.000000e+00> : vector<2000x64xf32>
    %dot_general3A_5 = tpu.matmul %get3A_1, %get3A_4, %dot_general3A {dimension_numbers = #tpu.dot_dimension_numbers<[1], [0], [0], [1], [0, 0, 1, 1], [], []>, precision = #tpu.contract_precision<fp32>, transpose_lhs_hint = false} : vector<2000x64xf32>, vector<64x64xf32>, vector<2000x64xf32> -> vector<2000x64xf32>
    %swap3A = arith.constant 0 : index
    %swap3A_6 = arith.constant 0 : index
    %swap3A_7 = vector.load %arg3[%swap3A, %swap3A_6] : memref<2000x64xf32, #tpu.memory_space<vmem>>, vector<2000x64xf32>
    tpu.vector_store %arg3[%swap3A, %swap3A_6], %dot_general3A_5 {strides = array<i32>} : memref<2000x64xf32, #tpu.memory_space<vmem>>, vector<2000x64xf32>,
    return
  }
  func.func @transform_0(%arg0: i32) -> (i32, i32) {
    %c0_i32 = arith.constant 0 : i32
    %c0_i32_0 = arith.constant 0 : i32
    return %arg0, %c0_i32 : i32, i32
  }
  func.func @transform_1(%arg0: i32) -> (i32, i32) {
    %c0_i32 = arith.constant 0 : i32
    %c0_i32_0 = arith.constant 0 : i32
    %c0_i32_1 = arith.constant 0 : i32
    return %c0_i32, %c0_i32_0 : i32, i32
  }
  func.func @transform_2(%arg0: i32) -> (i32, i32) {
    %c0_i32 = arith.constant 0 : i32
    %c0_i32_0 = arith.constant 0 : i32
    return %arg0, %c0_i32 : i32, i32
  }
}

module attributes {stable_mosaic.version = 14 : i64} {
  func.func @_norm_body(%arg0: i32, %arg1: memref<1x1000x16xf32, #tpu.memory_space<vmem>>, %arg2: memref<1000x64xf32, #tpu.memory_space<vmem>>, %arg3: memref<1000x1xf32, #tpu.memory_space<vmem>>, %arg4: memref<2x1000x32xf32, #tpu.memory_space<vmem>>) attributes {dimension_semantics = [#tpu.dimension_semantics<arbitrary>], iteration_bounds = array<i64: 50>, scalar_prefetch = 0 : i64, scratch_operands = 0 : i64, tpu.core_type = #tpu.core_type<tc>, window_params = [{transform_indices = @transform_0, window_bounds = array<i64: 1, 1000, 16>}, {transform_indices = @transform_1, window_bounds = array<i64: 1000, 64>}, {transform_indices = @transform_2, window_bounds = array<i64: 1000, 1>}, {transform_indices = @transform_3, window_bounds = array<i64: 2, 1000, 32>}]} {
    %get3A = arith.constant 0 : index
    %get3A_0 = arith.constant 0 : index
    %get3A_1 = arith.constant 0 : index
    %get3A_2 = vector.load %arg1[%get3A, %get3A_0, %get3A_1] : memref<1x1000x16xf32, #tpu.memory_space<vmem>>, vector<1x1000x1xf32>
    %get3A_3 = vector.shape_cast %get3A_2 : vector<1x1000x1xf32> to vector<1000x1xf32>
    %add3A = arith.constant 1.000000e+00 : f32
    %add3A_4 = vector.broadcast %add3A : f32 to vector<1000x1xf32>
    %add3A_5 = arith.addf %get3A_3, %add3A_4 : vector<1000x1xf32>
    %rsqrt3A = math.rsqrt %add3A_5 : vector<1000x1xf32>
    %swap3A = arith.constant 0 : index
    %swap3A_6 = arith.constant 0 : index
    %swap3A_7 = vector.load %arg3[%swap3A, %swap3A_6] : memref<1000x1xf32, #tpu.memory_space<vmem>>, vector<1000x1xf32>
    tpu.vector_store %arg3[%swap3A, %swap3A_6], %rsqrt3A {strides = array<i32>} : memref<1000x1xf32, #tpu.memory_space<vmem>>, vector<1000x1xf32>,
    %get3A_8 = arith.constant 0 : index
    %get3A_9 = arith.constant 0 : index
    %get3A_10 = vector.load %arg2[%get3A_8, %get3A_9] : memref<1000x64xf32, #tpu.memory_space<vmem>>, vector<1000x64xf32>
    %mul3A = vector.broadcast %rsqrt3A : vector<1000x1xf32> to vector<1000x64xf32>
    %mul3A_11 = arith.mulf %get3A_10, %mul3A : vector<1000x64xf32>
    %slice3A = vector.extract_strided_slice %mul3A_11 {offsets = [0, 0], sizes = [1000, 32], strides = [1, 1]} : vector<1000x64xf32> to vector<1000x32xf32>
    %swap3A_12 = arith.constant 0 : index
    %swap3A_13 = arith.constant 0 : index
    %swap3A_14 = arith.constant 0 : index
    %swap3A_15 = vector.load %arg4[%swap3A_12, %swap3A_13, %swap3A_14] : memref<2x1000x32xf32, #tpu.memory_space<vmem>>, vector<1x1000x32xf32>
    %swap3A_16 = vector.shape_cast %swap3A_15 : vector<1x1000x32xf32> to vector<1000x32xf32>
    %swap3A_17 = vector.shape_cast %slice3A : vector<1000x32xf32> to vector<1x1000x32xf32>
    tpu.vector_store %arg4[%swap3A_12, %swap3A_13, %swap3A_14], %swap3A_17 {strides = array<i32>} : memref<2x1000x32xf32, #tpu.memory_space<vmem>>, vector<1x1000x32xf32>,
    %slice3A_18 = vector.extract_strided_slice %mul3A_11 {offsets = [0, 32], sizes = [1000, 32], strides = [1, 1]} : vector<1000x64xf32> to vector<1000x32xf32>
    %swap3A_19 = arith.constant 1 : index
    %swap3A_20 = arith.constant 0 : index
    %swap3A_21 = arith.constant 0 : index
    %swap3A_22 = vector.load %arg4[%swap3A_19, %swap3A_20, %swap3A_21] : memref<2x1000x32xf32, #tpu.memory_space<vmem>>, vector<1x1000x32xf32>
    %swap3A_23 = vector.shape_cast %swap3A_22 : vector<1x1000x32xf32> to vector<1000x32xf32>
    %swap3A_24 = vector.shape_cast %slice3A_18 : vector<1000x32xf32> to vector<1x1000x32xf32>
    tpu.vector_store %arg4[%swap3A_19, %swap3A_20, %swap3A_21], %swap3A_24 {strides = array<i32>} : memref<2x1000x32xf32, #tpu.memory_space<vmem>>, vector<1x1000x32xf32>,
    return
  }
  func.func @transform_0(%arg0: i32) -> (i32, i32, i32) {
    %jit3A = arith.constant 25 : i32
    %div3A = arith.divsi %arg0, %jit3A : i32
    %sign3A = arith.constant 0 : i32
    %sign3A_0 = arith.cmpi sgt, %arg0, %sign3A : i32
    %sign3A_1 = arith.extui %sign3A_0 : i1 to i32
    %sign3A_2 = arith.constant 0 : i32
    %sign3A_3 = arith.cmpi slt, %arg0, %sign3A_2 : i32
    %sign3A_4 = arith.extui %sign3A_3 : i1 to i32
    %sign3A_5 = arith.subi %sign3A_1, %sign3A_4 : i32
    %sign3A_6 = arith.constant 0 : i32
    %sign3A_7 = arith.cmpi sgt, %jit3A, %sign3A_6 : i32
    %sign3A_8 = arith.extui %sign3A_7 : i1 to i32
    %sign3A_9 = arith.constant 0 : i32
    %sign3A_10 = arith.cmpi slt, %jit3A, %sign3A_9 : i32
    %sign3A_11 = arith.extui %sign3A_10 : i1 to i32
    %sign3A_12 = arith.subi %sign3A_8, %sign3A_11 : i32
    %ne3A = arith.cmpi ne, %sign3A_5, %sign3A_12 : i32
    %rem3A = arith.remsi %arg0, %jit3A : i32
    %ne3A_13 = arith.constant 0 : i32
    %ne3A_14 = arith.cmpi ne, %rem3A, %ne3A_13 : i32
    %and3A = arith.andi %ne3A, %ne3A_14 : i1
    %sub3A = arith.constant 1 : i32
    %sub3A_15 = arith.subi %div3A, %sub3A : i32
    %select_n3A = arith.select %and3A, %sub3A_15, %div3A : i32
    %jit3A_16 = arith.constant 25 : i32
    %eq3A = arith.constant 0 : i32
    %eq3A_17 = arith.cmpi eq, %jit3A_16, %eq3A : i32
    %jit3A_18 = arith.constant 1 : i32
    %select_n3A_19 = arith.select %eq3A_17, %jit3A_18, %jit3A_16 : i32
    %rem3A_20 = arith.remsi %arg0, %select_n3A_19 : i32
    %ne3A_21 = arith.constant 0 : i32
    %ne3A_22 = arith.cmpi ne, %rem3A_20, %ne3A_21 : i32
    %lt3A = arith.constant 0 : i32
    %lt3A_23 = arith.cmpi slt, %rem3A_20, %lt3A : i32
    %lt3A_24 = arith.constant 0 : i32
    %lt3A_25 = arith.cmpi slt, %select_n3A_19, %lt3A_24 : i32
    %ne3A_26 = arith.xori %lt3A_23, %lt3A_25 : i1
    %and3A_27 = arith.andi %ne3A_26, %ne3A_22 : i1
    %add3A = arith.addi %rem3A_20, %select_n3A_19 : i32
    %select_n3A_28 = arith.select %and3A_27, %add3A, %rem3A_20 : i32
    %c0_i32 = arith.constant 0 : i32
    %c0_i32_29 = arith.constant 0 : i32
    return %select_n3A, %select_n3A_28, %c0_i32 : i32, i32, i32
  }
  func.func @transform_1(%arg0: i32) -> (i32, i32) {
    %c0_i32 = arith.constant 0 : i32
    %c0_i32_0 = arith.constant 0 : i32
    return %arg0, %c0_i32 : i32, i32
  }
  func.func @transform_2(%arg0: i32) -> (i32, i32) {
    %c0_i32 = arith.constant 0 : i32
    %c0_i32_0 = arith.constant 0 : i32
    return %arg0, %c0_i32 : i32, i32
  }
  func.func @transform_3(%arg0: i32) -> (i32, i32, i32) {
    %c0_i32 = arith.constant 0 : i32
    %c0_i32_0 = arith.constant 0 : i32
    %c0_i32_1 = arith.constant 0 : i32
    return %c0_i32, %arg0, %c0_i32_0 : i32, i32, i32
  }
}

module attributes {stable_mosaic.version = 14 : i64} {
  func.func @_step_body(%arg0: i32, %arg1: memref<2x1000x32xf32, #tpu.memory_space<vmem>>, %arg2: memref<1000x64xf32, #tpu.memory_space<vmem>>, %arg3: memref<1000x1xf32, #tpu.memory_space<vmem>>, %arg4: memref<1x64xf32, #tpu.memory_space<vmem>>, %arg5: memref<64x64xf32, #tpu.memory_space<vmem>>, %arg6: memref<1000x64xf32, #tpu.memory_space<vmem>>, %arg7: memref<1000x64xf32, #tpu.memory_space<vmem>>, %arg8: memref<2x1000x32xf32, #tpu.memory_space<vmem>>) attributes {dimension_semantics = [#tpu.dimension_semantics<arbitrary>], iteration_bounds = array<i64: 50>, scalar_prefetch = 0 : i64, scratch_operands = 0 : i64, tpu.core_type = #tpu.core_type<tc>, window_params = [{transform_indices = @transform_0, window_bounds = array<i64: 2, 1000, 32>}, {transform_indices = @transform_1, window_bounds = array<i64: 1000, 64>}, {transform_indices = @transform_2, window_bounds = array<i64: 1000, 1>}, {pipeline_mode = #tpu.pipeline_mode<synchronous>, transform_indices = @transform_3, window_bounds = array<i64: 1, 64>}, {pipeline_mode = #tpu.pipeline_mode<synchronous>, transform_indices = @transform_4, window_bounds = array<i64: 64, 64>}, {transform_indices = @transform_5, window_bounds = array<i64: 1000, 64>}, {transform_indices = @transform_6, window_bounds = array<i64: 1000, 64>}, {transform_indices = @transform_7, window_bounds = array<i64: 2, 1000, 32>}]} {
    %get3A = arith.constant 0 : index
    %get3A_0 = arith.constant 0 : index
    %get3A_1 = vector.load %arg3[%get3A, %get3A_0] : memref<1000x1xf32, #tpu.memory_space<vmem>>, vector<1000x1xf32>
    %get3A_2 = arith.constant 0 : index
    %get3A_3 = arith.constant 0 : index
    %get3A_4 = arith.constant 0 : index
    %get3A_5 = vector.load %arg1[%get3A_2, %get3A_3, %get3A_4] : memref<2x1000x32xf32, #tpu.memory_space<vmem>>, vector<1x1000x32xf32>
    %get3A_6 = vector.shape_cast %get3A_5 : vector<1x1000x32xf32> to vector<1000x32xf32>
    %get3A_7 = arith.constant 1 : index
    %get3A_8 = arith.constant 0 : index
    %get3A_9 = arith.constant 0 : index
    %get3A_10 = vector.load %arg1[%get3A_7, %get3A_8, %get3A_9] : memref<2x1000x32xf32, #tpu.memory_space<vmem>>, vector<1x1000x32xf32>
    %get3A_11 = vector.shape_cast %get3A_10 : vector<1x1000x32xf32> to vector<1000x32xf32>
    %concatenate3A = tpu.concatenate %get3A_6, %get3A_11 in 1 : vector<1000x32xf32>, vector<1000x32xf32> -> vector<1000x64xf32>
    %mul3A = vector.broadcast %get3A_1 : vector<1000x1xf32> to vector<1000x64xf32>
    %mul3A_12 = arith.mulf %concatenate3A, %mul3A : vector<1000x64xf32>
    %get3A_13 = arith.constant 0 : index
    %get3A_14 = arith.constant 0 : index
    %get3A_15 = vector.load %arg2[%get3A_13, %get3A_14] : memref<1000x64xf32, #tpu.memory_space<vmem>>, vector<1000x64xf32>
    %mul3A_16 = arith.mulf %get3A_1, %get3A_1 : vector<1000x1xf32>
    %mul3A_17 = vector.broadcast %mul3A_16 : vector<1000x1xf32> to vector<1000x64xf32>
    %mul3A_18 = arith.mulf %get3A_15, %mul3A_17 : vector<1000x64xf32>
    %add3A = arith.addf %mul3A_12, %mul3A_18 : vector<1000x64xf32>
    %get3A_19 = arith.constant 0 : index
    %get3A_20 = arith.constant 0 : index
    %get3A_21 = vector.load %arg4[%get3A_19, %get3A_20] : memref<1x64xf32, #tpu.memory_space<vmem>>, vector<1x64xf32>
    %add3A_22 = vector.broadcast %get3A_21 : vector<1x64xf32> to vector<1000x64xf32>
    %add3A_23 = arith.addf %add3A, %add3A_22 : vector<1000x64xf32>
    %max3A = arith.constant 0.000000e+00 : f32
    %max3A_24 = vector.broadcast %max3A : f32 to vector<1000x64xf32>
    %max3A_25 = arith.maximumf %add3A_23, %max3A_24 : vector<1000x64xf32>
    %swap3A = arith.constant 0 : index
    %swap3A_26 = arith.constant 0 : index
    %swap3A_27 = vector.load %arg6[%swap3A, %swap3A_26] : memref<1000x64xf32, #tpu.memory_space<vmem>>, vector<1000x64xf32>
    tpu.vector_store %arg6[%swap3A, %swap3A_26], %max3A_25 {strides = array<i32>} : memref<1000x64xf32, #tpu.memory_space<vmem>>, vector<1000x64xf32>,
    %get3A_28 = arith.constant 0 : index
    %get3A_29 = arith.constant 0 : index
    %get3A_30 = vector.load %arg5[%get3A_28, %get3A_29] : memref<64x64xf32, #tpu.memory_space<vmem>>, vector<64x64xf32>
    %dot_general3A = arith.constant dense<0.000000e+00> : vector<1000x64xf32>
    %dot_general3A_31 = tpu.matmul %max3A_25, %get3A_30, %dot_general3A {dimension_numbers = #tpu.dot_dimension_numbers<[1], [0], [0], [1], [0, 0, 1, 1], [], []>, precision = #tpu.contract_precision<fp32>, transpose_lhs_hint = false} : vector<1000x64xf32>, vector<64x64xf32>, vector<1000x64xf32> -> vector<1000x64xf32>
    %swap3A_32 = arith.constant 0 : index
    %swap3A_33 = arith.constant 0 : index
    %swap3A_34 = vector.load %arg7[%swap3A_32, %swap3A_33] : memref<1000x64xf32, #tpu.memory_space<vmem>>, vector<1000x64xf32>
    tpu.vector_store %arg7[%swap3A_32, %swap3A_33], %dot_general3A_31 {strides = array<i32>} : memref<1000x64xf32, #tpu.memory_space<vmem>>, vector<1000x64xf32>,
    %mul3A_35 = vector.broadcast %get3A_1 : vector<1000x1xf32> to vector<1000x64xf32>
    %mul3A_36 = arith.mulf %dot_general3A_31, %mul3A_35 : vector<1000x64xf32>
    %slice3A = vector.extract_strided_slice %mul3A_36 {offsets = [0, 0], sizes = [1000, 32], strides = [1, 1]} : vector<1000x64xf32> to vector<1000x32xf32>
    %swap3A_37 = arith.constant 0 : index
    %swap3A_38 = arith.constant 0 : index
    %swap3A_39 = arith.constant 0 : index
    %swap3A_40 = vector.load %arg8[%swap3A_37, %swap3A_38, %swap3A_39] : memref<2x1000x32xf32, #tpu.memory_space<vmem>>, vector<1x1000x32xf32>
    %swap3A_41 = vector.shape_cast %swap3A_40 : vector<1x1000x32xf32> to vector<1000x32xf32>
    %swap3A_42 = vector.shape_cast %slice3A : vector<1000x32xf32> to vector<1x1000x32xf32>
    tpu.vector_store %arg8[%swap3A_37, %swap3A_38, %swap3A_39], %swap3A_42 {strides = array<i32>} : memref<2x1000x32xf32, #tpu.memory_space<vmem>>, vector<1x1000x32xf32>,
    %slice3A_43 = vector.extract_strided_slice %mul3A_36 {offsets = [0, 32], sizes = [1000, 32], strides = [1, 1]} : vector<1000x64xf32> to vector<1000x32xf32>
    %swap3A_44 = arith.constant 1 : index
    %swap3A_45 = arith.constant 0 : index
    %swap3A_46 = arith.constant 0 : index
    %swap3A_47 = vector.load %arg8[%swap3A_44, %swap3A_45, %swap3A_46] : memref<2x1000x32xf32, #tpu.memory_space<vmem>>, vector<1x1000x32xf32>
    %swap3A_48 = vector.shape_cast %swap3A_47 : vector<1x1000x32xf32> to vector<1000x32xf32>
    %swap3A_49 = vector.shape_cast %slice3A_43 : vector<1000x32xf32> to vector<1x1000x32xf32>
    tpu.vector_store %arg8[%swap3A_44, %swap3A_45, %swap3A_46], %swap3A_49 {strides = array<i32>} : memref<2x1000x32xf32, #tpu.memory_space<vmem>>, vector<1x1000x32xf32>,
    return
  }
  func.func @transform_0(%arg0: i32) -> (i32, i32, i32) {
    %jit3A = arith.constant 25 : i32
    %div3A = arith.divsi %arg0, %jit3A : i32
    %sign3A = arith.constant 0 : i32
    %sign3A_0 = arith.cmpi sgt, %arg0, %sign3A : i32
    %sign3A_1 = arith.extui %sign3A_0 : i1 to i32
    %sign3A_2 = arith.constant 0 : i32
    %sign3A_3 = arith.cmpi slt, %arg0, %sign3A_2 : i32
    %sign3A_4 = arith.extui %sign3A_3 : i1 to i32
    %sign3A_5 = arith.subi %sign3A_1, %sign3A_4 : i32
    %sign3A_6 = arith.constant 0 : i32
    %sign3A_7 = arith.cmpi sgt, %jit3A, %sign3A_6 : i32
    %sign3A_8 = arith.extui %sign3A_7 : i1 to i32
    %sign3A_9 = arith.constant 0 : i32
    %sign3A_10 = arith.cmpi slt, %jit3A, %sign3A_9 : i32
    %sign3A_11 = arith.extui %sign3A_10 : i1 to i32
    %sign3A_12 = arith.subi %sign3A_8, %sign3A_11 : i32
    %ne3A = arith.cmpi ne, %sign3A_5, %sign3A_12 : i32
    %rem3A = arith.remsi %arg0, %jit3A : i32
    %ne3A_13 = arith.constant 0 : i32
    %ne3A_14 = arith.cmpi ne, %rem3A, %ne3A_13 : i32
    %and3A = arith.andi %ne3A, %ne3A_14 : i1
    %sub3A = arith.constant 1 : i32
    %sub3A_15 = arith.subi %div3A, %sub3A : i32
    %select_n3A = arith.select %and3A, %sub3A_15, %div3A : i32
    %jit3A_16 = arith.constant 25 : i32
    %eq3A = arith.constant 0 : i32
    %eq3A_17 = arith.cmpi eq, %jit3A_16, %eq3A : i32
    %jit3A_18 = arith.constant 1 : i32
    %select_n3A_19 = arith.select %eq3A_17, %jit3A_18, %jit3A_16 : i32
    %rem3A_20 = arith.remsi %arg0, %select_n3A_19 : i32
    %ne3A_21 = arith.constant 0 : i32
    %ne3A_22 = arith.cmpi ne, %rem3A_20, %ne3A_21 : i32
    %lt3A = arith.constant 0 : i32
    %lt3A_23 = arith.cmpi slt, %rem3A_20, %lt3A : i32
    %lt3A_24 = arith.constant 0 : i32
    %lt3A_25 = arith.cmpi slt, %select_n3A_19, %lt3A_24 : i32
    %ne3A_26 = arith.xori %lt3A_23, %lt3A_25 : i1
    %and3A_27 = arith.andi %ne3A_26, %ne3A_22 : i1
    %add3A = arith.addi %rem3A_20, %select_n3A_19 : i32
    %select_n3A_28 = arith.select %and3A_27, %add3A, %rem3A_20 : i32
    %c0_i32 = arith.constant 0 : i32
    %c0_i32_29 = arith.constant 0 : i32
    return %select_n3A, %select_n3A_28, %c0_i32 : i32, i32, i32
  }
  func.func @transform_1(%arg0: i32) -> (i32, i32) {
    %c0_i32 = arith.constant 0 : i32
    %c0_i32_0 = arith.constant 0 : i32
    return %arg0, %c0_i32 : i32, i32
  }
  func.func @transform_2(%arg0: i32) -> (i32, i32) {
    %c0_i32 = arith.constant 0 : i32
    %c0_i32_0 = arith.constant 0 : i32
    return %arg0, %c0_i32 : i32, i32
  }
  func.func @transform_3(%arg0: i32) -> (i32, i32) {
    %c0_i32 = arith.constant 0 : i32
    %c0_i32_0 = arith.constant 0 : i32
    %c0_i32_1 = arith.constant 0 : i32
    return %c0_i32, %c0_i32_0 : i32, i32
  }
  func.func @transform_4(%arg0: i32) -> (i32, i32) {
    %c0_i32 = arith.constant 0 : i32
    %c0_i32_0 = arith.constant 0 : i32
    %c0_i32_1 = arith.constant 0 : i32
    return %c0_i32, %c0_i32_0 : i32, i32
  }
  func.func @transform_5(%arg0: i32) -> (i32, i32) {
    %c0_i32 = arith.constant 0 : i32
    %c0_i32_0 = arith.constant 0 : i32
    return %arg0, %c0_i32 : i32, i32
  }
  func.func @transform_6(%arg0: i32) -> (i32, i32) {
    %c0_i32 = arith.constant 0 : i32
    %c0_i32_0 = arith.constant 0 : i32
    return %arg0, %c0_i32 : i32, i32
  }
  func.func @transform_7(%arg0: i32) -> (i32, i32, i32) {
    %c0_i32 = arith.constant 0 : i32
    %c0_i32_0 = arith.constant 0 : i32
    %c0_i32_1 = arith.constant 0 : i32
    return %c0_i32, %arg0, %c0_i32_0 : i32, i32, i32
  }
}

</mosaic_0001>

<sc_bundles>
// kernel: closed_call.15.cloned.1.call-start
scs
__scs_entry_jumppad:
0x0: {  	(pc) =	sbr.rel $0x88, $3  }
0x1: {  	(tag) =	ssettag $0x0;
	lr =	simm.s32 $0x1  }
0x2: {  	[smem:$0x3F9B] =	sst lr;
	_ =	strace $0xD0000000  }
0x3: {  	_ = 	snop  }
0x4: {  	_ = 	snop  }
0x5: {  	_ = 	snop  }
0x6: {  	_ = 	snop  }
0x7: {  	_ = 	snop  }
__scs_overlays_trampoline_lowered:
0x8: {  	[smem:$0x3FAA] =	sst s0  }
0x9: {  	[smem:$0x3FAB] =	sst s1  }
0xa: {  	[smem:$0x3FAC] =	sst s2  }
0xb: {  	[smem:$0x3FAD] =	sst s3  }
0xc: {  	[smem:$0x3FAE] =	sst s4  }
0xd: {  	[smem:$0x3FAF] =	sst s5  }
0xe: {  	[smem:$0x3FB0] =	sst s6  }
0xf: {  	[smem:$0x3FB1] =	sst s7  }
0x10: {  	[smem:$0x3FB2] =	sst s8  }
0x11: {  	[smem:$0x3FB3] =	sst s9;
	s0 =	simm.s32 @!p0 $0x0  }
0x12: {  	s1 =	sld [smem:$0x3F99];
	s0 =	simm.s32 @p0 $0x1  }
0x13: {  	[smem:$0x3FB4] =	sst s0;
	s0 =	simm.s32 @!p1 $0x0  }
0x14: {  	s2 =	sld [smem:$0x3F98];
	s0 =	simm.s32 @p1 $0x1  }
0x15: {  	[smem:$0x3FB5] =	sst s0;
	s0 =	simm.s32 @!p2 $0x0  }
0x16: {  	s3 =	sld [smem:$0x3FDB];
	s0 =	simm.s32 @p2 $0x1  }
0x17: {  	s4 =	simm.s32 $0x1BF5;
	[smem:$0x3FB7] =	sst s0  }
0x18: {  	s0 =	sld [smem:$0x3F9A];
	_ =	swait.ge [sflag:s4], $0x0  }
0x19: {  	s7 =	sld [smem:$0x3F9B]  }
0x1a: {  	s8 =	sadd.s32 $0xFFFFE003, lr  }
0x1b: {  	s9 =	sadd.s32 $0xFFFFFEF7, lr;
	s5 =	simm.s32 $0xFFFFFFFF;
	p2 =	slt.u32 s8, $0xFFFFF086  }
0x1c: {  	p1 =	slt.u32 s9, $0xF7A;
	s5 =	simm.s32 @!p2 $0x0  }
0x1d: {  	s5 =	simm.s32 @p1 $0x1;
	p0 =	seq.s32 s7, s2  }
0x1e: {  	s7 =	smul.u32 @!p0 $0xF7A, s2;
	p2 =	seq.s32 @!p0 s5, $0x0  }
0x1f: {  	s9 =	smul.u32 $0xF7A, s1;
	s8 =	simm.s32 @!p0 $0x1BF5;
	p2 =	por !p2, p0  }
0x20: {  	[sflag:s8] =	ssyncset.s32 @!p0 $0xFFFFF086;
	s6 =	sadd.s32 @!p0 s3, s7;
	s7 =	simm.s32 @!p0 $0x108  }
0x21: {  	s3 =	sadd.s32 s3, s9;
	s6 =	sadd.s32 @!p0 $0x88, s6;
	s7 =	simm.s32 @p2 $0x1082  }
0x22: {  	[simem:s7], [sflag:s8] =	dma.local @!p0 [hbm:s6], $0xF7A  }
0x23: {  	s9 =	sor.u32 $0xD0000000, s2;
	s6 =	simm.s32 $0x108;
	_ =	swait.ge @!p0 [sflag:s8], $0x0  }
0x24: {  	s3 =	sadd.s32 $0x88, s3;
	s6 =	simm.s32 @!p1 $0x1082;
	[sflag:s4] =	ssyncset.s32 $0xFFFFF086  }
0x25: {  	[simem:s6], [sflag:s4] =	dma.local [hbm:s3], $0xF7A  }
0x26: {  	[smem:$0x3F9B] =	sst s1;
	(tag) =	ssettag s2;
	_ =	strace s9  }
0x27: {  	s1 =	sld [smem:$0x3FAB]  }
0x28: {  	s2 =	sld [smem:$0x3FAC]  }
0x29: {  	s4 =	sld [smem:$0x3FAE]  }
0x2a: {  	p0 =	seq.s32 s5, $0x0;
	s5 =	sld [smem:$0x3FAF]  }
0x2b: {  	s6 =	sld [smem:$0x3FB0]  }
0x2c: {  	s7 =	sld [smem:$0x3FB1]  }
0x2d: {  	s3 =	simm.s32 $0x108;
	s8 =	sld [smem:$0x3FB2]  }
0x2e: {  	s3 =	simm.s32 @!p0 $0x1082;
	s9 =	sld [smem:$0x3FB3]  }
0x2f: {  	lr =	sadd.s32 s0, s3;
	s0 =	sld [smem:$0x3FAA]  }
0x30: {  	s3 =	sld [smem:$0x3FAD]  }
0x31: {  	[smem:$0x3FB6] =	sst s10  }
0x32: {  	s10 =	sld [smem:$0x3FB4];
	_ =	sdelay $0x3  }
0x33: {  	p0 =	seq.s32 s10, $0x1;
	s10 =	sld [smem:$0x3FB6];
	_ =	sdelay $0x3  }
0x34: {  	[smem:$0x3FB6] =	sst s10  }
0x35: {  	s10 =	sld [smem:$0x3FB5];
	_ =	sdelay $0x3  }
0x36: {  	p1 =	seq.s32 s10, $0x1;
	s10 =	sld [smem:$0x3FB6];
	_ =	sdelay $0x3  }
0x37: {  	[smem:$0x3FB6] =	sst s10  }
0x38: {  	s10 =	sld [smem:$0x3FB7]  }
0x39: {  	_ = 	snop;
	(pc) =	sbr.ind lr, $3  }
0x3a: {  	_ = 	snop  }
0x3b: {  	_ = 	snop  }
0x3c: {  	p2 =	seq.s32 s10, $0x1;
	s10 =	sld [smem:$0x3FB6]  }
0x3d: {  	_ =	shalt  }
0x3e: {  	_ =	shalt  }
0x3f: {  	_ =	shalt  }
0x40: {  	_ =	shalt  }
0x41: {  	_ =	shalt  }
0x42: {  	_ =	shalt  }
0x43: {  	_ =	shalt  }
0x44: {  	_ =	shalt  }
0x45: {  	_ =	shalt  }
0x46: {  	_ =	shalt  }
0x47: {  	_ =	shalt  }
0x48: {  	_ =	shalt  }
0x49: {  	_ =	shalt  }
0x4a: {  	_ =	shalt  }
0x4b: {  	_ =	shalt  }
0x4c: {  	_ =	shalt  }
0x4d: {  	_ =	shalt  }
0x4e: {  	_ =	shalt  }
0x4f: {  	_ =	shalt  }
0x50: {  	_ =	shalt  }
0x51: {  	_ =	shalt  }
0x52: {  	_ =	shalt  }
0x53: {  	_ =	shalt  }
0x54: {  	_ =	shalt  }
0x55: {  	_ =	shalt  }
0x56: {  	_ =	shalt  }
0x57: {  	_ =	shalt  }
0x58: {  	_ =	shalt  }
0x59: {  	_ =	shalt  }
0x5a: {  	_ =	shalt  }
0x5b: {  	_ =	shalt  }
0x5c: {  	_ =	shalt  }
0x5d: {  	_ =	shalt  }
0x5e: {  	_ =	shalt  }
0x5f: {  	_ =	shalt  }
0x60: {  	_ =	shalt  }
0x61: {  	_ =	shalt  }
0x62: {  	_ =	shalt  }
0x63: {  	_ =	shalt  }
0x64: {  	_ =	shalt  }
0x65: {  	_ =	shalt  }
0x66: {  	_ =	shalt  }
0x67: {  	_ =	shalt  }
0x68: {  	_ =	shalt  }
0x69: {  	_ =	shalt  }
0x6a: {  	_ =	shalt  }
0x6b: {  	_ =	shalt  }
0x6c: {  	_ =	shalt  }
0x6d: {  	_ =	shalt  }
0x6e: {  	_ =	shalt  }
0x6f: {  	_ =	shalt  }
0x70: {  	_ =	shalt  }
0x71: {  	_ =	shalt  }
0x72: {  	_ =	shalt  }
0x73: {  	_ =	shalt  }
0x74: {  	_ =	shalt  }
0x75: {  	_ =	shalt  }
0x76: {  	_ =	shalt  }
0x77: {  	_ =	shalt  }
0x78: {  	_ =	shalt  }
0x79: {  	_ =	shalt  }
0x7a: {  	_ =	shalt  }
0x7b: {  	_ =	shalt  }
0x7c: {  	_ =	shalt  }
0x7d: {  	_ =	shalt  }
0x7e: {  	_ =	shalt  }
0x7f: {  	_ =	shalt  }
0x80: {  	_ =	shalt  }
0x81: {  	_ =	shalt  }
0x82: {  	_ =	shalt  }
0x83: {  	_ =	shalt  }
0x84: {  	_ =	shalt  }
0x85: {  	_ =	shalt  }
0x86: {  	_ =	shalt  }
0x87: {  	_ =	shalt  }
.Lfunc_end0:
.L_simem_size_0:
called_computation_lowered:
.L_overlay_start_0:
0x88: {  	s2 =	sld [smem:$0x3FD9]  }
0x89: {  	s3 =	sld [smem:$0x3FFE];
	_ =	sdelay $0x1  }
0x8a: {  	s1 =	srdreg.scid  }
0x8b: {  	s0 =	sand.u32 $0x1, s1  }
0x8c: {  	s17 =	sshll.u32 s0, $0xA;
	s2 =	sadd.s32 s3, s2  }
0x8d: {  	s2 =	sadd.s32 s2, s17  }
0x8e: {  	[smem:$0x3FC2] =	sst s2  }
0x8f: {  	_ = 	snop  }
0x90: {  	s2 =	sld [smem:$0x3FD0];
	(tm) =	ssettm $0x1  }
0x91: {  	s18 =	sld [smem:$0x3FFB];
	_ =	sdelay $0x3  }
0x92: {  	_ =	strace s18  }
0x93: {  	s3 =	sld [smem:$0x3FFC];
	_ =	sdelay $0x3  }
0x94: {  	_ =	strace s3  }
0x95: {  	s3 =	sld [smem:$0x3FFD];
	_ =	sdelay $0x3  }
0x96: {  	_ =	strace s3  }
0x97: {  	_ =	strace $0x8FFFFFFF  }
0x98: {  	s19 =	sld [smem:$0x3FDB];
	_ =	sdelay $0x1  }
0x99: {  	s4 =	simm.s32 $_scs_section_size  }
0x9a: {  	s5 =	simm.s32 $_size__tile_overlayer_lowered;
	s6 =	simm.s32 $_tile_overlayer_lowered  }
0x9b: {  	s22 =	simm.s32 $0x1BFF;
	s21 =	sshll.u32 s6, $0x1;
	s3 =	sadd.s32 s4, s19  }
0x9c: {  	s7 =	simm.s32 $0x0;
	s20 =	sshll.u32 s5, $0x1;
	s5 =	sadd.s32 s21, s3  }
0x9d: {  	[timem:s7], [sflag:s22] =	dma.local [hbm:s5], s20  }
0x9e: {  	_ =	swait.ge [sflag:s22], s20  }
0x9f: {  	s4 =	ssub.s32 $0x0, s20;
	[sflag:s22] =	ssyncset.done $0x0  }
0xa0: {  	[sflag:s22] =	ssyncadd.s32 s4;
	_ =	sdelay $0x1  }
0xa1: {  	s23 =	simm.s32 $0x1B8B  }
0xa2: {  	_ =	swait.ge [sflag:s23], $0x1  }
0xa3: {  	[sflag:s23] =	ssyncset.done $0x0  }
0xa4: {  	s25 =	simm.s32 $0x1B8E;
	s24 =	sld [smem:$0x3FFE];
	[sflag:s23] =	ssyncadd.s32 $0xFFFFFFFF  }
0xa5: {  	s26 =	simm.s32 $execute0_lowered;
	[smem:$0x3FD2] =	sst s25  }
0xa6: {  	s5 =	sshll.u32 s26, $0x1;
	_ =	strace $0x80000049;
	[dreg:$0x1] =	wrdreg $0xFFFFFFFF  }
0xa7: {  	s28 =	simm.s32 $_size_execute0_lowered;
	s3 =	sadd.s32 s3, s5;
	[dreg:$0x0] =	wrdreg $0x0  }
0xa8: {  	s5 =	sshll.u32 s28, $0x1;
	[dreg:$0x2] =	wrdreg s3  }
0xa9: {  	[dreg:$0x3] =	wrdreg s5  }
0xaa: {  	[dreg:$0x4] =	wrdreg $0xC0  }
0xab: {  	_ =	task [dreg:s7], $0x5FFFF  }
0xac: {  	[dreg:$0x1] =	wrdreg $0xFFFFFFFF  }
0xad: {  	[dreg:$0x0] =	wrdreg $0x60  }
0xae: {  	[dreg:$0x2] =	wrdreg s2  }
0xaf: {  	[dreg:$0x3] =	wrdreg s24  }
0xb0: {  	[dreg:$0x4] =	wrdreg $0xD2000  }
0xb1: {  	[dreg:$0x5] =	wrdreg $0x9  }
0xb2: {  	_ =	task.clear_ibuf [dreg:s7], $0x6FFFF;
	_ =	strace $0x90000049  }
0xb3: {  	s29 =	simm.s32 $0x9;
	_ =	strace $0x8000004B  }
0xb4: {  	_ =	swait.ge [sflag:s29], $0x1  }
0xb5: {  	[sflag:s29] =	ssyncadd.s32 $0xFFFFFFFF  }
0xb6: {  	_ =	strace $0x9000004B  }
0xb7: {  	_ =	sfence  }
0xb8: {  	s30 =	sld [smem:$0x0];
	_ =	sdelay $0x2  }
0xb9: {  	s31 =	sshll.u32 s1, $0xD;
	s1 =	sshrl.u32 s1, $0x2  }
0xba: {  	s3 =	sand.u32 $0x4000, s31;
	s1 =	sadd.s32 s1, s30  }
0xbb: {  	s0 =	sor.u32 s3, s0;
	s1 =	sshll.u32 s1, $0x11  }
0xbc: {  	s0 =	sor.u32 s1, s0  }
0xbd: {  	s0 =	sadd.s32 $0x8F2B, s0  }
0xbe: {  	[sflag:s0] =	ssyncadd.remote.s32 $0x1  }
0xbf: {  	_ =	sfence.sel $0xFFFF  }
0xc0: {  	[dreg:$0x0] =	wrdreg $0xFFFFFFFF;
	(pc) =	sbr.abs _section_cstart, $3  }
0xc1: {  	[dreg:$0x1] =	wrdreg $0xFFFFFFFF  }
0xc2: {  	_ =	task.clear_ibuf [dreg:s7], $0x2FFFF;
	_ =	strace $0x9FFFFFFF  }
0xc3: {  	(tm) =	ssettm $0x7FFFFFFF  }
tec
execute0_lowered:
.L_overlay_start_1:
0x0: {  	(tag) =	ssettag $0x1  }
0x1: {  	s2 =	rddreg [dreg:$0x0]  }
0x2: {  	s0 =	rddreg [dreg:$0x1]  }
0x3: {  	s3 =	rddreg [dreg:$0x2]  }
0x4: {  	s8 =	stileid.u32;
	s4 =	srdreg.scid;
	s6 =	simm.s32 $0x0  }
0x5: {  	s28 =	simm.s32 $0x5;
	s29 =	simm.s32 $0x1;
	s1 =	smul.u32 $0x1880, s8  }
0x6: {  	s30 =	simm.s32 $0x2;
	s4 =	sand.u32 $0x1, s4;
	s5 =	smul.u32 $0x620, s8  }
0x7: {  	s31 =	simm.s32 $0x80;
	[smem:$0x7FF] =	sst s6;
	s7 =	smul.u32 $0xC400, s4  }
0x8: {  	_ =	strace $0x8000004A;
	s9 =	smul.u32 $0x18800, s4;
	s4 =	ssub.s32 $0x2, s4  }
0x9: {  	s10 =	sshrl.u32 s4, $0x1;
	s5 =	sadd.s32 s5, s7;
	s7 =	smul.u32 $0x34000, s8  }
0xa: {  	s8 =	smul.u32 $0x31000, s8;
	s4 =	ssub.s32 s4, s10;
	s5 =	sshll.u32 s5, $0x2  }
0xb: {  	s1 =	sadd.s32 s1, s0;
	s14 =	smax.u32 s4, $0x1;
	s0 =	sadd.s32 s5, s0  }
0xc: {  	s8 =	sshrl.u32 s8, $0x2;
	[dreg:$0x7] =	wrdreg s14;
	s12 =	sadd.s32 $0x296200, s0  }
0xd: {  	s10 =	sadd.s32 $0x30D40, s2;
	s13 =	sadd.s32 s8, s3;
	[dreg:$0x4] =	wrdreg s12  }
0xe: {  	s11 =	sshrl.u32 s7, $0x2;
	s0 =	sadd.s32 $0x2AEA00, s0;
	[dreg:$0x5] =	wrdreg s13  }
0xf: {  	s4 =	simm.s32 $0x9200;
	s7 =	sadd.s32 s11, s3;
	[dreg:$0x6] =	wrdreg s0  }
0x10: {  	s5 =	sadd.s32 $0x27DA00, s1;
	s15 =	sadd.s32 $0x3000, s7;
	[dreg:$0x8] =	wrdreg s7  }
0x11: {  	s1 =	sadd.s32 s9, s1;
	s16 =	sadd.s32 $0x4000, s7;
	[dreg:$0x9] =	wrdreg s15  }
0x12: {  	s9 =	simm.s32 $0xB200;
	s17 =	sadd.s32 $0x5000, s7;
	[dreg:$0xa] =	wrdreg s16  }
0x13: {  	s6 =	sadd.s32 $0x2400, s1;
	s18 =	sadd.s32 $0x6000, s7;
	[dreg:$0xb] =	wrdreg s17  }
0x14: {  	s1 =	simm.s32 $0x8200;
	s19 =	sadd.s32 $0x7000, s7;
	[dreg:$0xc] =	wrdreg s18  }
0x15: {  	s8 =	simm.s32 $0xA200;
	s20 =	sadd.s32 $0x8000, s7;
	[dreg:$0xd] =	wrdreg s19  }
0x16: {  	s11 =	simm.s32 $0xC200;
	s21 =	sadd.s32 $0x9000, s7;
	[dreg:$0xe] =	wrdreg s20  }
0x17: {  	s22 =	sadd.s32 $0x1000, s7;
	s24 =	sadd.s32 $0xA000, s7;
	[dreg:$0xf] =	wrdreg s21  }
0x18: {  	s23 =	sadd.s32 $0x2000, s7;
	s25 =	sadd.s32 $0xB000, s7;
	[dreg:$0x10] =	wrdreg s24  }
0x19: {  	s26 =	sadd.s32 $0xC000, s7;
	s0 =	simm.s32 $0x7200;
	[dreg:$0x11] =	wrdreg s25  }
0x1a: {  	s12 =	simm.s32 $0x4;
	s13 =	simm.s32 $0x0;
	[dreg:$0x12] =	wrdreg s26  }
0x1b: {  	v0 =	vimm.f32 $0.0e+00;
	s24 =	simm.s32 $0x3100;
	s26 =	simm.s32 $0x6200;
	s25 =	simm.s32 $0x3  }
.LBB2_1:
0x1c: {  	s14 =	simm.s32 $0x0  }
0x1d: {  	[tilespmem:s14], [sflag:$0x1] =	stream.linear.gather [hbm4b:s5+s14], $0x1880, $0x38;
	[tilespmem:$0x1A200] =	vst v63  }
0x1e: {  	_ = 	snop  }
0x1f: {  	[tilespmem:s24], [sflag:$0x2] =	stream.linear.gather [hbm4b:s6+s14], $0x1880, $0x38;
	[tilespmem:$0x1A200] =	vst v63  }
0x20: {  	s15 =	simm.s32 $0x0;
	s14 =	simm.s32 $0x80  }
.LBB2_2:
0x21: {  	p0 =	sne.s32 s14, $0x3F80;
	[tilespmem:s15+$0x6200] =	vst v0;
	s16 =	smov.u32 s14;
	s14 =	sadd.s32 $0x80, s14  }
.Ltmp0:
0x22: {  	[tilespmem:s15+$0x6210] =	vst v0;
	(pc) =	sbr.rel @p0 .LBB2_2-.Ltmp0, $2  }
0x23: {  	_ =	sdelay $0x2  }
0x24: {  	s15 =	sshra.s32 s16, $0x2  }
0x25: {  	[tilespmem:s15+$0x6200] =	vst v0  }
0x26: {  	[tilespmem:s15+$0x6210] =	vst v0  }
0x27: {  	[spmem:s7] =	stream.linear.scatter [tilespmem:s26], [sflag:$0x5], $0x1000, $0x38;
	[tilespmem:$0x1A200] =	vst v63  }
0x28: {  	_ =	swait.ge [sflag:s28], $0x1000  }
0x29: {  	[sflag:s28] =	ssyncset.done $0x0  }
0x2a: {  	[sflag:s28] =	ssyncadd.s32 $0xFFFFF000  }
0x2b: {  	[spmem:s22] =	stream.linear.scatter [tilespmem:s26], [sflag:$0x5], $0x1000, $0x38;
	[tilespmem:$0x1A200] =	vst v63  }
0x2c: {  	_ =	swait.ge [sflag:s28], $0x1000  }
0x2d: {  	[sflag:s28] =	ssyncset.done $0x0  }
0x2e: {  	[sflag:s28] =	ssyncadd.s32 $0xFFFFF000  }
0x2f: {  	[spmem:s23] =	stream.linear.scatter [tilespmem:s26], [sflag:$0x5], $0x1000, $0x38;
	[tilespmem:$0x1A200] =	vst v63  }
0x30: {  	_ =	swait.ge [sflag:s28], $0x1000  }
0x31: {  	[sflag:s28] =	ssyncset.done $0x0  }
0x32: {  	s14 =	rddreg [dreg:$0x9];
	[sflag:s28] =	ssyncadd.s32 $0xFFFFF000  }
0x33: {  	[spmem:s14] =	stream.linear.scatter [tilespmem:s26], [sflag:$0x5], $0x1000, $0x38;
	[tilespmem:$0x1A200] =	vst v63  }
0x34: {  	_ =	swait.ge [sflag:s28], $0x1000  }
0x35: {  	[sflag:s28] =	ssyncset.done $0x0  }
0x36: {  	s20 =	rddreg [dreg:$0xa];
	[sflag:s28] =	ssyncadd.s32 $0xFFFFF000  }
0x37: {  	[spmem:s20] =	stream.linear.scatter [tilespmem:s26], [sflag:$0x5], $0x1000, $0x38;
	[tilespmem:$0x1A200] =	vst v63  }
0x38: {  	_ =	swait.ge [sflag:s28], $0x1000  }
0x39: {  	[sflag:s28] =	ssyncset.done $0x0  }
0x3a: {  	s21 =	rddreg [dreg:$0xb];
	[sflag:s28] =	ssyncadd.s32 $0xFFFFF000  }
0x3b: {  	[spmem:s21] =	stream.linear.scatter [tilespmem:s26], [sflag:$0x5], $0x1000, $0x38;
	[tilespmem:$0x1A200] =	vst v63  }
0x3c: {  	_ =	swait.ge [sflag:s28], $0x1000  }
0x3d: {  	[sflag:s28] =	ssyncset.done $0x0  }
0x3e: {  	s15 =	rddreg [dreg:$0xc];
	[sflag:s28] =	ssyncadd.s32 $0xFFFFF000  }
0x3f: {  	[spmem:s15] =	stream.linear.scatter [tilespmem:s26], [sflag:$0x5], $0x1000, $0x38;
	[tilespmem:$0x1A200] =	vst v63  }
0x40: {  	_ =	swait.ge [sflag:s28], $0x1000  }
0x41: {  	[sflag:s28] =	ssyncset.done $0x0  }
0x42: {  	s16 =	rddreg [dreg:$0xd];
	[sflag:s28] =	ssyncadd.s32 $0xFFFFF000  }
0x43: {  	[spmem:s16] =	stream.linear.scatter [tilespmem:s26], [sflag:$0x5], $0x1000, $0x38;
	[tilespmem:$0x1A200] =	vst v63  }
0x44: {  	_ =	swait.ge [sflag:s28], $0x1000  }
0x45: {  	[sflag:s28] =	ssyncset.done $0x0  }
0x46: {  	s17 =	rddreg [dreg:$0xe];
	[sflag:s28] =	ssyncadd.s32 $0xFFFFF000  }
0x47: {  	[spmem:s17] =	stream.linear.scatter [tilespmem:s26], [sflag:$0x5], $0x1000, $0x38;
	[tilespmem:$0x1A200] =	vst v63  }
0x48: {  	_ =	swait.ge [sflag:s28], $0x1000  }
0x49: {  	[sflag:s28] =	ssyncset.done $0x0  }
0x4a: {  	s18 =	rddreg [dreg:$0xf];
	[sflag:s28] =	ssyncadd.s32 $0xFFFFF000  }
0x4b: {  	[spmem:s18] =	stream.linear.scatter [tilespmem:s26], [sflag:$0x5], $0x1000, $0x38;
	[tilespmem:$0x1A200] =	vst v63  }
0x4c: {  	_ =	swait.ge [sflag:s28], $0x1000  }
0x4d: {  	[sflag:s28] =	ssyncset.done $0x0  }
0x4e: {  	s19 =	rddreg [dreg:$0x10];
	[sflag:s28] =	ssyncadd.s32 $0xFFFFF000  }
0x4f: {  	[spmem:s19] =	stream.linear.scatter [tilespmem:s26], [sflag:$0x5], $0x1000, $0x38;
	[tilespmem:$0x1A200] =	vst v63  }
0x50: {  	_ =	swait.ge [sflag:s28], $0x1000  }
0x51: {  	[sflag:s28] =	ssyncset.done $0x0  }
0x52: {  	s20 =	rddreg [dreg:$0x11];
	[sflag:s28] =	ssyncadd.s32 $0xFFFFF000  }
0x53: {  	[spmem:s20] =	stream.linear.scatter [tilespmem:s26], [sflag:$0x5], $0x1000, $0x38;
	[tilespmem:$0x1A200] =	vst v63  }
0x54: {  	_ =	swait.ge [sflag:s28], $0x1000  }
0x55: {  	[sflag:s28] =	ssyncset.done $0x0  }
0x56: {  	s21 =	rddreg [dreg:$0x12];
	[sflag:s28] =	ssyncadd.s32 $0xFFFFF000  }
0x57: {  	[spmem:s21] =	stream.linear.scatter [tilespmem:s26], [sflag:$0x5], $0x1000, $0x38;
	[tilespmem:$0x1A200] =	vst v63  }
0x58: {  	_ =	swait.ge [sflag:s28], $0x1000  }
0x59: {  	[sflag:s28] =	ssyncset.done $0x0  }
0x5a: {  	[sflag:s28] =	ssyncadd.s32 $0xFFFFF000  }
0x5b: {  	p0 =	por $0x0, $0x0;
	s14 =	simm.s32 $0x0;
	[bflag:$0x0] =	sbarrier.arrive $0xFFFF  }
.LBB2_4:
0x5c: {  	_ =	swait.ge [sflag:s29], $0x1880;
	p1 =	seq.s32 s14, $0x7  }
0x5d: {  	[sflag:s29] =	ssyncset.done $0x0;
	s15 =	smul.u32 @!p1 $0x1880, s14  }
0x5e: {  	s16 =	sand.u32 $0x1, s14;
	[sflag:s29] =	ssyncadd.s32 $0xFFFFE780  }
0x5f: {  	s16 =	sxor.u32 @!p1 $0x1, s16;
	_ =	swait.ge [sflag:s30], $0x1880;
	s15 =	sshrl.u32 @!p1 s15, $0x3  }
0x60: {  	s16 =	smul.u32 @!p1 $0x1880, s16;
	[sflag:s30] =	ssyncset.done $0x0;
	s15 =	sadd.s32 @!p1 $0x310, s15  }
0x61: {  	s18 =	simm.s32 @!p1 $0x0;
	[sflag:s30] =	ssyncadd.s32 $0xFFFFE780;
	s17 =	sadd.s32 @!p1 s5, s15  }
0x62: {  	[tilespmem:s16], [sflag:$0x1] =	stream.linear.gather @!p1 [hbm4b:s17+s18], $0x1880, $0x38;
	[tilespmem:$0x1A200] =	vst v63  }
0x63: {  	s15 =	sadd.s32 @!p1 s6, s15;
	s16 =	sadd.s32 @!p1 $0x3100, s16  }
0x64: {  	[tilespmem:s16], [sflag:$0x2] =	stream.linear.gather @!p1 [hbm4b:s15+s18], $0x1880, $0x38;
	[tilespmem:$0x1A200] =	vst v63  }
0x65: {  	p1 =	por $0x1, $0x1  }
0x66: {  	s16 =	simm.s32 @!p1 $0x4  }
0x67: {  	_ =	swait.ge @!p1 [sflag:s16], $0x1000  }
0x68: {  	[sflag:s16] =	ssyncset.done @!p1 $0x0  }
0x69: {  	[sflag:s16] =	ssyncadd.s32 @!p1 $0xFFFFF000  }
0x6a: {  	_ =	swait.ge @!p1 [sflag:s16], $0x1000  }
0x6b: {  	[sflag:s16] =	ssyncset.done @!p1 $0x0  }
0x6c: {  	[sflag:s16] =	ssyncadd.s32 @!p1 $0xFFFFF000  }
0x6d: {  	_ =	swait.ge @!p1 [sflag:s16], $0x1000  }
0x6e: {  	[sflag:s16] =	ssyncset.done @!p1 $0x0  }
0x6f: {  	[sflag:s16] =	ssyncadd.s32 @!p1 $0xFFFFF000  }
0x70: {  	_ =	swait.ge @!p1 [sflag:s16], $0x1000  }
0x71: {  	[sflag:s16] =	ssyncset.done @!p1 $0x0  }
0x72: {  	[sflag:s16] =	ssyncadd.s32 @!p1 $0xFFFFF000  }
0x73: {  	_ =	swait.ge @!p1 [sflag:s16], $0x1000  }
0x74: {  	[sflag:s16] =	ssyncset.done @!p1 $0x0  }
0x75: {  	[sflag:s16] =	ssyncadd.s32 @!p1 $0xFFFFF000  }
0x76: {  	s15 =	simm.s32 $0x1;
	_ =	swait.ge @!p1 [sflag:s16], $0x1000  }
0x77: {  	s15 =	simm.s32 @!p0 $0x0;
	[sflag:s16] =	ssyncset.done @!p1 $0x0  }
0x78: {  	s15 =	smul.u32 $0x6200, s15;
	[sflag:s16] =	ssyncadd.s32 @!p1 $0xFFFFF000  }
0x79: {  	_ =	swait.ge @!p1 [sflag:s16], $0x1000  }
0x7a: {  	s15 =	sshrl.u32 s15, $0x2;
	[sflag:s16] =	ssyncset.done @!p1 $0x0  }
0x7b: {  	[sflag:s16] =	ssyncadd.s32 @!p1 $0xFFFFF000;
	s16 =	sadd.s32 $0x0, s15  }
0x7c: {  	[tilespmem:s26], [sflag:$0x3] =	stream.indirect.gather [hbm4b:s2+s31], $0x20, s16, s31, $0xb8;
	[tilespmem:$0x1A200] =	vst v63  }
0x7d: {  	s19 =	sadd.s32 $0x80, s16  }
0x7e: {  	[tilespmem:s0], [sflag:$0x3] =	stream.indirect.gather [hbm4b:s2+s31], $0x20, s19, s31, $0xb8;
	[tilespmem:$0x1A200] =	vst v63  }
0x7f: {  	s20 =	sadd.s32 $0x100, s16  }
0x80: {  	[tilespmem:s1], [sflag:$0x3] =	stream.indirect.gather [hbm4b:s2+s31], $0x20, s20, s31, $0xb8;
	[tilespmem:$0x1A200] =	vst v63  }
0x81: {  	s21 =	sadd.s32 $0x180, s16  }
0x82: {  	[tilespmem:s4], [sflag:$0x3] =	stream.indirect.gather [hbm4b:s2+s31], $0x20, s21, s31, $0xb8;
	[tilespmem:$0x1A200] =	vst v63  }
0x83: {  	s18 =	sadd.s32 $0x200, s16  }
0x84: {  	[tilespmem:s8], [sflag:$0x3] =	stream.indirect.gather [hbm4b:s2+s31], $0x20, s18, s31, $0xb8;
	[tilespmem:$0x1A200] =	vst v63  }
0x85: {  	s19 =	sadd.s32 $0x280, s16  }
0x86: {  	[tilespmem:s9], [sflag:$0x3] =	stream.indirect.gather [hbm4b:s2+s31], $0x20, s19, s31, $0xb8;
	[tilespmem:$0x1A200] =	vst v63  }
0x87: {  	s16 =	sadd.s32 $0x300, s16  }
0x88: {  	[tilespmem:s11], [sflag:$0x3] =	stream.indirect.gather [hbm4b:s2+s31], $0x20, s16, s31, $0xb8;
	[tilespmem:$0x1A200] =	vst v63  }
0x89: {  	_ =	swait.ge [sflag:s25], $0x1000  }
0x8a: {  	s16 =	sadd.s32 $0x3100, s15;
	[sflag:s25] =	ssyncset.done $0x0  }
0x8b: {  	s19 =	sadd.s32 $0x0, s16;
	[sflag:s25] =	ssyncadd.s32 $0xFFFFF000  }
0x8c: {  	[spmem:s3] =	stream.indirect.scatter.add.f32 [tilespmem:s26], [sflag:$0x4], $0x20, s19, s31, $0xb8;
	[tilespmem:$0x1A200] =	vst v63  }
0x8d: {  	_ =	swait.ge [sflag:s25], $0x1000  }
0x8e: {  	[sflag:s25] =	ssyncset.done $0x0  }
0x8f: {  	s20 =	sadd.s32 $0x80, s19;
	[sflag:s25] =	ssyncadd.s32 $0xFFFFF000  }
0x90: {  	[spmem:s3] =	stream.indirect.scatter.add.f32 [tilespmem:s0], [sflag:$0x4], $0x20, s20, s31, $0xb8;
	[tilespmem:$0x1A200] =	vst v63  }
0x91: {  	_ =	swait.ge [sflag:s25], $0x1000  }
0x92: {  	[sflag:s25] =	ssyncset.done $0x0  }
0x93: {  	s21 =	sadd.s32 $0x100, s19;
	[sflag:s25] =	ssyncadd.s32 $0xFFFFF000  }
0x94: {  	[spmem:s3] =	stream.indirect.scatter.add.f32 [tilespmem:s1], [sflag:$0x4], $0x20, s21, s31, $0xb8;
	[tilespmem:$0x1A200] =	vst v63  }
0x95: {  	_ =	swait.ge [sflag:s25], $0x1000  }
0x96: {  	[sflag:s25] =	ssyncset.done $0x0  }
0x97: {  	s18 =	sadd.s32 $0x180, s19;
	[sflag:s25] =	ssyncadd.s32 $0xFFFFF000  }
0x98: {  	[spmem:s3] =	stream.indirect.scatter.add.f32 [tilespmem:s4], [sflag:$0x4], $0x20, s18, s31, $0xb8;
	[tilespmem:$0x1A200] =	vst v63  }
0x99: {  	_ =	swait.ge [sflag:s25], $0x1000  }
0x9a: {  	[sflag:s25] =	ssyncset.done $0x0  }
0x9b: {  	s20 =	sadd.s32 $0x200, s19;
	[sflag:s25] =	ssyncadd.s32 $0xFFFFF000  }
0x9c: {  	[spmem:s3] =	stream.indirect.scatter.add.f32 [tilespmem:s8], [sflag:$0x4], $0x20, s20, s31, $0xb8;
	[tilespmem:$0x1A200] =	vst v63  }
0x9d: {  	_ =	swait.ge [sflag:s25], $0x1000  }
0x9e: {  	[sflag:s25] =	ssyncset.done $0x0  }
0x9f: {  	s21 =	sadd.s32 $0x280, s19;
	[sflag:s25] =	ssyncadd.s32 $0xFFFFF000  }
0xa0: {  	[spmem:s3] =	stream.indirect.scatter.add.f32 [tilespmem:s9], [sflag:$0x4], $0x20, s21, s31, $0xb8;
	[tilespmem:$0x1A200] =	vst v63  }
0xa1: {  	p2 =	por $0x0, $0x0;
	s17 =	simm.s32 $0xE00;
	_ =	swait.ge [sflag:s25], $0x1000  }
0xa2: {  	s19 =	sadd.s32 $0x300, s19;
	s18 =	simm.s32 $0x1C00;
	[sflag:s25] =	ssyncset.done $0x0  }
.LBB2_5:
0xa3: {  	s20 =	simm.s32 @!p2 $0x4  }
0xa4: {  	[sflag:s25] =	ssyncadd.s32 $0xFFFFF000;
	s21 =	smov.u32 s18;
	s18 =	sadd.s32 $0xE00, s18  }
0xa5: {  	[spmem:s3] =	stream.indirect.scatter.add.f32 [tilespmem:s11], [sflag:$0x4], $0x20, s19, s31, $0xb8;
	[tilespmem:$0x1A200] =	vst v63  }
0xa6: {  	p1 =	sne.s32 s18, $0x6200;
	_ =	swait.ge @!p2 [sflag:s20], $0x1000  }
0xa7: {  	[sflag:s20] =	ssyncset.done @!p2 $0x0  }
0xa8: {  	[sflag:s20] =	ssyncadd.s32 @!p2 $0xFFFFF000  }
0xa9: {  	_ =	swait.ge @!p2 [sflag:s20], $0x1000  }
0xaa: {  	[sflag:s20] =	ssyncset.done @!p2 $0x0  }
0xab: {  	[sflag:s20] =	ssyncadd.s32 @!p2 $0xFFFFF000  }
0xac: {  	_ =	swait.ge @!p2 [sflag:s20], $0x1000  }
0xad: {  	[sflag:s20] =	ssyncset.done @!p2 $0x0  }
0xae: {  	[sflag:s20] =	ssyncadd.s32 @!p2 $0xFFFFF000  }
0xaf: {  	_ =	swait.ge @!p2 [sflag:s20], $0x1000  }
0xb0: {  	[sflag:s20] =	ssyncset.done @!p2 $0x0  }
0xb1: {  	[sflag:s20] =	ssyncadd.s32 @!p2 $0xFFFFF000  }
0xb2: {  	_ =	swait.ge @!p2 [sflag:s20], $0x1000  }
0xb3: {  	[sflag:s20] =	ssyncset.done @!p2 $0x0  }
0xb4: {  	[sflag:s20] =	ssyncadd.s32 @!p2 $0xFFFFF000  }
0xb5: {  	_ =	swait.ge @!p2 [sflag:s20], $0x1000  }
0xb6: {  	[sflag:s20] =	ssyncset.done @!p2 $0x0  }
0xb7: {  	[sflag:s20] =	ssyncadd.s32 @!p2 $0xFFFFF000  }
0xb8: {  	_ =	swait.ge @!p2 [sflag:s20], $0x1000  }
0xb9: {  	s19 =	sshra.s32 s17, $0x2;
	s17 =	smov.u32 s21;
	[sflag:s20] =	ssyncset.done @!p2 $0x0  }
0xba: {  	[sflag:s20] =	ssyncadd.s32 @!p2 $0xFFFFF000;
	s20 =	sadd.s32 s19, s15  }
0xbb: {  	[tilespmem:s26], [sflag:$0x3] =	stream.indirect.gather [hbm4b:s2+s31], $0x20, s20, s31, $0xb8;
	[tilespmem:$0x1A200] =	vst v63  }
0xbc: {  	s21 =	sadd.s32 $0x80, s20  }
0xbd: {  	[tilespmem:s0], [sflag:$0x3] =	stream.indirect.gather [hbm4b:s2+s31], $0x20, s21, s31, $0xb8;
	[tilespmem:$0x1A200] =	vst v63  }
0xbe: {  	s21 =	sadd.s32 $0x100, s20  }
0xbf: {  	[tilespmem:s1], [sflag:$0x3] =	stream.indirect.gather [hbm4b:s2+s31], $0x20, s21, s31, $0xb8;
	[tilespmem:$0x1A200] =	vst v63  }
0xc0: {  	s21 =	sadd.s32 $0x180, s20  }
0xc1: {  	[tilespmem:s4], [sflag:$0x3] =	stream.indirect.gather [hbm4b:s2+s31], $0x20, s21, s31, $0xb8;
	[tilespmem:$0x1A200] =	vst v63  }
0xc2: {  	s21 =	sadd.s32 $0x200, s20  }
0xc3: {  	[tilespmem:s8], [sflag:$0x3] =	stream.indirect.gather [hbm4b:s2+s31], $0x20, s21, s31, $0xb8;
	[tilespmem:$0x1A200] =	vst v63  }
0xc4: {  	s21 =	sadd.s32 $0x280, s20  }
0xc5: {  	[tilespmem:s9], [sflag:$0x3] =	stream.indirect.gather [hbm4b:s2+s31], $0x20, s21, s31, $0xb8;
	[tilespmem:$0x1A200] =	vst v63  }
0xc6: {  	s20 =	sadd.s32 $0x300, s20  }
0xc7: {  	[tilespmem:s11], [sflag:$0x3] =	stream.indirect.gather [hbm4b:s2+s31], $0x20, s20, s31, $0xb8;
	[tilespmem:$0x1A200] =	vst v63  }
0xc8: {  	_ =	swait.ge [sflag:s25], $0x1000  }
0xc9: {  	[sflag:s25] =	ssyncset.done $0x0  }
0xca: {  	s19 =	sadd.s32 s19, s16;
	[sflag:s25] =	ssyncadd.s32 $0xFFFFF000  }
0xcb: {  	[spmem:s3] =	stream.indirect.scatter.add.f32 [tilespmem:s26], [sflag:$0x4], $0x20, s19, s31, $0xb8;
	[tilespmem:$0x1A200] =	vst v63  }
0xcc: {  	_ =	swait.ge [sflag:s25], $0x1000  }
0xcd: {  	[sflag:s25] =	ssyncset.done $0x0  }
0xce: {  	s20 =	sadd.s32 $0x80, s19;
	[sflag:s25] =	ssyncadd.s32 $0xFFFFF000  }
0xcf: {  	[spmem:s3] =	stream.indirect.scatter.add.f32 [tilespmem:s0], [sflag:$0x4], $0x20, s20, s31, $0xb8;
	[tilespmem:$0x1A200] =	vst v63  }
0xd0: {  	_ =	swait.ge [sflag:s25], $0x1000  }
0xd1: {  	[sflag:s25] =	ssyncset.done $0x0  }
0xd2: {  	s20 =	sadd.s32 $0x100, s19;
	[sflag:s25] =	ssyncadd.s32 $0xFFFFF000  }
0xd3: {  	[spmem:s3] =	stream.indirect.scatter.add.f32 [tilespmem:s1], [sflag:$0x4], $0x20, s20, s31, $0xb8;
	[tilespmem:$0x1A200] =	vst v63  }
0xd4: {  	_ =	swait.ge [sflag:s25], $0x1000  }
0xd5: {  	[sflag:s25] =	ssyncset.done $0x0  }
0xd6: {  	s20 =	sadd.s32 $0x180, s19;
	[sflag:s25] =	ssyncadd.s32 $0xFFFFF000  }
0xd7: {  	[spmem:s3] =	stream.indirect.scatter.add.f32 [tilespmem:s4], [sflag:$0x4], $0x20, s20, s31, $0xb8;
	[tilespmem:$0x1A200] =	vst v63  }
0xd8: {  	_ =	swait.ge [sflag:s25], $0x1000  }
0xd9: {  	[sflag:s25] =	ssyncset.done $0x0  }
0xda: {  	s20 =	sadd.s32 $0x200, s19;
	[sflag:s25] =	ssyncadd.s32 $0xFFFFF000  }
0xdb: {  	[spmem:s3] =	stream.indirect.scatter.add.f32 [tilespmem:s8], [sflag:$0x4], $0x20, s20, s31, $0xb8;
	[tilespmem:$0x1A200] =	vst v63  }
0xdc: {  	_ =	swait.ge [sflag:s25], $0x1000  }
.Ltmp1:
0xdd: {  	[sflag:s25] =	ssyncset.done $0x0;
	(pc) =	sbr.rel @p1 .LBB2_5-.Ltmp1, $4  }
0xde: {  	s20 =	sadd.s32 $0x280, s19;
	[sflag:s25] =	ssyncadd.s32 $0xFFFFF000  }
0xdf: {  	[spmem:s3] =	stream.indirect.scatter.add.f32 [tilespmem:s9], [sflag:$0x4], $0x20, s20, s31, $0xb8;
	[tilespmem:$0x1A200] =	vst v63  }
0xe0: {  	_ =	swait.ge [sflag:s25], $0x1000  }
0xe1: {  	p2 =	seq.s32 s17, $0x0;
	s19 =	sadd.s32 $0x300, s19;
	[sflag:s25] =	ssyncset.done $0x0  }
0xe2: {  	s18 =	simm.s32 @!p2 $0x4;
	[sflag:s25] =	ssyncadd.s32 $0xFFFFF000  }
0xe3: {  	[spmem:s3] =	stream.indirect.scatter.add.f32 [tilespmem:s11], [sflag:$0x4], $0x20, s19, s31, $0xb8;
	[tilespmem:$0x1A200] =	vst v63  }
0xe4: {  	_ =	swait.ge @!p2 [sflag:s18], $0x1000  }
0xe5: {  	[sflag:s18] =	ssyncset.done @!p2 $0x0  }
0xe6: {  	[sflag:s18] =	ssyncadd.s32 @!p2 $0xFFFFF000  }
0xe7: {  	_ =	swait.ge @!p2 [sflag:s18], $0x1000  }
0xe8: {  	[sflag:s18] =	ssyncset.done @!p2 $0x0  }
0xe9: {  	[sflag:s18] =	ssyncadd.s32 @!p2 $0xFFFFF000  }
0xea: {  	_ =	swait.ge @!p2 [sflag:s18], $0x1000  }
0xeb: {  	[sflag:s18] =	ssyncset.done @!p2 $0x0  }
0xec: {  	[sflag:s18] =	ssyncadd.s32 @!p2 $0xFFFFF000  }
0xed: {  	_ =	swait.ge @!p2 [sflag:s18], $0x1000  }
0xee: {  	[sflag:s18] =	ssyncset.done @!p2 $0x0  }
0xef: {  	[sflag:s18] =	ssyncadd.s32 @!p2 $0xFFFFF000  }
0xf0: {  	_ =	swait.ge @!p2 [sflag:s18], $0x1000  }
0xf1: {  	[sflag:s18] =	ssyncset.done @!p2 $0x0  }
0xf2: {  	[sflag:s18] =	ssyncadd.s32 @!p2 $0xFFFFF000  }
0xf3: {  	_ =	swait.ge @!p2 [sflag:s18], $0x1000  }
0xf4: {  	[sflag:s18] =	ssyncset.done @!p2 $0x0  }
0xf5: {  	[sflag:s18] =	ssyncadd.s32 @!p2 $0xFFFFF000  }
0xf6: {  	_ =	swait.ge @!p2 [sflag:s18], $0x1000  }
0xf7: {  	s17 =	sshra.s32 s17, $0x2;
	[sflag:s18] =	ssyncset.done @!p2 $0x0  }
0xf8: {  	s15 =	sadd.s32 s17, s15;
	[sflag:s18] =	ssyncadd.s32 @!p2 $0xFFFFF000  }
0xf9: {  	[tilespmem:s26], [sflag:$0x3] =	stream.indirect.gather [hbm4b:s2+s31], $0x20, s15, s31, $0xb8;
	[tilespmem:$0x1A200] =	vst v63  }
0xfa: {  	s20 =	sadd.s32 $0x80, s15  }
0xfb: {  	[tilespmem:s0], [sflag:$0x3] =	stream.indirect.gather [hbm4b:s2+s31], $0x20, s20, s31, $0xb8;
	[tilespmem:$0x1A200] =	vst v63  }
0xfc: {  	s21 =	sadd.s32 $0x100, s15  }
0xfd: {  	[tilespmem:s1], [sflag:$0x3] =	stream.indirect.gather [hbm4b:s2+s31], $0x20, s21, s31, $0xb8;
	[tilespmem:$0x1A200] =	vst v63  }
0xfe: {  	s19 =	sadd.s32 $0x180, s15  }
0xff: {  	[tilespmem:s4], [sflag:$0x3] =	stream.indirect.gather [hbm4b:s2+s31], $0x20, s19, s31, $0xb8;
	[tilespmem:$0x1A200] =	vst v63  }
0x100: {  	s20 =	sadd.s32 $0x200, s15  }
0x101: {  	[tilespmem:s8], [sflag:$0x3] =	stream.indirect.gather [hbm4b:s2+s31], $0x20, s20, s31, $0xb8;
	[tilespmem:$0x1A200] =	vst v63  }
0x102: {  	s21 =	sadd.s32 $0x280, s15  }
0x103: {  	[tilespmem:s9], [sflag:$0x3] =	stream.indirect.gather [hbm4b:s2+s31], $0x20, s21, s31, $0xb8;
	[tilespmem:$0x1A200] =	vst v63  }
0x104: {  	s15 =	sadd.s32 $0x300, s15  }
0x105: {  	[tilespmem:s11], [sflag:$0x3] =	stream.indirect.gather [hbm4b:s2+s31], $0x20, s15, s31, $0xb8;
	[tilespmem:$0x1A200] =	vst v63  }
0x106: {  	_ =	swait.ge [sflag:s25], $0x1000  }
0x107: {  	[sflag:s25] =	ssyncset.done $0x0  }
0x108: {  	s17 =	sadd.s32 s17, s16;
	[sflag:s25] =	ssyncadd.s32 $0xFFFFF000  }
0x109: {  	[spmem:s3] =	stream.indirect.scatter.add.f32 [tilespmem:s26], [sflag:$0x4], $0x20, s17, s31, $0xb8;
	[tilespmem:$0x1A200] =	vst v63  }
0x10a: {  	_ =	swait.ge [sflag:s25], $0x1000  }
0x10b: {  	[sflag:s25] =	ssyncset.done $0x0  }
0x10c: {  	s16 =	sadd.s32 $0x80, s17;
	[sflag:s25] =	ssyncadd.s32 $0xFFFFF000  }
0x10d: {  	[spmem:s3] =	stream.indirect.scatter.add.f32 [tilespmem:s0], [sflag:$0x4], $0x20, s16, s31, $0xb8;
	[tilespmem:$0x1A200] =	vst v63  }
0x10e: {  	_ =	swait.ge [sflag:s25], $0x1000  }
0x10f: {  	[sflag:s25] =	ssyncset.done $0x0  }
0x110: {  	s18 =	sadd.s32 $0x100, s17;
	[sflag:s25] =	ssyncadd.s32 $0xFFFFF000  }
0x111: {  	[spmem:s3] =	stream.indirect.scatter.add.f32 [tilespmem:s1], [sflag:$0x4], $0x20, s18, s31, $0xb8;
	[tilespmem:$0x1A200] =	vst v63  }
0x112: {  	_ =	swait.ge [sflag:s25], $0x1000  }
0x113: {  	[sflag:s25] =	ssyncset.done $0x0  }
0x114: {  	s19 =	sadd.s32 $0x180, s17;
	[sflag:s25] =	ssyncadd.s32 $0xFFFFF000  }
0x115: {  	[spmem:s3] =	stream.indirect.scatter.add.f32 [tilespmem:s4], [sflag:$0x4], $0x20, s19, s31, $0xb8;
	[tilespmem:$0x1A200] =	vst v63  }
0x116: {  	_ =	swait.ge [sflag:s25], $0x1000  }
0x117: {  	[sflag:s25] =	ssyncset.done $0x0  }
0x118: {  	s20 =	sadd.s32 $0x200, s17;
	[sflag:s25] =	ssyncadd.s32 $0xFFFFF000  }
0x119: {  	[spmem:s3] =	stream.indirect.scatter.add.f32 [tilespmem:s8], [sflag:$0x4], $0x20, s20, s31, $0xb8;
	[tilespmem:$0x1A200] =	vst v63  }
0x11a: {  	_ =	swait.ge [sflag:s25], $0x1000  }
0x11b: {  	[sflag:s25] =	ssyncset.done $0x0  }
0x11c: {  	s21 =	sadd.s32 $0x280, s17;
	[sflag:s25] =	ssyncadd.s32 $0xFFFFF000  }
0x11d: {  	[spmem:s3] =	stream.indirect.scatter.add.f32 [tilespmem:s9], [sflag:$0x4], $0x20, s21, s31, $0xb8;
	[tilespmem:$0x1A200] =	vst v63  }
0x11e: {  	_ =	swait.ge [sflag:s25], $0x1000  }
0x11f: {  	[sflag:s25] =	ssyncset.done $0x0  }
0x120: {  	s15 =	sadd.s32 $0x300, s17;
	[sflag:s25] =	ssyncadd.s32 $0xFFFFF000  }
0x121: {  	[spmem:s3] =	stream.indirect.scatter.add.f32 [tilespmem:s11], [sflag:$0x4], $0x20, s15, s31, $0xb8;
	[tilespmem:$0x1A200] =	vst v63  }
0x122: {  	_ =	swait.ge [sflag:s12], $0x1000  }
0x123: {  	[sflag:s12] =	ssyncset.done $0x0  }
0x124: {  	[sflag:s12] =	ssyncadd.s32 $0xFFFFF000  }
0x125: {  	_ =	swait.ge [sflag:s12], $0x1000  }
0x126: {  	[sflag:s12] =	ssyncset.done $0x0  }
0x127: {  	[sflag:s12] =	ssyncadd.s32 $0xFFFFF000  }
0x128: {  	_ =	swait.ge [sflag:s12], $0x1000  }
0x129: {  	[sflag:s12] =	ssyncset.done $0x0  }
0x12a: {  	[sflag:s12] =	ssyncadd.s32 $0xFFFFF000  }
0x12b: {  	_ =	swait.ge [sflag:s12], $0x1000  }
0x12c: {  	[sflag:s12] =	ssyncset.done $0x0  }
0x12d: {  	[sflag:s12] =	ssyncadd.s32 $0xFFFFF000  }
0x12e: {  	_ =	swait.ge [sflag:s12], $0x1000  }
0x12f: {  	[sflag:s12] =	ssyncset.done $0x0  }
0x130: {  	s14 =	sadd.s32 $0x1, s14;
	[sflag:s12] =	ssyncadd.s32 $0xFFFFF000  }
0x131: {  	p1 =	sne.s32 s14, $0x8;
	_ =	swait.ge [sflag:s12], $0x1000  }
.Ltmp2:
0x132: {  	[sflag:s12] =	ssyncset.done $0x0;
	(pc) =	sbr.rel @p1 .LBB2_4-.Ltmp2, $4  }
0x133: {  	[sflag:s12] =	ssyncadd.s32 $0xFFFFF000  }
0x134: {  	_ =	swait.ge [sflag:s12], $0x1000  }
0x135: {  	[sflag:s12] =	ssyncset.done $0x0  }
0x136: {  	p0 =	por !p0, !p0;
	[sflag:s12] =	ssyncadd.s32 $0xFFFFF000  }
0x137: {  	s14 =	stileid.u32;
	[bflag:$0x0] =	sbarrier.arrive $0xFFFF  }
0x138: {  	s14 =	sshll.u32 s14, $0x6;
	s15 =	rddreg [dreg:$0x5]  }
0x139: {  	s16 =	rddreg [dreg:$0x4];
	s14 =	sor.u32 $0x1C05, s14;
	s15 =	sshrl.u32 s15, $0x3  }
0x13a: {  	[hbm:s16], [sflag:s14] =	dma.local [spmem:s15], $0x1880  }
0x13b: {  	_ =	swait.ge [sflag:s28], $0x1880  }
0x13c: {  	[sflag:s28] =	ssyncset.done $0x0  }
0x13d: {  	[sflag:s28] =	ssyncadd.s32 $0xFFFFE780  }
0x13e: {  	s21 =	simm.s32 $0x0;
	[bflag:$0x0] =	sbarrier.arrive $0xFFFF  }
0x13f: {  	[tilespmem:s21], [sflag:$0x1] =	stream.linear.gather [hbm4b:s5+s21], $0x1880, $0x38;
	[tilespmem:$0x1A200] =	vst v63  }
0x140: {  	s17 =	simm.s32 $0x0;
	s16 =	simm.s32 $0x80  }
0x141: {  	[tilespmem:s24], [sflag:$0x2] =	stream.linear.gather [hbm4b:s6+s21], $0x1880, $0x38;
	[tilespmem:$0x1A200] =	vst v63  }
.LBB2_8:
0x142: {  	p0 =	sne.s32 s16, $0x3F80;
	[tilespmem:s17+$0x6200] =	vst v0;
	s18 =	smov.u32 s16;
	s16 =	sadd.s32 $0x80, s16  }
.Ltmp3:
0x143: {  	[tilespmem:s17+$0x6210] =	vst v0;
	(pc) =	sbr.rel @p0 .LBB2_8-.Ltmp3, $2  }
0x144: {  	_ =	sdelay $0x2  }
0x145: {  	s17 =	sshra.s32 s18, $0x2  }
0x146: {  	[tilespmem:s17+$0x6200] =	vst v0  }
0x147: {  	[tilespmem:s17+$0x6210] =	vst v0  }
0x148: {  	[spmem:s7] =	stream.linear.scatter [tilespmem:s26], [sflag:$0x5], $0x1000, $0x38;
	[tilespmem:$0x1A200] =	vst v63  }
0x149: {  	_ =	swait.ge [sflag:s28], $0x1000  }
0x14a: {  	[sflag:s28] =	ssyncset.done $0x0  }
0x14b: {  	[sflag:s28] =	ssyncadd.s32 $0xFFFFF000  }
0x14c: {  	[spmem:s22] =	stream.linear.scatter [tilespmem:s26], [sflag:$0x5], $0x1000, $0x38;
	[tilespmem:$0x1A200] =	vst v63  }
0x14d: {  	_ =	swait.ge [sflag:s28], $0x1000  }
0x14e: {  	[sflag:s28] =	ssyncset.done $0x0  }
0x14f: {  	[sflag:s28] =	ssyncadd.s32 $0xFFFFF000  }
0x150: {  	[spmem:s23] =	stream.linear.scatter [tilespmem:s26], [sflag:$0x5], $0x1000, $0x38;
	[tilespmem:$0x1A200] =	vst v63  }
0x151: {  	_ =	swait.ge [sflag:s28], $0x1000  }
0x152: {  	[sflag:s28] =	ssyncset.done $0x0  }
0x153: {  	s16 =	rddreg [dreg:$0x9];
	[sflag:s28] =	ssyncadd.s32 $0xFFFFF000  }
0x154: {  	[spmem:s16] =	stream.linear.scatter [tilespmem:s26], [sflag:$0x5], $0x1000, $0x38;
	[tilespmem:$0x1A200] =	vst v63  }
0x155: {  	_ =	swait.ge [sflag:s28], $0x1000  }
0x156: {  	[sflag:s28] =	ssyncset.done $0x0  }
0x157: {  	s24 =	smov.u32 s22;
	s22 =	rddreg [dreg:$0xa];
	[sflag:s28] =	ssyncadd.s32 $0xFFFFF000  }
0x158: {  	[spmem:s22] =	stream.linear.scatter [tilespmem:s26], [sflag:$0x5], $0x1000, $0x38;
	[tilespmem:$0x1A200] =	vst v63  }
0x159: {  	_ =	swait.ge [sflag:s28], $0x1000  }
0x15a: {  	[sflag:s28] =	ssyncset.done $0x0  }
0x15b: {  	s7 =	smov.u32 s23;
	s23 =	rddreg [dreg:$0xb];
	[sflag:s28] =	ssyncadd.s32 $0xFFFFF000  }
0x15c: {  	[spmem:s23] =	stream.linear.scatter [tilespmem:s26], [sflag:$0x5], $0x1000, $0x38;
	[tilespmem:$0x1A200] =	vst v63  }
0x15d: {  	_ =	swait.ge [sflag:s28], $0x1000  }
0x15e: {  	[sflag:s28] =	ssyncset.done $0x0  }
0x15f: {  	s17 =	rddreg [dreg:$0xc];
	[sflag:s28] =	ssyncadd.s32 $0xFFFFF000  }
0x160: {  	[spmem:s17] =	stream.linear.scatter [tilespmem:s26], [sflag:$0x5], $0x1000, $0x38;
	[tilespmem:$0x1A200] =	vst v63  }
0x161: {  	_ =	swait.ge [sflag:s28], $0x1000  }
0x162: {  	[sflag:s28] =	ssyncset.done $0x0  }
0x163: {  	s18 =	rddreg [dreg:$0xd];
	[sflag:s28] =	ssyncadd.s32 $0xFFFFF000  }
0x164: {  	[spmem:s18] =	stream.linear.scatter [tilespmem:s26], [sflag:$0x5], $0x1000, $0x38;
	[tilespmem:$0x1A200] =	vst v63  }
0x165: {  	_ =	swait.ge [sflag:s28], $0x1000  }
0x166: {  	[sflag:s28] =	ssyncset.done $0x0  }
0x167: {  	s19 =	rddreg [dreg:$0xe];
	[sflag:s28] =	ssyncadd.s32 $0xFFFFF000  }
0x168: {  	[spmem:s19] =	stream.linear.scatter [tilespmem:s26], [sflag:$0x5], $0x1000, $0x38;
	[tilespmem:$0x1A200] =	vst v63  }
0x169: {  	_ =	swait.ge [sflag:s28], $0x1000  }
0x16a: {  	[sflag:s28] =	ssyncset.done $0x0  }
0x16b: {  	s20 =	rddreg [dreg:$0xf];
	[sflag:s28] =	ssyncadd.s32 $0xFFFFF000  }
0x16c: {  	[spmem:s20] =	stream.linear.scatter [tilespmem:s26], [sflag:$0x5], $0x1000, $0x38;
	[tilespmem:$0x1A200] =	vst v63  }
0x16d: {  	_ =	swait.ge [sflag:s28], $0x1000  }
0x16e: {  	[sflag:s28] =	ssyncset.done $0x0  }
0x16f: {  	s21 =	rddreg [dreg:$0x10];
	[sflag:s28] =	ssyncadd.s32 $0xFFFFF000  }
0x170: {  	[spmem:s21] =	stream.linear.scatter [tilespmem:s26], [sflag:$0x5], $0x1000, $0x38;
	[tilespmem:$0x1A200] =	vst v63  }
0x171: {  	_ =	swait.ge [sflag:s28], $0x1000  }
0x172: {  	[sflag:s28] =	ssyncset.done $0x0  }
0x173: {  	s22 =	rddreg [dreg:$0x11];
	[sflag:s28] =	ssyncadd.s32 $0xFFFFF000  }
0x174: {  	[spmem:s22] =	stream.linear.scatter [tilespmem:s26], [sflag:$0x5], $0x1000, $0x38;
	[tilespmem:$0x1A200] =	vst v63  }
0x175: {  	_ =	swait.ge [sflag:s28], $0x1000  }
0x176: {  	[sflag:s28] =	ssyncset.done $0x0  }
0x177: {  	s23 =	rddreg [dreg:$0x12];
	[sflag:s28] =	ssyncadd.s32 $0xFFFFF000  }
0x178: {  	[spmem:s23] =	stream.linear.scatter [tilespmem:s26], [sflag:$0x5], $0x1000, $0x38;
	[tilespmem:$0x1A200] =	vst v63  }
0x179: {  	_ =	swait.ge [sflag:s28], $0x1000  }
0x17a: {  	[sflag:s28] =	ssyncset.done $0x0  }
0x17b: {  	[sflag:s28] =	ssyncadd.s32 $0xFFFFF000  }
0x17c: {  	p0 =	por $0x0, $0x0;
	s16 =	simm.s32 $0x0;
	[bflag:$0x0] =	sbarrier.arrive $0xFFFF  }
.LBB2_10:
0x17d: {  	_ =	swait.ge [sflag:s29], $0x1880;
	p1 =	seq.s32 s16, $0x7  }
0x17e: {  	[sflag:s29] =	ssyncset.done $0x0;
	s17 =	smul.u32 @!p1 $0x1880, s16  }
0x17f: {  	s18 =	sand.u32 $0x1, s16;
	[sflag:s29] =	ssyncadd.s32 $0xFFFFE780  }
0x180: {  	s18 =	sxor.u32 @!p1 $0x1, s18;
	_ =	swait.ge [sflag:s30], $0x1880;
	s17 =	sshrl.u32 @!p1 s17, $0x3  }
0x181: {  	s18 =	smul.u32 @!p1 $0x1880, s18;
	[sflag:s30] =	ssyncset.done $0x0;
	s17 =	sadd.s32 @!p1 $0x310, s17  }
0x182: {  	s20 =	simm.s32 @!p1 $0x0;
	[sflag:s30] =	ssyncadd.s32 $0xFFFFE780;
	s19 =	sadd.s32 @!p1 s5, s17  }
0x183: {  	[tilespmem:s18], [sflag:$0x1] =	stream.linear.gather @!p1 [hbm4b:s19+s20], $0x1880, $0x38;
	[tilespmem:$0x1A200] =	vst v63  }
0x184: {  	s17 =	sadd.s32 @!p1 s6, s17;
	s18 =	sadd.s32 @!p1 $0x3100, s18  }
0x185: {  	[tilespmem:s18], [sflag:$0x2] =	stream.linear.gather @!p1 [hbm4b:s17+s20], $0x1880, $0x38;
	[tilespmem:$0x1A200] =	vst v63  }
0x186: {  	p1 =	por $0x1, $0x1  }
0x187: {  	s18 =	simm.s32 @!p1 $0x4  }
0x188: {  	_ =	swait.ge @!p1 [sflag:s18], $0x1000  }
0x189: {  	[sflag:s18] =	ssyncset.done @!p1 $0x0  }
0x18a: {  	[sflag:s18] =	ssyncadd.s32 @!p1 $0xFFFFF000  }
0x18b: {  	_ =	swait.ge @!p1 [sflag:s18], $0x1000  }
0x18c: {  	[sflag:s18] =	ssyncset.done @!p1 $0x0  }
0x18d: {  	[sflag:s18] =	ssyncadd.s32 @!p1 $0xFFFFF000  }
0x18e: {  	_ =	swait.ge @!p1 [sflag:s18], $0x1000  }
0x18f: {  	[sflag:s18] =	ssyncset.done @!p1 $0x0  }
0x190: {  	[sflag:s18] =	ssyncadd.s32 @!p1 $0xFFFFF000  }
0x191: {  	_ =	swait.ge @!p1 [sflag:s18], $0x1000  }
0x192: {  	[sflag:s18] =	ssyncset.done @!p1 $0x0  }
0x193: {  	[sflag:s18] =	ssyncadd.s32 @!p1 $0xFFFFF000  }
0x194: {  	_ =	swait.ge @!p1 [sflag:s18], $0x1000  }
0x195: {  	[sflag:s18] =	ssyncset.done @!p1 $0x0  }
0x196: {  	[sflag:s18] =	ssyncadd.s32 @!p1 $0xFFFFF000  }
0x197: {  	s17 =	simm.s32 $0x1;
	_ =	swait.ge @!p1 [sflag:s18], $0x1000  }
0x198: {  	s17 =	simm.s32 @!p0 $0x0;
	[sflag:s18] =	ssyncset.done @!p1 $0x0  }
0x199: {  	s17 =	smul.u32 $0x6200, s17;
	[sflag:s18] =	ssyncadd.s32 @!p1 $0xFFFFF000  }
0x19a: {  	_ =	swait.ge @!p1 [sflag:s18], $0x1000  }
0x19b: {  	s17 =	sshrl.u32 s17, $0x2;
	[sflag:s18] =	ssyncset.done @!p1 $0x0  }
0x19c: {  	[sflag:s18] =	ssyncadd.s32 @!p1 $0xFFFFF000;
	s18 =	sadd.s32 $0x0, s17  }
0x19d: {  	[tilespmem:s26], [sflag:$0x3] =	stream.indirect.gather [hbm4b:s10+s31], $0x20, s18, s31, $0xb8;
	[tilespmem:$0x1A200] =	vst v63  }
0x19e: {  	s21 =	sadd.s32 $0x80, s18  }
0x19f: {  	[tilespmem:s0], [sflag:$0x3] =	stream.indirect.gather [hbm4b:s10+s31], $0x20, s21, s31, $0xb8;
	[tilespmem:$0x1A200] =	vst v63  }
0x1a0: {  	s22 =	sadd.s32 $0x100, s18  }
0x1a1: {  	[tilespmem:s1], [sflag:$0x3] =	stream.indirect.gather [hbm4b:s10+s31], $0x20, s22, s31, $0xb8;
	[tilespmem:$0x1A200] =	vst v63  }
0x1a2: {  	s23 =	sadd.s32 $0x180, s18  }
0x1a3: {  	[tilespmem:s4], [sflag:$0x3] =	stream.indirect.gather [hbm4b:s10+s31], $0x20, s23, s31, $0xb8;
	[tilespmem:$0x1A200] =	vst v63  }
0x1a4: {  	s20 =	sadd.s32 $0x200, s18  }
0x1a5: {  	[tilespmem:s8], [sflag:$0x3] =	stream.indirect.gather [hbm4b:s10+s31], $0x20, s20, s31, $0xb8;
	[tilespmem:$0x1A200] =	vst v63  }
0x1a6: {  	s21 =	sadd.s32 $0x280, s18  }
0x1a7: {  	[tilespmem:s9], [sflag:$0x3] =	stream.indirect.gather [hbm4b:s10+s31], $0x20, s21, s31, $0xb8;
	[tilespmem:$0x1A200] =	vst v63  }
0x1a8: {  	s18 =	sadd.s32 $0x300, s18  }
0x1a9: {  	[tilespmem:s11], [sflag:$0x3] =	stream.indirect.gather [hbm4b:s10+s31], $0x20, s18, s31, $0xb8;
	[tilespmem:$0x1A200] =	vst v63  }
0x1aa: {  	_ =	swait.ge [sflag:s25], $0x1000  }
0x1ab: {  	s18 =	sadd.s32 $0x3100, s17;
	[sflag:s25] =	ssyncset.done $0x0  }
0x1ac: {  	s21 =	sadd.s32 $0x0, s18;
	[sflag:s25] =	ssyncadd.s32 $0xFFFFF000  }
0x1ad: {  	[spmem:s3] =	stream.indirect.scatter.add.f32 [tilespmem:s26], [sflag:$0x4], $0x20, s21, s31, $0xb8;
	[tilespmem:$0x1A200] =	vst v63  }
0x1ae: {  	_ =	swait.ge [sflag:s25], $0x1000  }
0x1af: {  	[sflag:s25] =	ssyncset.done $0x0  }
0x1b0: {  	s22 =	sadd.s32 $0x80, s21;
	[sflag:s25] =	ssyncadd.s32 $0xFFFFF000  }
0x1b1: {  	[spmem:s3] =	stream.indirect.scatter.add.f32 [tilespmem:s0], [sflag:$0x4], $0x20, s22, s31, $0xb8;
	[tilespmem:$0x1A200] =	vst v63  }
0x1b2: {  	_ =	swait.ge [sflag:s25], $0x1000  }
0x1b3: {  	[sflag:s25] =	ssyncset.done $0x0  }
0x1b4: {  	s23 =	sadd.s32 $0x100, s21;
	[sflag:s25] =	ssyncadd.s32 $0xFFFFF000  }
0x1b5: {  	[spmem:s3] =	stream.indirect.scatter.add.f32 [tilespmem:s1], [sflag:$0x4], $0x20, s23, s31, $0xb8;
	[tilespmem:$0x1A200] =	vst v63  }
0x1b6: {  	_ =	swait.ge [sflag:s25], $0x1000  }
0x1b7: {  	[sflag:s25] =	ssyncset.done $0x0  }
0x1b8: {  	s20 =	sadd.s32 $0x180, s21;
	[sflag:s25] =	ssyncadd.s32 $0xFFFFF000  }
0x1b9: {  	[spmem:s3] =	stream.indirect.scatter.add.f32 [tilespmem:s4], [sflag:$0x4], $0x20, s20, s31, $0xb8;
	[tilespmem:$0x1A200] =	vst v63  }
0x1ba: {  	_ =	swait.ge [sflag:s25], $0x1000  }
0x1bb: {  	[sflag:s25] =	ssyncset.done $0x0  }
0x1bc: {  	s22 =	sadd.s32 $0x200, s21;
	[sflag:s25] =	ssyncadd.s32 $0xFFFFF000  }
0x1bd: {  	[spmem:s3] =	stream.indirect.scatter.add.f32 [tilespmem:s8], [sflag:$0x4], $0x20, s22, s31, $0xb8;
	[tilespmem:$0x1A200] =	vst v63  }
0x1be: {  	_ =	swait.ge [sflag:s25], $0x1000  }
0x1bf: {  	[sflag:s25] =	ssyncset.done $0x0  }
0x1c0: {  	s23 =	sadd.s32 $0x280, s21;
	[sflag:s25] =	ssyncadd.s32 $0xFFFFF000  }
0x1c1: {  	[spmem:s3] =	stream.indirect.scatter.add.f32 [tilespmem:s9], [sflag:$0x4], $0x20, s23, s31, $0xb8;
	[tilespmem:$0x1A200] =	vst v63  }
0x1c2: {  	p2 =	por $0x0, $0x0;
	s19 =	simm.s32 $0xE00;
	_ =	swait.ge [sflag:s25], $0x1000  }
0x1c3: {  	s21 =	sadd.s32 $0x300, s21;
	s20 =	simm.s32 $0x1C00;
	[sflag:s25] =	ssyncset.done $0x0  }
.LBB2_11:
0x1c4: {  	s22 =	simm.s32 @!p2 $0x4  }
0x1c5: {  	[sflag:s25] =	ssyncadd.s32 $0xFFFFF000;
	s23 =	smov.u32 s20;
	s20 =	sadd.s32 $0xE00, s20  }
0x1c6: {  	[spmem:s3] =	stream.indirect.scatter.add.f32 [tilespmem:s11], [sflag:$0x4], $0x20, s21, s31, $0xb8;
	[tilespmem:$0x1A200] =	vst v63  }
0x1c7: {  	p1 =	sne.s32 s20, $0x6200;
	_ =	swait.ge @!p2 [sflag:s22], $0x1000  }
0x1c8: {  	[sflag:s22] =	ssyncset.done @!p2 $0x0  }
0x1c9: {  	[sflag:s22] =	ssyncadd.s32 @!p2 $0xFFFFF000  }
0x1ca: {  	_ =	swait.ge @!p2 [sflag:s22], $0x1000  }
0x1cb: {  	[sflag:s22] =	ssyncset.done @!p2 $0x0  }
0x1cc: {  	[sflag:s22] =	ssyncadd.s32 @!p2 $0xFFFFF000  }
0x1cd: {  	_ =	swait.ge @!p2 [sflag:s22], $0x1000  }
0x1ce: {  	[sflag:s22] =	ssyncset.done @!p2 $0x0  }
0x1cf: {  	[sflag:s22] =	ssyncadd.s32 @!p2 $0xFFFFF000  }
0x1d0: {  	_ =	swait.ge @!p2 [sflag:s22], $0x1000  }
0x1d1: {  	[sflag:s22] =	ssyncset.done @!p2 $0x0  }
0x1d2: {  	[sflag:s22] =	ssyncadd.s32 @!p2 $0xFFFFF000  }
0x1d3: {  	_ =	swait.ge @!p2 [sflag:s22], $0x1000  }
0x1d4: {  	[sflag:s22] =	ssyncset.done @!p2 $0x0  }
0x1d5: {  	[sflag:s22] =	ssyncadd.s32 @!p2 $0xFFFFF000  }
0x1d6: {  	_ =	swait.ge @!p2 [sflag:s22], $0x1000  }
0x1d7: {  	[sflag:s22] =	ssyncset.done @!p2 $0x0  }
0x1d8: {  	[sflag:s22] =	ssyncadd.s32 @!p2 $0xFFFFF000  }
0x1d9: {  	_ =	swait.ge @!p2 [sflag:s22], $0x1000  }
0x1da: {  	s21 =	sshra.s32 s19, $0x2;
	s19 =	smov.u32 s23;
	[sflag:s22] =	ssyncset.done @!p2 $0x0  }
0x1db: {  	[sflag:s22] =	ssyncadd.s32 @!p2 $0xFFFFF000;
	s22 =	sadd.s32 s21, s17  }
0x1dc: {  	[tilespmem:s26], [sflag:$0x3] =	stream.indirect.gather [hbm4b:s10+s31], $0x20, s22, s31, $0xb8;
	[tilespmem:$0x1A200] =	vst v63  }
0x1dd: {  	s23 =	sadd.s32 $0x80, s22  }
0x1de: {  	[tilespmem:s0], [sflag:$0x3] =	stream.indirect.gather [hbm4b:s10+s31], $0x20, s23, s31, $0xb8;
	[tilespmem:$0x1A200] =	vst v63  }
0x1df: {  	s23 =	sadd.s32 $0x100, s22  }
0x1e0: {  	[tilespmem:s1], [sflag:$0x3] =	stream.indirect.gather [hbm4b:s10+s31], $0x20, s23, s31, $0xb8;
	[tilespmem:$0x1A200] =	vst v63  }
0x1e1: {  	s23 =	sadd.s32 $0x180, s22  }
0x1e2: {  	[tilespmem:s4], [sflag:$0x3] =	stream.indirect.gather [hbm4b:s10+s31], $0x20, s23, s31, $0xb8;
	[tilespmem:$0x1A200] =	vst v63  }
0x1e3: {  	s23 =	sadd.s32 $0x200, s22  }
0x1e4: {  	[tilespmem:s8], [sflag:$0x3] =	stream.indirect.gather [hbm4b:s10+s31], $0x20, s23, s31, $0xb8;
	[tilespmem:$0x1A200] =	vst v63  }
0x1e5: {  	s23 =	sadd.s32 $0x280, s22  }
0x1e6: {  	[tilespmem:s9], [sflag:$0x3] =	stream.indirect.gather [hbm4b:s10+s31], $0x20, s23, s31, $0xb8;
	[tilespmem:$0x1A200] =	vst v63  }
0x1e7: {  	s22 =	sadd.s32 $0x300, s22  }
0x1e8: {  	[tilespmem:s11], [sflag:$0x3] =	stream.indirect.gather [hbm4b:s10+s31], $0x20, s22, s31, $0xb8;
	[tilespmem:$0x1A200] =	vst v63  }
0x1e9: {  	_ =	swait.ge [sflag:s25], $0x1000  }
0x1ea: {  	[sflag:s25] =	ssyncset.done $0x0  }
0x1eb: {  	s21 =	sadd.s32 s21, s18;
	[sflag:s25] =	ssyncadd.s32 $0xFFFFF000  }
0x1ec: {  	[spmem:s3] =	stream.indirect.scatter.add.f32 [tilespmem:s26], [sflag:$0x4], $0x20, s21, s31, $0xb8;
	[tilespmem:$0x1A200] =	vst v63  }
0x1ed: {  	_ =	swait.ge [sflag:s25], $0x1000  }
0x1ee: {  	[sflag:s25] =	ssyncset.done $0x0  }
0x1ef: {  	s22 =	sadd.s32 $0x80, s21;
	[sflag:s25] =	ssyncadd.s32 $0xFFFFF000  }
0x1f0: {  	[spmem:s3] =	stream.indirect.scatter.add.f32 [tilespmem:s0], [sflag:$0x4], $0x20, s22, s31, $0xb8;
	[tilespmem:$0x1A200] =	vst v63  }
0x1f1: {  	_ =	swait.ge [sflag:s25], $0x1000  }
0x1f2: {  	[sflag:s25] =	ssyncset.done $0x0  }
0x1f3: {  	s22 =	sadd.s32 $0x100, s21;
	[sflag:s25] =	ssyncadd.s32 $0xFFFFF000  }
0x1f4: {  	[spmem:s3] =	stream.indirect.scatter.add.f32 [tilespmem:s1], [sflag:$0x4], $0x20, s22, s31, $0xb8;
	[tilespmem:$0x1A200] =	vst v63  }
0x1f5: {  	_ =	swait.ge [sflag:s25], $0x1000  }
0x1f6: {  	[sflag:s25] =	ssyncset.done $0x0  }
0x1f7: {  	s22 =	sadd.s32 $0x180, s21;
	[sflag:s25] =	ssyncadd.s32 $0xFFFFF000  }
0x1f8: {  	[spmem:s3] =	stream.indirect.scatter.add.f32 [tilespmem:s4], [sflag:$0x4], $0x20, s22, s31, $0xb8;
	[tilespmem:$0x1A200] =	vst v63  }
0x1f9: {  	_ =	swait.ge [sflag:s25], $0x1000  }
0x1fa: {  	[sflag:s25] =	ssyncset.done $0x0  }
0x1fb: {  	s22 =	sadd.s32 $0x200, s21;
	[sflag:s25] =	ssyncadd.s32 $0xFFFFF000  }
0x1fc: {  	[spmem:s3] =	stream.indirect.scatter.add.f32 [tilespmem:s8], [sflag:$0x4], $0x20, s22, s31, $0xb8;
	[tilespmem:$0x1A200] =	vst v63  }
0x1fd: {  	_ =	swait.ge [sflag:s25], $0x1000  }
.Ltmp4:
0x1fe: {  	[sflag:s25] =	ssyncset.done $0x0;
	(pc) =	sbr.rel @p1 .LBB2_11-.Ltmp4, $4  }
0x1ff: {  	s22 =	sadd.s32 $0x280, s21;
	[sflag:s25] =	ssyncadd.s32 $0xFFFFF000  }
0x200: {  	[spmem:s3] =	stream.indirect.scatter.add.f32 [tilespmem:s9], [sflag:$0x4], $0x20, s22, s31, $0xb8;
	[tilespmem:$0x1A200] =	vst v63  }
0x201: {  	_ =	swait.ge [sflag:s25], $0x1000  }
0x202: {  	p2 =	seq.s32 s19, $0x0;
	s21 =	sadd.s32 $0x300, s21;
	[sflag:s25] =	ssyncset.done $0x0  }
0x203: {  	s20 =	simm.s32 @!p2 $0x4;
	[sflag:s25] =	ssyncadd.s32 $0xFFFFF000  }
0x204: {  	[spmem:s3] =	stream.indirect.scatter.add.f32 [tilespmem:s11], [sflag:$0x4], $0x20, s21, s31, $0xb8;
	[tilespmem:$0x1A200] =	vst v63  }
0x205: {  	_ =	swait.ge @!p2 [sflag:s20], $0x1000  }
0x206: {  	[sflag:s20] =	ssyncset.done @!p2 $0x0  }
0x207: {  	[sflag:s20] =	ssyncadd.s32 @!p2 $0xFFFFF000  }
0x208: {  	_ =	swait.ge @!p2 [sflag:s20], $0x1000  }
0x209: {  	[sflag:s20] =	ssyncset.done @!p2 $0x0  }
0x20a: {  	[sflag:s20] =	ssyncadd.s32 @!p2 $0xFFFFF000  }
0x20b: {  	_ =	swait.ge @!p2 [sflag:s20], $0x1000  }
0x20c: {  	[sflag:s20] =	ssyncset.done @!p2 $0x0  }
0x20d: {  	[sflag:s20] =	ssyncadd.s32 @!p2 $0xFFFFF000  }
0x20e: {  	_ =	swait.ge @!p2 [sflag:s20], $0x1000  }
0x20f: {  	[sflag:s20] =	ssyncset.done @!p2 $0x0  }
0x210: {  	[sflag:s20] =	ssyncadd.s32 @!p2 $0xFFFFF000  }
0x211: {  	_ =	swait.ge @!p2 [sflag:s20], $0x1000  }
0x212: {  	[sflag:s20] =	ssyncset.done @!p2 $0x0  }
0x213: {  	[sflag:s20] =	ssyncadd.s32 @!p2 $0xFFFFF000  }
0x214: {  	_ =	swait.ge @!p2 [sflag:s20], $0x1000  }
0x215: {  	[sflag:s20] =	ssyncset.done @!p2 $0x0  }
0x216: {  	[sflag:s20] =	ssyncadd.s32 @!p2 $0xFFFFF000  }
0x217: {  	_ =	swait.ge @!p2 [sflag:s20], $0x1000  }
0x218: {  	s19 =	sshra.s32 s19, $0x2;
	[sflag:s20] =	ssyncset.done @!p2 $0x0  }
0x219: {  	s17 =	sadd.s32 s19, s17;
	[sflag:s20] =	ssyncadd.s32 @!p2 $0xFFFFF000  }
0x21a: {  	[tilespmem:s26], [sflag:$0x3] =	stream.indirect.gather [hbm4b:s10+s31], $0x20, s17, s31, $0xb8;
	[tilespmem:$0x1A200] =	vst v63  }
0x21b: {  	s22 =	sadd.s32 $0x80, s17  }
0x21c: {  	[tilespmem:s0], [sflag:$0x3] =	stream.indirect.gather [hbm4b:s10+s31], $0x20, s22, s31, $0xb8;
	[tilespmem:$0x1A200] =	vst v63  }
0x21d: {  	s23 =	sadd.s32 $0x100, s17  }
0x21e: {  	[tilespmem:s1], [sflag:$0x3] =	stream.indirect.gather [hbm4b:s10+s31], $0x20, s23, s31, $0xb8;
	[tilespmem:$0x1A200] =	vst v63  }
0x21f: {  	s21 =	sadd.s32 $0x180, s17  }
0x220: {  	[tilespmem:s4], [sflag:$0x3] =	stream.indirect.gather [hbm4b:s10+s31], $0x20, s21, s31, $0xb8;
	[tilespmem:$0x1A200] =	vst v63  }
0x221: {  	s22 =	sadd.s32 $0x200, s17  }
0x222: {  	[tilespmem:s8], [sflag:$0x3] =	stream.indirect.gather [hbm4b:s10+s31], $0x20, s22, s31, $0xb8;
	[tilespmem:$0x1A200] =	vst v63  }
0x223: {  	s23 =	sadd.s32 $0x280, s17  }
0x224: {  	[tilespmem:s9], [sflag:$0x3] =	stream.indirect.gather [hbm4b:s10+s31], $0x20, s23, s31, $0xb8;
	[tilespmem:$0x1A200] =	vst v63  }
0x225: {  	s17 =	sadd.s32 $0x300, s17  }
0x226: {  	[tilespmem:s11], [sflag:$0x3] =	stream.indirect.gather [hbm4b:s10+s31], $0x20, s17, s31, $0xb8;
	[tilespmem:$0x1A200] =	vst v63  }
0x227: {  	_ =	swait.ge [sflag:s25], $0x1000  }
0x228: {  	[sflag:s25] =	ssyncset.done $0x0  }
0x229: {  	s19 =	sadd.s32 s19, s18;
	[sflag:s25] =	ssyncadd.s32 $0xFFFFF000  }
0x22a: {  	[spmem:s3] =	stream.indirect.scatter.add.f32 [tilespmem:s26], [sflag:$0x4], $0x20, s19, s31, $0xb8;
	[tilespmem:$0x1A200] =	vst v63  }
0x22b: {  	_ =	swait.ge [sflag:s25], $0x1000  }
0x22c: {  	[sflag:s25] =	ssyncset.done $0x0  }
0x22d: {  	s18 =	sadd.s32 $0x80, s19;
	[sflag:s25] =	ssyncadd.s32 $0xFFFFF000  }
0x22e: {  	[spmem:s3] =	stream.indirect.scatter.add.f32 [tilespmem:s0], [sflag:$0x4], $0x20, s18, s31, $0xb8;
	[tilespmem:$0x1A200] =	vst v63  }
0x22f: {  	_ =	swait.ge [sflag:s25], $0x1000  }
0x230: {  	[sflag:s25] =	ssyncset.done $0x0  }
0x231: {  	s20 =	sadd.s32 $0x100, s19;
	[sflag:s25] =	ssyncadd.s32 $0xFFFFF000  }
0x232: {  	[spmem:s3] =	stream.indirect.scatter.add.f32 [tilespmem:s1], [sflag:$0x4], $0x20, s20, s31, $0xb8;
	[tilespmem:$0x1A200] =	vst v63  }
0x233: {  	_ =	swait.ge [sflag:s25], $0x1000  }
0x234: {  	[sflag:s25] =	ssyncset.done $0x0  }
0x235: {  	s21 =	sadd.s32 $0x180, s19;
	[sflag:s25] =	ssyncadd.s32 $0xFFFFF000  }
0x236: {  	[spmem:s3] =	stream.indirect.scatter.add.f32 [tilespmem:s4], [sflag:$0x4], $0x20, s21, s31, $0xb8;
	[tilespmem:$0x1A200] =	vst v63  }
0x237: {  	_ =	swait.ge [sflag:s25], $0x1000  }
0x238: {  	[sflag:s25] =	ssyncset.done $0x0  }
0x239: {  	s22 =	sadd.s32 $0x200, s19;
	[sflag:s25] =	ssyncadd.s32 $0xFFFFF000  }
0x23a: {  	[spmem:s3] =	stream.indirect.scatter.add.f32 [tilespmem:s8], [sflag:$0x4], $0x20, s22, s31, $0xb8;
	[tilespmem:$0x1A200] =	vst v63  }
0x23b: {  	_ =	swait.ge [sflag:s25], $0x1000  }
0x23c: {  	[sflag:s25] =	ssyncset.done $0x0  }
0x23d: {  	s23 =	sadd.s32 $0x280, s19;
	[sflag:s25] =	ssyncadd.s32 $0xFFFFF000  }
0x23e: {  	[spmem:s3] =	stream.indirect.scatter.add.f32 [tilespmem:s9], [sflag:$0x4], $0x20, s23, s31, $0xb8;
	[tilespmem:$0x1A200] =	vst v63  }
0x23f: {  	_ =	swait.ge [sflag:s25], $0x1000  }
0x240: {  	[sflag:s25] =	ssyncset.done $0x0  }
0x241: {  	s17 =	sadd.s32 $0x300, s19;
	[sflag:s25] =	ssyncadd.s32 $0xFFFFF000  }
0x242: {  	[spmem:s3] =	stream.indirect.scatter.add.f32 [tilespmem:s11], [sflag:$0x4], $0x20, s17, s31, $0xb8;
	[tilespmem:$0x1A200] =	vst v63  }
0x243: {  	_ =	swait.ge [sflag:s12], $0x1000  }
0x244: {  	[sflag:s12] =	ssyncset.done $0x0  }
0x245: {  	[sflag:s12] =	ssyncadd.s32 $0xFFFFF000  }
0x246: {  	_ =	swait.ge [sflag:s12], $0x1000  }
0x247: {  	[sflag:s12] =	ssyncset.done $0x0  }
0x248: {  	[sflag:s12] =	ssyncadd.s32 $0xFFFFF000  }
0x249: {  	_ =	swait.ge [sflag:s12], $0x1000  }
0x24a: {  	[sflag:s12] =	ssyncset.done $0x0  }
0x24b: {  	[sflag:s12] =	ssyncadd.s32 $0xFFFFF000  }
0x24c: {  	_ =	swait.ge [sflag:s12], $0x1000  }
0x24d: {  	[sflag:s12] =	ssyncset.done $0x0  }
0x24e: {  	[sflag:s12] =	ssyncadd.s32 $0xFFFFF000  }
0x24f: {  	_ =	swait.ge [sflag:s12], $0x1000  }
0x250: {  	[sflag:s12] =	ssyncset.done $0x0  }
0x251: {  	s16 =	sadd.s32 $0x1, s16;
	[sflag:s12] =	ssyncadd.s32 $0xFFFFF000  }
0x252: {  	p1 =	sne.s32 s16, $0x8;
	_ =	swait.ge [sflag:s12], $0x1000  }
.Ltmp5:
0x253: {  	[sflag:s12] =	ssyncset.done $0x0;
	(pc) =	sbr.rel @p1 .LBB2_10-.Ltmp5, $4  }
0x254: {  	[sflag:s12] =	ssyncadd.s32 $0xFFFFF000  }
0x255: {  	_ =	swait.ge [sflag:s12], $0x1000  }
0x256: {  	[sflag:s12] =	ssyncset.done $0x0  }
0x257: {  	p0 =	por !p0, !p0;
	[sflag:s12] =	ssyncadd.s32 $0xFFFFF000  }
0x258: {  	[bflag:$0x0] =	sbarrier.arrive $0xFFFF  }
0x259: {  	s16 =	rddreg [dreg:$0x6]  }
0x25a: {  	[hbm:s16], [sflag:s14] =	dma.local [spmem:s15], $0x1880  }
0x25b: {  	_ =	swait.ge [sflag:s28], $0x1880  }
0x25c: {  	s13 =	sadd.s32 $0x1, s13;
	s23 =	rddreg [dreg:$0x7]  }
0x25d: {  	p0 =	sne.s32 s13, s23  }
.Ltmp6:
0x25e: {  	_ = 	snop;
	(pc) =	sbr.rel @p0 .LBB2_1-.Ltmp6, $3  }
0x25f: {  	_ =	sdelay $0x1  }
0x260: {  	s22 =	smov.u32 s24;
	s24 =	simm.s32 $0x3100;
	[sflag:s28] =	ssyncset.done $0x0  }
0x261: {  	[sflag:s28] =	ssyncadd.s32 $0xFFFFE780;
	s23 =	smov.u32 s7;
	s7 =	rddreg [dreg:$0x8]  }
0x262: {  	_ =	sfence.sel $0x180000  }
0x263: {  	[bflag:$0x0] =	sbarrier.arrive $0xFFFF  }
0x264: {  	_ =	strace $0x9000004A  }
0x265: {  	s0 =	stileid.u32;
	[bflag:$0x2] =	sbarrier.arrive $0xFFFF  }
0x266: {  	p0 =	sne.s32 s0, $0x0;
	s0 =	rddreg [dreg:$0x3]  }
0x267: {  	s0 =	sadd.s32 @!p0 $0x100000, s0  }
0x268: {  	[sflag:s0] =	ssyncadd.tile.s32 @!p0 $0x1;
	_ =	shalt  }
.Lfunc_end2:
_tile_overlayer_lowered:
.L_overlay_start_2:
0x269: {  	(tag) =	ssettag $0x2  }
0x26a: {  	s0 =	rddreg [dreg:$0x0];
	s2 =	stileid.u32  }
0x26b: {  	s1 =	rddreg [dreg:$0x1];
	p0 =	sne.s32 s2, $0x0  }
0x26c: {  	s3 =	rddreg [dreg:$0x2];
	[bflag:$0x3] =	sbarrier.arrive $0xFFFF;
	s2 =	simm.s32 @!p0 $0x1C05  }
0x26d: {  	[timem:s3], [sflag:s2] =	dma.local @!p0 [hbm:s0], s1  }
0x26e: {  	s0 =	simm.s32 @!p0 $0x5  }
0x26f: {  	_ =	swait.ge @!p0 [sflag:s0], s1  }
0x270: {  	s1 =	ssub.s32 @!p0 $0x0, s1;
	[sflag:s0] =	ssyncset.done @!p0 $0x0  }
0x271: {  	[sflag:s0] =	ssyncadd.s32 @!p0 s1  }
0x272: {  	[bflag:$0x3] =	sbarrier.arrive $0xFFFF  }
0x273: {  	_ =	shalt  }

// kernel: kernel.5.cloned.1.call-start
scs
__scs_entry_jumppad:
0x0: {  	(pc) =	sbr.rel $0x88, $3  }
0x1: {  	(tag) =	ssettag $0x0;
	lr =	simm.s32 $0x1  }
0x2: {  	[smem:$0x3F9B] =	sst lr;
	_ =	strace $0xD0000000  }
0x3: {  	_ = 	snop  }
0x4: {  	_ = 	snop  }
0x5: {  	_ = 	snop  }
0x6: {  	_ = 	snop  }
0x7: {  	_ = 	snop  }
__scs_overlays_trampoline_lowered:
0x8: {  	[smem:$0x3FAA] =	sst s0  }
0x9: {  	[smem:$0x3FAB] =	sst s1  }
0xa: {  	[smem:$0x3FAC] =	sst s2  }
0xb: {  	[smem:$0x3FAD] =	sst s3  }
0xc: {  	[smem:$0x3FAE] =	sst s4  }
0xd: {  	[smem:$0x3FAF] =	sst s5  }
0xe: {  	[smem:$0x3FB0] =	sst s6  }
0xf: {  	[smem:$0x3FB1] =	sst s7  }
0x10: {  	[smem:$0x3FB2] =	sst s8  }
0x11: {  	[smem:$0x3FB3] =	sst s9;
	s0 =	simm.s32 @!p0 $0x0  }
0x12: {  	s1 =	sld [smem:$0x3F99];
	s0 =	simm.s32 @p0 $0x1  }
0x13: {  	[smem:$0x3FB4] =	sst s0;
	s0 =	simm.s32 @!p1 $0x0  }
0x14: {  	s2 =	sld [smem:$0x3F98];
	s0 =	simm.s32 @p1 $0x1  }
0x15: {  	[smem:$0x3FB5] =	sst s0;
	s0 =	simm.s32 @!p2 $0x0  }
0x16: {  	s3 =	sld [smem:$0x3FDB];
	s0 =	simm.s32 @p2 $0x1  }
0x17: {  	s4 =	simm.s32 $0x1BF5;
	[smem:$0x3FB7] =	sst s0  }
0x18: {  	s0 =	sld [smem:$0x3F9A];
	_ =	swait.ge [sflag:s4], $0x0  }
0x19: {  	s7 =	sld [smem:$0x3F9B]  }
0x1a: {  	s8 =	sadd.s32 $0xFFFFE003, lr  }
0x1b: {  	s9 =	sadd.s32 $0xFFFFFEF7, lr;
	s5 =	simm.s32 $0xFFFFFFFF;
	p2 =	slt.u32 s8, $0xFFFFF086  }
0x1c: {  	p1 =	slt.u32 s9, $0xF7A;
	s5 =	simm.s32 @!p2 $0x0  }
0x1d: {  	s5 =	simm.s32 @p1 $0x1;
	p0 =	seq.s32 s7, s2  }
0x1e: {  	s7 =	smul.u32 @!p0 $0xF7A, s2;
	p2 =	seq.s32 @!p0 s5, $0x0  }
0x1f: {  	s9 =	smul.u32 $0xF7A, s1;
	s8 =	simm.s32 @!p0 $0x1BF5;
	p2 =	por !p2, p0  }
0x20: {  	[sflag:s8] =	ssyncset.s32 @!p0 $0xFFFFF086;
	s6 =	sadd.s32 @!p0 s3, s7;
	s7 =	simm.s32 @!p0 $0x108  }
0x21: {  	s3 =	sadd.s32 s3, s9;
	s6 =	sadd.s32 @!p0 $0x88, s6;
	s7 =	simm.s32 @p2 $0x1082  }
0x22: {  	[simem:s7], [sflag:s8] =	dma.local @!p0 [hbm:s6], $0xF7A  }
0x23: {  	s9 =	sor.u32 $0xD0000000, s2;
	s6 =	simm.s32 $0x108;
	_ =	swait.ge @!p0 [sflag:s8], $0x0  }
0x24: {  	s3 =	sadd.s32 $0x88, s3;
	s6 =	simm.s32 @!p1 $0x1082;
	[sflag:s4] =	ssyncset.s32 $0xFFFFF086  }
0x25: {  	[simem:s6], [sflag:s4] =	dma.local [hbm:s3], $0xF7A  }
0x26: {  	[smem:$0x3F9B] =	sst s1;
	(tag) =	ssettag s2;
	_ =	strace s9  }
0x27: {  	s1 =	sld [smem:$0x3FAB]  }
0x28: {  	s2 =	sld [smem:$0x3FAC]  }
0x29: {  	s4 =	sld [smem:$0x3FAE]  }
0x2a: {  	p0 =	seq.s32 s5, $0x0;
	s5 =	sld [smem:$0x3FAF]  }
0x2b: {  	s6 =	sld [smem:$0x3FB0]  }
0x2c: {  	s7 =	sld [smem:$0x3FB1]  }
0x2d: {  	s3 =	simm.s32 $0x108;
	s8 =	sld [smem:$0x3FB2]  }
0x2e: {  	s3 =	simm.s32 @!p0 $0x1082;
	s9 =	sld [smem:$0x3FB3]  }
0x2f: {  	lr =	sadd.s32 s0, s3;
	s0 =	sld [smem:$0x3FAA]  }
0x30: {  	s3 =	sld [smem:$0x3FAD]  }
0x31: {  	[smem:$0x3FB6] =	sst s10  }
0x32: {  	s10 =	sld [smem:$0x3FB4];
	_ =	sdelay $0x3  }
0x33: {  	p0 =	seq.s32 s10, $0x1;
	s10 =	sld [smem:$0x3FB6];
	_ =	sdelay $0x3  }
0x34: {  	[smem:$0x3FB6] =	sst s10  }
0x35: {  	s10 =	sld [smem:$0x3FB5];
	_ =	sdelay $0x3  }
0x36: {  	p1 =	seq.s32 s10, $0x1;
	s10 =	sld [smem:$0x3FB6];
	_ =	sdelay $0x3  }
0x37: {  	[smem:$0x3FB6] =	sst s10  }
0x38: {  	s10 =	sld [smem:$0x3FB7]  }
0x39: {  	_ = 	snop;
	(pc) =	sbr.ind lr, $3  }
0x3a: {  	_ = 	snop  }
0x3b: {  	_ = 	snop  }
0x3c: {  	p2 =	seq.s32 s10, $0x1;
	s10 =	sld [smem:$0x3FB6]  }
0x3d: {  	_ =	shalt  }
0x3e: {  	_ =	shalt  }
0x3f: {  	_ =	shalt  }
0x40: {  	_ =	shalt  }
0x41: {  	_ =	shalt  }
0x42: {  	_ =	shalt  }
0x43: {  	_ =	shalt  }
0x44: {  	_ =	shalt  }
0x45: {  	_ =	shalt  }
0x46: {  	_ =	shalt  }
0x47: {  	_ =	shalt  }
0x48: {  	_ =	shalt  }
0x49: {  	_ =	shalt  }
0x4a: {  	_ =	shalt  }
0x4b: {  	_ =	shalt  }
0x4c: {  	_ =	shalt  }
0x4d: {  	_ =	shalt  }
0x4e: {  	_ =	shalt  }
0x4f: {  	_ =	shalt  }
0x50: {  	_ =	shalt  }
0x51: {  	_ =	shalt  }
0x52: {  	_ =	shalt  }
0x53: {  	_ =	shalt  }
0x54: {  	_ =	shalt  }
0x55: {  	_ =	shalt  }
0x56: {  	_ =	shalt  }
0x57: {  	_ =	shalt  }
0x58: {  	_ =	shalt  }
0x59: {  	_ =	shalt  }
0x5a: {  	_ =	shalt  }
0x5b: {  	_ =	shalt  }
0x5c: {  	_ =	shalt  }
0x5d: {  	_ =	shalt  }
0x5e: {  	_ =	shalt  }
0x5f: {  	_ =	shalt  }
0x60: {  	_ =	shalt  }
0x61: {  	_ =	shalt  }
0x62: {  	_ =	shalt  }
0x63: {  	_ =	shalt  }
0x64: {  	_ =	shalt  }
0x65: {  	_ =	shalt  }
0x66: {  	_ =	shalt  }
0x67: {  	_ =	shalt  }
0x68: {  	_ =	shalt  }
0x69: {  	_ =	shalt  }
0x6a: {  	_ =	shalt  }
0x6b: {  	_ =	shalt  }
0x6c: {  	_ =	shalt  }
0x6d: {  	_ =	shalt  }
0x6e: {  	_ =	shalt  }
0x6f: {  	_ =	shalt  }
0x70: {  	_ =	shalt  }
0x71: {  	_ =	shalt  }
0x72: {  	_ =	shalt  }
0x73: {  	_ =	shalt  }
0x74: {  	_ =	shalt  }
0x75: {  	_ =	shalt  }
0x76: {  	_ =	shalt  }
0x77: {  	_ =	shalt  }
0x78: {  	_ =	shalt  }
0x79: {  	_ =	shalt  }
0x7a: {  	_ =	shalt  }
0x7b: {  	_ =	shalt  }
0x7c: {  	_ =	shalt  }
0x7d: {  	_ =	shalt  }
0x7e: {  	_ =	shalt  }
0x7f: {  	_ =	shalt  }
0x80: {  	_ =	shalt  }
0x81: {  	_ =	shalt  }
0x82: {  	_ =	shalt  }
0x83: {  	_ =	shalt  }
0x84: {  	_ =	shalt  }
0x85: {  	_ =	shalt  }
0x86: {  	_ =	shalt  }
0x87: {  	_ =	shalt  }
.Lfunc_end0:
.L_simem_size_0:
called_computation.1_lowered:
.L_overlay_start_0:
0x88: {  	s2 =	sld [smem:$0x3FD9]  }
0x89: {  	s3 =	sld [smem:$0x3FFE];
	_ =	sdelay $0x1  }
0x8a: {  	s1 =	srdreg.scid  }
0x8b: {  	s0 =	sand.u32 $0x1, s1  }
0x8c: {  	s17 =	sshll.u32 s0, $0xA;
	s2 =	sadd.s32 s3, s2  }
0x8d: {  	s2 =	sadd.s32 s2, s17  }
0x8e: {  	[smem:$0x3FC2] =	sst s2  }
0x8f: {  	_ = 	snop  }
0x90: {  	s2 =	sld [smem:$0x3FD0];
	(tm) =	ssettm $0x1  }
0x91: {  	s18 =	sld [smem:$0x3FFB];
	_ =	sdelay $0x3  }
0x92: {  	_ =	strace s18  }
0x93: {  	s3 =	sld [smem:$0x3FFC];
	_ =	sdelay $0x3  }
0x94: {  	_ =	strace s3  }
0x95: {  	s3 =	sld [smem:$0x3FFD];
	_ =	sdelay $0x3  }
0x96: {  	_ =	strace s3  }
0x97: {  	_ =	strace $0x8FFFFFFF  }
0x98: {  	s19 =	sld [smem:$0x3FDB];
	_ =	sdelay $0x1  }
0x99: {  	s4 =	simm.s32 $_scs_section_size  }
0x9a: {  	s5 =	simm.s32 $_size__tile_overlayer_lowered;
	s6 =	simm.s32 $_tile_overlayer_lowered  }
0x9b: {  	s22 =	simm.s32 $0x1BFF;
	s21 =	sshll.u32 s6, $0x1;
	s3 =	sadd.s32 s4, s19  }
0x9c: {  	s7 =	simm.s32 $0x0;
	s20 =	sshll.u32 s5, $0x1;
	s5 =	sadd.s32 s21, s3  }
0x9d: {  	[timem:s7], [sflag:s22] =	dma.local [hbm:s5], s20  }
0x9e: {  	_ =	swait.ge [sflag:s22], s20  }
0x9f: {  	s4 =	ssub.s32 $0x0, s20;
	[sflag:s22] =	ssyncset.done $0x0  }
0xa0: {  	[sflag:s22] =	ssyncadd.s32 s4;
	_ =	sdelay $0x1  }
0xa1: {  	s23 =	simm.s32 $0x1B8B  }
0xa2: {  	_ =	swait.ge [sflag:s23], $0x1  }
0xa3: {  	[sflag:s23] =	ssyncset.done $0x0  }
0xa4: {  	s25 =	simm.s32 $0x1B8E;
	s24 =	sld [smem:$0x3FFE];
	[sflag:s23] =	ssyncadd.s32 $0xFFFFFFFF  }
0xa5: {  	s26 =	simm.s32 $execute0_lowered;
	[smem:$0x3FD2] =	sst s25  }
0xa6: {  	s5 =	sshll.u32 s26, $0x1;
	_ =	strace $0x80000046;
	[dreg:$0x1] =	wrdreg $0xFFFFFFFF  }
0xa7: {  	s28 =	simm.s32 $_size_execute0_lowered;
	s3 =	sadd.s32 s3, s5;
	[dreg:$0x0] =	wrdreg $0x0  }
0xa8: {  	s5 =	sshll.u32 s28, $0x1;
	[dreg:$0x2] =	wrdreg s3  }
0xa9: {  	[dreg:$0x3] =	wrdreg s5  }
0xaa: {  	[dreg:$0x4] =	wrdreg $0xC0  }
0xab: {  	_ =	task [dreg:s7], $0x5FFFF  }
0xac: {  	[dreg:$0x1] =	wrdreg $0xFFFFFFFF  }
0xad: {  	[dreg:$0x0] =	wrdreg $0x60  }
0xae: {  	[dreg:$0x2] =	wrdreg s24  }
0xaf: {  	[dreg:$0x3] =	wrdreg s2  }
0xb0: {  	[dreg:$0x4] =	wrdreg $0xD4000  }
0xb1: {  	[dreg:$0x5] =	wrdreg $0x9  }
0xb2: {  	_ =	task.clear_ibuf [dreg:s7], $0x6FFFF;
	_ =	strace $0x90000046  }
0xb3: {  	s29 =	simm.s32 $0x9;
	_ =	strace $0x80000048  }
0xb4: {  	_ =	swait.ge [sflag:s29], $0x1  }
0xb5: {  	[sflag:s29] =	ssyncadd.s32 $0xFFFFFFFF  }
0xb6: {  	_ =	strace $0x90000048  }
0xb7: {  	_ =	sfence  }
0xb8: {  	s30 =	sld [smem:$0x0];
	_ =	sdelay $0x2  }
0xb9: {  	s31 =	sshll.u32 s1, $0xD;
	s1 =	sshrl.u32 s1, $0x2  }
0xba: {  	s3 =	sand.u32 $0x4000, s31;
	s1 =	sadd.s32 s1, s30  }
0xbb: {  	s0 =	sor.u32 s3, s0;
	s1 =	sshll.u32 s1, $0x11  }
0xbc: {  	s0 =	sor.u32 s1, s0  }
0xbd: {  	s0 =	sadd.s32 $0x8F2B, s0  }
0xbe: {  	[sflag:s0] =	ssyncadd.remote.s32 $0x1  }
0xbf: {  	_ =	sfence.sel $0xFFFF  }
0xc0: {  	[dreg:$0x0] =	wrdreg $0xFFFFFFFF;
	(pc) =	sbr.abs _section_cstart, $3  }
0xc1: {  	[dreg:$0x1] =	wrdreg $0xFFFFFFFF  }
0xc2: {  	_ =	task.clear_ibuf [dreg:s7], $0x2FFFF;
	_ =	strace $0x9FFFFFFF  }
0xc3: {  	(tm) =	ssettm $0x7FFFFFFF  }
tec
execute0_lowered:
.L_overlay_start_1:
0x0: {  	(tag) =	ssettag $0x1  }
0x1: {  	s4 =	rddreg [dreg:$0x0]  }
0x2: {  	s6 =	rddreg [dreg:$0x1];
	s0 =	srdreg.scid  }
0x3: {  	s2 =	rddreg [dreg:$0x2];
	s1 =	stileid.u32;
	s3 =	simm.s32 $0x0  }
0x4: {  	s20 =	simm.s32 $0xCC00;
	s21 =	simm.s32 $0x2;
	s8 =	smul.u32 $0x1880, s1  }
0x5: {  	s22 =	simm.s32 $0x1;
	s23 =	simm.s32 $0x80;
	s9 =	smul.u32 $0x1A000, s1  }
0x6: {  	s24 =	simm.s32 $0xC400;
	s26 =	simm.s32 $0x0;
	s11 =	smul.u32 $0xC40, s1  }
0x7: {  	s5 =	sand.u32 $0x1, s0;
	s0 =	rddreg [dreg:$0x3];
	s30 =	smul.u32 $0x18800, s1  }
0x8: {  	[smem:$0x7FF] =	sst s3;
	s7 =	smul.u32 $0x18800, s5;
	s10 =	ssub.s32 $0x2, s5  }
0x9: {  	_ =	strace $0x80000047;
	s5 =	smul.u32 $0xC400, s5;
	s29 =	sshrl.u32 s10, $0x1  }
0xa: {  	s9 =	sshrl.u32 s9, $0x2;
	s4 =	sadd.s32 s7, s4;
	s7 =	ssub.s32 s10, s29  }
0xb: {  	s31 =	sadd.s32 s11, s5;
	s5 =	sadd.s32 s9, s2;
	s4 =	sadd.s32 s8, s4  }
0xc: {  	s6 =	sadd.s32 s6, s31;
	s8 =	sshrl.u32 s30, $0x2;
	s7 =	smax.u32 s7, $0x1  }
0xd: {  	s9 =	sadd.s32 $0x1000, s5;
	s10 =	sadd.s32 $0x1800, s5;
	s11 =	sadd.s32 $0x2000, s5  }
0xe: {  	s12 =	sadd.s32 $0x2800, s5;
	s13 =	sadd.s32 $0x3000, s5;
	s14 =	sadd.s32 $0x3800, s5  }
0xf: {  	s15 =	sadd.s32 $0x4000, s5;
	s16 =	sadd.s32 $0x4800, s5;
	s17 =	sadd.s32 $0x5000, s5  }
0x10: {  	s18 =	sadd.s32 $0x5800, s5;
	s19 =	sadd.s32 $0x6000, s5;
	s25 =	sadd.s32 s8, s2  }
0x11: {  	v0 =	vimm.f32 $1.000000000e+00;
	v1 =	vimm.f32 $0.0e+00;
	s4 =	sadd.s32 $0x2400, s4;
	s8 =	sadd.s32 $0x800, s5;
	s25 =	sshrl.u32 s25, $0x3  }
.LBB2_1:
0x12: {  	[tilespmem:s3], [sflag:$0x1] =	stream.linear.gather [hbm4b:s4+s3], $0xC400, $0x38;
	[tilespmem:$0x13C00] =	vst v63  }
0x13: {  	s28 =	simm.s32 $0x40;
	s29 =	simm.s32 $0x0  }
.LBB2_2:
0x14: {  	p0 =	sne.s32 s28, $0x1FC0;
	[tilespmem:s29+$0xC400] =	vst v0;
	s30 =	smov.u32 s28;
	s28 =	sadd.s32 $0x40, s28  }
.Ltmp0:
0x15: {  	[tilespmem:s29+$0xCC00] =	vst v1;
	(pc) =	sbr.rel @p0 .LBB2_2-.Ltmp0, $2  }
0x16: {  	_ =	sdelay $0x2  }
0x17: {  	s29 =	sshra.s32 s30, $0x2  }
0x18: {  	[tilespmem:s29+$0xC400] =	vst v0  }
0x19: {  	[tilespmem:s29+$0xCC00] =	vst v1  }
0x1a: {  	[spmem:s5] =	stream.linear.scatter [tilespmem:s20], [sflag:$0x2], $0x800, $0x38;
	[tilespmem:$0x13C00] =	vst v63  }
0x1b: {  	_ =	swait.ge [sflag:s21], $0x800  }
0x1c: {  	[sflag:s21] =	ssyncset.done $0x0  }
0x1d: {  	[sflag:s21] =	ssyncadd.s32 $0xFFFFF800  }
0x1e: {  	[spmem:s8] =	stream.linear.scatter [tilespmem:s20], [sflag:$0x2], $0x800, $0x38;
	[tilespmem:$0x13C00] =	vst v63  }
0x1f: {  	_ =	swait.ge [sflag:s21], $0x800  }
0x20: {  	[sflag:s21] =	ssyncset.done $0x0  }
0x21: {  	[sflag:s21] =	ssyncadd.s32 $0xFFFFF800  }
0x22: {  	[spmem:s9] =	stream.linear.scatter [tilespmem:s20], [sflag:$0x2], $0x800, $0x38;
	[tilespmem:$0x13C00] =	vst v63  }
0x23: {  	_ =	swait.ge [sflag:s21], $0x800  }
0x24: {  	[sflag:s21] =	ssyncset.done $0x0  }
0x25: {  	[sflag:s21] =	ssyncadd.s32 $0xFFFFF800  }
0x26: {  	[spmem:s10] =	stream.linear.scatter [tilespmem:s20], [sflag:$0x2], $0x800, $0x38;
	[tilespmem:$0x13C00] =	vst v63  }
0x27: {  	_ =	swait.ge [sflag:s21], $0x800  }
0x28: {  	[sflag:s21] =	ssyncset.done $0x0  }
0x29: {  	[sflag:s21] =	ssyncadd.s32 $0xFFFFF800  }
0x2a: {  	[spmem:s11] =	stream.linear.scatter [tilespmem:s20], [sflag:$0x2], $0x800, $0x38;
	[tilespmem:$0x13C00] =	vst v63  }
0x2b: {  	_ =	swait.ge [sflag:s21], $0x800  }
0x2c: {  	[sflag:s21] =	ssyncset.done $0x0  }
0x2d: {  	[sflag:s21] =	ssyncadd.s32 $0xFFFFF800  }
0x2e: {  	[spmem:s12] =	stream.linear.scatter [tilespmem:s20], [sflag:$0x2], $0x800, $0x38;
	[tilespmem:$0x13C00] =	vst v63  }
0x2f: {  	_ =	swait.ge [sflag:s21], $0x800  }
0x30: {  	[sflag:s21] =	ssyncset.done $0x0  }
0x31: {  	[sflag:s21] =	ssyncadd.s32 $0xFFFFF800  }
0x32: {  	[spmem:s13] =	stream.linear.scatter [tilespmem:s20], [sflag:$0x2], $0x800, $0x38;
	[tilespmem:$0x13C00] =	vst v63  }
0x33: {  	_ =	swait.ge [sflag:s21], $0x800  }
0x34: {  	[sflag:s21] =	ssyncset.done $0x0  }
0x35: {  	[sflag:s21] =	ssyncadd.s32 $0xFFFFF800  }
0x36: {  	[spmem:s14] =	stream.linear.scatter [tilespmem:s20], [sflag:$0x2], $0x800, $0x38;
	[tilespmem:$0x13C00] =	vst v63  }
0x37: {  	_ =	swait.ge [sflag:s21], $0x800  }
0x38: {  	[sflag:s21] =	ssyncset.done $0x0  }
0x39: {  	[sflag:s21] =	ssyncadd.s32 $0xFFFFF800  }
0x3a: {  	[spmem:s15] =	stream.linear.scatter [tilespmem:s20], [sflag:$0x2], $0x800, $0x38;
	[tilespmem:$0x13C00] =	vst v63  }
0x3b: {  	_ =	swait.ge [sflag:s21], $0x800  }
0x3c: {  	[sflag:s21] =	ssyncset.done $0x0  }
0x3d: {  	[sflag:s21] =	ssyncadd.s32 $0xFFFFF800  }
0x3e: {  	[spmem:s16] =	stream.linear.scatter [tilespmem:s20], [sflag:$0x2], $0x800, $0x38;
	[tilespmem:$0x13C00] =	vst v63  }
0x3f: {  	_ =	swait.ge [sflag:s21], $0x800  }
0x40: {  	[sflag:s21] =	ssyncset.done $0x0  }
0x41: {  	[sflag:s21] =	ssyncadd.s32 $0xFFFFF800  }
0x42: {  	[spmem:s17] =	stream.linear.scatter [tilespmem:s20], [sflag:$0x2], $0x800, $0x38;
	[tilespmem:$0x13C00] =	vst v63  }
0x43: {  	_ =	swait.ge [sflag:s21], $0x800  }
0x44: {  	[sflag:s21] =	ssyncset.done $0x0  }
0x45: {  	[sflag:s21] =	ssyncadd.s32 $0xFFFFF800  }
0x46: {  	[spmem:s18] =	stream.linear.scatter [tilespmem:s20], [sflag:$0x2], $0x800, $0x38;
	[tilespmem:$0x13C00] =	vst v63  }
0x47: {  	_ =	swait.ge [sflag:s21], $0x800  }
0x48: {  	[sflag:s21] =	ssyncset.done $0x0  }
0x49: {  	[sflag:s21] =	ssyncadd.s32 $0xFFFFF800  }
0x4a: {  	[spmem:s19] =	stream.linear.scatter [tilespmem:s20], [sflag:$0x2], $0x800, $0x38;
	[tilespmem:$0x13C00] =	vst v63  }
0x4b: {  	_ =	swait.ge [sflag:s21], $0x800  }
0x4c: {  	[sflag:s21] =	ssyncset.done $0x0  }
0x4d: {  	[sflag:s21] =	ssyncadd.s32 $0xFFFFF800  }
0x4e: {  	_ =	swait.ge [sflag:s22], $0xC400  }
0x4f: {  	[sflag:s22] =	ssyncset.done $0x0  }
0x50: {  	[sflag:s22] =	ssyncadd.s32 $0xFFFF3C00  }
0x51: {  	s28 =	simm.s32 $0x0;
	[bflag:$0x0] =	sbarrier.arrive $0xFFFF  }
0x52: {  	[spmem:s2] =	stream.indirect.scatter.add.f32 [tilespmem:s24], [sflag:$0x2], $0x10, s28, s23, $0xb8;
	[tilespmem:$0x13C00] =	vst v63  }
0x53: {  	_ =	swait.ge [sflag:s21], $0x800  }
0x54: {  	s28 =	simm.s32 $0x200;
	[sflag:s21] =	ssyncset.done $0x0  }
.LBB2_4:
0x55: {  	s29 =	sshra.s32 s28, $0x2;
	[sflag:s21] =	ssyncadd.s32 $0xFFFFF800;
	p0 =	sne.s32 s28, $0x30E00  }
0x56: {  	[spmem:s2] =	stream.indirect.scatter.add.f32 [tilespmem:s24], [sflag:$0x2], $0x10, s29, s23, $0xb8;
	[tilespmem:$0x13C00] =	vst v63  }
.Ltmp1:
0x57: {  	_ = 	snop;
	(pc) =	sbr.rel @p0 .LBB2_4-.Ltmp1, $4  }
0x58: {  	_ = 	snop  }
0x59: {  	s28 =	sadd.s32 $0x200, s28  }
0x5a: {  	_ =	swait.ge [sflag:s21], $0x800  }
0x5b: {  	[sflag:s21] =	ssyncset.done $0x0  }
0x5c: {  	s26 =	sadd.s32 $0x1, s26  }
0x5d: {  	[sflag:s21] =	ssyncadd.s32 $0xFFFFF800;
	s28 =	sshll.u32 s1, $0x6;
	p0 =	sne.s32 s26, s7  }
.Ltmp2:
0x5e: {  	[bflag:$0x0] =	sbarrier.arrive $0xFFFF;
	s28 =	sor.u32 $0x1C02, s28;
	(pc) =	sbr.rel @p0 .LBB2_1-.Ltmp2, $4  }
0x5f: {  	[hbm:s6], [sflag:s28] =	dma.local [spmem:s25], $0xC40  }
0x60: {  	_ =	swait.ge [sflag:s21], $0xC40  }
0x61: {  	[sflag:s21] =	ssyncset.done $0x0  }
0x62: {  	[sflag:s21] =	ssyncadd.s32 $0xFFFFF3C0  }
0x63: {  	_ =	sfence.sel $0x180000  }
0x64: {  	[bflag:$0x0] =	sbarrier.arrive $0xFFFF  }
0x65: {  	p0 =	sne.s32 s1, $0x0;
	_ =	strace $0x90000047  }
0x66: {  	s0 =	sadd.s32 @!p0 $0x100000, s0;
	[bflag:$0x2] =	sbarrier.arrive $0xFFFF  }
0x67: {  	[sflag:s0] =	ssyncadd.tile.s32 @!p0 $0x1;
	_ =	shalt  }
.Lfunc_end2:
_tile_overlayer_lowered:
.L_overlay_start_2:
0x68: {  	(tag) =	ssettag $0x2  }
0x69: {  	s0 =	rddreg [dreg:$0x0];
	s2 =	stileid.u32  }
0x6a: {  	s1 =	rddreg [dreg:$0x1];
	p0 =	sne.s32 s2, $0x0  }
0x6b: {  	s3 =	rddreg [dreg:$0x2];
	[bflag:$0x3] =	sbarrier.arrive $0xFFFF;
	s2 =	simm.s32 @!p0 $0x1C02  }
0x6c: {  	[timem:s3], [sflag:s2] =	dma.local @!p0 [hbm:s0], s1  }
0x6d: {  	s0 =	simm.s32 @!p0 $0x2  }
0x6e: {  	_ =	swait.ge @!p0 [sflag:s0], s1  }
0x6f: {  	s1 =	ssub.s32 @!p0 $0x0, s1;
	[sflag:s0] =	ssyncset.done @!p0 $0x0  }
0x70: {  	[sflag:s0] =	ssyncadd.s32 @!p0 s1  }
0x71: {  	[bflag:$0x3] =	sbarrier.arrive $0xFFFF  }
0x72: {  	_ =	shalt  }

</sc_bundles>
